<compile_context>
chip_gen: v7x
topology: tpu7x:2x2x1
jax: 0.10.2.dev20260603
libtpu: 0.0.44.dev20260713+nightly
codegen_flags: <defaults>
</compile_context>

<pallas_src>
import functools

import jax
import jax.numpy as jnp
from jax import lax
from jax.experimental import pallas as pl
from jax.experimental.pallas import tpu as pltpu
from jax.experimental.pallas import tpu_sc as plsc

N = 10000
E = 320000
D = 128

NC = 2
NS = 16
NW = NC * NS
EPT = E // NW
C = 80
NCHUNK = EPT // C
NPAD = 10240
ROWS_PER_SUB = NPAD // NS


def _fill(ref, rows, value):

    @pl.loop(0, rows)
    def _(r):
        for g in range(D // 16):
            ref[r, pl.ds(g * 16, 16)] = jnp.full((16,), value, jnp.float32)


def _sc_edge_body(z_hbm, src_hbm, dst_hbm, attr_hbm, sum_out,
                  src_c, dst_c, zrow, attr_b,
                  isem, jsem, gsem, asem, ssem, acc):
    c = lax.axis_index("c")
    s = lax.axis_index("s")
    wid = c * NS + s

    _fill(zrow[0], C, 0.0)

    row0 = s * ROWS_PER_SUB
    for k in range(ROWS_PER_SUB // C):
        pltpu.sync_copy(zrow[0], acc.at[pl.ds(row0 + k * C, C)])

    plsc.subcore_barrier()

    ebase = wid * EPT

    def idx_slice(arr, j):
        return arr.at[pl.ds(ebase + j * C, C)]

    def idx_copy(arr, j, buf, sem):
        return pltpu.async_copy(idx_slice(arr, j), buf, sem)

    def scatter_wait(b):
        pltpu.make_async_copy(zrow[b], acc.at[dst_c[b]], ssem[b]).wait()

    def emit_step(j, b, *, wait_prev=True, start_next=True,
                  prefetch_src2=True):
        nb = 1 - b
        if wait_prev:
            scatter_wait(nb)
        if start_next:
            idx_copy(dst_hbm, j + 1, dst_c[nb], jsem[nb])
            pltpu.make_async_copy(
                idx_slice(src_hbm, j + 1), src_c[nb], isem[nb]).wait()
            pltpu.async_copy(z_hbm.at[src_c[nb]], zrow[nb], gsem[nb])
            pltpu.async_copy(attr_hbm.at[pl.ds(ebase + (j + 1) * C, C)],
                             attr_b[nb], asem[nb])
        pltpu.make_async_copy(z_hbm.at[src_c[b]], zrow[b], gsem[b]).wait()
        pltpu.make_async_copy(attr_hbm.at[pl.ds(ebase + j * C, C)],
                              attr_b[b], asem[b]).wait()

        @pl.loop(0, C)
        def _(r):
            for gc in range(D // 16):
                sl = pl.ds(gc * 16, 16)
                zrow[b][r, sl] = jnp.maximum(
                    zrow[b][r, sl] + attr_b[b][r, sl], 0.0)

        if prefetch_src2:
            idx_copy(src_hbm, j + 2, src_c[b], isem[b])
        pltpu.make_async_copy(idx_slice(dst_hbm, j), dst_c[b], jsem[b]).wait()
        pltpu.async_copy(zrow[b], acc.at[dst_c[b]], ssem[b], add=True)

    idx_copy(src_hbm, 0, src_c[0], isem[0])
    idx_copy(src_hbm, 1, src_c[1], isem[1])
    idx_copy(dst_hbm, 0, dst_c[0], jsem[0])
    pltpu.make_async_copy(idx_slice(src_hbm, 0), src_c[0], isem[0]).wait()
    pltpu.async_copy(z_hbm.at[src_c[0]], zrow[0], gsem[0])
    pltpu.async_copy(attr_hbm.at[pl.ds(ebase, C)], attr_b[0], asem[0])

    emit_step(0, 0, wait_prev=False)

    npairs = (NCHUNK - 5) // 2

    @pl.loop(0, npairs)
    def _(g):
        emit_step(1 + 2 * g, 1)
        emit_step(2 + 2 * g, 0)

    for j in range(1 + 2 * npairs, NCHUNK):
        emit_step(j, j % 2,
                  start_next=j + 1 < NCHUNK,
                  prefetch_src2=j + 2 < NCHUNK)

    scatter_wait((NCHUNK - 1) % 2)

    plsc.subcore_barrier()

    out_sl = pl.ds(row0, ROWS_PER_SUB)
    pltpu.sync_copy(acc.at[out_sl], sum_out.at[c, out_sl])


_sc_layer = pl.kernel(
    _sc_edge_body,
    out_type=[jax.ShapeDtypeStruct((NC, NPAD, D), jnp.float32)],
    mesh=plsc.VectorSubcoreMesh(core_axis_name="c", subcore_axis_name="s"),
    scratch_types=[
        [pltpu.VMEM((C,), jnp.int32)] * 2,
        [pltpu.VMEM((C,), jnp.int32)] * 2,
        [pltpu.VMEM((C, D), jnp.float32)] * 2,
        [pltpu.VMEM((C, D), jnp.float32)] * 2,
        [pltpu.SemaphoreType.DMA] * 2,
        [pltpu.SemaphoreType.DMA] * 2,
        [pltpu.SemaphoreType.DMA] * 2,
        [pltpu.SemaphoreType.DMA] * 2,
        [pltpu.SemaphoreType.DMA] * 2,
        pltpu.VMEM_SHARED((NPAD, D), jnp.float32),
    ],
)


def _sc_degree_body(dst_hbm, deg_out, dst_c, ones_b, jsem, ssem, acc):
    c = lax.axis_index("c")
    s = lax.axis_index("s")
    wid = c * NS + s

    _fill(ones_b, C, 0.0)
    row0 = s * ROWS_PER_SUB
    for k in range(ROWS_PER_SUB // C):
        pltpu.sync_copy(ones_b, acc.at[pl.ds(row0 + k * C, C)])
    _fill(ones_b, C, 1.0)

    plsc.subcore_barrier()

    ebase = wid * EPT

    def idx_slice(j):
        return dst_hbm.at[pl.ds(ebase + j * C, C)]

    def step(j, b, *, wait_prev=True, issue_next=True):
        nb = 1 - b
        if wait_prev:
            pltpu.make_async_copy(ones_b, acc.at[dst_c[nb]], ssem[nb]).wait()
        if issue_next:
            pltpu.async_copy(idx_slice(j + 1), dst_c[nb], jsem[nb])
        pltpu.make_async_copy(idx_slice(j), dst_c[b], jsem[b]).wait()
        pltpu.async_copy(ones_b, acc.at[dst_c[b]], ssem[b], add=True)

    pltpu.async_copy(idx_slice(0), dst_c[0], jsem[0])
    step(0, 0, wait_prev=False)

    npairs = (NCHUNK - 3) // 2

    @pl.loop(0, npairs)
    def _(g):
        step(2 * g + 1, 1)
        step(2 * g + 2, 0)

    for j in range(1 + 2 * npairs, NCHUNK):
        step(j, j % 2, issue_next=j + 1 < NCHUNK)

    pltpu.make_async_copy(
        ones_b, acc.at[dst_c[(NCHUNK - 1) % 2]], ssem[(NCHUNK - 1) % 2]).wait()

    plsc.subcore_barrier()

    out_sl = pl.ds(row0, ROWS_PER_SUB)
    pltpu.sync_copy(acc.at[out_sl], deg_out.at[c, out_sl])


_sc_degree = pl.kernel(
    _sc_degree_body,
    out_type=[jax.ShapeDtypeStruct((NC, NPAD, D), jnp.float32)],
    mesh=plsc.VectorSubcoreMesh(core_axis_name="c", subcore_axis_name="s"),
    scratch_types=[
        [pltpu.VMEM((C,), jnp.int32)] * 2,
        pltpu.VMEM((C, D), jnp.float32),
        [pltpu.SemaphoreType.DMA] * 2,
        [pltpu.SemaphoreType.DMA] * 2,
        pltpu.VMEM_SHARED((NPAD, D), jnp.float32),
    ],
)

_TCR = 2000


def _tc_body(relu_out, p_ref, deg_ref, z_ref, wl_ref, bl_ref, wr_ref, o_ref):
    ssum = p_ref[0] + p_ref[1]
    cnt = deg_ref[0, :, 0] + deg_ref[1, :, 0]
    recip = 1.0 / jnp.maximum(cnt, 1.0)
    agg = ssum * recip[:, None]
    dn = (((1,), (1,)), ((), ()))
    y = (lax.dot_general(agg, wl_ref[...], dn,
                         preferred_element_type=jnp.float32)
         + bl_ref[...]
         + lax.dot_general(z_ref[...], wr_ref[...], dn,
                           preferred_element_type=jnp.float32))
    o_ref[...] = jnp.maximum(y, 0.0) if relu_out else y


def _tc_combine(psum, deg, z, Wl, bl, Wr, relu_out):
    return pl.pallas_call(
        functools.partial(_tc_body, relu_out),
        grid=(N // _TCR,),
        in_specs=[
            pl.BlockSpec((NC, _TCR, D), lambda i: (0, i, 0)),
            pl.BlockSpec((NC, _TCR, D), lambda i: (0, i, 0)),
            pl.BlockSpec((_TCR, D), lambda i: (i, 0)),
            pl.BlockSpec((D, D), lambda i: (0, 0)),
            pl.BlockSpec((1, D), lambda i: (0, 0)),
            pl.BlockSpec((D, D), lambda i: (0, 0)),
        ],
        out_specs=pl.BlockSpec((_TCR, D), lambda i: (i, 0)),
        out_shape=jax.ShapeDtypeStruct((N, D), jnp.float32),
    )(psum, deg, z, Wl, bl.reshape(1, D), Wr)


def kernel(x, edge_index, edge_attr, Wl1, bl1, Wr1, Wl2, bl2, Wr2):
    src1 = edge_index[0]
    dst1 = edge_index[1]
    (deg,) = _sc_degree(dst1)
    (psum1,) = _sc_layer(x, src1, dst1, edge_attr)
    z1 = _tc_combine(psum1, deg, x, Wl1, bl1, Wr1, True)
    (psum2,) = _sc_layer(z1, src1, dst1, edge_attr)
    return _tc_combine(psum2, deg, z1, Wl2, bl2, Wr2, False)

# --- scband reference (transcript-rebuilt; emitter-appended) ---
"""Pipeline reference for scband-encoder-59279138619817 (READ-ONLY COPY).

The authoritative reference and input builder live on the scoring server;
editing this copy changes nothing except your own understanding.
"""

import jax, jax.numpy as jnp
import numpy as np

N = 10000
E = 320000
D = 128


def setup_inputs(seed: int = 0) -> dict:
    key = jax.random.key(seed)
    ks = jax.random.split(key, 10)
    x = jax.random.normal(ks[0], (N, D), dtype=jnp.float32)
    edge_index = jax.random.randint(ks[1], (2, E), 0, N, dtype=jnp.int32)
    edge_attr = jax.random.normal(ks[2], (E, D), dtype=jnp.float32)
    s = 1.0 / np.sqrt(D)
    Wl1 = jax.random.uniform(ks[3], (D, D), jnp.float32, -s, s)
    bl1 = jax.random.uniform(ks[4], (D,), jnp.float32, -s, s)
    Wr1 = jax.random.uniform(ks[5], (D, D), jnp.float32, -s, s)
    Wl2 = jax.random.uniform(ks[6], (D, D), jnp.float32, -s, s)
    bl2 = jax.random.uniform(ks[7], (D,), jnp.float32, -s, s)
    Wr2 = jax.random.uniform(ks[8], (D, D), jnp.float32, -s, s)
    return {"x": x, "edge_index": edge_index, "edge_attr": edge_attr,
            "Wl1": Wl1, "bl1": bl1, "Wr1": Wr1,
            "Wl2": Wl2, "bl2": bl2, "Wr2": Wr2}


def _sage_layer(z, src, dst, edge_attr, Wl, bl, Wr):
    # message: (x_j + xe).relu(), x_j gathered from source nodes
    msg = jax.nn.relu(z[src] + edge_attr)
    # mean aggregation at destination nodes
    summed = jax.ops.segment_sum(msg, dst, num_segments=N)
    cnt = jax.ops.segment_sum(jnp.ones((msg.shape[0],), msg.dtype), dst, num_segments=N)
    agg = summed / jnp.clip(cnt, 1.0)[:, None]
    # lin_l(agg) + lin_r(x_root)
    return agg @ Wl.T + bl + z @ Wr.T


def reference(x, edge_index, edge_attr, Wl1, bl1, Wr1, Wl2, bl2, Wr2):
    src = edge_index[0]
    dst = edge_index[1]
    z = _sage_layer(x, src, dst, edge_attr, Wl1, bl1, Wr1)
    # normalize == 'none' -> no batchnorm; activation + dropout(p=0) between layers
    z = jax.nn.relu(z)
    z = _sage_layer(z, src, dst, edge_attr, Wl2, bl2, Wr2)
    return z

if __name__ == "__main__":
    import jax
    _d = setup_inputs()
    print(jax.jit(kernel)(*tuple(_d.values())))

</pallas_src>

<mosaic_0001>
#map = affine_map<(d0, d1) -> (0)>
#map1 = affine_map<(d0, d1) -> (0, 0, 0)>
module attributes {stable_mosaic.version = 14 : i64} {
  func.func @_sc_degree_body(%arg0: i32, %arg1: i32, %arg2: memref<320000xi32, #tpu.memory_space<hbm>>, %arg3: memref<2x10240x128xf32, #tpu.memory_space<hbm>>, %arg4: memref<80xi32, #tpu.memory_space<vmem>>, %arg5: memref<80xi32, #tpu.memory_space<vmem>>, %arg6: memref<80x128xf32, #tpu.memory_space<vmem>>, %arg7: memref<!tpu.dma_semaphore, #tpu.memory_space<semaphore_mem>>, %arg8: memref<!tpu.dma_semaphore, #tpu.memory_space<semaphore_mem>>, %arg9: memref<!tpu.dma_semaphore, #tpu.memory_space<semaphore_mem>>, %arg10: memref<!tpu.dma_semaphore, #tpu.memory_space<semaphore_mem>>, %arg11: memref<10240x128xf32, #tpu.memory_space<vmem_shared>>) attributes {dimension_semantics = [#tpu.dimension_semantics<core_parallel>, #tpu.dimension_semantics<subcore_parallel>], iteration_bounds = array<i64: 2, 16>, scalar_prefetch = 0 : i64, scratch_operands = 8 : i64, tpu.core_type = #tpu.core_type<sc_vector_subcore>, window_params = [{transform_indices = #map}, {transform_indices = #map1}]} {
    %mul3A = arith.constant 16 : i32
    %mul3A_0 = arith.muli %arg0, %mul3A : i32
    %add3A = arith.addi %mul3A_0, %arg1 : i32
    %scan3A = arith.constant 0 : i32
    %scan3A_1 = arith.constant 80 : i32
    %scan3A_2 = arith.addi %scan3A, %scan3A_1 : i32
    %scan3A_3 = arith.constant 1 : i32
    scf.for %scan3A_76 = %scan3A to %scan3A_2 step %scan3A_3  : i32 {
      %mul3A_77 = arith.constant 1 : i32
      %mul3A_78 = arith.muli %scan3A_76, %mul3A_77 : i32
      %add3A_79 = arith.constant 0 : i32
      %add3A_80 = arith.addi %add3A_79, %mul3A_78 : i32
      %broadcast_in_dim3A = arith.constant 0.000000e+00 : f32
      %broadcast_in_dim3A_81 = vector.broadcast %broadcast_in_dim3A : f32 to vector<16xf32>
      %swap3A = arith.index_cast %add3A_80 : i32 to index
      %swap3A_82 = arith.constant 0 : index
      %swap3A_83 = tpu.vector_load %arg6[%swap3A, %swap3A_82] {strides = array<i32>} : memref<80x128xf32, #tpu.memory_space<vmem>>, vector<1x16xf32>,
      %swap3A_84 = vector.shape_cast %swap3A_83 : vector<1x16xf32> to vector<16xf32>
      %swap3A_85 = vector.shape_cast %broadcast_in_dim3A_81 : vector<16xf32> to vector<1x16xf32>
      tpu.vector_store %arg6[%swap3A, %swap3A_82], %swap3A_85 {strides = array<i32>} : memref<80x128xf32, #tpu.memory_space<vmem>>, vector<1x16xf32>,
      %broadcast_in_dim3A_86 = arith.constant 0.000000e+00 : f32
      %broadcast_in_dim3A_87 = vector.broadcast %broadcast_in_dim3A_86 : f32 to vector<16xf32>
      %swap3A_88 = arith.index_cast %add3A_80 : i32 to index
      %swap3A_89 = arith.constant 16 : index
      %swap3A_90 = tpu.vector_load %arg6[%swap3A_88, %swap3A_89] {strides = array<i32>} : memref<80x128xf32, #tpu.memory_space<vmem>>, vector<1x16xf32>,
      %swap3A_91 = vector.shape_cast %swap3A_90 : vector<1x16xf32> to vector<16xf32>
      %swap3A_92 = vector.shape_cast %broadcast_in_dim3A_87 : vector<16xf32> to vector<1x16xf32>
      tpu.vector_store %arg6[%swap3A_88, %swap3A_89], %swap3A_92 {strides = array<i32>} : memref<80x128xf32, #tpu.memory_space<vmem>>, vector<1x16xf32>,
      %broadcast_in_dim3A_93 = arith.constant 0.000000e+00 : f32
      %broadcast_in_dim3A_94 = vector.broadcast %broadcast_in_dim3A_93 : f32 to vector<16xf32>
      %swap3A_95 = arith.index_cast %add3A_80 : i32 to index
      %swap3A_96 = arith.constant 32 : index
      %swap3A_97 = tpu.vector_load %arg6[%swap3A_95, %swap3A_96] {strides = array<i32>} : memref<80x128xf32, #tpu.memory_space<vmem>>, vector<1x16xf32>,
      %swap3A_98 = vector.shape_cast %swap3A_97 : vector<1x16xf32> to vector<16xf32>
      %swap3A_99 = vector.shape_cast %broadcast_in_dim3A_94 : vector<16xf32> to vector<1x16xf32>
      tpu.vector_store %arg6[%swap3A_95, %swap3A_96], %swap3A_99 {strides = array<i32>} : memref<80x128xf32, #tpu.memory_space<vmem>>, vector<1x16xf32>,
      %broadcast_in_dim3A_100 = arith.constant 0.000000e+00 : f32
      %broadcast_in_dim3A_101 = vector.broadcast %broadcast_in_dim3A_100 : f32 to vector<16xf32>
      %swap3A_102 = arith.index_cast %add3A_80 : i32 to index
      %swap3A_103 = arith.constant 48 : index
      %swap3A_104 = tpu.vector_load %arg6[%swap3A_102, %swap3A_103] {strides = array<i32>} : memref<80x128xf32, #tpu.memory_space<vmem>>, vector<1x16xf32>,
      %swap3A_105 = vector.shape_cast %swap3A_104 : vector<1x16xf32> to vector<16xf32>
      %swap3A_106 = vector.shape_cast %broadcast_in_dim3A_101 : vector<16xf32> to vector<1x16xf32>
      tpu.vector_store %arg6[%swap3A_102, %swap3A_103], %swap3A_106 {strides = array<i32>} : memref<80x128xf32, #tpu.memory_space<vmem>>, vector<1x16xf32>,
      %broadcast_in_dim3A_107 = arith.constant 0.000000e+00 : f32
      %broadcast_in_dim3A_108 = vector.broadcast %broadcast_in_dim3A_107 : f32 to vector<16xf32>
      %swap3A_109 = arith.index_cast %add3A_80 : i32 to index
      %swap3A_110 = arith.constant 64 : index
      %swap3A_111 = tpu.vector_load %arg6[%swap3A_109, %swap3A_110] {strides = array<i32>} : memref<80x128xf32, #tpu.memory_space<vmem>>, vector<1x16xf32>,
      %swap3A_112 = vector.shape_cast %swap3A_111 : vector<1x16xf32> to vector<16xf32>
      %swap3A_113 = vector.shape_cast %broadcast_in_dim3A_108 : vector<16xf32> to vector<1x16xf32>
      tpu.vector_store %arg6[%swap3A_109, %swap3A_110], %swap3A_113 {strides = array<i32>} : memref<80x128xf32, #tpu.memory_space<vmem>>, vector<1x16xf32>,
      %broadcast_in_dim3A_114 = arith.constant 0.000000e+00 : f32
      %broadcast_in_dim3A_115 = vector.broadcast %broadcast_in_dim3A_114 : f32 to vector<16xf32>
      %swap3A_116 = arith.index_cast %add3A_80 : i32 to index
      %swap3A_117 = arith.constant 80 : index
      %swap3A_118 = tpu.vector_load %arg6[%swap3A_116, %swap3A_117] {strides = array<i32>} : memref<80x128xf32, #tpu.memory_space<vmem>>, vector<1x16xf32>,
      %swap3A_119 = vector.shape_cast %swap3A_118 : vector<1x16xf32> to vector<16xf32>
      %swap3A_120 = vector.shape_cast %broadcast_in_dim3A_115 : vector<16xf32> to vector<1x16xf32>
      tpu.vector_store %arg6[%swap3A_116, %swap3A_117], %swap3A_120 {strides = array<i32>} : memref<80x128xf32, #tpu.memory_space<vmem>>, vector<1x16xf32>,
      %broadcast_in_dim3A_121 = arith.constant 0.000000e+00 : f32
      %broadcast_in_dim3A_122 = vector.broadcast %broadcast_in_dim3A_121 : f32 to vector<16xf32>
      %swap3A_123 = arith.index_cast %add3A_80 : i32 to index
      %swap3A_124 = arith.constant 96 : index
      %swap3A_125 = tpu.vector_load %arg6[%swap3A_123, %swap3A_124] {strides = array<i32>} : memref<80x128xf32, #tpu.memory_space<vmem>>, vector<1x16xf32>,
      %swap3A_126 = vector.shape_cast %swap3A_125 : vector<1x16xf32> to vector<16xf32>
      %swap3A_127 = vector.shape_cast %broadcast_in_dim3A_122 : vector<16xf32> to vector<1x16xf32>
      tpu.vector_store %arg6[%swap3A_123, %swap3A_124], %swap3A_127 {strides = array<i32>} : memref<80x128xf32, #tpu.memory_space<vmem>>, vector<1x16xf32>,
      %broadcast_in_dim3A_128 = arith.constant 0.000000e+00 : f32
      %broadcast_in_dim3A_129 = vector.broadcast %broadcast_in_dim3A_128 : f32 to vector<16xf32>
      %swap3A_130 = arith.index_cast %add3A_80 : i32 to index
      %swap3A_131 = arith.constant 112 : index
      %swap3A_132 = tpu.vector_load %arg6[%swap3A_130, %swap3A_131] {strides = array<i32>} : memref<80x128xf32, #tpu.memory_space<vmem>>, vector<1x16xf32>,
      %swap3A_133 = vector.shape_cast %swap3A_132 : vector<1x16xf32> to vector<16xf32>
      %swap3A_134 = vector.shape_cast %broadcast_in_dim3A_129 : vector<16xf32> to vector<1x16xf32>
      tpu.vector_store %arg6[%swap3A_130, %swap3A_131], %swap3A_134 {strides = array<i32>} : memref<80x128xf32, #tpu.memory_space<vmem>>, vector<1x16xf32>,
    }
    %scan3A_4 = arith.constant 80 : i32
    %mul3A_5 = arith.constant 640 : i32
    %mul3A_6 = arith.muli %arg1, %mul3A_5 : i32
    %add3A_7 = arith.constant 0 : i32
    %add3A_8 = arith.addi %mul3A_6, %add3A_7 : i32
    "tpu.region"() ({
      %run_scoped3A = tpu.sem_alloc : memref<!tpu.dma_semaphore, #tpu.memory_space<semaphore_mem>>
      %dma_start3A_76 = arith.constant 0 : i32
      %dma_start3A_77 = tpu.memref_slice %arg11[%add3A_8, %dma_start3A_76] : memref<10240x128xf32, #tpu.memory_space<vmem_shared>> -> memref<80x128xf32, #tpu.memory_space<vmem_shared>>
      %dma_start3A_78 = arith.constant 0 : i32
      %dma_start3A_79 = tpu.memref_slice %arg11[%add3A_8, %dma_start3A_78] : memref<10240x128xf32, #tpu.memory_space<vmem_shared>> -> memref<80x128xf32, #tpu.memory_space<vmem_shared>>
      tpu.enqueue_dma source(%arg6 : memref<80x128xf32, #tpu.memory_space<vmem>>) target(%dma_start3A_79 : memref<80x128xf32, #tpu.memory_space<vmem_shared>>) target_semaphore(%run_scoped3A : memref<!tpu.dma_semaphore, #tpu.memory_space<semaphore_mem>>)
      %dma_wait3A_80 = arith.constant 0 : i32
      %dma_wait3A_81 = tpu.memref_slice %arg11[%add3A_8, %dma_wait3A_80] : memref<10240x128xf32, #tpu.memory_space<vmem_shared>> -> memref<80x128xf32, #tpu.memory_space<vmem_shared>>
      %dma_wait3A_82 = arith.constant 0 : i32
      %dma_wait3A_83 = tpu.memref_slice %arg11[%add3A_8, %dma_wait3A_82] : memref<10240x128xf32, #tpu.memory_space<vmem_shared>> -> memref<80x128xf32, #tpu.memory_space<vmem_shared>>
      tpu.wait_dma2 semaphore(%run_scoped3A : memref<!tpu.dma_semaphore, #tpu.memory_space<semaphore_mem>>) src(%arg6 : memref<80x128xf32, #tpu.memory_space<vmem>>) dst(%dma_wait3A_83 : memref<80x128xf32, #tpu.memory_space<vmem_shared>>)
      tpu.yield
    }) : () -> ()
    %add3A_9 = arith.constant 80 : i32
    %add3A_10 = arith.addi %mul3A_6, %add3A_9 : i32
    "tpu.region"() ({
      %run_scoped3A = tpu.sem_alloc : memref<!tpu.dma_semaphore, #tpu.memory_space<semaphore_mem>>
      %dma_start3A_76 = arith.constant 0 : i32
      %dma_start3A_77 = tpu.memref_slice %arg11[%add3A_10, %dma_start3A_76] : memref<10240x128xf32, #tpu.memory_space<vmem_shared>> -> memref<80x128xf32, #tpu.memory_space<vmem_shared>>
      %dma_start3A_78 = arith.constant 0 : i32
      %dma_start3A_79 = tpu.memref_slice %arg11[%add3A_10, %dma_start3A_78] : memref<10240x128xf32, #tpu.memory_space<vmem_shared>> -> memref<80x128xf32, #tpu.memory_space<vmem_shared>>
      tpu.enqueue_dma source(%arg6 : memref<80x128xf32, #tpu.memory_space<vmem>>) target(%dma_start3A_79 : memref<80x128xf32, #tpu.memory_space<vmem_shared>>) target_semaphore(%run_scoped3A : memref<!tpu.dma_semaphore, #tpu.memory_space<semaphore_mem>>)
      %dma_wait3A_80 = arith.constant 0 : i32
      %dma_wait3A_81 = tpu.memref_slice %arg11[%add3A_10, %dma_wait3A_80] : memref<10240x128xf32, #tpu.memory_space<vmem_shared>> -> memref<80x128xf32, #tpu.memory_space<vmem_shared>>
      %dma_wait3A_82 = arith.constant 0 : i32
      %dma_wait3A_83 = tpu.memref_slice %arg11[%add3A_10, %dma_wait3A_82] : memref<10240x128xf32, #tpu.memory_space<vmem_shared>> -> memref<80x128xf32, #tpu.memory_space<vmem_shared>>
      tpu.wait_dma2 semaphore(%run_scoped3A : memref<!tpu.dma_semaphore, #tpu.memory_space<semaphore_mem>>) src(%arg6 : memref<80x128xf32, #tpu.memory_space<vmem>>) dst(%dma_wait3A_83 : memref<80x128xf32, #tpu.memory_space<vmem_shared>>)
      tpu.yield
    }) : () -> ()
    %add3A_11 = arith.constant 160 : i32
    %add3A_12 = arith.addi %mul3A_6, %add3A_11 : i32
    "tpu.region"() ({
      %run_scoped3A = tpu.sem_alloc : memref<!tpu.dma_semaphore, #tpu.memory_space<semaphore_mem>>
      %dma_start3A_76 = arith.constant 0 : i32
      %dma_start3A_77 = tpu.memref_slice %arg11[%add3A_12, %dma_start3A_76] : memref<10240x128xf32, #tpu.memory_space<vmem_shared>> -> memref<80x128xf32, #tpu.memory_space<vmem_shared>>
      %dma_start3A_78 = arith.constant 0 : i32
      %dma_start3A_79 = tpu.memref_slice %arg11[%add3A_12, %dma_start3A_78] : memref<10240x128xf32, #tpu.memory_space<vmem_shared>> -> memref<80x128xf32, #tpu.memory_space<vmem_shared>>
      tpu.enqueue_dma source(%arg6 : memref<80x128xf32, #tpu.memory_space<vmem>>) target(%dma_start3A_79 : memref<80x128xf32, #tpu.memory_space<vmem_shared>>) target_semaphore(%run_scoped3A : memref<!tpu.dma_semaphore, #tpu.memory_space<semaphore_mem>>)
      %dma_wait3A_80 = arith.constant 0 : i32
      %dma_wait3A_81 = tpu.memref_slice %arg11[%add3A_12, %dma_wait3A_80] : memref<10240x128xf32, #tpu.memory_space<vmem_shared>> -> memref<80x128xf32, #tpu.memory_space<vmem_shared>>
      %dma_wait3A_82 = arith.constant 0 : i32
      %dma_wait3A_83 = tpu.memref_slice %arg11[%add3A_12, %dma_wait3A_82] : memref<10240x128xf32, #tpu.memory_space<vmem_shared>> -> memref<80x128xf32, #tpu.memory_space<vmem_shared>>
      tpu.wait_dma2 semaphore(%run_scoped3A : memref<!tpu.dma_semaphore, #tpu.memory_space<semaphore_mem>>) src(%arg6 : memref<80x128xf32, #tpu.memory_space<vmem>>) dst(%dma_wait3A_83 : memref<80x128xf32, #tpu.memory_space<vmem_shared>>)
      tpu.yield
    }) : () -> ()
    %add3A_13 = arith.constant 240 : i32
    %add3A_14 = arith.addi %mul3A_6, %add3A_13 : i32
    "tpu.region"() ({
      %run_scoped3A = tpu.sem_alloc : memref<!tpu.dma_semaphore, #tpu.memory_space<semaphore_mem>>
      %dma_start3A_76 = arith.constant 0 : i32
      %dma_start3A_77 = tpu.memref_slice %arg11[%add3A_14, %dma_start3A_76] : memref<10240x128xf32, #tpu.memory_space<vmem_shared>> -> memref<80x128xf32, #tpu.memory_space<vmem_shared>>
      %dma_start3A_78 = arith.constant 0 : i32
      %dma_start3A_79 = tpu.memref_slice %arg11[%add3A_14, %dma_start3A_78] : memref<10240x128xf32, #tpu.memory_space<vmem_shared>> -> memref<80x128xf32, #tpu.memory_space<vmem_shared>>
      tpu.enqueue_dma source(%arg6 : memref<80x128xf32, #tpu.memory_space<vmem>>) target(%dma_start3A_79 : memref<80x128xf32, #tpu.memory_space<vmem_shared>>) target_semaphore(%run_scoped3A : memref<!tpu.dma_semaphore, #tpu.memory_space<semaphore_mem>>)
      %dma_wait3A_80 = arith.constant 0 : i32
      %dma_wait3A_81 = tpu.memref_slice %arg11[%add3A_14, %dma_wait3A_80] : memref<10240x128xf32, #tpu.memory_space<vmem_shared>> -> memref<80x128xf32, #tpu.memory_space<vmem_shared>>
      %dma_wait3A_82 = arith.constant 0 : i32
      %dma_wait3A_83 = tpu.memref_slice %arg11[%add3A_14, %dma_wait3A_82] : memref<10240x128xf32, #tpu.memory_space<vmem_shared>> -> memref<80x128xf32, #tpu.memory_space<vmem_shared>>
      tpu.wait_dma2 semaphore(%run_scoped3A : memref<!tpu.dma_semaphore, #tpu.memory_space<semaphore_mem>>) src(%arg6 : memref<80x128xf32, #tpu.memory_space<vmem>>) dst(%dma_wait3A_83 : memref<80x128xf32, #tpu.memory_space<vmem_shared>>)
      tpu.yield
    }) : () -> ()
    %add3A_15 = arith.constant 320 : i32
    %add3A_16 = arith.addi %mul3A_6, %add3A_15 : i32
    "tpu.region"() ({
      %run_scoped3A = tpu.sem_alloc : memref<!tpu.dma_semaphore, #tpu.memory_space<semaphore_mem>>
      %dma_start3A_76 = arith.constant 0 : i32
      %dma_start3A_77 = tpu.memref_slice %arg11[%add3A_16, %dma_start3A_76] : memref<10240x128xf32, #tpu.memory_space<vmem_shared>> -> memref<80x128xf32, #tpu.memory_space<vmem_shared>>
      %dma_start3A_78 = arith.constant 0 : i32
      %dma_start3A_79 = tpu.memref_slice %arg11[%add3A_16, %dma_start3A_78] : memref<10240x128xf32, #tpu.memory_space<vmem_shared>> -> memref<80x128xf32, #tpu.memory_space<vmem_shared>>
      tpu.enqueue_dma source(%arg6 : memref<80x128xf32, #tpu.memory_space<vmem>>) target(%dma_start3A_79 : memref<80x128xf32, #tpu.memory_space<vmem_shared>>) target_semaphore(%run_scoped3A : memref<!tpu.dma_semaphore, #tpu.memory_space<semaphore_mem>>)
      %dma_wait3A_80 = arith.constant 0 : i32
      %dma_wait3A_81 = tpu.memref_slice %arg11[%add3A_16, %dma_wait3A_80] : memref<10240x128xf32, #tpu.memory_space<vmem_shared>> -> memref<80x128xf32, #tpu.memory_space<vmem_shared>>
      %dma_wait3A_82 = arith.constant 0 : i32
      %dma_wait3A_83 = tpu.memref_slice %arg11[%add3A_16, %dma_wait3A_82] : memref<10240x128xf32, #tpu.memory_space<vmem_shared>> -> memref<80x128xf32, #tpu.memory_space<vmem_shared>>
      tpu.wait_dma2 semaphore(%run_scoped3A : memref<!tpu.dma_semaphore, #tpu.memory_space<semaphore_mem>>) src(%arg6 : memref<80x128xf32, #tpu.memory_space<vmem>>) dst(%dma_wait3A_83 : memref<80x128xf32, #tpu.memory_space<vmem_shared>>)
      tpu.yield
    }) : () -> ()
    %add3A_17 = arith.constant 400 : i32
    %add3A_18 = arith.addi %mul3A_6, %add3A_17 : i32
    "tpu.region"() ({
      %run_scoped3A = tpu.sem_alloc : memref<!tpu.dma_semaphore, #tpu.memory_space<semaphore_mem>>
      %dma_start3A_76 = arith.constant 0 : i32
      %dma_start3A_77 = tpu.memref_slice %arg11[%add3A_18, %dma_start3A_76] : memref<10240x128xf32, #tpu.memory_space<vmem_shared>> -> memref<80x128xf32, #tpu.memory_space<vmem_shared>>
      %dma_start3A_78 = arith.constant 0 : i32
      %dma_start3A_79 = tpu.memref_slice %arg11[%add3A_18, %dma_start3A_78] : memref<10240x128xf32, #tpu.memory_space<vmem_shared>> -> memref<80x128xf32, #tpu.memory_space<vmem_shared>>
      tpu.enqueue_dma source(%arg6 : memref<80x128xf32, #tpu.memory_space<vmem>>) target(%dma_start3A_79 : memref<80x128xf32, #tpu.memory_space<vmem_shared>>) target_semaphore(%run_scoped3A : memref<!tpu.dma_semaphore, #tpu.memory_space<semaphore_mem>>)
      %dma_wait3A_80 = arith.constant 0 : i32
      %dma_wait3A_81 = tpu.memref_slice %arg11[%add3A_18, %dma_wait3A_80] : memref<10240x128xf32, #tpu.memory_space<vmem_shared>> -> memref<80x128xf32, #tpu.memory_space<vmem_shared>>
      %dma_wait3A_82 = arith.constant 0 : i32
      %dma_wait3A_83 = tpu.memref_slice %arg11[%add3A_18, %dma_wait3A_82] : memref<10240x128xf32, #tpu.memory_space<vmem_shared>> -> memref<80x128xf32, #tpu.memory_space<vmem_shared>>
      tpu.wait_dma2 semaphore(%run_scoped3A : memref<!tpu.dma_semaphore, #tpu.memory_space<semaphore_mem>>) src(%arg6 : memref<80x128xf32, #tpu.memory_space<vmem>>) dst(%dma_wait3A_83 : memref<80x128xf32, #tpu.memory_space<vmem_shared>>)
      tpu.yield
    }) : () -> ()
    %add3A_19 = arith.constant 480 : i32
    %add3A_20 = arith.addi %mul3A_6, %add3A_19 : i32
    "tpu.region"() ({
      %run_scoped3A = tpu.sem_alloc : memref<!tpu.dma_semaphore, #tpu.memory_space<semaphore_mem>>
      %dma_start3A_76 = arith.constant 0 : i32
      %dma_start3A_77 = tpu.memref_slice %arg11[%add3A_20, %dma_start3A_76] : memref<10240x128xf32, #tpu.memory_space<vmem_shared>> -> memref<80x128xf32, #tpu.memory_space<vmem_shared>>
      %dma_start3A_78 = arith.constant 0 : i32
      %dma_start3A_79 = tpu.memref_slice %arg11[%add3A_20, %dma_start3A_78] : memref<10240x128xf32, #tpu.memory_space<vmem_shared>> -> memref<80x128xf32, #tpu.memory_space<vmem_shared>>
      tpu.enqueue_dma source(%arg6 : memref<80x128xf32, #tpu.memory_space<vmem>>) target(%dma_start3A_79 : memref<80x128xf32, #tpu.memory_space<vmem_shared>>) target_semaphore(%run_scoped3A : memref<!tpu.dma_semaphore, #tpu.memory_space<semaphore_mem>>)
      %dma_wait3A_80 = arith.constant 0 : i32
      %dma_wait3A_81 = tpu.memref_slice %arg11[%add3A_20, %dma_wait3A_80] : memref<10240x128xf32, #tpu.memory_space<vmem_shared>> -> memref<80x128xf32, #tpu.memory_space<vmem_shared>>
      %dma_wait3A_82 = arith.constant 0 : i32
      %dma_wait3A_83 = tpu.memref_slice %arg11[%add3A_20, %dma_wait3A_82] : memref<10240x128xf32, #tpu.memory_space<vmem_shared>> -> memref<80x128xf32, #tpu.memory_space<vmem_shared>>
      tpu.wait_dma2 semaphore(%run_scoped3A : memref<!tpu.dma_semaphore, #tpu.memory_space<semaphore_mem>>) src(%arg6 : memref<80x128xf32, #tpu.memory_space<vmem>>) dst(%dma_wait3A_83 : memref<80x128xf32, #tpu.memory_space<vmem_shared>>)
      tpu.yield
    }) : () -> ()
    %add3A_21 = arith.constant 560 : i32
    %add3A_22 = arith.addi %mul3A_6, %add3A_21 : i32
    "tpu.region"() ({
      %run_scoped3A = tpu.sem_alloc : memref<!tpu.dma_semaphore, #tpu.memory_space<semaphore_mem>>
      %dma_start3A_76 = arith.constant 0 : i32
      %dma_start3A_77 = tpu.memref_slice %arg11[%add3A_22, %dma_start3A_76] : memref<10240x128xf32, #tpu.memory_space<vmem_shared>> -> memref<80x128xf32, #tpu.memory_space<vmem_shared>>
      %dma_start3A_78 = arith.constant 0 : i32
      %dma_start3A_79 = tpu.memref_slice %arg11[%add3A_22, %dma_start3A_78] : memref<10240x128xf32, #tpu.memory_space<vmem_shared>> -> memref<80x128xf32, #tpu.memory_space<vmem_shared>>
      tpu.enqueue_dma source(%arg6 : memref<80x128xf32, #tpu.memory_space<vmem>>) target(%dma_start3A_79 : memref<80x128xf32, #tpu.memory_space<vmem_shared>>) target_semaphore(%run_scoped3A : memref<!tpu.dma_semaphore, #tpu.memory_space<semaphore_mem>>)
      %dma_wait3A_80 = arith.constant 0 : i32
      %dma_wait3A_81 = tpu.memref_slice %arg11[%add3A_22, %dma_wait3A_80] : memref<10240x128xf32, #tpu.memory_space<vmem_shared>> -> memref<80x128xf32, #tpu.memory_space<vmem_shared>>
      %dma_wait3A_82 = arith.constant 0 : i32
      %dma_wait3A_83 = tpu.memref_slice %arg11[%add3A_22, %dma_wait3A_82] : memref<10240x128xf32, #tpu.memory_space<vmem_shared>> -> memref<80x128xf32, #tpu.memory_space<vmem_shared>>
      tpu.wait_dma2 semaphore(%run_scoped3A : memref<!tpu.dma_semaphore, #tpu.memory_space<semaphore_mem>>) src(%arg6 : memref<80x128xf32, #tpu.memory_space<vmem>>) dst(%dma_wait3A_83 : memref<80x128xf32, #tpu.memory_space<vmem_shared>>)
      tpu.yield
    }) : () -> ()
    %scan3A_23 = arith.constant 0 : i32
    %scan3A_24 = arith.constant 80 : i32
    %scan3A_25 = arith.addi %scan3A_23, %scan3A_24 : i32
    %scan3A_26 = arith.constant 1 : i32
    scf.for %scan3A_76 = %scan3A_23 to %scan3A_25 step %scan3A_26  : i32 {
      %mul3A_77 = arith.constant 1 : i32
      %mul3A_78 = arith.muli %scan3A_76, %mul3A_77 : i32
      %add3A_79 = arith.constant 0 : i32
      %add3A_80 = arith.addi %add3A_79, %mul3A_78 : i32
      %broadcast_in_dim3A = arith.constant 1.000000e+00 : f32
      %broadcast_in_dim3A_81 = vector.broadcast %broadcast_in_dim3A : f32 to vector<16xf32>
      %swap3A = arith.index_cast %add3A_80 : i32 to index
      %swap3A_82 = arith.constant 0 : index
      %swap3A_83 = tpu.vector_load %arg6[%swap3A, %swap3A_82] {strides = array<i32>} : memref<80x128xf32, #tpu.memory_space<vmem>>, vector<1x16xf32>,
      %swap3A_84 = vector.shape_cast %swap3A_83 : vector<1x16xf32> to vector<16xf32>
      %swap3A_85 = vector.shape_cast %broadcast_in_dim3A_81 : vector<16xf32> to vector<1x16xf32>
      tpu.vector_store %arg6[%swap3A, %swap3A_82], %swap3A_85 {strides = array<i32>} : memref<80x128xf32, #tpu.memory_space<vmem>>, vector<1x16xf32>,
      %broadcast_in_dim3A_86 = arith.constant 1.000000e+00 : f32
      %broadcast_in_dim3A_87 = vector.broadcast %broadcast_in_dim3A_86 : f32 to vector<16xf32>
      %swap3A_88 = arith.index_cast %add3A_80 : i32 to index
      %swap3A_89 = arith.constant 16 : index
      %swap3A_90 = tpu.vector_load %arg6[%swap3A_88, %swap3A_89] {strides = array<i32>} : memref<80x128xf32, #tpu.memory_space<vmem>>, vector<1x16xf32>,
      %swap3A_91 = vector.shape_cast %swap3A_90 : vector<1x16xf32> to vector<16xf32>
      %swap3A_92 = vector.shape_cast %broadcast_in_dim3A_87 : vector<16xf32> to vector<1x16xf32>
      tpu.vector_store %arg6[%swap3A_88, %swap3A_89], %swap3A_92 {strides = array<i32>} : memref<80x128xf32, #tpu.memory_space<vmem>>, vector<1x16xf32>,
      %broadcast_in_dim3A_93 = arith.constant 1.000000e+00 : f32
      %broadcast_in_dim3A_94 = vector.broadcast %broadcast_in_dim3A_93 : f32 to vector<16xf32>
      %swap3A_95 = arith.index_cast %add3A_80 : i32 to index
      %swap3A_96 = arith.constant 32 : index
      %swap3A_97 = tpu.vector_load %arg6[%swap3A_95, %swap3A_96] {strides = array<i32>} : memref<80x128xf32, #tpu.memory_space<vmem>>, vector<1x16xf32>,
      %swap3A_98 = vector.shape_cast %swap3A_97 : vector<1x16xf32> to vector<16xf32>
      %swap3A_99 = vector.shape_cast %broadcast_in_dim3A_94 : vector<16xf32> to vector<1x16xf32>
      tpu.vector_store %arg6[%swap3A_95, %swap3A_96], %swap3A_99 {strides = array<i32>} : memref<80x128xf32, #tpu.memory_space<vmem>>, vector<1x16xf32>,
      %broadcast_in_dim3A_100 = arith.constant 1.000000e+00 : f32
      %broadcast_in_dim3A_101 = vector.broadcast %broadcast_in_dim3A_100 : f32 to vector<16xf32>
      %swap3A_102 = arith.index_cast %add3A_80 : i32 to index
      %swap3A_103 = arith.constant 48 : index
      %swap3A_104 = tpu.vector_load %arg6[%swap3A_102, %swap3A_103] {strides = array<i32>} : memref<80x128xf32, #tpu.memory_space<vmem>>, vector<1x16xf32>,
      %swap3A_105 = vector.shape_cast %swap3A_104 : vector<1x16xf32> to vector<16xf32>
      %swap3A_106 = vector.shape_cast %broadcast_in_dim3A_101 : vector<16xf32> to vector<1x16xf32>
      tpu.vector_store %arg6[%swap3A_102, %swap3A_103], %swap3A_106 {strides = array<i32>} : memref<80x128xf32, #tpu.memory_space<vmem>>, vector<1x16xf32>,
      %broadcast_in_dim3A_107 = arith.constant 1.000000e+00 : f32
      %broadcast_in_dim3A_108 = vector.broadcast %broadcast_in_dim3A_107 : f32 to vector<16xf32>
      %swap3A_109 = arith.index_cast %add3A_80 : i32 to index
      %swap3A_110 = arith.constant 64 : index
      %swap3A_111 = tpu.vector_load %arg6[%swap3A_109, %swap3A_110] {strides = array<i32>} : memref<80x128xf32, #tpu.memory_space<vmem>>, vector<1x16xf32>,
      %swap3A_112 = vector.shape_cast %swap3A_111 : vector<1x16xf32> to vector<16xf32>
      %swap3A_113 = vector.shape_cast %broadcast_in_dim3A_108 : vector<16xf32> to vector<1x16xf32>
      tpu.vector_store %arg6[%swap3A_109, %swap3A_110], %swap3A_113 {strides = array<i32>} : memref<80x128xf32, #tpu.memory_space<vmem>>, vector<1x16xf32>,
      %broadcast_in_dim3A_114 = arith.constant 1.000000e+00 : f32
      %broadcast_in_dim3A_115 = vector.broadcast %broadcast_in_dim3A_114 : f32 to vector<16xf32>
      %swap3A_116 = arith.index_cast %add3A_80 : i32 to index
      %swap3A_117 = arith.constant 80 : index
      %swap3A_118 = tpu.vector_load %arg6[%swap3A_116, %swap3A_117] {strides = array<i32>} : memref<80x128xf32, #tpu.memory_space<vmem>>, vector<1x16xf32>,
      %swap3A_119 = vector.shape_cast %swap3A_118 : vector<1x16xf32> to vector<16xf32>
      %swap3A_120 = vector.shape_cast %broadcast_in_dim3A_115 : vector<16xf32> to vector<1x16xf32>
      tpu.vector_store %arg6[%swap3A_116, %swap3A_117], %swap3A_120 {strides = array<i32>} : memref<80x128xf32, #tpu.memory_space<vmem>>, vector<1x16xf32>,
      %broadcast_in_dim3A_121 = arith.constant 1.000000e+00 : f32
      %broadcast_in_dim3A_122 = vector.broadcast %broadcast_in_dim3A_121 : f32 to vector<16xf32>
      %swap3A_123 = arith.index_cast %add3A_80 : i32 to index
      %swap3A_124 = arith.constant 96 : index
      %swap3A_125 = tpu.vector_load %arg6[%swap3A_123, %swap3A_124] {strides = array<i32>} : memref<80x128xf32, #tpu.memory_space<vmem>>, vector<1x16xf32>,
      %swap3A_126 = vector.shape_cast %swap3A_125 : vector<1x16xf32> to vector<16xf32>
      %swap3A_127 = vector.shape_cast %broadcast_in_dim3A_122 : vector<16xf32> to vector<1x16xf32>
      tpu.vector_store %arg6[%swap3A_123, %swap3A_124], %swap3A_127 {strides = array<i32>} : memref<80x128xf32, #tpu.memory_space<vmem>>, vector<1x16xf32>,
      %broadcast_in_dim3A_128 = arith.constant 1.000000e+00 : f32
      %broadcast_in_dim3A_129 = vector.broadcast %broadcast_in_dim3A_128 : f32 to vector<16xf32>
      %swap3A_130 = arith.index_cast %add3A_80 : i32 to index
      %swap3A_131 = arith.constant 112 : index
      %swap3A_132 = tpu.vector_load %arg6[%swap3A_130, %swap3A_131] {strides = array<i32>} : memref<80x128xf32, #tpu.memory_space<vmem>>, vector<1x16xf32>,
      %swap3A_133 = vector.shape_cast %swap3A_132 : vector<1x16xf32> to vector<16xf32>
      %swap3A_134 = vector.shape_cast %broadcast_in_dim3A_129 : vector<16xf32> to vector<1x16xf32>
      tpu.vector_store %arg6[%swap3A_130, %swap3A_131], %swap3A_134 {strides = array<i32>} : memref<80x128xf32, #tpu.memory_space<vmem>>, vector<1x16xf32>,
    }
    %scan3A_27 = arith.constant 80 : i32
    %barrier3A = arith.constant 0 : index
    tpu.barrier barrier_id(%barrier3A)
    %mul3A_28 = arith.constant 10000 : i32
    %mul3A_29 = arith.muli %add3A, %mul3A_28 : i32
    %add3A_30 = arith.constant 0 : i32
    %add3A_31 = arith.addi %mul3A_29, %add3A_30 : i32
    %dma_start3A = tpu.memref_slice %arg2[%add3A_31] : memref<320000xi32, #tpu.memory_space<hbm>> -> memref<80xi32, #tpu.memory_space<hbm>>
    %dma_start3A_32 = tpu.memref_slice %arg2[%add3A_31] : memref<320000xi32, #tpu.memory_space<hbm>> -> memref<80xi32, #tpu.memory_space<hbm>>
    tpu.enqueue_dma source(%dma_start3A_32 : memref<80xi32, #tpu.memory_space<hbm>>) target(%arg4 : memref<80xi32, #tpu.memory_space<vmem>>) target_semaphore(%arg7 : memref<!tpu.dma_semaphore, #tpu.memory_space<semaphore_mem>>)
    %add3A_33 = arith.constant 80 : i32
    %add3A_34 = arith.addi %mul3A_29, %add3A_33 : i32
    %dma_start3A_35 = tpu.memref_slice %arg2[%add3A_34] : memref<320000xi32, #tpu.memory_space<hbm>> -> memref<80xi32, #tpu.memory_space<hbm>>
    %dma_start3A_36 = tpu.memref_slice %arg2[%add3A_34] : memref<320000xi32, #tpu.memory_space<hbm>> -> memref<80xi32, #tpu.memory_space<hbm>>
    tpu.enqueue_dma source(%dma_start3A_36 : memref<80xi32, #tpu.memory_space<hbm>>) target(%arg5 : memref<80xi32, #tpu.memory_space<vmem>>) target_semaphore(%arg8 : memref<!tpu.dma_semaphore, #tpu.memory_space<semaphore_mem>>)
    %add3A_37 = arith.constant 0 : i32
    %add3A_38 = arith.addi %mul3A_29, %add3A_37 : i32
    %dma_wait3A = tpu.memref_slice %arg2[%add3A_38] : memref<320000xi32, #tpu.memory_space<hbm>> -> memref<80xi32, #tpu.memory_space<hbm>>
    %dma_wait3A_39 = tpu.memref_slice %arg2[%add3A_38] : memref<320000xi32, #tpu.memory_space<hbm>> -> memref<80xi32, #tpu.memory_space<hbm>>
    tpu.wait_dma2 semaphore(%arg7 : memref<!tpu.dma_semaphore, #tpu.memory_space<semaphore_mem>>) src(%dma_wait3A_39 : memref<80xi32, #tpu.memory_space<hbm>>) dst(%arg4 : memref<80xi32, #tpu.memory_space<vmem>>)
    %dma_start3A_40 = arith.constant 0 : i32
    %dma_start3A_41 = arith.constant 0 : i32
    %dma_start3A_42 = tpu.memref_slice %arg11[%dma_start3A_40, %dma_start3A_41] : memref<10240x128xf32, #tpu.memory_space<vmem_shared>> -> memref<10240x128xf32, #tpu.memory_space<vmem_shared>>
    tpu.enqueue_indirect_dma source(%arg6 : memref<80x128xf32, #tpu.memory_space<vmem>>) target(%dma_start3A_42 : memref<10240x128xf32, #tpu.memory_space<vmem_shared>>) offsets(%arg4 : memref<80xi32, #tpu.memory_space<vmem>>) semaphore(%arg9 : memref<!tpu.dma_semaphore, #tpu.memory_space<semaphore_mem>>) {add = true}
    %scan3A_43 = arith.constant 0 : i32
    %scan3A_44 = arith.constant 61 : i32
    %scan3A_45 = arith.addi %scan3A_43, %scan3A_44 : i32
    %scan3A_46 = arith.constant 1 : i32
    scf.for %scan3A_76 = %scan3A_43 to %scan3A_45 step %scan3A_46  : i32 {
      %mul3A_77 = arith.constant 1 : i32
      %mul3A_78 = arith.muli %scan3A_76, %mul3A_77 : i32
      %add3A_79 = arith.constant 0 : i32
      %add3A_80 = arith.addi %add3A_79, %mul3A_78 : i32
      %mul3A_81 = arith.constant 2 : i32
      %mul3A_82 = arith.muli %mul3A_81, %add3A_80 : i32
      %add3A_83 = arith.constant 1 : i32
      %add3A_84 = arith.addi %mul3A_82, %add3A_83 : i32
      %dma_wait3A_85 = arith.constant 0 : i32
      %dma_wait3A_86 = arith.constant 0 : i32
      %dma_wait3A_87 = tpu.memref_slice %arg11[%dma_wait3A_85, %dma_wait3A_86] : memref<10240x128xf32, #tpu.memory_space<vmem_shared>> -> memref<10240x128xf32, #tpu.memory_space<vmem_shared>>
      tpu.wait_indirect_dma semaphore(%arg9 : memref<!tpu.dma_semaphore, #tpu.memory_space<semaphore_mem>>) src(%arg6 : memref<80x128xf32, #tpu.memory_space<vmem>>) dst(%dma_wait3A_87 : memref<10240x128xf32, #tpu.memory_space<vmem_shared>>)
      %add3A_88 = arith.constant 1 : i32
      %add3A_89 = arith.addi %add3A_84, %add3A_88 : i32
      %mul3A_90 = arith.constant 80 : i32
      %mul3A_91 = arith.muli %add3A_89, %mul3A_90 : i32
      %add3A_92 = arith.addi %mul3A_29, %mul3A_91 : i32
      %dma_start3A_93 = tpu.memref_slice %arg2[%add3A_92] : memref<320000xi32, #tpu.memory_space<hbm>> -> memref<80xi32, #tpu.memory_space<hbm>>
      %dma_start3A_94 = tpu.memref_slice %arg2[%add3A_92] : memref<320000xi32, #tpu.memory_space<hbm>> -> memref<80xi32, #tpu.memory_space<hbm>>
      tpu.enqueue_dma source(%dma_start3A_94 : memref<80xi32, #tpu.memory_space<hbm>>) target(%arg4 : memref<80xi32, #tpu.memory_space<vmem>>) target_semaphore(%arg7 : memref<!tpu.dma_semaphore, #tpu.memory_space<semaphore_mem>>)
      %mul3A_95 = arith.constant 80 : i32
      %mul3A_96 = arith.muli %add3A_84, %mul3A_95 : i32
      %add3A_97 = arith.addi %mul3A_29, %mul3A_96 : i32
      %dma_wait3A_98 = tpu.memref_slice %arg2[%add3A_97] : memref<320000xi32, #tpu.memory_space<hbm>> -> memref<80xi32, #tpu.memory_space<hbm>>
      %dma_wait3A_99 = tpu.memref_slice %arg2[%add3A_97] : memref<320000xi32, #tpu.memory_space<hbm>> -> memref<80xi32, #tpu.memory_space<hbm>>
      tpu.wait_dma2 semaphore(%arg8 : memref<!tpu.dma_semaphore, #tpu.memory_space<semaphore_mem>>) src(%dma_wait3A_99 : memref<80xi32, #tpu.memory_space<hbm>>) dst(%arg5 : memref<80xi32, #tpu.memory_space<vmem>>)
      %dma_start3A_100 = arith.constant 0 : i32
      %dma_start3A_101 = arith.constant 0 : i32
      %dma_start3A_102 = tpu.memref_slice %arg11[%dma_start3A_100, %dma_start3A_101] : memref<10240x128xf32, #tpu.memory_space<vmem_shared>> -> memref<10240x128xf32, #tpu.memory_space<vmem_shared>>
      tpu.enqueue_indirect_dma source(%arg6 : memref<80x128xf32, #tpu.memory_space<vmem>>) target(%dma_start3A_102 : memref<10240x128xf32, #tpu.memory_space<vmem_shared>>) offsets(%arg5 : memref<80xi32, #tpu.memory_space<vmem>>) semaphore(%arg10 : memref<!tpu.dma_semaphore, #tpu.memory_space<semaphore_mem>>) {add = true}
      %mul3A_103 = arith.constant 2 : i32
      %mul3A_104 = arith.muli %mul3A_103, %add3A_80 : i32
      %add3A_105 = arith.constant 2 : i32
      %add3A_106 = arith.addi %mul3A_104, %add3A_105 : i32
      %dma_wait3A_107 = arith.constant 0 : i32
      %dma_wait3A_108 = arith.constant 0 : i32
      %dma_wait3A_109 = tpu.memref_slice %arg11[%dma_wait3A_107, %dma_wait3A_108] : memref<10240x128xf32, #tpu.memory_space<vmem_shared>> -> memref<10240x128xf32, #tpu.memory_space<vmem_shared>>
      tpu.wait_indirect_dma semaphore(%arg10 : memref<!tpu.dma_semaphore, #tpu.memory_space<semaphore_mem>>) src(%arg6 : memref<80x128xf32, #tpu.memory_space<vmem>>) dst(%dma_wait3A_109 : memref<10240x128xf32, #tpu.memory_space<vmem_shared>>)
      %add3A_110 = arith.constant 1 : i32
      %add3A_111 = arith.addi %add3A_106, %add3A_110 : i32
      %mul3A_112 = arith.constant 80 : i32
      %mul3A_113 = arith.muli %add3A_111, %mul3A_112 : i32
      %add3A_114 = arith.addi %mul3A_29, %mul3A_113 : i32
      %dma_start3A_115 = tpu.memref_slice %arg2[%add3A_114] : memref<320000xi32, #tpu.memory_space<hbm>> -> memref<80xi32, #tpu.memory_space<hbm>>
      %dma_start3A_116 = tpu.memref_slice %arg2[%add3A_114] : memref<320000xi32, #tpu.memory_space<hbm>> -> memref<80xi32, #tpu.memory_space<hbm>>
      tpu.enqueue_dma source(%dma_start3A_116 : memref<80xi32, #tpu.memory_space<hbm>>) target(%arg5 : memref<80xi32, #tpu.memory_space<vmem>>) target_semaphore(%arg8 : memref<!tpu.dma_semaphore, #tpu.memory_space<semaphore_mem>>)
      %mul3A_117 = arith.constant 80 : i32
      %mul3A_118 = arith.muli %add3A_106, %mul3A_117 : i32
      %add3A_119 = arith.addi %mul3A_29, %mul3A_118 : i32
      %dma_wait3A_120 = tpu.memref_slice %arg2[%add3A_119] : memref<320000xi32, #tpu.memory_space<hbm>> -> memref<80xi32, #tpu.memory_space<hbm>>
      %dma_wait3A_121 = tpu.memref_slice %arg2[%add3A_119] : memref<320000xi32, #tpu.memory_space<hbm>> -> memref<80xi32, #tpu.memory_space<hbm>>
      tpu.wait_dma2 semaphore(%arg7 : memref<!tpu.dma_semaphore, #tpu.memory_space<semaphore_mem>>) src(%dma_wait3A_121 : memref<80xi32, #tpu.memory_space<hbm>>) dst(%arg4 : memref<80xi32, #tpu.memory_space<vmem>>)
      %dma_start3A_122 = arith.constant 0 : i32
      %dma_start3A_123 = arith.constant 0 : i32
      %dma_start3A_124 = tpu.memref_slice %arg11[%dma_start3A_122, %dma_start3A_123] : memref<10240x128xf32, #tpu.memory_space<vmem_shared>> -> memref<10240x128xf32, #tpu.memory_space<vmem_shared>>
      tpu.enqueue_indirect_dma source(%arg6 : memref<80x128xf32, #tpu.memory_space<vmem>>) target(%dma_start3A_124 : memref<10240x128xf32, #tpu.memory_space<vmem_shared>>) offsets(%arg4 : memref<80xi32, #tpu.memory_space<vmem>>) semaphore(%arg9 : memref<!tpu.dma_semaphore, #tpu.memory_space<semaphore_mem>>) {add = true}
    }
    %scan3A_47 = arith.constant 61 : i32
    %dma_wait3A_48 = arith.constant 0 : i32
    %dma_wait3A_49 = arith.constant 0 : i32
    %dma_wait3A_50 = tpu.memref_slice %arg11[%dma_wait3A_48, %dma_wait3A_49] : memref<10240x128xf32, #tpu.memory_space<vmem_shared>> -> memref<10240x128xf32, #tpu.memory_space<vmem_shared>>
    tpu.wait_indirect_dma semaphore(%arg9 : memref<!tpu.dma_semaphore, #tpu.memory_space<semaphore_mem>>) src(%arg6 : memref<80x128xf32, #tpu.memory_space<vmem>>) dst(%dma_wait3A_50 : memref<10240x128xf32, #tpu.memory_space<vmem_shared>>)
    %add3A_51 = arith.constant 9920 : i32
    %add3A_52 = arith.addi %mul3A_29, %add3A_51 : i32
    %dma_start3A_53 = tpu.memref_slice %arg2[%add3A_52] : memref<320000xi32, #tpu.memory_space<hbm>> -> memref<80xi32, #tpu.memory_space<hbm>>
    %dma_start3A_54 = tpu.memref_slice %arg2[%add3A_52] : memref<320000xi32, #tpu.memory_space<hbm>> -> memref<80xi32, #tpu.memory_space<hbm>>
    tpu.enqueue_dma source(%dma_start3A_54 : memref<80xi32, #tpu.memory_space<hbm>>) target(%arg4 : memref<80xi32, #tpu.memory_space<vmem>>) target_semaphore(%arg7 : memref<!tpu.dma_semaphore, #tpu.memory_space<semaphore_mem>>)
    %add3A_55 = arith.constant 9840 : i32
    %add3A_56 = arith.addi %mul3A_29, %add3A_55 : i32
    %dma_wait3A_57 = tpu.memref_slice %arg2[%add3A_56] : memref<320000xi32, #tpu.memory_space<hbm>> -> memref<80xi32, #tpu.memory_space<hbm>>
    %dma_wait3A_58 = tpu.memref_slice %arg2[%add3A_56] : memref<320000xi32, #tpu.memory_space<hbm>> -> memref<80xi32, #tpu.memory_space<hbm>>
    tpu.wait_dma2 semaphore(%arg8 : memref<!tpu.dma_semaphore, #tpu.memory_space<semaphore_mem>>) src(%dma_wait3A_58 : memref<80xi32, #tpu.memory_space<hbm>>) dst(%arg5 : memref<80xi32, #tpu.memory_space<vmem>>)
    %dma_start3A_59 = arith.constant 0 : i32
    %dma_start3A_60 = arith.constant 0 : i32
    %dma_start3A_61 = tpu.memref_slice %arg11[%dma_start3A_59, %dma_start3A_60] : memref<10240x128xf32, #tpu.memory_space<vmem_shared>> -> memref<10240x128xf32, #tpu.memory_space<vmem_shared>>
    tpu.enqueue_indirect_dma source(%arg6 : memref<80x128xf32, #tpu.memory_space<vmem>>) target(%dma_start3A_61 : memref<10240x128xf32, #tpu.memory_space<vmem_shared>>) offsets(%arg5 : memref<80xi32, #tpu.memory_space<vmem>>) semaphore(%arg10 : memref<!tpu.dma_semaphore, #tpu.memory_space<semaphore_mem>>) {add = true}
    %dma_wait3A_62 = arith.constant 0 : i32
    %dma_wait3A_63 = arith.constant 0 : i32
    %dma_wait3A_64 = tpu.memref_slice %arg11[%dma_wait3A_62, %dma_wait3A_63] : memref<10240x128xf32, #tpu.memory_space<vmem_shared>> -> memref<10240x128xf32, #tpu.memory_space<vmem_shared>>
    tpu.wait_indirect_dma semaphore(%arg10 : memref<!tpu.dma_semaphore, #tpu.memory_space<semaphore_mem>>) src(%arg6 : memref<80x128xf32, #tpu.memory_space<vmem>>) dst(%dma_wait3A_64 : memref<10240x128xf32, #tpu.memory_space<vmem_shared>>)
    %add3A_65 = arith.constant 9920 : i32
    %add3A_66 = arith.addi %mul3A_29, %add3A_65 : i32
    %dma_wait3A_67 = tpu.memref_slice %arg2[%add3A_66] : memref<320000xi32, #tpu.memory_space<hbm>> -> memref<80xi32, #tpu.memory_space<hbm>>
    %dma_wait3A_68 = tpu.memref_slice %arg2[%add3A_66] : memref<320000xi32, #tpu.memory_space<hbm>> -> memref<80xi32, #tpu.memory_space<hbm>>
    tpu.wait_dma2 semaphore(%arg7 : memref<!tpu.dma_semaphore, #tpu.memory_space<semaphore_mem>>) src(%dma_wait3A_68 : memref<80xi32, #tpu.memory_space<hbm>>) dst(%arg4 : memref<80xi32, #tpu.memory_space<vmem>>)
    %dma_start3A_69 = arith.constant 0 : i32
    %dma_start3A_70 = arith.constant 0 : i32
    %dma_start3A_71 = tpu.memref_slice %arg11[%dma_start3A_69, %dma_start3A_70] : memref<10240x128xf32, #tpu.memory_space<vmem_shared>> -> memref<10240x128xf32, #tpu.memory_space<vmem_shared>>
    tpu.enqueue_indirect_dma source(%arg6 : memref<80x128xf32, #tpu.memory_space<vmem>>) target(%dma_start3A_71 : memref<10240x128xf32, #tpu.memory_space<vmem_shared>>) offsets(%arg4 : memref<80xi32, #tpu.memory_space<vmem>>) semaphore(%arg9 : memref<!tpu.dma_semaphore, #tpu.memory_space<semaphore_mem>>) {add = true}
    %dma_wait3A_72 = arith.constant 0 : i32
    %dma_wait3A_73 = arith.constant 0 : i32
    %dma_wait3A_74 = tpu.memref_slice %arg11[%dma_wait3A_72, %dma_wait3A_73] : memref<10240x128xf32, #tpu.memory_space<vmem_shared>> -> memref<10240x128xf32, #tpu.memory_space<vmem_shared>>
    tpu.wait_indirect_dma semaphore(%arg9 : memref<!tpu.dma_semaphore, #tpu.memory_space<semaphore_mem>>) src(%arg6 : memref<80x128xf32, #tpu.memory_space<vmem>>) dst(%dma_wait3A_74 : memref<10240x128xf32, #tpu.memory_space<vmem_shared>>)
    %barrier3A_75 = arith.constant 0 : index
    tpu.barrier barrier_id(%barrier3A_75)
    "tpu.region"() ({
      %run_scoped3A = tpu.sem_alloc : memref<!tpu.dma_semaphore, #tpu.memory_space<semaphore_mem>>
      %dma_start3A_76 = arith.constant 0 : i32
      %dma_start3A_77 = tpu.memref_slice %arg3[%arg0, %mul3A_6, %dma_start3A_76] : memref<2x10240x128xf32, #tpu.memory_space<hbm>> -> memref<1x640x128xf32, #tpu.memory_space<hbm>>
      %dma_start3A_78 = tpu.memref_squeeze %dma_start3A_77 : memref<1x640x128xf32, #tpu.memory_space<hbm>> -> memref<640x128xf32, #tpu.memory_space<hbm>>
      %dma_start3A_79 = arith.constant 0 : i32
      %dma_start3A_80 = tpu.memref_slice %arg11[%mul3A_6, %dma_start3A_79] : memref<10240x128xf32, #tpu.memory_space<vmem_shared>> -> memref<640x128xf32, #tpu.memory_space<vmem_shared>>
      tpu.enqueue_dma source(%dma_start3A_80 : memref<640x128xf32, #tpu.memory_space<vmem_shared>>) target(%dma_start3A_78 : memref<640x128xf32, #tpu.memory_space<hbm>>) target_semaphore(%run_scoped3A : memref<!tpu.dma_semaphore, #tpu.memory_space<semaphore_mem>>)
      %dma_wait3A_81 = arith.constant 0 : i32
      %dma_wait3A_82 = tpu.memref_slice %arg3[%arg0, %mul3A_6, %dma_wait3A_81] : memref<2x10240x128xf32, #tpu.memory_space<hbm>> -> memref<1x640x128xf32, #tpu.memory_space<hbm>>
      %dma_wait3A_83 = tpu.memref_squeeze %dma_wait3A_82 : memref<1x640x128xf32, #tpu.memory_space<hbm>> -> memref<640x128xf32, #tpu.memory_space<hbm>>
      %dma_wait3A_84 = arith.constant 0 : i32
      %dma_wait3A_85 = tpu.memref_slice %arg11[%mul3A_6, %dma_wait3A_84] : memref<10240x128xf32, #tpu.memory_space<vmem_shared>> -> memref<640x128xf32, #tpu.memory_space<vmem_shared>>
      tpu.wait_dma2 semaphore(%run_scoped3A : memref<!tpu.dma_semaphore, #tpu.memory_space<semaphore_mem>>) src(%dma_wait3A_85 : memref<640x128xf32, #tpu.memory_space<vmem_shared>>) dst(%dma_wait3A_83 : memref<640x128xf32, #tpu.memory_space<hbm>>)
      tpu.yield
    }) : () -> ()
    return
  }
}

#map = affine_map<(d0, d1) -> (0, 0)>
#map1 = affine_map<(d0, d1) -> (0)>
#map2 = affine_map<(d0, d1) -> (0, 0, 0)>
module attributes {stable_mosaic.version = 14 : i64} {
  func.func @_sc_edge_body(%arg0: i32, %arg1: i32, %arg2: memref<10000x128xf32, #tpu.memory_space<hbm>>, %arg3: memref<320000xi32, #tpu.memory_space<hbm>>, %arg4: memref<320000xi32, #tpu.memory_space<hbm>>, %arg5: memref<320000x128xf32, #tpu.memory_space<hbm>>, %arg6: memref<2x10240x128xf32, #tpu.memory_space<hbm>>, %arg7: memref<80xi32, #tpu.memory_space<vmem>>, %arg8: memref<80xi32, #tpu.memory_space<vmem>>, %arg9: memref<80xi32, #tpu.memory_space<vmem>>, %arg10: memref<80xi32, #tpu.memory_space<vmem>>, %arg11: memref<80x128xf32, #tpu.memory_space<vmem>>, %arg12: memref<80x128xf32, #tpu.memory_space<vmem>>, %arg13: memref<80x128xf32, #tpu.memory_space<vmem>>, %arg14: memref<80x128xf32, #tpu.memory_space<vmem>>, %arg15: memref<!tpu.dma_semaphore, #tpu.memory_space<semaphore_mem>>, %arg16: memref<!tpu.dma_semaphore, #tpu.memory_space<semaphore_mem>>, %arg17: memref<!tpu.dma_semaphore, #tpu.memory_space<semaphore_mem>>, %arg18: memref<!tpu.dma_semaphore, #tpu.memory_space<semaphore_mem>>, %arg19: memref<!tpu.dma_semaphore, #tpu.memory_space<semaphore_mem>>, %arg20: memref<!tpu.dma_semaphore, #tpu.memory_space<semaphore_mem>>, %arg21: memref<!tpu.dma_semaphore, #tpu.memory_space<semaphore_mem>>, %arg22: memref<!tpu.dma_semaphore, #tpu.memory_space<semaphore_mem>>, %arg23: memref<!tpu.dma_semaphore, #tpu.memory_space<semaphore_mem>>, %arg24: memref<!tpu.dma_semaphore, #tpu.memory_space<semaphore_mem>>, %arg25: memref<10240x128xf32, #tpu.memory_space<vmem_shared>>) attributes {dimension_semantics = [#tpu.dimension_semantics<core_parallel>, #tpu.dimension_semantics<subcore_parallel>], iteration_bounds = array<i64: 2, 16>, scalar_prefetch = 0 : i64, scratch_operands = 19 : i64, tpu.core_type = #tpu.core_type<sc_vector_subcore>, window_params = [{transform_indices = #map}, {transform_indices = #map1}, {transform_indices = #map1}, {transform_indices = #map}, {transform_indices = #map2}]} {
    %mul3A = arith.constant 16 : i32
    %mul3A_0 = arith.muli %arg0, %mul3A : i32
    %add3A = arith.addi %mul3A_0, %arg1 : i32
    %scan3A = arith.constant 0 : i32
    %scan3A_1 = arith.constant 80 : i32
    %scan3A_2 = arith.addi %scan3A, %scan3A_1 : i32
    %scan3A_3 = arith.constant 1 : i32
    scf.for %scan3A_252 = %scan3A to %scan3A_2 step %scan3A_3  : i32 {
      %mul3A_253 = arith.constant 1 : i32
      %mul3A_254 = arith.muli %scan3A_252, %mul3A_253 : i32
      %add3A_255 = arith.constant 0 : i32
      %add3A_256 = arith.addi %add3A_255, %mul3A_254 : i32
      %broadcast_in_dim3A = arith.constant 0.000000e+00 : f32
      %broadcast_in_dim3A_257 = vector.broadcast %broadcast_in_dim3A : f32 to vector<16xf32>
      %swap3A = arith.index_cast %add3A_256 : i32 to index
      %swap3A_258 = arith.constant 0 : index
      %swap3A_259 = tpu.vector_load %arg11[%swap3A, %swap3A_258] {strides = array<i32>} : memref<80x128xf32, #tpu.memory_space<vmem>>, vector<1x16xf32>,
      %swap3A_260 = vector.shape_cast %swap3A_259 : vector<1x16xf32> to vector<16xf32>
      %swap3A_261 = vector.shape_cast %broadcast_in_dim3A_257 : vector<16xf32> to vector<1x16xf32>
      tpu.vector_store %arg11[%swap3A, %swap3A_258], %swap3A_261 {strides = array<i32>} : memref<80x128xf32, #tpu.memory_space<vmem>>, vector<1x16xf32>,
      %broadcast_in_dim3A_262 = arith.constant 0.000000e+00 : f32
      %broadcast_in_dim3A_263 = vector.broadcast %broadcast_in_dim3A_262 : f32 to vector<16xf32>
      %swap3A_264 = arith.index_cast %add3A_256 : i32 to index
      %swap3A_265 = arith.constant 16 : index
      %swap3A_266 = tpu.vector_load %arg11[%swap3A_264, %swap3A_265] {strides = array<i32>} : memref<80x128xf32, #tpu.memory_space<vmem>>, vector<1x16xf32>,
      %swap3A_267 = vector.shape_cast %swap3A_266 : vector<1x16xf32> to vector<16xf32>
      %swap3A_268 = vector.shape_cast %broadcast_in_dim3A_263 : vector<16xf32> to vector<1x16xf32>
      tpu.vector_store %arg11[%swap3A_264, %swap3A_265], %swap3A_268 {strides = array<i32>} : memref<80x128xf32, #tpu.memory_space<vmem>>, vector<1x16xf32>,
      %broadcast_in_dim3A_269 = arith.constant 0.000000e+00 : f32
      %broadcast_in_dim3A_270 = vector.broadcast %broadcast_in_dim3A_269 : f32 to vector<16xf32>
      %swap3A_271 = arith.index_cast %add3A_256 : i32 to index
      %swap3A_272 = arith.constant 32 : index
      %swap3A_273 = tpu.vector_load %arg11[%swap3A_271, %swap3A_272] {strides = array<i32>} : memref<80x128xf32, #tpu.memory_space<vmem>>, vector<1x16xf32>,
      %swap3A_274 = vector.shape_cast %swap3A_273 : vector<1x16xf32> to vector<16xf32>
      %swap3A_275 = vector.shape_cast %broadcast_in_dim3A_270 : vector<16xf32> to vector<1x16xf32>
      tpu.vector_store %arg11[%swap3A_271, %swap3A_272], %swap3A_275 {strides = array<i32>} : memref<80x128xf32, #tpu.memory_space<vmem>>, vector<1x16xf32>,
      %broadcast_in_dim3A_276 = arith.constant 0.000000e+00 : f32
      %broadcast_in_dim3A_277 = vector.broadcast %broadcast_in_dim3A_276 : f32 to vector<16xf32>
      %swap3A_278 = arith.index_cast %add3A_256 : i32 to index
      %swap3A_279 = arith.constant 48 : index
      %swap3A_280 = tpu.vector_load %arg11[%swap3A_278, %swap3A_279] {strides = array<i32>} : memref<80x128xf32, #tpu.memory_space<vmem>>, vector<1x16xf32>,
      %swap3A_281 = vector.shape_cast %swap3A_280 : vector<1x16xf32> to vector<16xf32>
      %swap3A_282 = vector.shape_cast %broadcast_in_dim3A_277 : vector<16xf32> to vector<1x16xf32>
      tpu.vector_store %arg11[%swap3A_278, %swap3A_279], %swap3A_282 {strides = array<i32>} : memref<80x128xf32, #tpu.memory_space<vmem>>, vector<1x16xf32>,
      %broadcast_in_dim3A_283 = arith.constant 0.000000e+00 : f32
      %broadcast_in_dim3A_284 = vector.broadcast %broadcast_in_dim3A_283 : f32 to vector<16xf32>
      %swap3A_285 = arith.index_cast %add3A_256 : i32 to index
      %swap3A_286 = arith.constant 64 : index
      %swap3A_287 = tpu.vector_load %arg11[%swap3A_285, %swap3A_286] {strides = array<i32>} : memref<80x128xf32, #tpu.memory_space<vmem>>, vector<1x16xf32>,
      %swap3A_288 = vector.shape_cast %swap3A_287 : vector<1x16xf32> to vector<16xf32>
      %swap3A_289 = vector.shape_cast %broadcast_in_dim3A_284 : vector<16xf32> to vector<1x16xf32>
      tpu.vector_store %arg11[%swap3A_285, %swap3A_286], %swap3A_289 {strides = array<i32>} : memref<80x128xf32, #tpu.memory_space<vmem>>, vector<1x16xf32>,
      %broadcast_in_dim3A_290 = arith.constant 0.000000e+00 : f32
      %broadcast_in_dim3A_291 = vector.broadcast %broadcast_in_dim3A_290 : f32 to vector<16xf32>
      %swap3A_292 = arith.index_cast %add3A_256 : i32 to index
      %swap3A_293 = arith.constant 80 : index
      %swap3A_294 = tpu.vector_load %arg11[%swap3A_292, %swap3A_293] {strides = array<i32>} : memref<80x128xf32, #tpu.memory_space<vmem>>, vector<1x16xf32>,
      %swap3A_295 = vector.shape_cast %swap3A_294 : vector<1x16xf32> to vector<16xf32>
      %swap3A_296 = vector.shape_cast %broadcast_in_dim3A_291 : vector<16xf32> to vector<1x16xf32>
      tpu.vector_store %arg11[%swap3A_292, %swap3A_293], %swap3A_296 {strides = array<i32>} : memref<80x128xf32, #tpu.memory_space<vmem>>, vector<1x16xf32>,
      %broadcast_in_dim3A_297 = arith.constant 0.000000e+00 : f32
      %broadcast_in_dim3A_298 = vector.broadcast %broadcast_in_dim3A_297 : f32 to vector<16xf32>
      %swap3A_299 = arith.index_cast %add3A_256 : i32 to index
      %swap3A_300 = arith.constant 96 : index
      %swap3A_301 = tpu.vector_load %arg11[%swap3A_299, %swap3A_300] {strides = array<i32>} : memref<80x128xf32, #tpu.memory_space<vmem>>, vector<1x16xf32>,
      %swap3A_302 = vector.shape_cast %swap3A_301 : vector<1x16xf32> to vector<16xf32>
      %swap3A_303 = vector.shape_cast %broadcast_in_dim3A_298 : vector<16xf32> to vector<1x16xf32>
      tpu.vector_store %arg11[%swap3A_299, %swap3A_300], %swap3A_303 {strides = array<i32>} : memref<80x128xf32, #tpu.memory_space<vmem>>, vector<1x16xf32>,
      %broadcast_in_dim3A_304 = arith.constant 0.000000e+00 : f32
      %broadcast_in_dim3A_305 = vector.broadcast %broadcast_in_dim3A_304 : f32 to vector<16xf32>
      %swap3A_306 = arith.index_cast %add3A_256 : i32 to index
      %swap3A_307 = arith.constant 112 : index
      %swap3A_308 = tpu.vector_load %arg11[%swap3A_306, %swap3A_307] {strides = array<i32>} : memref<80x128xf32, #tpu.memory_space<vmem>>, vector<1x16xf32>,
      %swap3A_309 = vector.shape_cast %swap3A_308 : vector<1x16xf32> to vector<16xf32>
      %swap3A_310 = vector.shape_cast %broadcast_in_dim3A_305 : vector<16xf32> to vector<1x16xf32>
      tpu.vector_store %arg11[%swap3A_306, %swap3A_307], %swap3A_310 {strides = array<i32>} : memref<80x128xf32, #tpu.memory_space<vmem>>, vector<1x16xf32>,
    }
    %scan3A_4 = arith.constant 80 : i32
    %mul3A_5 = arith.constant 640 : i32
    %mul3A_6 = arith.muli %arg1, %mul3A_5 : i32
    %add3A_7 = arith.constant 0 : i32
    %add3A_8 = arith.addi %mul3A_6, %add3A_7 : i32
    "tpu.region"() ({
      %run_scoped3A = tpu.sem_alloc : memref<!tpu.dma_semaphore, #tpu.memory_space<semaphore_mem>>
      %dma_start3A_252 = arith.constant 0 : i32
      %dma_start3A_253 = tpu.memref_slice %arg25[%add3A_8, %dma_start3A_252] : memref<10240x128xf32, #tpu.memory_space<vmem_shared>> -> memref<80x128xf32, #tpu.memory_space<vmem_shared>>
      %dma_start3A_254 = arith.constant 0 : i32
      %dma_start3A_255 = tpu.memref_slice %arg25[%add3A_8, %dma_start3A_254] : memref<10240x128xf32, #tpu.memory_space<vmem_shared>> -> memref<80x128xf32, #tpu.memory_space<vmem_shared>>
      tpu.enqueue_dma source(%arg11 : memref<80x128xf32, #tpu.memory_space<vmem>>) target(%dma_start3A_255 : memref<80x128xf32, #tpu.memory_space<vmem_shared>>) target_semaphore(%run_scoped3A : memref<!tpu.dma_semaphore, #tpu.memory_space<semaphore_mem>>)
      %dma_wait3A_256 = arith.constant 0 : i32
      %dma_wait3A_257 = tpu.memref_slice %arg25[%add3A_8, %dma_wait3A_256] : memref<10240x128xf32, #tpu.memory_space<vmem_shared>> -> memref<80x128xf32, #tpu.memory_space<vmem_shared>>
      %dma_wait3A_258 = arith.constant 0 : i32
      %dma_wait3A_259 = tpu.memref_slice %arg25[%add3A_8, %dma_wait3A_258] : memref<10240x128xf32, #tpu.memory_space<vmem_shared>> -> memref<80x128xf32, #tpu.memory_space<vmem_shared>>
      tpu.wait_dma2 semaphore(%run_scoped3A : memref<!tpu.dma_semaphore, #tpu.memory_space<semaphore_mem>>) src(%arg11 : memref<80x128xf32, #tpu.memory_space<vmem>>) dst(%dma_wait3A_259 : memref<80x128xf32, #tpu.memory_space<vmem_shared>>)
      tpu.yield
    }) : () -> ()
    %add3A_9 = arith.constant 80 : i32
    %add3A_10 = arith.addi %mul3A_6, %add3A_9 : i32
    "tpu.region"() ({
      %run_scoped3A = tpu.sem_alloc : memref<!tpu.dma_semaphore, #tpu.memory_space<semaphore_mem>>
      %dma_start3A_252 = arith.constant 0 : i32
      %dma_start3A_253 = tpu.memref_slice %arg25[%add3A_10, %dma_start3A_252] : memref<10240x128xf32, #tpu.memory_space<vmem_shared>> -> memref<80x128xf32, #tpu.memory_space<vmem_shared>>
      %dma_start3A_254 = arith.constant 0 : i32
      %dma_start3A_255 = tpu.memref_slice %arg25[%add3A_10, %dma_start3A_254] : memref<10240x128xf32, #tpu.memory_space<vmem_shared>> -> memref<80x128xf32, #tpu.memory_space<vmem_shared>>
      tpu.enqueue_dma source(%arg11 : memref<80x128xf32, #tpu.memory_space<vmem>>) target(%dma_start3A_255 : memref<80x128xf32, #tpu.memory_space<vmem_shared>>) target_semaphore(%run_scoped3A : memref<!tpu.dma_semaphore, #tpu.memory_space<semaphore_mem>>)
      %dma_wait3A_256 = arith.constant 0 : i32
      %dma_wait3A_257 = tpu.memref_slice %arg25[%add3A_10, %dma_wait3A_256] : memref<10240x128xf32, #tpu.memory_space<vmem_shared>> -> memref<80x128xf32, #tpu.memory_space<vmem_shared>>
      %dma_wait3A_258 = arith.constant 0 : i32
      %dma_wait3A_259 = tpu.memref_slice %arg25[%add3A_10, %dma_wait3A_258] : memref<10240x128xf32, #tpu.memory_space<vmem_shared>> -> memref<80x128xf32, #tpu.memory_space<vmem_shared>>
      tpu.wait_dma2 semaphore(%run_scoped3A : memref<!tpu.dma_semaphore, #tpu.memory_space<semaphore_mem>>) src(%arg11 : memref<80x128xf32, #tpu.memory_space<vmem>>) dst(%dma_wait3A_259 : memref<80x128xf32, #tpu.memory_space<vmem_shared>>)
      tpu.yield
    }) : () -> ()
    %add3A_11 = arith.constant 160 : i32
    %add3A_12 = arith.addi %mul3A_6, %add3A_11 : i32
    "tpu.region"() ({
      %run_scoped3A = tpu.sem_alloc : memref<!tpu.dma_semaphore, #tpu.memory_space<semaphore_mem>>
      %dma_start3A_252 = arith.constant 0 : i32
      %dma_start3A_253 = tpu.memref_slice %arg25[%add3A_12, %dma_start3A_252] : memref<10240x128xf32, #tpu.memory_space<vmem_shared>> -> memref<80x128xf32, #tpu.memory_space<vmem_shared>>
      %dma_start3A_254 = arith.constant 0 : i32
      %dma_start3A_255 = tpu.memref_slice %arg25[%add3A_12, %dma_start3A_254] : memref<10240x128xf32, #tpu.memory_space<vmem_shared>> -> memref<80x128xf32, #tpu.memory_space<vmem_shared>>
      tpu.enqueue_dma source(%arg11 : memref<80x128xf32, #tpu.memory_space<vmem>>) target(%dma_start3A_255 : memref<80x128xf32, #tpu.memory_space<vmem_shared>>) target_semaphore(%run_scoped3A : memref<!tpu.dma_semaphore, #tpu.memory_space<semaphore_mem>>)
      %dma_wait3A_256 = arith.constant 0 : i32
      %dma_wait3A_257 = tpu.memref_slice %arg25[%add3A_12, %dma_wait3A_256] : memref<10240x128xf32, #tpu.memory_space<vmem_shared>> -> memref<80x128xf32, #tpu.memory_space<vmem_shared>>
      %dma_wait3A_258 = arith.constant 0 : i32
      %dma_wait3A_259 = tpu.memref_slice %arg25[%add3A_12, %dma_wait3A_258] : memref<10240x128xf32, #tpu.memory_space<vmem_shared>> -> memref<80x128xf32, #tpu.memory_space<vmem_shared>>
      tpu.wait_dma2 semaphore(%run_scoped3A : memref<!tpu.dma_semaphore, #tpu.memory_space<semaphore_mem>>) src(%arg11 : memref<80x128xf32, #tpu.memory_space<vmem>>) dst(%dma_wait3A_259 : memref<80x128xf32, #tpu.memory_space<vmem_shared>>)
      tpu.yield
    }) : () -> ()
    %add3A_13 = arith.constant 240 : i32
    %add3A_14 = arith.addi %mul3A_6, %add3A_13 : i32
    "tpu.region"() ({
      %run_scoped3A = tpu.sem_alloc : memref<!tpu.dma_semaphore, #tpu.memory_space<semaphore_mem>>
      %dma_start3A_252 = arith.constant 0 : i32
      %dma_start3A_253 = tpu.memref_slice %arg25[%add3A_14, %dma_start3A_252] : memref<10240x128xf32, #tpu.memory_space<vmem_shared>> -> memref<80x128xf32, #tpu.memory_space<vmem_shared>>
      %dma_start3A_254 = arith.constant 0 : i32
      %dma_start3A_255 = tpu.memref_slice %arg25[%add3A_14, %dma_start3A_254] : memref<10240x128xf32, #tpu.memory_space<vmem_shared>> -> memref<80x128xf32, #tpu.memory_space<vmem_shared>>
      tpu.enqueue_dma source(%arg11 : memref<80x128xf32, #tpu.memory_space<vmem>>) target(%dma_start3A_255 : memref<80x128xf32, #tpu.memory_space<vmem_shared>>) target_semaphore(%run_scoped3A : memref<!tpu.dma_semaphore, #tpu.memory_space<semaphore_mem>>)
      %dma_wait3A_256 = arith.constant 0 : i32
      %dma_wait3A_257 = tpu.memref_slice %arg25[%add3A_14, %dma_wait3A_256] : memref<10240x128xf32, #tpu.memory_space<vmem_shared>> -> memref<80x128xf32, #tpu.memory_space<vmem_shared>>
      %dma_wait3A_258 = arith.constant 0 : i32
      %dma_wait3A_259 = tpu.memref_slice %arg25[%add3A_14, %dma_wait3A_258] : memref<10240x128xf32, #tpu.memory_space<vmem_shared>> -> memref<80x128xf32, #tpu.memory_space<vmem_shared>>
      tpu.wait_dma2 semaphore(%run_scoped3A : memref<!tpu.dma_semaphore, #tpu.memory_space<semaphore_mem>>) src(%arg11 : memref<80x128xf32, #tpu.memory_space<vmem>>) dst(%dma_wait3A_259 : memref<80x128xf32, #tpu.memory_space<vmem_shared>>)
      tpu.yield
    }) : () -> ()
    %add3A_15 = arith.constant 320 : i32
    %add3A_16 = arith.addi %mul3A_6, %add3A_15 : i32
    "tpu.region"() ({
      %run_scoped3A = tpu.sem_alloc : memref<!tpu.dma_semaphore, #tpu.memory_space<semaphore_mem>>
      %dma_start3A_252 = arith.constant 0 : i32
      %dma_start3A_253 = tpu.memref_slice %arg25[%add3A_16, %dma_start3A_252] : memref<10240x128xf32, #tpu.memory_space<vmem_shared>> -> memref<80x128xf32, #tpu.memory_space<vmem_shared>>
      %dma_start3A_254 = arith.constant 0 : i32
      %dma_start3A_255 = tpu.memref_slice %arg25[%add3A_16, %dma_start3A_254] : memref<10240x128xf32, #tpu.memory_space<vmem_shared>> -> memref<80x128xf32, #tpu.memory_space<vmem_shared>>
      tpu.enqueue_dma source(%arg11 : memref<80x128xf32, #tpu.memory_space<vmem>>) target(%dma_start3A_255 : memref<80x128xf32, #tpu.memory_space<vmem_shared>>) target_semaphore(%run_scoped3A : memref<!tpu.dma_semaphore, #tpu.memory_space<semaphore_mem>>)
      %dma_wait3A_256 = arith.constant 0 : i32
      %dma_wait3A_257 = tpu.memref_slice %arg25[%add3A_16, %dma_wait3A_256] : memref<10240x128xf32, #tpu.memory_space<vmem_shared>> -> memref<80x128xf32, #tpu.memory_space<vmem_shared>>
      %dma_wait3A_258 = arith.constant 0 : i32
      %dma_wait3A_259 = tpu.memref_slice %arg25[%add3A_16, %dma_wait3A_258] : memref<10240x128xf32, #tpu.memory_space<vmem_shared>> -> memref<80x128xf32, #tpu.memory_space<vmem_shared>>
      tpu.wait_dma2 semaphore(%run_scoped3A : memref<!tpu.dma_semaphore, #tpu.memory_space<semaphore_mem>>) src(%arg11 : memref<80x128xf32, #tpu.memory_space<vmem>>) dst(%dma_wait3A_259 : memref<80x128xf32, #tpu.memory_space<vmem_shared>>)
      tpu.yield
    }) : () -> ()
    %add3A_17 = arith.constant 400 : i32
    %add3A_18 = arith.addi %mul3A_6, %add3A_17 : i32
    "tpu.region"() ({
      %run_scoped3A = tpu.sem_alloc : memref<!tpu.dma_semaphore, #tpu.memory_space<semaphore_mem>>
      %dma_start3A_252 = arith.constant 0 : i32
      %dma_start3A_253 = tpu.memref_slice %arg25[%add3A_18, %dma_start3A_252] : memref<10240x128xf32, #tpu.memory_space<vmem_shared>> -> memref<80x128xf32, #tpu.memory_space<vmem_shared>>
      %dma_start3A_254 = arith.constant 0 : i32
      %dma_start3A_255 = tpu.memref_slice %arg25[%add3A_18, %dma_start3A_254] : memref<10240x128xf32, #tpu.memory_space<vmem_shared>> -> memref<80x128xf32, #tpu.memory_space<vmem_shared>>
      tpu.enqueue_dma source(%arg11 : memref<80x128xf32, #tpu.memory_space<vmem>>) target(%dma_start3A_255 : memref<80x128xf32, #tpu.memory_space<vmem_shared>>) target_semaphore(%run_scoped3A : memref<!tpu.dma_semaphore, #tpu.memory_space<semaphore_mem>>)
      %dma_wait3A_256 = arith.constant 0 : i32
      %dma_wait3A_257 = tpu.memref_slice %arg25[%add3A_18, %dma_wait3A_256] : memref<10240x128xf32, #tpu.memory_space<vmem_shared>> -> memref<80x128xf32, #tpu.memory_space<vmem_shared>>
      %dma_wait3A_258 = arith.constant 0 : i32
      %dma_wait3A_259 = tpu.memref_slice %arg25[%add3A_18, %dma_wait3A_258] : memref<10240x128xf32, #tpu.memory_space<vmem_shared>> -> memref<80x128xf32, #tpu.memory_space<vmem_shared>>
      tpu.wait_dma2 semaphore(%run_scoped3A : memref<!tpu.dma_semaphore, #tpu.memory_space<semaphore_mem>>) src(%arg11 : memref<80x128xf32, #tpu.memory_space<vmem>>) dst(%dma_wait3A_259 : memref<80x128xf32, #tpu.memory_space<vmem_shared>>)
      tpu.yield
    }) : () -> ()
    %add3A_19 = arith.constant 480 : i32
    %add3A_20 = arith.addi %mul3A_6, %add3A_19 : i32
    "tpu.region"() ({
      %run_scoped3A = tpu.sem_alloc : memref<!tpu.dma_semaphore, #tpu.memory_space<semaphore_mem>>
      %dma_start3A_252 = arith.constant 0 : i32
      %dma_start3A_253 = tpu.memref_slice %arg25[%add3A_20, %dma_start3A_252] : memref<10240x128xf32, #tpu.memory_space<vmem_shared>> -> memref<80x128xf32, #tpu.memory_space<vmem_shared>>
      %dma_start3A_254 = arith.constant 0 : i32
      %dma_start3A_255 = tpu.memref_slice %arg25[%add3A_20, %dma_start3A_254] : memref<10240x128xf32, #tpu.memory_space<vmem_shared>> -> memref<80x128xf32, #tpu.memory_space<vmem_shared>>
      tpu.enqueue_dma source(%arg11 : memref<80x128xf32, #tpu.memory_space<vmem>>) target(%dma_start3A_255 : memref<80x128xf32, #tpu.memory_space<vmem_shared>>) target_semaphore(%run_scoped3A : memref<!tpu.dma_semaphore, #tpu.memory_space<semaphore_mem>>)
      %dma_wait3A_256 = arith.constant 0 : i32
      %dma_wait3A_257 = tpu.memref_slice %arg25[%add3A_20, %dma_wait3A_256] : memref<10240x128xf32, #tpu.memory_space<vmem_shared>> -> memref<80x128xf32, #tpu.memory_space<vmem_shared>>
      %dma_wait3A_258 = arith.constant 0 : i32
      %dma_wait3A_259 = tpu.memref_slice %arg25[%add3A_20, %dma_wait3A_258] : memref<10240x128xf32, #tpu.memory_space<vmem_shared>> -> memref<80x128xf32, #tpu.memory_space<vmem_shared>>
      tpu.wait_dma2 semaphore(%run_scoped3A : memref<!tpu.dma_semaphore, #tpu.memory_space<semaphore_mem>>) src(%arg11 : memref<80x128xf32, #tpu.memory_space<vmem>>) dst(%dma_wait3A_259 : memref<80x128xf32, #tpu.memory_space<vmem_shared>>)
      tpu.yield
    }) : () -> ()
    %add3A_21 = arith.constant 560 : i32
    %add3A_22 = arith.addi %mul3A_6, %add3A_21 : i32
    "tpu.region"() ({
      %run_scoped3A = tpu.sem_alloc : memref<!tpu.dma_semaphore, #tpu.memory_space<semaphore_mem>>
      %dma_start3A_252 = arith.constant 0 : i32
      %dma_start3A_253 = tpu.memref_slice %arg25[%add3A_22, %dma_start3A_252] : memref<10240x128xf32, #tpu.memory_space<vmem_shared>> -> memref<80x128xf32, #tpu.memory_space<vmem_shared>>
      %dma_start3A_254 = arith.constant 0 : i32
      %dma_start3A_255 = tpu.memref_slice %arg25[%add3A_22, %dma_start3A_254] : memref<10240x128xf32, #tpu.memory_space<vmem_shared>> -> memref<80x128xf32, #tpu.memory_space<vmem_shared>>
      tpu.enqueue_dma source(%arg11 : memref<80x128xf32, #tpu.memory_space<vmem>>) target(%dma_start3A_255 : memref<80x128xf32, #tpu.memory_space<vmem_shared>>) target_semaphore(%run_scoped3A : memref<!tpu.dma_semaphore, #tpu.memory_space<semaphore_mem>>)
      %dma_wait3A_256 = arith.constant 0 : i32
      %dma_wait3A_257 = tpu.memref_slice %arg25[%add3A_22, %dma_wait3A_256] : memref<10240x128xf32, #tpu.memory_space<vmem_shared>> -> memref<80x128xf32, #tpu.memory_space<vmem_shared>>
      %dma_wait3A_258 = arith.constant 0 : i32
      %dma_wait3A_259 = tpu.memref_slice %arg25[%add3A_22, %dma_wait3A_258] : memref<10240x128xf32, #tpu.memory_space<vmem_shared>> -> memref<80x128xf32, #tpu.memory_space<vmem_shared>>
      tpu.wait_dma2 semaphore(%run_scoped3A : memref<!tpu.dma_semaphore, #tpu.memory_space<semaphore_mem>>) src(%arg11 : memref<80x128xf32, #tpu.memory_space<vmem>>) dst(%dma_wait3A_259 : memref<80x128xf32, #tpu.memory_space<vmem_shared>>)
      tpu.yield
    }) : () -> ()
    %barrier3A = arith.constant 0 : index
    tpu.barrier barrier_id(%barrier3A)
    %mul3A_23 = arith.constant 10000 : i32
    %mul3A_24 = arith.muli %add3A, %mul3A_23 : i32
    %add3A_25 = arith.constant 0 : i32
    %add3A_26 = arith.addi %mul3A_24, %add3A_25 : i32
    %dma_start3A = tpu.memref_slice %arg3[%add3A_26] : memref<320000xi32, #tpu.memory_space<hbm>> -> memref<80xi32, #tpu.memory_space<hbm>>
    %dma_start3A_27 = tpu.memref_slice %arg3[%add3A_26] : memref<320000xi32, #tpu.memory_space<hbm>> -> memref<80xi32, #tpu.memory_space<hbm>>
    tpu.enqueue_dma source(%dma_start3A_27 : memref<80xi32, #tpu.memory_space<hbm>>) target(%arg7 : memref<80xi32, #tpu.memory_space<vmem>>) target_semaphore(%arg15 : memref<!tpu.dma_semaphore, #tpu.memory_space<semaphore_mem>>)
    %add3A_28 = arith.constant 80 : i32
    %add3A_29 = arith.addi %mul3A_24, %add3A_28 : i32
    %dma_start3A_30 = tpu.memref_slice %arg3[%add3A_29] : memref<320000xi32, #tpu.memory_space<hbm>> -> memref<80xi32, #tpu.memory_space<hbm>>
    %dma_start3A_31 = tpu.memref_slice %arg3[%add3A_29] : memref<320000xi32, #tpu.memory_space<hbm>> -> memref<80xi32, #tpu.memory_space<hbm>>
    tpu.enqueue_dma source(%dma_start3A_31 : memref<80xi32, #tpu.memory_space<hbm>>) target(%arg8 : memref<80xi32, #tpu.memory_space<vmem>>) target_semaphore(%arg16 : memref<!tpu.dma_semaphore, #tpu.memory_space<semaphore_mem>>)
    %add3A_32 = arith.constant 0 : i32
    %add3A_33 = arith.addi %mul3A_24, %add3A_32 : i32
    %dma_start3A_34 = tpu.memref_slice %arg4[%add3A_33] : memref<320000xi32, #tpu.memory_space<hbm>> -> memref<80xi32, #tpu.memory_space<hbm>>
    %dma_start3A_35 = tpu.memref_slice %arg4[%add3A_33] : memref<320000xi32, #tpu.memory_space<hbm>> -> memref<80xi32, #tpu.memory_space<hbm>>
    tpu.enqueue_dma source(%dma_start3A_35 : memref<80xi32, #tpu.memory_space<hbm>>) target(%arg9 : memref<80xi32, #tpu.memory_space<vmem>>) target_semaphore(%arg17 : memref<!tpu.dma_semaphore, #tpu.memory_space<semaphore_mem>>)
    %add3A_36 = arith.constant 0 : i32
    %add3A_37 = arith.addi %mul3A_24, %add3A_36 : i32
    %dma_wait3A = tpu.memref_slice %arg3[%add3A_37] : memref<320000xi32, #tpu.memory_space<hbm>> -> memref<80xi32, #tpu.memory_space<hbm>>
    %dma_wait3A_38 = tpu.memref_slice %arg3[%add3A_37] : memref<320000xi32, #tpu.memory_space<hbm>> -> memref<80xi32, #tpu.memory_space<hbm>>
    tpu.wait_dma2 semaphore(%arg15 : memref<!tpu.dma_semaphore, #tpu.memory_space<semaphore_mem>>) src(%dma_wait3A_38 : memref<80xi32, #tpu.memory_space<hbm>>) dst(%arg7 : memref<80xi32, #tpu.memory_space<vmem>>)
    %dma_start3A_39 = arith.constant 0 : i32
    %dma_start3A_40 = arith.constant 0 : i32
    %dma_start3A_41 = tpu.memref_slice %arg2[%dma_start3A_39, %dma_start3A_40] : memref<10000x128xf32, #tpu.memory_space<hbm>> -> memref<10000x128xf32, #tpu.memory_space<hbm>>
    tpu.enqueue_indirect_dma source(%dma_start3A_41 : memref<10000x128xf32, #tpu.memory_space<hbm>>) target(%arg11 : memref<80x128xf32, #tpu.memory_space<vmem>>) offsets(%arg7 : memref<80xi32, #tpu.memory_space<vmem>>) semaphore(%arg19 : memref<!tpu.dma_semaphore, #tpu.memory_space<semaphore_mem>>)
    %dma_start3A_42 = arith.constant 0 : i32
    %dma_start3A_43 = tpu.memref_slice %arg5[%mul3A_24, %dma_start3A_42] : memref<320000x128xf32, #tpu.memory_space<hbm>> -> memref<80x128xf32, #tpu.memory_space<hbm>>
    %dma_start3A_44 = arith.constant 0 : i32
    %dma_start3A_45 = tpu.memref_slice %arg5[%mul3A_24, %dma_start3A_44] : memref<320000x128xf32, #tpu.memory_space<hbm>> -> memref<80x128xf32, #tpu.memory_space<hbm>>
    tpu.enqueue_dma source(%dma_start3A_45 : memref<80x128xf32, #tpu.memory_space<hbm>>) target(%arg13 : memref<80x128xf32, #tpu.memory_space<vmem>>) target_semaphore(%arg21 : memref<!tpu.dma_semaphore, #tpu.memory_space<semaphore_mem>>)
    %add3A_46 = arith.constant 80 : i32
    %add3A_47 = arith.addi %mul3A_24, %add3A_46 : i32
    %dma_start3A_48 = tpu.memref_slice %arg4[%add3A_47] : memref<320000xi32, #tpu.memory_space<hbm>> -> memref<80xi32, #tpu.memory_space<hbm>>
    %dma_start3A_49 = tpu.memref_slice %arg4[%add3A_47] : memref<320000xi32, #tpu.memory_space<hbm>> -> memref<80xi32, #tpu.memory_space<hbm>>
    tpu.enqueue_dma source(%dma_start3A_49 : memref<80xi32, #tpu.memory_space<hbm>>) target(%arg10 : memref<80xi32, #tpu.memory_space<vmem>>) target_semaphore(%arg18 : memref<!tpu.dma_semaphore, #tpu.memory_space<semaphore_mem>>)
    %add3A_50 = arith.constant 80 : i32
    %add3A_51 = arith.addi %mul3A_24, %add3A_50 : i32
    %dma_wait3A_52 = tpu.memref_slice %arg3[%add3A_51] : memref<320000xi32, #tpu.memory_space<hbm>> -> memref<80xi32, #tpu.memory_space<hbm>>
    %dma_wait3A_53 = tpu.memref_slice %arg3[%add3A_51] : memref<320000xi32, #tpu.memory_space<hbm>> -> memref<80xi32, #tpu.memory_space<hbm>>
    tpu.wait_dma2 semaphore(%arg16 : memref<!tpu.dma_semaphore, #tpu.memory_space<semaphore_mem>>) src(%dma_wait3A_53 : memref<80xi32, #tpu.memory_space<hbm>>) dst(%arg8 : memref<80xi32, #tpu.memory_space<vmem>>)
    %dma_start3A_54 = arith.constant 0 : i32
    %dma_start3A_55 = arith.constant 0 : i32
    %dma_start3A_56 = tpu.memref_slice %arg2[%dma_start3A_54, %dma_start3A_55] : memref<10000x128xf32, #tpu.memory_space<hbm>> -> memref<10000x128xf32, #tpu.memory_space<hbm>>
    tpu.enqueue_indirect_dma source(%dma_start3A_56 : memref<10000x128xf32, #tpu.memory_space<hbm>>) target(%arg12 : memref<80x128xf32, #tpu.memory_space<vmem>>) offsets(%arg8 : memref<80xi32, #tpu.memory_space<vmem>>) semaphore(%arg20 : memref<!tpu.dma_semaphore, #tpu.memory_space<semaphore_mem>>)
    %add3A_57 = arith.constant 80 : i32
    %add3A_58 = arith.addi %mul3A_24, %add3A_57 : i32
    %dma_start3A_59 = arith.constant 0 : i32
    %dma_start3A_60 = tpu.memref_slice %arg5[%add3A_58, %dma_start3A_59] : memref<320000x128xf32, #tpu.memory_space<hbm>> -> memref<80x128xf32, #tpu.memory_space<hbm>>
    %dma_start3A_61 = arith.constant 0 : i32
    %dma_start3A_62 = tpu.memref_slice %arg5[%add3A_58, %dma_start3A_61] : memref<320000x128xf32, #tpu.memory_space<hbm>> -> memref<80x128xf32, #tpu.memory_space<hbm>>
    tpu.enqueue_dma source(%dma_start3A_62 : memref<80x128xf32, #tpu.memory_space<hbm>>) target(%arg14 : memref<80x128xf32, #tpu.memory_space<vmem>>) target_semaphore(%arg22 : memref<!tpu.dma_semaphore, #tpu.memory_space<semaphore_mem>>)
    %dma_wait3A_63 = arith.constant 0 : i32
    %dma_wait3A_64 = arith.constant 0 : i32
    %dma_wait3A_65 = tpu.memref_slice %arg2[%dma_wait3A_63, %dma_wait3A_64] : memref<10000x128xf32, #tpu.memory_space<hbm>> -> memref<10000x128xf32, #tpu.memory_space<hbm>>
    tpu.wait_indirect_dma semaphore(%arg19 : memref<!tpu.dma_semaphore, #tpu.memory_space<semaphore_mem>>) src(%dma_wait3A_65 : memref<10000x128xf32, #tpu.memory_space<hbm>>) dst(%arg11 : memref<80x128xf32, #tpu.memory_space<vmem>>)
    %add3A_66 = arith.constant 0 : i32
    %add3A_67 = arith.addi %mul3A_24, %add3A_66 : i32
    %dma_wait3A_68 = arith.constant 0 : i32
    %dma_wait3A_69 = tpu.memref_slice %arg5[%add3A_67, %dma_wait3A_68] : memref<320000x128xf32, #tpu.memory_space<hbm>> -> memref<80x128xf32, #tpu.memory_space<hbm>>
    %dma_wait3A_70 = arith.constant 0 : i32
    %dma_wait3A_71 = tpu.memref_slice %arg5[%add3A_67, %dma_wait3A_70] : memref<320000x128xf32, #tpu.memory_space<hbm>> -> memref<80x128xf32, #tpu.memory_space<hbm>>
    tpu.wait_dma2 semaphore(%arg21 : memref<!tpu.dma_semaphore, #tpu.memory_space<semaphore_mem>>) src(%dma_wait3A_71 : memref<80x128xf32, #tpu.memory_space<hbm>>) dst(%arg13 : memref<80x128xf32, #tpu.memory_space<vmem>>)
    %scan3A_72 = arith.constant 0 : i32
    %scan3A_73 = arith.constant 80 : i32
    %scan3A_74 = arith.addi %scan3A_72, %scan3A_73 : i32
    %scan3A_75 = arith.constant 1 : i32
    scf.for %scan3A_252 = %scan3A_72 to %scan3A_74 step %scan3A_75  : i32 {
      %mul3A_253 = arith.constant 1 : i32
      %mul3A_254 = arith.muli %scan3A_252, %mul3A_253 : i32
      %add3A_255 = arith.constant 0 : i32
      %add3A_256 = arith.addi %add3A_255, %mul3A_254 : i32
      %get3A = arith.index_cast %add3A_256 : i32 to index
      %get3A_257 = arith.constant 0 : index
      %get3A_258 = tpu.vector_load %arg11[%get3A, %get3A_257] {strides = array<i32>} : memref<80x128xf32, #tpu.memory_space<vmem>>, vector<1x16xf32>,
      %get3A_259 = vector.shape_cast %get3A_258 : vector<1x16xf32> to vector<16xf32>
      %get3A_260 = arith.index_cast %add3A_256 : i32 to index
      %get3A_261 = arith.constant 0 : index
      %get3A_262 = tpu.vector_load %arg13[%get3A_260, %get3A_261] {strides = array<i32>} : memref<80x128xf32, #tpu.memory_space<vmem>>, vector<1x16xf32>,
      %get3A_263 = vector.shape_cast %get3A_262 : vector<1x16xf32> to vector<16xf32>
      %add3A_264 = arith.addf %get3A_259, %get3A_263 : vector<16xf32>
      %max3A = arith.constant 0.000000e+00 : f32
      %max3A_265 = vector.broadcast %max3A : f32 to vector<16xf32>
      %max3A_266 = arith.maximumf %add3A_264, %max3A_265 : vector<16xf32>
      %swap3A = arith.index_cast %add3A_256 : i32 to index
      %swap3A_267 = arith.constant 0 : index
      %swap3A_268 = tpu.vector_load %arg11[%swap3A, %swap3A_267] {strides = array<i32>} : memref<80x128xf32, #tpu.memory_space<vmem>>, vector<1x16xf32>,
      %swap3A_269 = vector.shape_cast %swap3A_268 : vector<1x16xf32> to vector<16xf32>
      %swap3A_270 = vector.shape_cast %max3A_266 : vector<16xf32> to vector<1x16xf32>
      tpu.vector_store %arg11[%swap3A, %swap3A_267], %swap3A_270 {strides = array<i32>} : memref<80x128xf32, #tpu.memory_space<vmem>>, vector<1x16xf32>,
      %get3A_271 = arith.index_cast %add3A_256 : i32 to index
      %get3A_272 = arith.constant 16 : index
      %get3A_273 = tpu.vector_load %arg11[%get3A_271, %get3A_272] {strides = array<i32>} : memref<80x128xf32, #tpu.memory_space<vmem>>, vector<1x16xf32>,
      %get3A_274 = vector.shape_cast %get3A_273 : vector<1x16xf32> to vector<16xf32>
      %get3A_275 = arith.index_cast %add3A_256 : i32 to index
      %get3A_276 = arith.constant 16 : index
      %get3A_277 = tpu.vector_load %arg13[%get3A_275, %get3A_276] {strides = array<i32>} : memref<80x128xf32, #tpu.memory_space<vmem>>, vector<1x16xf32>,
      %get3A_278 = vector.shape_cast %get3A_277 : vector<1x16xf32> to vector<16xf32>
      %add3A_279 = arith.addf %get3A_274, %get3A_278 : vector<16xf32>
      %max3A_280 = arith.constant 0.000000e+00 : f32
      %max3A_281 = vector.broadcast %max3A_280 : f32 to vector<16xf32>
      %max3A_282 = arith.maximumf %add3A_279, %max3A_281 : vector<16xf32>
      %swap3A_283 = arith.index_cast %add3A_256 : i32 to index
      %swap3A_284 = arith.constant 16 : index
      %swap3A_285 = tpu.vector_load %arg11[%swap3A_283, %swap3A_284] {strides = array<i32>} : memref<80x128xf32, #tpu.memory_space<vmem>>, vector<1x16xf32>,
      %swap3A_286 = vector.shape_cast %swap3A_285 : vector<1x16xf32> to vector<16xf32>
      %swap3A_287 = vector.shape_cast %max3A_282 : vector<16xf32> to vector<1x16xf32>
      tpu.vector_store %arg11[%swap3A_283, %swap3A_284], %swap3A_287 {strides = array<i32>} : memref<80x128xf32, #tpu.memory_space<vmem>>, vector<1x16xf32>,
      %get3A_288 = arith.index_cast %add3A_256 : i32 to index
      %get3A_289 = arith.constant 32 : index
      %get3A_290 = tpu.vector_load %arg11[%get3A_288, %get3A_289] {strides = array<i32>} : memref<80x128xf32, #tpu.memory_space<vmem>>, vector<1x16xf32>,
      %get3A_291 = vector.shape_cast %get3A_290 : vector<1x16xf32> to vector<16xf32>
      %get3A_292 = arith.index_cast %add3A_256 : i32 to index
      %get3A_293 = arith.constant 32 : index
      %get3A_294 = tpu.vector_load %arg13[%get3A_292, %get3A_293] {strides = array<i32>} : memref<80x128xf32, #tpu.memory_space<vmem>>, vector<1x16xf32>,
      %get3A_295 = vector.shape_cast %get3A_294 : vector<1x16xf32> to vector<16xf32>
      %add3A_296 = arith.addf %get3A_291, %get3A_295 : vector<16xf32>
      %max3A_297 = arith.constant 0.000000e+00 : f32
      %max3A_298 = vector.broadcast %max3A_297 : f32 to vector<16xf32>
      %max3A_299 = arith.maximumf %add3A_296, %max3A_298 : vector<16xf32>
      %swap3A_300 = arith.index_cast %add3A_256 : i32 to index
      %swap3A_301 = arith.constant 32 : index
      %swap3A_302 = tpu.vector_load %arg11[%swap3A_300, %swap3A_301] {strides = array<i32>} : memref<80x128xf32, #tpu.memory_space<vmem>>, vector<1x16xf32>,
      %swap3A_303 = vector.shape_cast %swap3A_302 : vector<1x16xf32> to vector<16xf32>
      %swap3A_304 = vector.shape_cast %max3A_299 : vector<16xf32> to vector<1x16xf32>
      tpu.vector_store %arg11[%swap3A_300, %swap3A_301], %swap3A_304 {strides = array<i32>} : memref<80x128xf32, #tpu.memory_space<vmem>>, vector<1x16xf32>,
      %get3A_305 = arith.index_cast %add3A_256 : i32 to index
      %get3A_306 = arith.constant 48 : index
      %get3A_307 = tpu.vector_load %arg11[%get3A_305, %get3A_306] {strides = array<i32>} : memref<80x128xf32, #tpu.memory_space<vmem>>, vector<1x16xf32>,
      %get3A_308 = vector.shape_cast %get3A_307 : vector<1x16xf32> to vector<16xf32>
      %get3A_309 = arith.index_cast %add3A_256 : i32 to index
      %get3A_310 = arith.constant 48 : index
      %get3A_311 = tpu.vector_load %arg13[%get3A_309, %get3A_310] {strides = array<i32>} : memref<80x128xf32, #tpu.memory_space<vmem>>, vector<1x16xf32>,
      %get3A_312 = vector.shape_cast %get3A_311 : vector<1x16xf32> to vector<16xf32>
      %add3A_313 = arith.addf %get3A_308, %get3A_312 : vector<16xf32>
      %max3A_314 = arith.constant 0.000000e+00 : f32
      %max3A_315 = vector.broadcast %max3A_314 : f32 to vector<16xf32>
      %max3A_316 = arith.maximumf %add3A_313, %max3A_315 : vector<16xf32>
      %swap3A_317 = arith.index_cast %add3A_256 : i32 to index
      %swap3A_318 = arith.constant 48 : index
      %swap3A_319 = tpu.vector_load %arg11[%swap3A_317, %swap3A_318] {strides = array<i32>} : memref<80x128xf32, #tpu.memory_space<vmem>>, vector<1x16xf32>,
      %swap3A_320 = vector.shape_cast %swap3A_319 : vector<1x16xf32> to vector<16xf32>
      %swap3A_321 = vector.shape_cast %max3A_316 : vector<16xf32> to vector<1x16xf32>
      tpu.vector_store %arg11[%swap3A_317, %swap3A_318], %swap3A_321 {strides = array<i32>} : memref<80x128xf32, #tpu.memory_space<vmem>>, vector<1x16xf32>,
      %get3A_322 = arith.index_cast %add3A_256 : i32 to index
      %get3A_323 = arith.constant 64 : index
      %get3A_324 = tpu.vector_load %arg11[%get3A_322, %get3A_323] {strides = array<i32>} : memref<80x128xf32, #tpu.memory_space<vmem>>, vector<1x16xf32>,
      %get3A_325 = vector.shape_cast %get3A_324 : vector<1x16xf32> to vector<16xf32>
      %get3A_326 = arith.index_cast %add3A_256 : i32 to index
      %get3A_327 = arith.constant 64 : index
      %get3A_328 = tpu.vector_load %arg13[%get3A_326, %get3A_327] {strides = array<i32>} : memref<80x128xf32, #tpu.memory_space<vmem>>, vector<1x16xf32>,
      %get3A_329 = vector.shape_cast %get3A_328 : vector<1x16xf32> to vector<16xf32>
      %add3A_330 = arith.addf %get3A_325, %get3A_329 : vector<16xf32>
      %max3A_331 = arith.constant 0.000000e+00 : f32
      %max3A_332 = vector.broadcast %max3A_331 : f32 to vector<16xf32>
      %max3A_333 = arith.maximumf %add3A_330, %max3A_332 : vector<16xf32>
      %swap3A_334 = arith.index_cast %add3A_256 : i32 to index
      %swap3A_335 = arith.constant 64 : index
      %swap3A_336 = tpu.vector_load %arg11[%swap3A_334, %swap3A_335] {strides = array<i32>} : memref<80x128xf32, #tpu.memory_space<vmem>>, vector<1x16xf32>,
      %swap3A_337 = vector.shape_cast %swap3A_336 : vector<1x16xf32> to vector<16xf32>
      %swap3A_338 = vector.shape_cast %max3A_333 : vector<16xf32> to vector<1x16xf32>
      tpu.vector_store %arg11[%swap3A_334, %swap3A_335], %swap3A_338 {strides = array<i32>} : memref<80x128xf32, #tpu.memory_space<vmem>>, vector<1x16xf32>,
      %get3A_339 = arith.index_cast %add3A_256 : i32 to index
      %get3A_340 = arith.constant 80 : index
      %get3A_341 = tpu.vector_load %arg11[%get3A_339, %get3A_340] {strides = array<i32>} : memref<80x128xf32, #tpu.memory_space<vmem>>, vector<1x16xf32>,
      %get3A_342 = vector.shape_cast %get3A_341 : vector<1x16xf32> to vector<16xf32>
      %get3A_343 = arith.index_cast %add3A_256 : i32 to index
      %get3A_344 = arith.constant 80 : index
      %get3A_345 = tpu.vector_load %arg13[%get3A_343, %get3A_344] {strides = array<i32>} : memref<80x128xf32, #tpu.memory_space<vmem>>, vector<1x16xf32>,
      %get3A_346 = vector.shape_cast %get3A_345 : vector<1x16xf32> to vector<16xf32>
      %add3A_347 = arith.addf %get3A_342, %get3A_346 : vector<16xf32>
      %max3A_348 = arith.constant 0.000000e+00 : f32
      %max3A_349 = vector.broadcast %max3A_348 : f32 to vector<16xf32>
      %max3A_350 = arith.maximumf %add3A_347, %max3A_349 : vector<16xf32>
      %swap3A_351 = arith.index_cast %add3A_256 : i32 to index
      %swap3A_352 = arith.constant 80 : index
      %swap3A_353 = tpu.vector_load %arg11[%swap3A_351, %swap3A_352] {strides = array<i32>} : memref<80x128xf32, #tpu.memory_space<vmem>>, vector<1x16xf32>,
      %swap3A_354 = vector.shape_cast %swap3A_353 : vector<1x16xf32> to vector<16xf32>
      %swap3A_355 = vector.shape_cast %max3A_350 : vector<16xf32> to vector<1x16xf32>
      tpu.vector_store %arg11[%swap3A_351, %swap3A_352], %swap3A_355 {strides = array<i32>} : memref<80x128xf32, #tpu.memory_space<vmem>>, vector<1x16xf32>,
      %get3A_356 = arith.index_cast %add3A_256 : i32 to index
      %get3A_357 = arith.constant 96 : index
      %get3A_358 = tpu.vector_load %arg11[%get3A_356, %get3A_357] {strides = array<i32>} : memref<80x128xf32, #tpu.memory_space<vmem>>, vector<1x16xf32>,
      %get3A_359 = vector.shape_cast %get3A_358 : vector<1x16xf32> to vector<16xf32>
      %get3A_360 = arith.index_cast %add3A_256 : i32 to index
      %get3A_361 = arith.constant 96 : index
      %get3A_362 = tpu.vector_load %arg13[%get3A_360, %get3A_361] {strides = array<i32>} : memref<80x128xf32, #tpu.memory_space<vmem>>, vector<1x16xf32>,
      %get3A_363 = vector.shape_cast %get3A_362 : vector<1x16xf32> to vector<16xf32>
      %add3A_364 = arith.addf %get3A_359, %get3A_363 : vector<16xf32>
      %max3A_365 = arith.constant 0.000000e+00 : f32
      %max3A_366 = vector.broadcast %max3A_365 : f32 to vector<16xf32>
      %max3A_367 = arith.maximumf %add3A_364, %max3A_366 : vector<16xf32>
      %swap3A_368 = arith.index_cast %add3A_256 : i32 to index
      %swap3A_369 = arith.constant 96 : index
      %swap3A_370 = tpu.vector_load %arg11[%swap3A_368, %swap3A_369] {strides = array<i32>} : memref<80x128xf32, #tpu.memory_space<vmem>>, vector<1x16xf32>,
      %swap3A_371 = vector.shape_cast %swap3A_370 : vector<1x16xf32> to vector<16xf32>
      %swap3A_372 = vector.shape_cast %max3A_367 : vector<16xf32> to vector<1x16xf32>
      tpu.vector_store %arg11[%swap3A_368, %swap3A_369], %swap3A_372 {strides = array<i32>} : memref<80x128xf32, #tpu.memory_space<vmem>>, vector<1x16xf32>,
      %get3A_373 = arith.index_cast %add3A_256 : i32 to index
      %get3A_374 = arith.constant 112 : index
      %get3A_375 = tpu.vector_load %arg11[%get3A_373, %get3A_374] {strides = array<i32>} : memref<80x128xf32, #tpu.memory_space<vmem>>, vector<1x16xf32>,
      %get3A_376 = vector.shape_cast %get3A_375 : vector<1x16xf32> to vector<16xf32>
      %get3A_377 = arith.index_cast %add3A_256 : i32 to index
      %get3A_378 = arith.constant 112 : index
      %get3A_379 = tpu.vector_load %arg13[%get3A_377, %get3A_378] {strides = array<i32>} : memref<80x128xf32, #tpu.memory_space<vmem>>, vector<1x16xf32>,
      %get3A_380 = vector.shape_cast %get3A_379 : vector<1x16xf32> to vector<16xf32>
      %add3A_381 = arith.addf %get3A_376, %get3A_380 : vector<16xf32>
      %max3A_382 = arith.constant 0.000000e+00 : f32
      %max3A_383 = vector.broadcast %max3A_382 : f32 to vector<16xf32>
      %max3A_384 = arith.maximumf %add3A_381, %max3A_383 : vector<16xf32>
      %swap3A_385 = arith.index_cast %add3A_256 : i32 to index
      %swap3A_386 = arith.constant 112 : index
      %swap3A_387 = tpu.vector_load %arg11[%swap3A_385, %swap3A_386] {strides = array<i32>} : memref<80x128xf32, #tpu.memory_space<vmem>>, vector<1x16xf32>,
      %swap3A_388 = vector.shape_cast %swap3A_387 : vector<1x16xf32> to vector<16xf32>
      %swap3A_389 = vector.shape_cast %max3A_384 : vector<16xf32> to vector<1x16xf32>
      tpu.vector_store %arg11[%swap3A_385, %swap3A_386], %swap3A_389 {strides = array<i32>} : memref<80x128xf32, #tpu.memory_space<vmem>>, vector<1x16xf32>,
    }
    %scan3A_76 = arith.constant 80 : i32
    %add3A_77 = arith.constant 160 : i32
    %add3A_78 = arith.addi %mul3A_24, %add3A_77 : i32
    %dma_start3A_79 = tpu.memref_slice %arg3[%add3A_78] : memref<320000xi32, #tpu.memory_space<hbm>> -> memref<80xi32, #tpu.memory_space<hbm>>
    %dma_start3A_80 = tpu.memref_slice %arg3[%add3A_78] : memref<320000xi32, #tpu.memory_space<hbm>> -> memref<80xi32, #tpu.memory_space<hbm>>
    tpu.enqueue_dma source(%dma_start3A_80 : memref<80xi32, #tpu.memory_space<hbm>>) target(%arg7 : memref<80xi32, #tpu.memory_space<vmem>>) target_semaphore(%arg15 : memref<!tpu.dma_semaphore, #tpu.memory_space<semaphore_mem>>)
    %add3A_81 = arith.constant 0 : i32
    %add3A_82 = arith.addi %mul3A_24, %add3A_81 : i32
    %dma_wait3A_83 = tpu.memref_slice %arg4[%add3A_82] : memref<320000xi32, #tpu.memory_space<hbm>> -> memref<80xi32, #tpu.memory_space<hbm>>
    %dma_wait3A_84 = tpu.memref_slice %arg4[%add3A_82] : memref<320000xi32, #tpu.memory_space<hbm>> -> memref<80xi32, #tpu.memory_space<hbm>>
    tpu.wait_dma2 semaphore(%arg17 : memref<!tpu.dma_semaphore, #tpu.memory_space<semaphore_mem>>) src(%dma_wait3A_84 : memref<80xi32, #tpu.memory_space<hbm>>) dst(%arg9 : memref<80xi32, #tpu.memory_space<vmem>>)
    %dma_start3A_85 = arith.constant 0 : i32
    %dma_start3A_86 = arith.constant 0 : i32
    %dma_start3A_87 = tpu.memref_slice %arg25[%dma_start3A_85, %dma_start3A_86] : memref<10240x128xf32, #tpu.memory_space<vmem_shared>> -> memref<10240x128xf32, #tpu.memory_space<vmem_shared>>
    tpu.enqueue_indirect_dma source(%arg11 : memref<80x128xf32, #tpu.memory_space<vmem>>) target(%dma_start3A_87 : memref<10240x128xf32, #tpu.memory_space<vmem_shared>>) offsets(%arg9 : memref<80xi32, #tpu.memory_space<vmem>>) semaphore(%arg23 : memref<!tpu.dma_semaphore, #tpu.memory_space<semaphore_mem>>) {add = true}
    %scan3A_88 = arith.constant 0 : i32
    %scan3A_89 = arith.constant 60 : i32
    %scan3A_90 = arith.addi %scan3A_88, %scan3A_89 : i32
    %scan3A_91 = arith.constant 1 : i32
    scf.for %scan3A_252 = %scan3A_88 to %scan3A_90 step %scan3A_91  : i32 {
      %mul3A_253 = arith.constant 1 : i32
      %mul3A_254 = arith.muli %scan3A_252, %mul3A_253 : i32
      %add3A_255 = arith.constant 0 : i32
      %add3A_256 = arith.addi %add3A_255, %mul3A_254 : i32
      %mul3A_257 = arith.constant 2 : i32
      %mul3A_258 = arith.muli %mul3A_257, %add3A_256 : i32
      %add3A_259 = arith.constant 1 : i32
      %add3A_260 = arith.addi %add3A_259, %mul3A_258 : i32
      %dma_wait3A_261 = arith.constant 0 : i32
      %dma_wait3A_262 = arith.constant 0 : i32
      %dma_wait3A_263 = tpu.memref_slice %arg25[%dma_wait3A_261, %dma_wait3A_262] : memref<10240x128xf32, #tpu.memory_space<vmem_shared>> -> memref<10240x128xf32, #tpu.memory_space<vmem_shared>>
      tpu.wait_indirect_dma semaphore(%arg23 : memref<!tpu.dma_semaphore, #tpu.memory_space<semaphore_mem>>) src(%arg11 : memref<80x128xf32, #tpu.memory_space<vmem>>) dst(%dma_wait3A_263 : memref<10240x128xf32, #tpu.memory_space<vmem_shared>>)
      %add3A_264 = arith.constant 1 : i32
      %add3A_265 = arith.addi %add3A_260, %add3A_264 : i32
      %mul3A_266 = arith.constant 80 : i32
      %mul3A_267 = arith.muli %add3A_265, %mul3A_266 : i32
      %add3A_268 = arith.addi %mul3A_24, %mul3A_267 : i32
      %dma_start3A_269 = tpu.memref_slice %arg4[%add3A_268] : memref<320000xi32, #tpu.memory_space<hbm>> -> memref<80xi32, #tpu.memory_space<hbm>>
      %dma_start3A_270 = tpu.memref_slice %arg4[%add3A_268] : memref<320000xi32, #tpu.memory_space<hbm>> -> memref<80xi32, #tpu.memory_space<hbm>>
      tpu.enqueue_dma source(%dma_start3A_270 : memref<80xi32, #tpu.memory_space<hbm>>) target(%arg9 : memref<80xi32, #tpu.memory_space<vmem>>) target_semaphore(%arg17 : memref<!tpu.dma_semaphore, #tpu.memory_space<semaphore_mem>>)
      %add3A_271 = arith.constant 1 : i32
      %add3A_272 = arith.addi %add3A_260, %add3A_271 : i32
      %mul3A_273 = arith.constant 80 : i32
      %mul3A_274 = arith.muli %add3A_272, %mul3A_273 : i32
      %add3A_275 = arith.addi %mul3A_24, %mul3A_274 : i32
      %dma_wait3A_276 = tpu.memref_slice %arg3[%add3A_275] : memref<320000xi32, #tpu.memory_space<hbm>> -> memref<80xi32, #tpu.memory_space<hbm>>
      %dma_wait3A_277 = tpu.memref_slice %arg3[%add3A_275] : memref<320000xi32, #tpu.memory_space<hbm>> -> memref<80xi32, #tpu.memory_space<hbm>>
      tpu.wait_dma2 semaphore(%arg15 : memref<!tpu.dma_semaphore, #tpu.memory_space<semaphore_mem>>) src(%dma_wait3A_277 : memref<80xi32, #tpu.memory_space<hbm>>) dst(%arg7 : memref<80xi32, #tpu.memory_space<vmem>>)
      %dma_start3A_278 = arith.constant 0 : i32
      %dma_start3A_279 = arith.constant 0 : i32
      %dma_start3A_280 = tpu.memref_slice %arg2[%dma_start3A_278, %dma_start3A_279] : memref<10000x128xf32, #tpu.memory_space<hbm>> -> memref<10000x128xf32, #tpu.memory_space<hbm>>
      tpu.enqueue_indirect_dma source(%dma_start3A_280 : memref<10000x128xf32, #tpu.memory_space<hbm>>) target(%arg11 : memref<80x128xf32, #tpu.memory_space<vmem>>) offsets(%arg7 : memref<80xi32, #tpu.memory_space<vmem>>) semaphore(%arg19 : memref<!tpu.dma_semaphore, #tpu.memory_space<semaphore_mem>>)
      %add3A_281 = arith.constant 1 : i32
      %add3A_282 = arith.addi %add3A_260, %add3A_281 : i32
      %mul3A_283 = arith.constant 80 : i32
      %mul3A_284 = arith.muli %add3A_282, %mul3A_283 : i32
      %add3A_285 = arith.addi %mul3A_24, %mul3A_284 : i32
      %dma_start3A_286 = arith.constant 0 : i32
      %dma_start3A_287 = tpu.memref_slice %arg5[%add3A_285, %dma_start3A_286] : memref<320000x128xf32, #tpu.memory_space<hbm>> -> memref<80x128xf32, #tpu.memory_space<hbm>>
      %dma_start3A_288 = arith.constant 0 : i32
      %dma_start3A_289 = tpu.memref_slice %arg5[%add3A_285, %dma_start3A_288] : memref<320000x128xf32, #tpu.memory_space<hbm>> -> memref<80x128xf32, #tpu.memory_space<hbm>>
      tpu.enqueue_dma source(%dma_start3A_289 : memref<80x128xf32, #tpu.memory_space<hbm>>) target(%arg13 : memref<80x128xf32, #tpu.memory_space<vmem>>) target_semaphore(%arg21 : memref<!tpu.dma_semaphore, #tpu.memory_space<semaphore_mem>>)
      %dma_wait3A_290 = arith.constant 0 : i32
      %dma_wait3A_291 = arith.constant 0 : i32
      %dma_wait3A_292 = tpu.memref_slice %arg2[%dma_wait3A_290, %dma_wait3A_291] : memref<10000x128xf32, #tpu.memory_space<hbm>> -> memref<10000x128xf32, #tpu.memory_space<hbm>>
      tpu.wait_indirect_dma semaphore(%arg20 : memref<!tpu.dma_semaphore, #tpu.memory_space<semaphore_mem>>) src(%dma_wait3A_292 : memref<10000x128xf32, #tpu.memory_space<hbm>>) dst(%arg12 : memref<80x128xf32, #tpu.memory_space<vmem>>)
      %mul3A_293 = arith.constant 80 : i32
      %mul3A_294 = arith.muli %add3A_260, %mul3A_293 : i32
      %add3A_295 = arith.addi %mul3A_24, %mul3A_294 : i32
      %dma_wait3A_296 = arith.constant 0 : i32
      %dma_wait3A_297 = tpu.memref_slice %arg5[%add3A_295, %dma_wait3A_296] : memref<320000x128xf32, #tpu.memory_space<hbm>> -> memref<80x128xf32, #tpu.memory_space<hbm>>
      %dma_wait3A_298 = arith.constant 0 : i32
      %dma_wait3A_299 = tpu.memref_slice %arg5[%add3A_295, %dma_wait3A_298] : memref<320000x128xf32, #tpu.memory_space<hbm>> -> memref<80x128xf32, #tpu.memory_space<hbm>>
      tpu.wait_dma2 semaphore(%arg22 : memref<!tpu.dma_semaphore, #tpu.memory_space<semaphore_mem>>) src(%dma_wait3A_299 : memref<80x128xf32, #tpu.memory_space<hbm>>) dst(%arg14 : memref<80x128xf32, #tpu.memory_space<vmem>>)
      %scan3A_300 = arith.constant 0 : i32
      %scan3A_301 = arith.constant 80 : i32
      %scan3A_302 = arith.addi %scan3A_300, %scan3A_301 : i32
      %scan3A_303 = arith.constant 1 : i32
      scf.for %scan3A_383 = %scan3A_300 to %scan3A_302 step %scan3A_303  : i32 {
        %mul3A_384 = arith.constant 1 : i32
        %mul3A_385 = arith.muli %scan3A_383, %mul3A_384 : i32
        %add3A_386 = arith.constant 0 : i32
        %add3A_387 = arith.addi %add3A_386, %mul3A_385 : i32
        %get3A = arith.index_cast %add3A_387 : i32 to index
        %get3A_388 = arith.constant 0 : index
        %get3A_389 = tpu.vector_load %arg12[%get3A, %get3A_388] {strides = array<i32>} : memref<80x128xf32, #tpu.memory_space<vmem>>, vector<1x16xf32>,
        %get3A_390 = vector.shape_cast %get3A_389 : vector<1x16xf32> to vector<16xf32>
        %get3A_391 = arith.index_cast %add3A_387 : i32 to index
        %get3A_392 = arith.constant 0 : index
        %get3A_393 = tpu.vector_load %arg14[%get3A_391, %get3A_392] {strides = array<i32>} : memref<80x128xf32, #tpu.memory_space<vmem>>, vector<1x16xf32>,
        %get3A_394 = vector.shape_cast %get3A_393 : vector<1x16xf32> to vector<16xf32>
        %add3A_395 = arith.addf %get3A_390, %get3A_394 : vector<16xf32>
        %max3A = arith.constant 0.000000e+00 : f32
        %max3A_396 = vector.broadcast %max3A : f32 to vector<16xf32>
        %max3A_397 = arith.maximumf %add3A_395, %max3A_396 : vector<16xf32>
        %swap3A = arith.index_cast %add3A_387 : i32 to index
        %swap3A_398 = arith.constant 0 : index
        %swap3A_399 = tpu.vector_load %arg12[%swap3A, %swap3A_398] {strides = array<i32>} : memref<80x128xf32, #tpu.memory_space<vmem>>, vector<1x16xf32>,
        %swap3A_400 = vector.shape_cast %swap3A_399 : vector<1x16xf32> to vector<16xf32>
        %swap3A_401 = vector.shape_cast %max3A_397 : vector<16xf32> to vector<1x16xf32>
        tpu.vector_store %arg12[%swap3A, %swap3A_398], %swap3A_401 {strides = array<i32>} : memref<80x128xf32, #tpu.memory_space<vmem>>, vector<1x16xf32>,
        %get3A_402 = arith.index_cast %add3A_387 : i32 to index
        %get3A_403 = arith.constant 16 : index
        %get3A_404 = tpu.vector_load %arg12[%get3A_402, %get3A_403] {strides = array<i32>} : memref<80x128xf32, #tpu.memory_space<vmem>>, vector<1x16xf32>,
        %get3A_405 = vector.shape_cast %get3A_404 : vector<1x16xf32> to vector<16xf32>
        %get3A_406 = arith.index_cast %add3A_387 : i32 to index
        %get3A_407 = arith.constant 16 : index
        %get3A_408 = tpu.vector_load %arg14[%get3A_406, %get3A_407] {strides = array<i32>} : memref<80x128xf32, #tpu.memory_space<vmem>>, vector<1x16xf32>,
        %get3A_409 = vector.shape_cast %get3A_408 : vector<1x16xf32> to vector<16xf32>
        %add3A_410 = arith.addf %get3A_405, %get3A_409 : vector<16xf32>
        %max3A_411 = arith.constant 0.000000e+00 : f32
        %max3A_412 = vector.broadcast %max3A_411 : f32 to vector<16xf32>
        %max3A_413 = arith.maximumf %add3A_410, %max3A_412 : vector<16xf32>
        %swap3A_414 = arith.index_cast %add3A_387 : i32 to index
        %swap3A_415 = arith.constant 16 : index
        %swap3A_416 = tpu.vector_load %arg12[%swap3A_414, %swap3A_415] {strides = array<i32>} : memref<80x128xf32, #tpu.memory_space<vmem>>, vector<1x16xf32>,
        %swap3A_417 = vector.shape_cast %swap3A_416 : vector<1x16xf32> to vector<16xf32>
        %swap3A_418 = vector.shape_cast %max3A_413 : vector<16xf32> to vector<1x16xf32>
        tpu.vector_store %arg12[%swap3A_414, %swap3A_415], %swap3A_418 {strides = array<i32>} : memref<80x128xf32, #tpu.memory_space<vmem>>, vector<1x16xf32>,
        %get3A_419 = arith.index_cast %add3A_387 : i32 to index
        %get3A_420 = arith.constant 32 : index
        %get3A_421 = tpu.vector_load %arg12[%get3A_419, %get3A_420] {strides = array<i32>} : memref<80x128xf32, #tpu.memory_space<vmem>>, vector<1x16xf32>,
        %get3A_422 = vector.shape_cast %get3A_421 : vector<1x16xf32> to vector<16xf32>
        %get3A_423 = arith.index_cast %add3A_387 : i32 to index
        %get3A_424 = arith.constant 32 : index
        %get3A_425 = tpu.vector_load %arg14[%get3A_423, %get3A_424] {strides = array<i32>} : memref<80x128xf32, #tpu.memory_space<vmem>>, vector<1x16xf32>,
        %get3A_426 = vector.shape_cast %get3A_425 : vector<1x16xf32> to vector<16xf32>
        %add3A_427 = arith.addf %get3A_422, %get3A_426 : vector<16xf32>
        %max3A_428 = arith.constant 0.000000e+00 : f32
        %max3A_429 = vector.broadcast %max3A_428 : f32 to vector<16xf32>
        %max3A_430 = arith.maximumf %add3A_427, %max3A_429 : vector<16xf32>
        %swap3A_431 = arith.index_cast %add3A_387 : i32 to index
        %swap3A_432 = arith.constant 32 : index
        %swap3A_433 = tpu.vector_load %arg12[%swap3A_431, %swap3A_432] {strides = array<i32>} : memref<80x128xf32, #tpu.memory_space<vmem>>, vector<1x16xf32>,
        %swap3A_434 = vector.shape_cast %swap3A_433 : vector<1x16xf32> to vector<16xf32>
        %swap3A_435 = vector.shape_cast %max3A_430 : vector<16xf32> to vector<1x16xf32>
        tpu.vector_store %arg12[%swap3A_431, %swap3A_432], %swap3A_435 {strides = array<i32>} : memref<80x128xf32, #tpu.memory_space<vmem>>, vector<1x16xf32>,
        %get3A_436 = arith.index_cast %add3A_387 : i32 to index
        %get3A_437 = arith.constant 48 : index
        %get3A_438 = tpu.vector_load %arg12[%get3A_436, %get3A_437] {strides = array<i32>} : memref<80x128xf32, #tpu.memory_space<vmem>>, vector<1x16xf32>,
        %get3A_439 = vector.shape_cast %get3A_438 : vector<1x16xf32> to vector<16xf32>
        %get3A_440 = arith.index_cast %add3A_387 : i32 to index
        %get3A_441 = arith.constant 48 : index
        %get3A_442 = tpu.vector_load %arg14[%get3A_440, %get3A_441] {strides = array<i32>} : memref<80x128xf32, #tpu.memory_space<vmem>>, vector<1x16xf32>,
        %get3A_443 = vector.shape_cast %get3A_442 : vector<1x16xf32> to vector<16xf32>
        %add3A_444 = arith.addf %get3A_439, %get3A_443 : vector<16xf32>
        %max3A_445 = arith.constant 0.000000e+00 : f32
        %max3A_446 = vector.broadcast %max3A_445 : f32 to vector<16xf32>
        %max3A_447 = arith.maximumf %add3A_444, %max3A_446 : vector<16xf32>
        %swap3A_448 = arith.index_cast %add3A_387 : i32 to index
        %swap3A_449 = arith.constant 48 : index
        %swap3A_450 = tpu.vector_load %arg12[%swap3A_448, %swap3A_449] {strides = array<i32>} : memref<80x128xf32, #tpu.memory_space<vmem>>, vector<1x16xf32>,
        %swap3A_451 = vector.shape_cast %swap3A_450 : vector<1x16xf32> to vector<16xf32>
        %swap3A_452 = vector.shape_cast %max3A_447 : vector<16xf32> to vector<1x16xf32>
        tpu.vector_store %arg12[%swap3A_448, %swap3A_449], %swap3A_452 {strides = array<i32>} : memref<80x128xf32, #tpu.memory_space<vmem>>, vector<1x16xf32>,
        %get3A_453 = arith.index_cast %add3A_387 : i32 to index
        %get3A_454 = arith.constant 64 : index
        %get3A_455 = tpu.vector_load %arg12[%get3A_453, %get3A_454] {strides = array<i32>} : memref<80x128xf32, #tpu.memory_space<vmem>>, vector<1x16xf32>,
        %get3A_456 = vector.shape_cast %get3A_455 : vector<1x16xf32> to vector<16xf32>
        %get3A_457 = arith.index_cast %add3A_387 : i32 to index
        %get3A_458 = arith.constant 64 : index
        %get3A_459 = tpu.vector_load %arg14[%get3A_457, %get3A_458] {strides = array<i32>} : memref<80x128xf32, #tpu.memory_space<vmem>>, vector<1x16xf32>,
        %get3A_460 = vector.shape_cast %get3A_459 : vector<1x16xf32> to vector<16xf32>
        %add3A_461 = arith.addf %get3A_456, %get3A_460 : vector<16xf32>
        %max3A_462 = arith.constant 0.000000e+00 : f32
        %max3A_463 = vector.broadcast %max3A_462 : f32 to vector<16xf32>
        %max3A_464 = arith.maximumf %add3A_461, %max3A_463 : vector<16xf32>
        %swap3A_465 = arith.index_cast %add3A_387 : i32 to index
        %swap3A_466 = arith.constant 64 : index
        %swap3A_467 = tpu.vector_load %arg12[%swap3A_465, %swap3A_466] {strides = array<i32>} : memref<80x128xf32, #tpu.memory_space<vmem>>, vector<1x16xf32>,
        %swap3A_468 = vector.shape_cast %swap3A_467 : vector<1x16xf32> to vector<16xf32>
        %swap3A_469 = vector.shape_cast %max3A_464 : vector<16xf32> to vector<1x16xf32>
        tpu.vector_store %arg12[%swap3A_465, %swap3A_466], %swap3A_469 {strides = array<i32>} : memref<80x128xf32, #tpu.memory_space<vmem>>, vector<1x16xf32>,
        %get3A_470 = arith.index_cast %add3A_387 : i32 to index
        %get3A_471 = arith.constant 80 : index
        %get3A_472 = tpu.vector_load %arg12[%get3A_470, %get3A_471] {strides = array<i32>} : memref<80x128xf32, #tpu.memory_space<vmem>>, vector<1x16xf32>,
        %get3A_473 = vector.shape_cast %get3A_472 : vector<1x16xf32> to vector<16xf32>
        %get3A_474 = arith.index_cast %add3A_387 : i32 to index
        %get3A_475 = arith.constant 80 : index
        %get3A_476 = tpu.vector_load %arg14[%get3A_474, %get3A_475] {strides = array<i32>} : memref<80x128xf32, #tpu.memory_space<vmem>>, vector<1x16xf32>,
        %get3A_477 = vector.shape_cast %get3A_476 : vector<1x16xf32> to vector<16xf32>
        %add3A_478 = arith.addf %get3A_473, %get3A_477 : vector<16xf32>
        %max3A_479 = arith.constant 0.000000e+00 : f32
        %max3A_480 = vector.broadcast %max3A_479 : f32 to vector<16xf32>
        %max3A_481 = arith.maximumf %add3A_478, %max3A_480 : vector<16xf32>
        %swap3A_482 = arith.index_cast %add3A_387 : i32 to index
        %swap3A_483 = arith.constant 80 : index
        %swap3A_484 = tpu.vector_load %arg12[%swap3A_482, %swap3A_483] {strides = array<i32>} : memref<80x128xf32, #tpu.memory_space<vmem>>, vector<1x16xf32>,
        %swap3A_485 = vector.shape_cast %swap3A_484 : vector<1x16xf32> to vector<16xf32>
        %swap3A_486 = vector.shape_cast %max3A_481 : vector<16xf32> to vector<1x16xf32>
        tpu.vector_store %arg12[%swap3A_482, %swap3A_483], %swap3A_486 {strides = array<i32>} : memref<80x128xf32, #tpu.memory_space<vmem>>, vector<1x16xf32>,
        %get3A_487 = arith.index_cast %add3A_387 : i32 to index
        %get3A_488 = arith.constant 96 : index
        %get3A_489 = tpu.vector_load %arg12[%get3A_487, %get3A_488] {strides = array<i32>} : memref<80x128xf32, #tpu.memory_space<vmem>>, vector<1x16xf32>,
        %get3A_490 = vector.shape_cast %get3A_489 : vector<1x16xf32> to vector<16xf32>
        %get3A_491 = arith.index_cast %add3A_387 : i32 to index
        %get3A_492 = arith.constant 96 : index
        %get3A_493 = tpu.vector_load %arg14[%get3A_491, %get3A_492] {strides = array<i32>} : memref<80x128xf32, #tpu.memory_space<vmem>>, vector<1x16xf32>,
        %get3A_494 = vector.shape_cast %get3A_493 : vector<1x16xf32> to vector<16xf32>
        %add3A_495 = arith.addf %get3A_490, %get3A_494 : vector<16xf32>
        %max3A_496 = arith.constant 0.000000e+00 : f32
        %max3A_497 = vector.broadcast %max3A_496 : f32 to vector<16xf32>
        %max3A_498 = arith.maximumf %add3A_495, %max3A_497 : vector<16xf32>
        %swap3A_499 = arith.index_cast %add3A_387 : i32 to index
        %swap3A_500 = arith.constant 96 : index
        %swap3A_501 = tpu.vector_load %arg12[%swap3A_499, %swap3A_500] {strides = array<i32>} : memref<80x128xf32, #tpu.memory_space<vmem>>, vector<1x16xf32>,
        %swap3A_502 = vector.shape_cast %swap3A_501 : vector<1x16xf32> to vector<16xf32>
        %swap3A_503 = vector.shape_cast %max3A_498 : vector<16xf32> to vector<1x16xf32>
        tpu.vector_store %arg12[%swap3A_499, %swap3A_500], %swap3A_503 {strides = array<i32>} : memref<80x128xf32, #tpu.memory_space<vmem>>, vector<1x16xf32>,
        %get3A_504 = arith.index_cast %add3A_387 : i32 to index
        %get3A_505 = arith.constant 112 : index
        %get3A_506 = tpu.vector_load %arg12[%get3A_504, %get3A_505] {strides = array<i32>} : memref<80x128xf32, #tpu.memory_space<vmem>>, vector<1x16xf32>,
        %get3A_507 = vector.shape_cast %get3A_506 : vector<1x16xf32> to vector<16xf32>
        %get3A_508 = arith.index_cast %add3A_387 : i32 to index
        %get3A_509 = arith.constant 112 : index
        %get3A_510 = tpu.vector_load %arg14[%get3A_508, %get3A_509] {strides = array<i32>} : memref<80x128xf32, #tpu.memory_space<vmem>>, vector<1x16xf32>,
        %get3A_511 = vector.shape_cast %get3A_510 : vector<1x16xf32> to vector<16xf32>
        %add3A_512 = arith.addf %get3A_507, %get3A_511 : vector<16xf32>
        %max3A_513 = arith.constant 0.000000e+00 : f32
        %max3A_514 = vector.broadcast %max3A_513 : f32 to vector<16xf32>
        %max3A_515 = arith.maximumf %add3A_512, %max3A_514 : vector<16xf32>
        %swap3A_516 = arith.index_cast %add3A_387 : i32 to index
        %swap3A_517 = arith.constant 112 : index
        %swap3A_518 = tpu.vector_load %arg12[%swap3A_516, %swap3A_517] {strides = array<i32>} : memref<80x128xf32, #tpu.memory_space<vmem>>, vector<1x16xf32>,
        %swap3A_519 = vector.shape_cast %swap3A_518 : vector<1x16xf32> to vector<16xf32>
        %swap3A_520 = vector.shape_cast %max3A_515 : vector<16xf32> to vector<1x16xf32>
        tpu.vector_store %arg12[%swap3A_516, %swap3A_517], %swap3A_520 {strides = array<i32>} : memref<80x128xf32, #tpu.memory_space<vmem>>, vector<1x16xf32>,
      }
      %scan3A_304 = arith.constant 80 : i32
      %add3A_305 = arith.constant 2 : i32
      %add3A_306 = arith.addi %add3A_260, %add3A_305 : i32
      %mul3A_307 = arith.constant 80 : i32
      %mul3A_308 = arith.muli %add3A_306, %mul3A_307 : i32
      %add3A_309 = arith.addi %mul3A_24, %mul3A_308 : i32
      %dma_start3A_310 = tpu.memref_slice %arg3[%add3A_309] : memref<320000xi32, #tpu.memory_space<hbm>> -> memref<80xi32, #tpu.memory_space<hbm>>
      %dma_start3A_311 = tpu.memref_slice %arg3[%add3A_309] : memref<320000xi32, #tpu.memory_space<hbm>> -> memref<80xi32, #tpu.memory_space<hbm>>
      tpu.enqueue_dma source(%dma_start3A_311 : memref<80xi32, #tpu.memory_space<hbm>>) target(%arg8 : memref<80xi32, #tpu.memory_space<vmem>>) target_semaphore(%arg16 : memref<!tpu.dma_semaphore, #tpu.memory_space<semaphore_mem>>)
      %mul3A_312 = arith.constant 80 : i32
      %mul3A_313 = arith.muli %add3A_260, %mul3A_312 : i32
      %add3A_314 = arith.addi %mul3A_24, %mul3A_313 : i32
      %dma_wait3A_315 = tpu.memref_slice %arg4[%add3A_314] : memref<320000xi32, #tpu.memory_space<hbm>> -> memref<80xi32, #tpu.memory_space<hbm>>
      %dma_wait3A_316 = tpu.memref_slice %arg4[%add3A_314] : memref<320000xi32, #tpu.memory_space<hbm>> -> memref<80xi32, #tpu.memory_space<hbm>>
      tpu.wait_dma2 semaphore(%arg18 : memref<!tpu.dma_semaphore, #tpu.memory_space<semaphore_mem>>) src(%dma_wait3A_316 : memref<80xi32, #tpu.memory_space<hbm>>) dst(%arg10 : memref<80xi32, #tpu.memory_space<vmem>>)
      %dma_start3A_317 = arith.constant 0 : i32
      %dma_start3A_318 = arith.constant 0 : i32
      %dma_start3A_319 = tpu.memref_slice %arg25[%dma_start3A_317, %dma_start3A_318] : memref<10240x128xf32, #tpu.memory_space<vmem_shared>> -> memref<10240x128xf32, #tpu.memory_space<vmem_shared>>
      tpu.enqueue_indirect_dma source(%arg12 : memref<80x128xf32, #tpu.memory_space<vmem>>) target(%dma_start3A_319 : memref<10240x128xf32, #tpu.memory_space<vmem_shared>>) offsets(%arg10 : memref<80xi32, #tpu.memory_space<vmem>>) semaphore(%arg24 : memref<!tpu.dma_semaphore, #tpu.memory_space<semaphore_mem>>) {add = true}
      %mul3A_320 = arith.constant 2 : i32
      %mul3A_321 = arith.muli %mul3A_320, %add3A_256 : i32
      %add3A_322 = arith.constant 2 : i32
      %add3A_323 = arith.addi %add3A_322, %mul3A_321 : i32
      %dma_wait3A_324 = arith.constant 0 : i32
      %dma_wait3A_325 = arith.constant 0 : i32
      %dma_wait3A_326 = tpu.memref_slice %arg25[%dma_wait3A_324, %dma_wait3A_325] : memref<10240x128xf32, #tpu.memory_space<vmem_shared>> -> memref<10240x128xf32, #tpu.memory_space<vmem_shared>>
      tpu.wait_indirect_dma semaphore(%arg24 : memref<!tpu.dma_semaphore, #tpu.memory_space<semaphore_mem>>) src(%arg12 : memref<80x128xf32, #tpu.memory_space<vmem>>) dst(%dma_wait3A_326 : memref<10240x128xf32, #tpu.memory_space<vmem_shared>>)
      %add3A_327 = arith.constant 1 : i32
      %add3A_328 = arith.addi %add3A_323, %add3A_327 : i32
      %mul3A_329 = arith.constant 80 : i32
      %mul3A_330 = arith.muli %add3A_328, %mul3A_329 : i32
      %add3A_331 = arith.addi %mul3A_24, %mul3A_330 : i32
      %dma_start3A_332 = tpu.memref_slice %arg4[%add3A_331] : memref<320000xi32, #tpu.memory_space<hbm>> -> memref<80xi32, #tpu.memory_space<hbm>>
      %dma_start3A_333 = tpu.memref_slice %arg4[%add3A_331] : memref<320000xi32, #tpu.memory_space<hbm>> -> memref<80xi32, #tpu.memory_space<hbm>>
      tpu.enqueue_dma source(%dma_start3A_333 : memref<80xi32, #tpu.memory_space<hbm>>) target(%arg10 : memref<80xi32, #tpu.memory_space<vmem>>) target_semaphore(%arg18 : memref<!tpu.dma_semaphore, #tpu.memory_space<semaphore_mem>>)
      %add3A_334 = arith.constant 1 : i32
      %add3A_335 = arith.addi %add3A_323, %add3A_334 : i32
      %mul3A_336 = arith.constant 80 : i32
      %mul3A_337 = arith.muli %add3A_335, %mul3A_336 : i32
      %add3A_338 = arith.addi %mul3A_24, %mul3A_337 : i32
      %dma_wait3A_339 = tpu.memref_slice %arg3[%add3A_338] : memref<320000xi32, #tpu.memory_space<hbm>> -> memref<80xi32, #tpu.memory_space<hbm>>
      %dma_wait3A_340 = tpu.memref_slice %arg3[%add3A_338] : memref<320000xi32, #tpu.memory_space<hbm>> -> memref<80xi32, #tpu.memory_space<hbm>>
      tpu.wait_dma2 semaphore(%arg16 : memref<!tpu.dma_semaphore, #tpu.memory_space<semaphore_mem>>) src(%dma_wait3A_340 : memref<80xi32, #tpu.memory_space<hbm>>) dst(%arg8 : memref<80xi32, #tpu.memory_space<vmem>>)
      %dma_start3A_341 = arith.constant 0 : i32
      %dma_start3A_342 = arith.constant 0 : i32
      %dma_start3A_343 = tpu.memref_slice %arg2[%dma_start3A_341, %dma_start3A_342] : memref<10000x128xf32, #tpu.memory_space<hbm>> -> memref<10000x128xf32, #tpu.memory_space<hbm>>
      tpu.enqueue_indirect_dma source(%dma_start3A_343 : memref<10000x128xf32, #tpu.memory_space<hbm>>) target(%arg12 : memref<80x128xf32, #tpu.memory_space<vmem>>) offsets(%arg8 : memref<80xi32, #tpu.memory_space<vmem>>) semaphore(%arg20 : memref<!tpu.dma_semaphore, #tpu.memory_space<semaphore_mem>>)
      %add3A_344 = arith.constant 1 : i32
      %add3A_345 = arith.addi %add3A_323, %add3A_344 : i32
      %mul3A_346 = arith.constant 80 : i32
      %mul3A_347 = arith.muli %add3A_345, %mul3A_346 : i32
      %add3A_348 = arith.addi %mul3A_24, %mul3A_347 : i32
      %dma_start3A_349 = arith.constant 0 : i32
      %dma_start3A_350 = tpu.memref_slice %arg5[%add3A_348, %dma_start3A_349] : memref<320000x128xf32, #tpu.memory_space<hbm>> -> memref<80x128xf32, #tpu.memory_space<hbm>>
      %dma_start3A_351 = arith.constant 0 : i32
      %dma_start3A_352 = tpu.memref_slice %arg5[%add3A_348, %dma_start3A_351] : memref<320000x128xf32, #tpu.memory_space<hbm>> -> memref<80x128xf32, #tpu.memory_space<hbm>>
      tpu.enqueue_dma source(%dma_start3A_352 : memref<80x128xf32, #tpu.memory_space<hbm>>) target(%arg14 : memref<80x128xf32, #tpu.memory_space<vmem>>) target_semaphore(%arg22 : memref<!tpu.dma_semaphore, #tpu.memory_space<semaphore_mem>>)
      %dma_wait3A_353 = arith.constant 0 : i32
      %dma_wait3A_354 = arith.constant 0 : i32
      %dma_wait3A_355 = tpu.memref_slice %arg2[%dma_wait3A_353, %dma_wait3A_354] : memref<10000x128xf32, #tpu.memory_space<hbm>> -> memref<10000x128xf32, #tpu.memory_space<hbm>>
      tpu.wait_indirect_dma semaphore(%arg19 : memref<!tpu.dma_semaphore, #tpu.memory_space<semaphore_mem>>) src(%dma_wait3A_355 : memref<10000x128xf32, #tpu.memory_space<hbm>>) dst(%arg11 : memref<80x128xf32, #tpu.memory_space<vmem>>)
      %mul3A_356 = arith.constant 80 : i32
      %mul3A_357 = arith.muli %add3A_323, %mul3A_356 : i32
      %add3A_358 = arith.addi %mul3A_24, %mul3A_357 : i32
      %dma_wait3A_359 = arith.constant 0 : i32
      %dma_wait3A_360 = tpu.memref_slice %arg5[%add3A_358, %dma_wait3A_359] : memref<320000x128xf32, #tpu.memory_space<hbm>> -> memref<80x128xf32, #tpu.memory_space<hbm>>
      %dma_wait3A_361 = arith.constant 0 : i32
      %dma_wait3A_362 = tpu.memref_slice %arg5[%add3A_358, %dma_wait3A_361] : memref<320000x128xf32, #tpu.memory_space<hbm>> -> memref<80x128xf32, #tpu.memory_space<hbm>>
      tpu.wait_dma2 semaphore(%arg21 : memref<!tpu.dma_semaphore, #tpu.memory_space<semaphore_mem>>) src(%dma_wait3A_362 : memref<80x128xf32, #tpu.memory_space<hbm>>) dst(%arg13 : memref<80x128xf32, #tpu.memory_space<vmem>>)
      %scan3A_363 = arith.constant 0 : i32
      %scan3A_364 = arith.constant 80 : i32
      %scan3A_365 = arith.addi %scan3A_363, %scan3A_364 : i32
      %scan3A_366 = arith.constant 1 : i32
      scf.for %scan3A_383 = %scan3A_363 to %scan3A_365 step %scan3A_366  : i32 {
        %mul3A_384 = arith.constant 1 : i32
        %mul3A_385 = arith.muli %scan3A_383, %mul3A_384 : i32
        %add3A_386 = arith.constant 0 : i32
        %add3A_387 = arith.addi %add3A_386, %mul3A_385 : i32
        %get3A = arith.index_cast %add3A_387 : i32 to index
        %get3A_388 = arith.constant 0 : index
        %get3A_389 = tpu.vector_load %arg11[%get3A, %get3A_388] {strides = array<i32>} : memref<80x128xf32, #tpu.memory_space<vmem>>, vector<1x16xf32>,
        %get3A_390 = vector.shape_cast %get3A_389 : vector<1x16xf32> to vector<16xf32>
        %get3A_391 = arith.index_cast %add3A_387 : i32 to index
        %get3A_392 = arith.constant 0 : index
        %get3A_393 = tpu.vector_load %arg13[%get3A_391, %get3A_392] {strides = array<i32>} : memref<80x128xf32, #tpu.memory_space<vmem>>, vector<1x16xf32>,
        %get3A_394 = vector.shape_cast %get3A_393 : vector<1x16xf32> to vector<16xf32>
        %add3A_395 = arith.addf %get3A_390, %get3A_394 : vector<16xf32>
        %max3A = arith.constant 0.000000e+00 : f32
        %max3A_396 = vector.broadcast %max3A : f32 to vector<16xf32>
        %max3A_397 = arith.maximumf %add3A_395, %max3A_396 : vector<16xf32>
        %swap3A = arith.index_cast %add3A_387 : i32 to index
        %swap3A_398 = arith.constant 0 : index
        %swap3A_399 = tpu.vector_load %arg11[%swap3A, %swap3A_398] {strides = array<i32>} : memref<80x128xf32, #tpu.memory_space<vmem>>, vector<1x16xf32>,
        %swap3A_400 = vector.shape_cast %swap3A_399 : vector<1x16xf32> to vector<16xf32>
        %swap3A_401 = vector.shape_cast %max3A_397 : vector<16xf32> to vector<1x16xf32>
        tpu.vector_store %arg11[%swap3A, %swap3A_398], %swap3A_401 {strides = array<i32>} : memref<80x128xf32, #tpu.memory_space<vmem>>, vector<1x16xf32>,
        %get3A_402 = arith.index_cast %add3A_387 : i32 to index
        %get3A_403 = arith.constant 16 : index
        %get3A_404 = tpu.vector_load %arg11[%get3A_402, %get3A_403] {strides = array<i32>} : memref<80x128xf32, #tpu.memory_space<vmem>>, vector<1x16xf32>,
        %get3A_405 = vector.shape_cast %get3A_404 : vector<1x16xf32> to vector<16xf32>
        %get3A_406 = arith.index_cast %add3A_387 : i32 to index
        %get3A_407 = arith.constant 16 : index
        %get3A_408 = tpu.vector_load %arg13[%get3A_406, %get3A_407] {strides = array<i32>} : memref<80x128xf32, #tpu.memory_space<vmem>>, vector<1x16xf32>,
        %get3A_409 = vector.shape_cast %get3A_408 : vector<1x16xf32> to vector<16xf32>
        %add3A_410 = arith.addf %get3A_405, %get3A_409 : vector<16xf32>
        %max3A_411 = arith.constant 0.000000e+00 : f32
        %max3A_412 = vector.broadcast %max3A_411 : f32 to vector<16xf32>
        %max3A_413 = arith.maximumf %add3A_410, %max3A_412 : vector<16xf32>
        %swap3A_414 = arith.index_cast %add3A_387 : i32 to index
        %swap3A_415 = arith.constant 16 : index
        %swap3A_416 = tpu.vector_load %arg11[%swap3A_414, %swap3A_415] {strides = array<i32>} : memref<80x128xf32, #tpu.memory_space<vmem>>, vector<1x16xf32>,
        %swap3A_417 = vector.shape_cast %swap3A_416 : vector<1x16xf32> to vector<16xf32>
        %swap3A_418 = vector.shape_cast %max3A_413 : vector<16xf32> to vector<1x16xf32>
        tpu.vector_store %arg11[%swap3A_414, %swap3A_415], %swap3A_418 {strides = array<i32>} : memref<80x128xf32, #tpu.memory_space<vmem>>, vector<1x16xf32>,
        %get3A_419 = arith.index_cast %add3A_387 : i32 to index
        %get3A_420 = arith.constant 32 : index
        %get3A_421 = tpu.vector_load %arg11[%get3A_419, %get3A_420] {strides = array<i32>} : memref<80x128xf32, #tpu.memory_space<vmem>>, vector<1x16xf32>,
        %get3A_422 = vector.shape_cast %get3A_421 : vector<1x16xf32> to vector<16xf32>
        %get3A_423 = arith.index_cast %add3A_387 : i32 to index
        %get3A_424 = arith.constant 32 : index
        %get3A_425 = tpu.vector_load %arg13[%get3A_423, %get3A_424] {strides = array<i32>} : memref<80x128xf32, #tpu.memory_space<vmem>>, vector<1x16xf32>,
        %get3A_426 = vector.shape_cast %get3A_425 : vector<1x16xf32> to vector<16xf32>
        %add3A_427 = arith.addf %get3A_422, %get3A_426 : vector<16xf32>
        %max3A_428 = arith.constant 0.000000e+00 : f32
        %max3A_429 = vector.broadcast %max3A_428 : f32 to vector<16xf32>
        %max3A_430 = arith.maximumf %add3A_427, %max3A_429 : vector<16xf32>
        %swap3A_431 = arith.index_cast %add3A_387 : i32 to index
        %swap3A_432 = arith.constant 32 : index
        %swap3A_433 = tpu.vector_load %arg11[%swap3A_431, %swap3A_432] {strides = array<i32>} : memref<80x128xf32, #tpu.memory_space<vmem>>, vector<1x16xf32>,
        %swap3A_434 = vector.shape_cast %swap3A_433 : vector<1x16xf32> to vector<16xf32>
        %swap3A_435 = vector.shape_cast %max3A_430 : vector<16xf32> to vector<1x16xf32>
        tpu.vector_store %arg11[%swap3A_431, %swap3A_432], %swap3A_435 {strides = array<i32>} : memref<80x128xf32, #tpu.memory_space<vmem>>, vector<1x16xf32>,
        %get3A_436 = arith.index_cast %add3A_387 : i32 to index
        %get3A_437 = arith.constant 48 : index
        %get3A_438 = tpu.vector_load %arg11[%get3A_436, %get3A_437] {strides = array<i32>} : memref<80x128xf32, #tpu.memory_space<vmem>>, vector<1x16xf32>,
        %get3A_439 = vector.shape_cast %get3A_438 : vector<1x16xf32> to vector<16xf32>
        %get3A_440 = arith.index_cast %add3A_387 : i32 to index
        %get3A_441 = arith.constant 48 : index
        %get3A_442 = tpu.vector_load %arg13[%get3A_440, %get3A_441] {strides = array<i32>} : memref<80x128xf32, #tpu.memory_space<vmem>>, vector<1x16xf32>,
        %get3A_443 = vector.shape_cast %get3A_442 : vector<1x16xf32> to vector<16xf32>
        %add3A_444 = arith.addf %get3A_439, %get3A_443 : vector<16xf32>
        %max3A_445 = arith.constant 0.000000e+00 : f32
        %max3A_446 = vector.broadcast %max3A_445 : f32 to vector<16xf32>
        %max3A_447 = arith.maximumf %add3A_444, %max3A_446 : vector<16xf32>
        %swap3A_448 = arith.index_cast %add3A_387 : i32 to index
        %swap3A_449 = arith.constant 48 : index
        %swap3A_450 = tpu.vector_load %arg11[%swap3A_448, %swap3A_449] {strides = array<i32>} : memref<80x128xf32, #tpu.memory_space<vmem>>, vector<1x16xf32>,
        %swap3A_451 = vector.shape_cast %swap3A_450 : vector<1x16xf32> to vector<16xf32>
        %swap3A_452 = vector.shape_cast %max3A_447 : vector<16xf32> to vector<1x16xf32>
        tpu.vector_store %arg11[%swap3A_448, %swap3A_449], %swap3A_452 {strides = array<i32>} : memref<80x128xf32, #tpu.memory_space<vmem>>, vector<1x16xf32>,
        %get3A_453 = arith.index_cast %add3A_387 : i32 to index
        %get3A_454 = arith.constant 64 : index
        %get3A_455 = tpu.vector_load %arg11[%get3A_453, %get3A_454] {strides = array<i32>} : memref<80x128xf32, #tpu.memory_space<vmem>>, vector<1x16xf32>,
        %get3A_456 = vector.shape_cast %get3A_455 : vector<1x16xf32> to vector<16xf32>
        %get3A_457 = arith.index_cast %add3A_387 : i32 to index
        %get3A_458 = arith.constant 64 : index
        %get3A_459 = tpu.vector_load %arg13[%get3A_457, %get3A_458] {strides = array<i32>} : memref<80x128xf32, #tpu.memory_space<vmem>>, vector<1x16xf32>,
        %get3A_460 = vector.shape_cast %get3A_459 : vector<1x16xf32> to vector<16xf32>
        %add3A_461 = arith.addf %get3A_456, %get3A_460 : vector<16xf32>
        %max3A_462 = arith.constant 0.000000e+00 : f32
        %max3A_463 = vector.broadcast %max3A_462 : f32 to vector<16xf32>
        %max3A_464 = arith.maximumf %add3A_461, %max3A_463 : vector<16xf32>
        %swap3A_465 = arith.index_cast %add3A_387 : i32 to index
        %swap3A_466 = arith.constant 64 : index
        %swap3A_467 = tpu.vector_load %arg11[%swap3A_465, %swap3A_466] {strides = array<i32>} : memref<80x128xf32, #tpu.memory_space<vmem>>, vector<1x16xf32>,
        %swap3A_468 = vector.shape_cast %swap3A_467 : vector<1x16xf32> to vector<16xf32>
        %swap3A_469 = vector.shape_cast %max3A_464 : vector<16xf32> to vector<1x16xf32>
        tpu.vector_store %arg11[%swap3A_465, %swap3A_466], %swap3A_469 {strides = array<i32>} : memref<80x128xf32, #tpu.memory_space<vmem>>, vector<1x16xf32>,
        %get3A_470 = arith.index_cast %add3A_387 : i32 to index
        %get3A_471 = arith.constant 80 : index
        %get3A_472 = tpu.vector_load %arg11[%get3A_470, %get3A_471] {strides = array<i32>} : memref<80x128xf32, #tpu.memory_space<vmem>>, vector<1x16xf32>,
        %get3A_473 = vector.shape_cast %get3A_472 : vector<1x16xf32> to vector<16xf32>
        %get3A_474 = arith.index_cast %add3A_387 : i32 to index
        %get3A_475 = arith.constant 80 : index
        %get3A_476 = tpu.vector_load %arg13[%get3A_474, %get3A_475] {strides = array<i32>} : memref<80x128xf32, #tpu.memory_space<vmem>>, vector<1x16xf32>,
        %get3A_477 = vector.shape_cast %get3A_476 : vector<1x16xf32> to vector<16xf32>
        %add3A_478 = arith.addf %get3A_473, %get3A_477 : vector<16xf32>
        %max3A_479 = arith.constant 0.000000e+00 : f32
        %max3A_480 = vector.broadcast %max3A_479 : f32 to vector<16xf32>
        %max3A_481 = arith.maximumf %add3A_478, %max3A_480 : vector<16xf32>
        %swap3A_482 = arith.index_cast %add3A_387 : i32 to index
        %swap3A_483 = arith.constant 80 : index
        %swap3A_484 = tpu.vector_load %arg11[%swap3A_482, %swap3A_483] {strides = array<i32>} : memref<80x128xf32, #tpu.memory_space<vmem>>, vector<1x16xf32>,
        %swap3A_485 = vector.shape_cast %swap3A_484 : vector<1x16xf32> to vector<16xf32>
        %swap3A_486 = vector.shape_cast %max3A_481 : vector<16xf32> to vector<1x16xf32>
        tpu.vector_store %arg11[%swap3A_482, %swap3A_483], %swap3A_486 {strides = array<i32>} : memref<80x128xf32, #tpu.memory_space<vmem>>, vector<1x16xf32>,
        %get3A_487 = arith.index_cast %add3A_387 : i32 to index
        %get3A_488 = arith.constant 96 : index
        %get3A_489 = tpu.vector_load %arg11[%get3A_487, %get3A_488] {strides = array<i32>} : memref<80x128xf32, #tpu.memory_space<vmem>>, vector<1x16xf32>,
        %get3A_490 = vector.shape_cast %get3A_489 : vector<1x16xf32> to vector<16xf32>
        %get3A_491 = arith.index_cast %add3A_387 : i32 to index
        %get3A_492 = arith.constant 96 : index
        %get3A_493 = tpu.vector_load %arg13[%get3A_491, %get3A_492] {strides = array<i32>} : memref<80x128xf32, #tpu.memory_space<vmem>>, vector<1x16xf32>,
        %get3A_494 = vector.shape_cast %get3A_493 : vector<1x16xf32> to vector<16xf32>
        %add3A_495 = arith.addf %get3A_490, %get3A_494 : vector<16xf32>
        %max3A_496 = arith.constant 0.000000e+00 : f32
        %max3A_497 = vector.broadcast %max3A_496 : f32 to vector<16xf32>
        %max3A_498 = arith.maximumf %add3A_495, %max3A_497 : vector<16xf32>
        %swap3A_499 = arith.index_cast %add3A_387 : i32 to index
        %swap3A_500 = arith.constant 96 : index
        %swap3A_501 = tpu.vector_load %arg11[%swap3A_499, %swap3A_500] {strides = array<i32>} : memref<80x128xf32, #tpu.memory_space<vmem>>, vector<1x16xf32>,
        %swap3A_502 = vector.shape_cast %swap3A_501 : vector<1x16xf32> to vector<16xf32>
        %swap3A_503 = vector.shape_cast %max3A_498 : vector<16xf32> to vector<1x16xf32>
        tpu.vector_store %arg11[%swap3A_499, %swap3A_500], %swap3A_503 {strides = array<i32>} : memref<80x128xf32, #tpu.memory_space<vmem>>, vector<1x16xf32>,
        %get3A_504 = arith.index_cast %add3A_387 : i32 to index
        %get3A_505 = arith.constant 112 : index
        %get3A_506 = tpu.vector_load %arg11[%get3A_504, %get3A_505] {strides = array<i32>} : memref<80x128xf32, #tpu.memory_space<vmem>>, vector<1x16xf32>,
        %get3A_507 = vector.shape_cast %get3A_506 : vector<1x16xf32> to vector<16xf32>
        %get3A_508 = arith.index_cast %add3A_387 : i32 to index
        %get3A_509 = arith.constant 112 : index
        %get3A_510 = tpu.vector_load %arg13[%get3A_508, %get3A_509] {strides = array<i32>} : memref<80x128xf32, #tpu.memory_space<vmem>>, vector<1x16xf32>,
        %get3A_511 = vector.shape_cast %get3A_510 : vector<1x16xf32> to vector<16xf32>
        %add3A_512 = arith.addf %get3A_507, %get3A_511 : vector<16xf32>
        %max3A_513 = arith.constant 0.000000e+00 : f32
        %max3A_514 = vector.broadcast %max3A_513 : f32 to vector<16xf32>
        %max3A_515 = arith.maximumf %add3A_512, %max3A_514 : vector<16xf32>
        %swap3A_516 = arith.index_cast %add3A_387 : i32 to index
        %swap3A_517 = arith.constant 112 : index
        %swap3A_518 = tpu.vector_load %arg11[%swap3A_516, %swap3A_517] {strides = array<i32>} : memref<80x128xf32, #tpu.memory_space<vmem>>, vector<1x16xf32>,
        %swap3A_519 = vector.shape_cast %swap3A_518 : vector<1x16xf32> to vector<16xf32>
        %swap3A_520 = vector.shape_cast %max3A_515 : vector<16xf32> to vector<1x16xf32>
        tpu.vector_store %arg11[%swap3A_516, %swap3A_517], %swap3A_520 {strides = array<i32>} : memref<80x128xf32, #tpu.memory_space<vmem>>, vector<1x16xf32>,
      }
      %scan3A_367 = arith.constant 80 : i32
      %add3A_368 = arith.constant 2 : i32
      %add3A_369 = arith.addi %add3A_323, %add3A_368 : i32
      %mul3A_370 = arith.constant 80 : i32
      %mul3A_371 = arith.muli %add3A_369, %mul3A_370 : i32
      %add3A_372 = arith.addi %mul3A_24, %mul3A_371 : i32
      %dma_start3A_373 = tpu.memref_slice %arg3[%add3A_372] : memref<320000xi32, #tpu.memory_space<hbm>> -> memref<80xi32, #tpu.memory_space<hbm>>
      %dma_start3A_374 = tpu.memref_slice %arg3[%add3A_372] : memref<320000xi32, #tpu.memory_space<hbm>> -> memref<80xi32, #tpu.memory_space<hbm>>
      tpu.enqueue_dma source(%dma_start3A_374 : memref<80xi32, #tpu.memory_space<hbm>>) target(%arg7 : memref<80xi32, #tpu.memory_space<vmem>>) target_semaphore(%arg15 : memref<!tpu.dma_semaphore, #tpu.memory_space<semaphore_mem>>)
      %mul3A_375 = arith.constant 80 : i32
      %mul3A_376 = arith.muli %add3A_323, %mul3A_375 : i32
      %add3A_377 = arith.addi %mul3A_24, %mul3A_376 : i32
      %dma_wait3A_378 = tpu.memref_slice %arg4[%add3A_377] : memref<320000xi32, #tpu.memory_space<hbm>> -> memref<80xi32, #tpu.memory_space<hbm>>
      %dma_wait3A_379 = tpu.memref_slice %arg4[%add3A_377] : memref<320000xi32, #tpu.memory_space<hbm>> -> memref<80xi32, #tpu.memory_space<hbm>>
      tpu.wait_dma2 semaphore(%arg17 : memref<!tpu.dma_semaphore, #tpu.memory_space<semaphore_mem>>) src(%dma_wait3A_379 : memref<80xi32, #tpu.memory_space<hbm>>) dst(%arg9 : memref<80xi32, #tpu.memory_space<vmem>>)
      %dma_start3A_380 = arith.constant 0 : i32
      %dma_start3A_381 = arith.constant 0 : i32
      %dma_start3A_382 = tpu.memref_slice %arg25[%dma_start3A_380, %dma_start3A_381] : memref<10240x128xf32, #tpu.memory_space<vmem_shared>> -> memref<10240x128xf32, #tpu.memory_space<vmem_shared>>
      tpu.enqueue_indirect_dma source(%arg11 : memref<80x128xf32, #tpu.memory_space<vmem>>) target(%dma_start3A_382 : memref<10240x128xf32, #tpu.memory_space<vmem_shared>>) offsets(%arg9 : memref<80xi32, #tpu.memory_space<vmem>>) semaphore(%arg23 : memref<!tpu.dma_semaphore, #tpu.memory_space<semaphore_mem>>) {add = true}
    }
    %scan3A_92 = arith.constant 60 : i32
    %dma_wait3A_93 = arith.constant 0 : i32
    %dma_wait3A_94 = arith.constant 0 : i32
    %dma_wait3A_95 = tpu.memref_slice %arg25[%dma_wait3A_93, %dma_wait3A_94] : memref<10240x128xf32, #tpu.memory_space<vmem_shared>> -> memref<10240x128xf32, #tpu.memory_space<vmem_shared>>
    tpu.wait_indirect_dma semaphore(%arg23 : memref<!tpu.dma_semaphore, #tpu.memory_space<semaphore_mem>>) src(%arg11 : memref<80x128xf32, #tpu.memory_space<vmem>>) dst(%dma_wait3A_95 : memref<10240x128xf32, #tpu.memory_space<vmem_shared>>)
    %add3A_96 = arith.constant 9760 : i32
    %add3A_97 = arith.addi %mul3A_24, %add3A_96 : i32
    %dma_start3A_98 = tpu.memref_slice %arg4[%add3A_97] : memref<320000xi32, #tpu.memory_space<hbm>> -> memref<80xi32, #tpu.memory_space<hbm>>
    %dma_start3A_99 = tpu.memref_slice %arg4[%add3A_97] : memref<320000xi32, #tpu.memory_space<hbm>> -> memref<80xi32, #tpu.memory_space<hbm>>
    tpu.enqueue_dma source(%dma_start3A_99 : memref<80xi32, #tpu.memory_space<hbm>>) target(%arg9 : memref<80xi32, #tpu.memory_space<vmem>>) target_semaphore(%arg17 : memref<!tpu.dma_semaphore, #tpu.memory_space<semaphore_mem>>)
    %add3A_100 = arith.constant 9760 : i32
    %add3A_101 = arith.addi %mul3A_24, %add3A_100 : i32
    %dma_wait3A_102 = tpu.memref_slice %arg3[%add3A_101] : memref<320000xi32, #tpu.memory_space<hbm>> -> memref<80xi32, #tpu.memory_space<hbm>>
    %dma_wait3A_103 = tpu.memref_slice %arg3[%add3A_101] : memref<320000xi32, #tpu.memory_space<hbm>> -> memref<80xi32, #tpu.memory_space<hbm>>
    tpu.wait_dma2 semaphore(%arg15 : memref<!tpu.dma_semaphore, #tpu.memory_space<semaphore_mem>>) src(%dma_wait3A_103 : memref<80xi32, #tpu.memory_space<hbm>>) dst(%arg7 : memref<80xi32, #tpu.memory_space<vmem>>)
    %dma_start3A_104 = arith.constant 0 : i32
    %dma_start3A_105 = arith.constant 0 : i32
    %dma_start3A_106 = tpu.memref_slice %arg2[%dma_start3A_104, %dma_start3A_105] : memref<10000x128xf32, #tpu.memory_space<hbm>> -> memref<10000x128xf32, #tpu.memory_space<hbm>>
    tpu.enqueue_indirect_dma source(%dma_start3A_106 : memref<10000x128xf32, #tpu.memory_space<hbm>>) target(%arg11 : memref<80x128xf32, #tpu.memory_space<vmem>>) offsets(%arg7 : memref<80xi32, #tpu.memory_space<vmem>>) semaphore(%arg19 : memref<!tpu.dma_semaphore, #tpu.memory_space<semaphore_mem>>)
    %add3A_107 = arith.constant 9760 : i32
    %add3A_108 = arith.addi %mul3A_24, %add3A_107 : i32
    %dma_start3A_109 = arith.constant 0 : i32
    %dma_start3A_110 = tpu.memref_slice %arg5[%add3A_108, %dma_start3A_109] : memref<320000x128xf32, #tpu.memory_space<hbm>> -> memref<80x128xf32, #tpu.memory_space<hbm>>
    %dma_start3A_111 = arith.constant 0 : i32
    %dma_start3A_112 = tpu.memref_slice %arg5[%add3A_108, %dma_start3A_111] : memref<320000x128xf32, #tpu.memory_space<hbm>> -> memref<80x128xf32, #tpu.memory_space<hbm>>
    tpu.enqueue_dma source(%dma_start3A_112 : memref<80x128xf32, #tpu.memory_space<hbm>>) target(%arg13 : memref<80x128xf32, #tpu.memory_space<vmem>>) target_semaphore(%arg21 : memref<!tpu.dma_semaphore, #tpu.memory_space<semaphore_mem>>)
    %dma_wait3A_113 = arith.constant 0 : i32
    %dma_wait3A_114 = arith.constant 0 : i32
    %dma_wait3A_115 = tpu.memref_slice %arg2[%dma_wait3A_113, %dma_wait3A_114] : memref<10000x128xf32, #tpu.memory_space<hbm>> -> memref<10000x128xf32, #tpu.memory_space<hbm>>
    tpu.wait_indirect_dma semaphore(%arg20 : memref<!tpu.dma_semaphore, #tpu.memory_space<semaphore_mem>>) src(%dma_wait3A_115 : memref<10000x128xf32, #tpu.memory_space<hbm>>) dst(%arg12 : memref<80x128xf32, #tpu.memory_space<vmem>>)
    %add3A_116 = arith.constant 9680 : i32
    %add3A_117 = arith.addi %mul3A_24, %add3A_116 : i32
    %dma_wait3A_118 = arith.constant 0 : i32
    %dma_wait3A_119 = tpu.memref_slice %arg5[%add3A_117, %dma_wait3A_118] : memref<320000x128xf32, #tpu.memory_space<hbm>> -> memref<80x128xf32, #tpu.memory_space<hbm>>
    %dma_wait3A_120 = arith.constant 0 : i32
    %dma_wait3A_121 = tpu.memref_slice %arg5[%add3A_117, %dma_wait3A_120] : memref<320000x128xf32, #tpu.memory_space<hbm>> -> memref<80x128xf32, #tpu.memory_space<hbm>>
    tpu.wait_dma2 semaphore(%arg22 : memref<!tpu.dma_semaphore, #tpu.memory_space<semaphore_mem>>) src(%dma_wait3A_121 : memref<80x128xf32, #tpu.memory_space<hbm>>) dst(%arg14 : memref<80x128xf32, #tpu.memory_space<vmem>>)
    %scan3A_122 = arith.constant 0 : i32
    %scan3A_123 = arith.constant 80 : i32
    %scan3A_124 = arith.addi %scan3A_122, %scan3A_123 : i32
    %scan3A_125 = arith.constant 1 : i32
    scf.for %scan3A_252 = %scan3A_122 to %scan3A_124 step %scan3A_125  : i32 {
      %mul3A_253 = arith.constant 1 : i32
      %mul3A_254 = arith.muli %scan3A_252, %mul3A_253 : i32
      %add3A_255 = arith.constant 0 : i32
      %add3A_256 = arith.addi %add3A_255, %mul3A_254 : i32
      %get3A = arith.index_cast %add3A_256 : i32 to index
      %get3A_257 = arith.constant 0 : index
      %get3A_258 = tpu.vector_load %arg12[%get3A, %get3A_257] {strides = array<i32>} : memref<80x128xf32, #tpu.memory_space<vmem>>, vector<1x16xf32>,
      %get3A_259 = vector.shape_cast %get3A_258 : vector<1x16xf32> to vector<16xf32>
      %get3A_260 = arith.index_cast %add3A_256 : i32 to index
      %get3A_261 = arith.constant 0 : index
      %get3A_262 = tpu.vector_load %arg14[%get3A_260, %get3A_261] {strides = array<i32>} : memref<80x128xf32, #tpu.memory_space<vmem>>, vector<1x16xf32>,
      %get3A_263 = vector.shape_cast %get3A_262 : vector<1x16xf32> to vector<16xf32>
      %add3A_264 = arith.addf %get3A_259, %get3A_263 : vector<16xf32>
      %max3A = arith.constant 0.000000e+00 : f32
      %max3A_265 = vector.broadcast %max3A : f32 to vector<16xf32>
      %max3A_266 = arith.maximumf %add3A_264, %max3A_265 : vector<16xf32>
      %swap3A = arith.index_cast %add3A_256 : i32 to index
      %swap3A_267 = arith.constant 0 : index
      %swap3A_268 = tpu.vector_load %arg12[%swap3A, %swap3A_267] {strides = array<i32>} : memref<80x128xf32, #tpu.memory_space<vmem>>, vector<1x16xf32>,
      %swap3A_269 = vector.shape_cast %swap3A_268 : vector<1x16xf32> to vector<16xf32>
      %swap3A_270 = vector.shape_cast %max3A_266 : vector<16xf32> to vector<1x16xf32>
      tpu.vector_store %arg12[%swap3A, %swap3A_267], %swap3A_270 {strides = array<i32>} : memref<80x128xf32, #tpu.memory_space<vmem>>, vector<1x16xf32>,
      %get3A_271 = arith.index_cast %add3A_256 : i32 to index
      %get3A_272 = arith.constant 16 : index
      %get3A_273 = tpu.vector_load %arg12[%get3A_271, %get3A_272] {strides = array<i32>} : memref<80x128xf32, #tpu.memory_space<vmem>>, vector<1x16xf32>,
      %get3A_274 = vector.shape_cast %get3A_273 : vector<1x16xf32> to vector<16xf32>
      %get3A_275 = arith.index_cast %add3A_256 : i32 to index
      %get3A_276 = arith.constant 16 : index
      %get3A_277 = tpu.vector_load %arg14[%get3A_275, %get3A_276] {strides = array<i32>} : memref<80x128xf32, #tpu.memory_space<vmem>>, vector<1x16xf32>,
      %get3A_278 = vector.shape_cast %get3A_277 : vector<1x16xf32> to vector<16xf32>
      %add3A_279 = arith.addf %get3A_274, %get3A_278 : vector<16xf32>
      %max3A_280 = arith.constant 0.000000e+00 : f32
      %max3A_281 = vector.broadcast %max3A_280 : f32 to vector<16xf32>
      %max3A_282 = arith.maximumf %add3A_279, %max3A_281 : vector<16xf32>
      %swap3A_283 = arith.index_cast %add3A_256 : i32 to index
      %swap3A_284 = arith.constant 16 : index
      %swap3A_285 = tpu.vector_load %arg12[%swap3A_283, %swap3A_284] {strides = array<i32>} : memref<80x128xf32, #tpu.memory_space<vmem>>, vector<1x16xf32>,
      %swap3A_286 = vector.shape_cast %swap3A_285 : vector<1x16xf32> to vector<16xf32>
      %swap3A_287 = vector.shape_cast %max3A_282 : vector<16xf32> to vector<1x16xf32>
      tpu.vector_store %arg12[%swap3A_283, %swap3A_284], %swap3A_287 {strides = array<i32>} : memref<80x128xf32, #tpu.memory_space<vmem>>, vector<1x16xf32>,
      %get3A_288 = arith.index_cast %add3A_256 : i32 to index
      %get3A_289 = arith.constant 32 : index
      %get3A_290 = tpu.vector_load %arg12[%get3A_288, %get3A_289] {strides = array<i32>} : memref<80x128xf32, #tpu.memory_space<vmem>>, vector<1x16xf32>,
      %get3A_291 = vector.shape_cast %get3A_290 : vector<1x16xf32> to vector<16xf32>
      %get3A_292 = arith.index_cast %add3A_256 : i32 to index
      %get3A_293 = arith.constant 32 : index
      %get3A_294 = tpu.vector_load %arg14[%get3A_292, %get3A_293] {strides = array<i32>} : memref<80x128xf32, #tpu.memory_space<vmem>>, vector<1x16xf32>,
      %get3A_295 = vector.shape_cast %get3A_294 : vector<1x16xf32> to vector<16xf32>
      %add3A_296 = arith.addf %get3A_291, %get3A_295 : vector<16xf32>
      %max3A_297 = arith.constant 0.000000e+00 : f32
      %max3A_298 = vector.broadcast %max3A_297 : f32 to vector<16xf32>
      %max3A_299 = arith.maximumf %add3A_296, %max3A_298 : vector<16xf32>
      %swap3A_300 = arith.index_cast %add3A_256 : i32 to index
      %swap3A_301 = arith.constant 32 : index
      %swap3A_302 = tpu.vector_load %arg12[%swap3A_300, %swap3A_301] {strides = array<i32>} : memref<80x128xf32, #tpu.memory_space<vmem>>, vector<1x16xf32>,
      %swap3A_303 = vector.shape_cast %swap3A_302 : vector<1x16xf32> to vector<16xf32>
      %swap3A_304 = vector.shape_cast %max3A_299 : vector<16xf32> to vector<1x16xf32>
      tpu.vector_store %arg12[%swap3A_300, %swap3A_301], %swap3A_304 {strides = array<i32>} : memref<80x128xf32, #tpu.memory_space<vmem>>, vector<1x16xf32>,
      %get3A_305 = arith.index_cast %add3A_256 : i32 to index
      %get3A_306 = arith.constant 48 : index
      %get3A_307 = tpu.vector_load %arg12[%get3A_305, %get3A_306] {strides = array<i32>} : memref<80x128xf32, #tpu.memory_space<vmem>>, vector<1x16xf32>,
      %get3A_308 = vector.shape_cast %get3A_307 : vector<1x16xf32> to vector<16xf32>
      %get3A_309 = arith.index_cast %add3A_256 : i32 to index
      %get3A_310 = arith.constant 48 : index
      %get3A_311 = tpu.vector_load %arg14[%get3A_309, %get3A_310] {strides = array<i32>} : memref<80x128xf32, #tpu.memory_space<vmem>>, vector<1x16xf32>,
      %get3A_312 = vector.shape_cast %get3A_311 : vector<1x16xf32> to vector<16xf32>
      %add3A_313 = arith.addf %get3A_308, %get3A_312 : vector<16xf32>
      %max3A_314 = arith.constant 0.000000e+00 : f32
      %max3A_315 = vector.broadcast %max3A_314 : f32 to vector<16xf32>
      %max3A_316 = arith.maximumf %add3A_313, %max3A_315 : vector<16xf32>
      %swap3A_317 = arith.index_cast %add3A_256 : i32 to index
      %swap3A_318 = arith.constant 48 : index
      %swap3A_319 = tpu.vector_load %arg12[%swap3A_317, %swap3A_318] {strides = array<i32>} : memref<80x128xf32, #tpu.memory_space<vmem>>, vector<1x16xf32>,
      %swap3A_320 = vector.shape_cast %swap3A_319 : vector<1x16xf32> to vector<16xf32>
      %swap3A_321 = vector.shape_cast %max3A_316 : vector<16xf32> to vector<1x16xf32>
      tpu.vector_store %arg12[%swap3A_317, %swap3A_318], %swap3A_321 {strides = array<i32>} : memref<80x128xf32, #tpu.memory_space<vmem>>, vector<1x16xf32>,
      %get3A_322 = arith.index_cast %add3A_256 : i32 to index
      %get3A_323 = arith.constant 64 : index
      %get3A_324 = tpu.vector_load %arg12[%get3A_322, %get3A_323] {strides = array<i32>} : memref<80x128xf32, #tpu.memory_space<vmem>>, vector<1x16xf32>,
      %get3A_325 = vector.shape_cast %get3A_324 : vector<1x16xf32> to vector<16xf32>
      %get3A_326 = arith.index_cast %add3A_256 : i32 to index
      %get3A_327 = arith.constant 64 : index
      %get3A_328 = tpu.vector_load %arg14[%get3A_326, %get3A_327] {strides = array<i32>} : memref<80x128xf32, #tpu.memory_space<vmem>>, vector<1x16xf32>,
      %get3A_329 = vector.shape_cast %get3A_328 : vector<1x16xf32> to vector<16xf32>
      %add3A_330 = arith.addf %get3A_325, %get3A_329 : vector<16xf32>
      %max3A_331 = arith.constant 0.000000e+00 : f32
      %max3A_332 = vector.broadcast %max3A_331 : f32 to vector<16xf32>
      %max3A_333 = arith.maximumf %add3A_330, %max3A_332 : vector<16xf32>
      %swap3A_334 = arith.index_cast %add3A_256 : i32 to index
      %swap3A_335 = arith.constant 64 : index
      %swap3A_336 = tpu.vector_load %arg12[%swap3A_334, %swap3A_335] {strides = array<i32>} : memref<80x128xf32, #tpu.memory_space<vmem>>, vector<1x16xf32>,
      %swap3A_337 = vector.shape_cast %swap3A_336 : vector<1x16xf32> to vector<16xf32>
      %swap3A_338 = vector.shape_cast %max3A_333 : vector<16xf32> to vector<1x16xf32>
      tpu.vector_store %arg12[%swap3A_334, %swap3A_335], %swap3A_338 {strides = array<i32>} : memref<80x128xf32, #tpu.memory_space<vmem>>, vector<1x16xf32>,
      %get3A_339 = arith.index_cast %add3A_256 : i32 to index
      %get3A_340 = arith.constant 80 : index
      %get3A_341 = tpu.vector_load %arg12[%get3A_339, %get3A_340] {strides = array<i32>} : memref<80x128xf32, #tpu.memory_space<vmem>>, vector<1x16xf32>,
      %get3A_342 = vector.shape_cast %get3A_341 : vector<1x16xf32> to vector<16xf32>
      %get3A_343 = arith.index_cast %add3A_256 : i32 to index
      %get3A_344 = arith.constant 80 : index
      %get3A_345 = tpu.vector_load %arg14[%get3A_343, %get3A_344] {strides = array<i32>} : memref<80x128xf32, #tpu.memory_space<vmem>>, vector<1x16xf32>,
      %get3A_346 = vector.shape_cast %get3A_345 : vector<1x16xf32> to vector<16xf32>
      %add3A_347 = arith.addf %get3A_342, %get3A_346 : vector<16xf32>
      %max3A_348 = arith.constant 0.000000e+00 : f32
      %max3A_349 = vector.broadcast %max3A_348 : f32 to vector<16xf32>
      %max3A_350 = arith.maximumf %add3A_347, %max3A_349 : vector<16xf32>
      %swap3A_351 = arith.index_cast %add3A_256 : i32 to index
      %swap3A_352 = arith.constant 80 : index
      %swap3A_353 = tpu.vector_load %arg12[%swap3A_351, %swap3A_352] {strides = array<i32>} : memref<80x128xf32, #tpu.memory_space<vmem>>, vector<1x16xf32>,
      %swap3A_354 = vector.shape_cast %swap3A_353 : vector<1x16xf32> to vector<16xf32>
      %swap3A_355 = vector.shape_cast %max3A_350 : vector<16xf32> to vector<1x16xf32>
      tpu.vector_store %arg12[%swap3A_351, %swap3A_352], %swap3A_355 {strides = array<i32>} : memref<80x128xf32, #tpu.memory_space<vmem>>, vector<1x16xf32>,
      %get3A_356 = arith.index_cast %add3A_256 : i32 to index
      %get3A_357 = arith.constant 96 : index
      %get3A_358 = tpu.vector_load %arg12[%get3A_356, %get3A_357] {strides = array<i32>} : memref<80x128xf32, #tpu.memory_space<vmem>>, vector<1x16xf32>,
      %get3A_359 = vector.shape_cast %get3A_358 : vector<1x16xf32> to vector<16xf32>
      %get3A_360 = arith.index_cast %add3A_256 : i32 to index
      %get3A_361 = arith.constant 96 : index
      %get3A_362 = tpu.vector_load %arg14[%get3A_360, %get3A_361] {strides = array<i32>} : memref<80x128xf32, #tpu.memory_space<vmem>>, vector<1x16xf32>,
      %get3A_363 = vector.shape_cast %get3A_362 : vector<1x16xf32> to vector<16xf32>
      %add3A_364 = arith.addf %get3A_359, %get3A_363 : vector<16xf32>
      %max3A_365 = arith.constant 0.000000e+00 : f32
      %max3A_366 = vector.broadcast %max3A_365 : f32 to vector<16xf32>
      %max3A_367 = arith.maximumf %add3A_364, %max3A_366 : vector<16xf32>
      %swap3A_368 = arith.index_cast %add3A_256 : i32 to index
      %swap3A_369 = arith.constant 96 : index
      %swap3A_370 = tpu.vector_load %arg12[%swap3A_368, %swap3A_369] {strides = array<i32>} : memref<80x128xf32, #tpu.memory_space<vmem>>, vector<1x16xf32>,
      %swap3A_371 = vector.shape_cast %swap3A_370 : vector<1x16xf32> to vector<16xf32>
      %swap3A_372 = vector.shape_cast %max3A_367 : vector<16xf32> to vector<1x16xf32>
      tpu.vector_store %arg12[%swap3A_368, %swap3A_369], %swap3A_372 {strides = array<i32>} : memref<80x128xf32, #tpu.memory_space<vmem>>, vector<1x16xf32>,
      %get3A_373 = arith.index_cast %add3A_256 : i32 to index
      %get3A_374 = arith.constant 112 : index
      %get3A_375 = tpu.vector_load %arg12[%get3A_373, %get3A_374] {strides = array<i32>} : memref<80x128xf32, #tpu.memory_space<vmem>>, vector<1x16xf32>,
      %get3A_376 = vector.shape_cast %get3A_375 : vector<1x16xf32> to vector<16xf32>
      %get3A_377 = arith.index_cast %add3A_256 : i32 to index
      %get3A_378 = arith.constant 112 : index
      %get3A_379 = tpu.vector_load %arg14[%get3A_377, %get3A_378] {strides = array<i32>} : memref<80x128xf32, #tpu.memory_space<vmem>>, vector<1x16xf32>,
      %get3A_380 = vector.shape_cast %get3A_379 : vector<1x16xf32> to vector<16xf32>
      %add3A_381 = arith.addf %get3A_376, %get3A_380 : vector<16xf32>
      %max3A_382 = arith.constant 0.000000e+00 : f32
      %max3A_383 = vector.broadcast %max3A_382 : f32 to vector<16xf32>
      %max3A_384 = arith.maximumf %add3A_381, %max3A_383 : vector<16xf32>
      %swap3A_385 = arith.index_cast %add3A_256 : i32 to index
      %swap3A_386 = arith.constant 112 : index
      %swap3A_387 = tpu.vector_load %arg12[%swap3A_385, %swap3A_386] {strides = array<i32>} : memref<80x128xf32, #tpu.memory_space<vmem>>, vector<1x16xf32>,
      %swap3A_388 = vector.shape_cast %swap3A_387 : vector<1x16xf32> to vector<16xf32>
      %swap3A_389 = vector.shape_cast %max3A_384 : vector<16xf32> to vector<1x16xf32>
      tpu.vector_store %arg12[%swap3A_385, %swap3A_386], %swap3A_389 {strides = array<i32>} : memref<80x128xf32, #tpu.memory_space<vmem>>, vector<1x16xf32>,
    }
    %scan3A_126 = arith.constant 80 : i32
    %add3A_127 = arith.constant 9840 : i32
    %add3A_128 = arith.addi %mul3A_24, %add3A_127 : i32
    %dma_start3A_129 = tpu.memref_slice %arg3[%add3A_128] : memref<320000xi32, #tpu.memory_space<hbm>> -> memref<80xi32, #tpu.memory_space<hbm>>
    %dma_start3A_130 = tpu.memref_slice %arg3[%add3A_128] : memref<320000xi32, #tpu.memory_space<hbm>> -> memref<80xi32, #tpu.memory_space<hbm>>
    tpu.enqueue_dma source(%dma_start3A_130 : memref<80xi32, #tpu.memory_space<hbm>>) target(%arg8 : memref<80xi32, #tpu.memory_space<vmem>>) target_semaphore(%arg16 : memref<!tpu.dma_semaphore, #tpu.memory_space<semaphore_mem>>)
    %add3A_131 = arith.constant 9680 : i32
    %add3A_132 = arith.addi %mul3A_24, %add3A_131 : i32
    %dma_wait3A_133 = tpu.memref_slice %arg4[%add3A_132] : memref<320000xi32, #tpu.memory_space<hbm>> -> memref<80xi32, #tpu.memory_space<hbm>>
    %dma_wait3A_134 = tpu.memref_slice %arg4[%add3A_132] : memref<320000xi32, #tpu.memory_space<hbm>> -> memref<80xi32, #tpu.memory_space<hbm>>
    tpu.wait_dma2 semaphore(%arg18 : memref<!tpu.dma_semaphore, #tpu.memory_space<semaphore_mem>>) src(%dma_wait3A_134 : memref<80xi32, #tpu.memory_space<hbm>>) dst(%arg10 : memref<80xi32, #tpu.memory_space<vmem>>)
    %dma_start3A_135 = arith.constant 0 : i32
    %dma_start3A_136 = arith.constant 0 : i32
    %dma_start3A_137 = tpu.memref_slice %arg25[%dma_start3A_135, %dma_start3A_136] : memref<10240x128xf32, #tpu.memory_space<vmem_shared>> -> memref<10240x128xf32, #tpu.memory_space<vmem_shared>>
    tpu.enqueue_indirect_dma source(%arg12 : memref<80x128xf32, #tpu.memory_space<vmem>>) target(%dma_start3A_137 : memref<10240x128xf32, #tpu.memory_space<vmem_shared>>) offsets(%arg10 : memref<80xi32, #tpu.memory_space<vmem>>) semaphore(%arg24 : memref<!tpu.dma_semaphore, #tpu.memory_space<semaphore_mem>>) {add = true}
    %dma_wait3A_138 = arith.constant 0 : i32
    %dma_wait3A_139 = arith.constant 0 : i32
    %dma_wait3A_140 = tpu.memref_slice %arg25[%dma_wait3A_138, %dma_wait3A_139] : memref<10240x128xf32, #tpu.memory_space<vmem_shared>> -> memref<10240x128xf32, #tpu.memory_space<vmem_shared>>
    tpu.wait_indirect_dma semaphore(%arg24 : memref<!tpu.dma_semaphore, #tpu.memory_space<semaphore_mem>>) src(%arg12 : memref<80x128xf32, #tpu.memory_space<vmem>>) dst(%dma_wait3A_140 : memref<10240x128xf32, #tpu.memory_space<vmem_shared>>)
    %add3A_141 = arith.constant 9840 : i32
    %add3A_142 = arith.addi %mul3A_24, %add3A_141 : i32
    %dma_start3A_143 = tpu.memref_slice %arg4[%add3A_142] : memref<320000xi32, #tpu.memory_space<hbm>> -> memref<80xi32, #tpu.memory_space<hbm>>
    %dma_start3A_144 = tpu.memref_slice %arg4[%add3A_142] : memref<320000xi32, #tpu.memory_space<hbm>> -> memref<80xi32, #tpu.memory_space<hbm>>
    tpu.enqueue_dma source(%dma_start3A_144 : memref<80xi32, #tpu.memory_space<hbm>>) target(%arg10 : memref<80xi32, #tpu.memory_space<vmem>>) target_semaphore(%arg18 : memref<!tpu.dma_semaphore, #tpu.memory_space<semaphore_mem>>)
    %add3A_145 = arith.constant 9840 : i32
    %add3A_146 = arith.addi %mul3A_24, %add3A_145 : i32
    %dma_wait3A_147 = tpu.memref_slice %arg3[%add3A_146] : memref<320000xi32, #tpu.memory_space<hbm>> -> memref<80xi32, #tpu.memory_space<hbm>>
    %dma_wait3A_148 = tpu.memref_slice %arg3[%add3A_146] : memref<320000xi32, #tpu.memory_space<hbm>> -> memref<80xi32, #tpu.memory_space<hbm>>
    tpu.wait_dma2 semaphore(%arg16 : memref<!tpu.dma_semaphore, #tpu.memory_space<semaphore_mem>>) src(%dma_wait3A_148 : memref<80xi32, #tpu.memory_space<hbm>>) dst(%arg8 : memref<80xi32, #tpu.memory_space<vmem>>)
    %dma_start3A_149 = arith.constant 0 : i32
    %dma_start3A_150 = arith.constant 0 : i32
    %dma_start3A_151 = tpu.memref_slice %arg2[%dma_start3A_149, %dma_start3A_150] : memref<10000x128xf32, #tpu.memory_space<hbm>> -> memref<10000x128xf32, #tpu.memory_space<hbm>>
    tpu.enqueue_indirect_dma source(%dma_start3A_151 : memref<10000x128xf32, #tpu.memory_space<hbm>>) target(%arg12 : memref<80x128xf32, #tpu.memory_space<vmem>>) offsets(%arg8 : memref<80xi32, #tpu.memory_space<vmem>>) semaphore(%arg20 : memref<!tpu.dma_semaphore, #tpu.memory_space<semaphore_mem>>)
    %add3A_152 = arith.constant 9840 : i32
    %add3A_153 = arith.addi %mul3A_24, %add3A_152 : i32
    %dma_start3A_154 = arith.constant 0 : i32
    %dma_start3A_155 = tpu.memref_slice %arg5[%add3A_153, %dma_start3A_154] : memref<320000x128xf32, #tpu.memory_space<hbm>> -> memref<80x128xf32, #tpu.memory_space<hbm>>
    %dma_start3A_156 = arith.constant 0 : i32
    %dma_start3A_157 = tpu.memref_slice %arg5[%add3A_153, %dma_start3A_156] : memref<320000x128xf32, #tpu.memory_space<hbm>> -> memref<80x128xf32, #tpu.memory_space<hbm>>
    tpu.enqueue_dma source(%dma_start3A_157 : memref<80x128xf32, #tpu.memory_space<hbm>>) target(%arg14 : memref<80x128xf32, #tpu.memory_space<vmem>>) target_semaphore(%arg22 : memref<!tpu.dma_semaphore, #tpu.memory_space<semaphore_mem>>)
    %dma_wait3A_158 = arith.constant 0 : i32
    %dma_wait3A_159 = arith.constant 0 : i32
    %dma_wait3A_160 = tpu.memref_slice %arg2[%dma_wait3A_158, %dma_wait3A_159] : memref<10000x128xf32, #tpu.memory_space<hbm>> -> memref<10000x128xf32, #tpu.memory_space<hbm>>
    tpu.wait_indirect_dma semaphore(%arg19 : memref<!tpu.dma_semaphore, #tpu.memory_space<semaphore_mem>>) src(%dma_wait3A_160 : memref<10000x128xf32, #tpu.memory_space<hbm>>) dst(%arg11 : memref<80x128xf32, #tpu.memory_space<vmem>>)
    %add3A_161 = arith.constant 9760 : i32
    %add3A_162 = arith.addi %mul3A_24, %add3A_161 : i32
    %dma_wait3A_163 = arith.constant 0 : i32
    %dma_wait3A_164 = tpu.memref_slice %arg5[%add3A_162, %dma_wait3A_163] : memref<320000x128xf32, #tpu.memory_space<hbm>> -> memref<80x128xf32, #tpu.memory_space<hbm>>
    %dma_wait3A_165 = arith.constant 0 : i32
    %dma_wait3A_166 = tpu.memref_slice %arg5[%add3A_162, %dma_wait3A_165] : memref<320000x128xf32, #tpu.memory_space<hbm>> -> memref<80x128xf32, #tpu.memory_space<hbm>>
    tpu.wait_dma2 semaphore(%arg21 : memref<!tpu.dma_semaphore, #tpu.memory_space<semaphore_mem>>) src(%dma_wait3A_166 : memref<80x128xf32, #tpu.memory_space<hbm>>) dst(%arg13 : memref<80x128xf32, #tpu.memory_space<vmem>>)
    %scan3A_167 = arith.constant 0 : i32
    %scan3A_168 = arith.constant 80 : i32
    %scan3A_169 = arith.addi %scan3A_167, %scan3A_168 : i32
    %scan3A_170 = arith.constant 1 : i32
    scf.for %scan3A_252 = %scan3A_167 to %scan3A_169 step %scan3A_170  : i32 {
      %mul3A_253 = arith.constant 1 : i32
      %mul3A_254 = arith.muli %scan3A_252, %mul3A_253 : i32
      %add3A_255 = arith.constant 0 : i32
      %add3A_256 = arith.addi %add3A_255, %mul3A_254 : i32
      %get3A = arith.index_cast %add3A_256 : i32 to index
      %get3A_257 = arith.constant 0 : index
      %get3A_258 = tpu.vector_load %arg11[%get3A, %get3A_257] {strides = array<i32>} : memref<80x128xf32, #tpu.memory_space<vmem>>, vector<1x16xf32>,
      %get3A_259 = vector.shape_cast %get3A_258 : vector<1x16xf32> to vector<16xf32>
      %get3A_260 = arith.index_cast %add3A_256 : i32 to index
      %get3A_261 = arith.constant 0 : index
      %get3A_262 = tpu.vector_load %arg13[%get3A_260, %get3A_261] {strides = array<i32>} : memref<80x128xf32, #tpu.memory_space<vmem>>, vector<1x16xf32>,
      %get3A_263 = vector.shape_cast %get3A_262 : vector<1x16xf32> to vector<16xf32>
      %add3A_264 = arith.addf %get3A_259, %get3A_263 : vector<16xf32>
      %max3A = arith.constant 0.000000e+00 : f32
      %max3A_265 = vector.broadcast %max3A : f32 to vector<16xf32>
      %max3A_266 = arith.maximumf %add3A_264, %max3A_265 : vector<16xf32>
      %swap3A = arith.index_cast %add3A_256 : i32 to index
      %swap3A_267 = arith.constant 0 : index
      %swap3A_268 = tpu.vector_load %arg11[%swap3A, %swap3A_267] {strides = array<i32>} : memref<80x128xf32, #tpu.memory_space<vmem>>, vector<1x16xf32>,
      %swap3A_269 = vector.shape_cast %swap3A_268 : vector<1x16xf32> to vector<16xf32>
      %swap3A_270 = vector.shape_cast %max3A_266 : vector<16xf32> to vector<1x16xf32>
      tpu.vector_store %arg11[%swap3A, %swap3A_267], %swap3A_270 {strides = array<i32>} : memref<80x128xf32, #tpu.memory_space<vmem>>, vector<1x16xf32>,
      %get3A_271 = arith.index_cast %add3A_256 : i32 to index
      %get3A_272 = arith.constant 16 : index
      %get3A_273 = tpu.vector_load %arg11[%get3A_271, %get3A_272] {strides = array<i32>} : memref<80x128xf32, #tpu.memory_space<vmem>>, vector<1x16xf32>,
      %get3A_274 = vector.shape_cast %get3A_273 : vector<1x16xf32> to vector<16xf32>
      %get3A_275 = arith.index_cast %add3A_256 : i32 to index
      %get3A_276 = arith.constant 16 : index
      %get3A_277 = tpu.vector_load %arg13[%get3A_275, %get3A_276] {strides = array<i32>} : memref<80x128xf32, #tpu.memory_space<vmem>>, vector<1x16xf32>,
      %get3A_278 = vector.shape_cast %get3A_277 : vector<1x16xf32> to vector<16xf32>
      %add3A_279 = arith.addf %get3A_274, %get3A_278 : vector<16xf32>
      %max3A_280 = arith.constant 0.000000e+00 : f32
      %max3A_281 = vector.broadcast %max3A_280 : f32 to vector<16xf32>
      %max3A_282 = arith.maximumf %add3A_279, %max3A_281 : vector<16xf32>
      %swap3A_283 = arith.index_cast %add3A_256 : i32 to index
      %swap3A_284 = arith.constant 16 : index
      %swap3A_285 = tpu.vector_load %arg11[%swap3A_283, %swap3A_284] {strides = array<i32>} : memref<80x128xf32, #tpu.memory_space<vmem>>, vector<1x16xf32>,
      %swap3A_286 = vector.shape_cast %swap3A_285 : vector<1x16xf32> to vector<16xf32>
      %swap3A_287 = vector.shape_cast %max3A_282 : vector<16xf32> to vector<1x16xf32>
      tpu.vector_store %arg11[%swap3A_283, %swap3A_284], %swap3A_287 {strides = array<i32>} : memref<80x128xf32, #tpu.memory_space<vmem>>, vector<1x16xf32>,
      %get3A_288 = arith.index_cast %add3A_256 : i32 to index
      %get3A_289 = arith.constant 32 : index
      %get3A_290 = tpu.vector_load %arg11[%get3A_288, %get3A_289] {strides = array<i32>} : memref<80x128xf32, #tpu.memory_space<vmem>>, vector<1x16xf32>,
      %get3A_291 = vector.shape_cast %get3A_290 : vector<1x16xf32> to vector<16xf32>
      %get3A_292 = arith.index_cast %add3A_256 : i32 to index
      %get3A_293 = arith.constant 32 : index
      %get3A_294 = tpu.vector_load %arg13[%get3A_292, %get3A_293] {strides = array<i32>} : memref<80x128xf32, #tpu.memory_space<vmem>>, vector<1x16xf32>,
      %get3A_295 = vector.shape_cast %get3A_294 : vector<1x16xf32> to vector<16xf32>
      %add3A_296 = arith.addf %get3A_291, %get3A_295 : vector<16xf32>
      %max3A_297 = arith.constant 0.000000e+00 : f32
      %max3A_298 = vector.broadcast %max3A_297 : f32 to vector<16xf32>
      %max3A_299 = arith.maximumf %add3A_296, %max3A_298 : vector<16xf32>
      %swap3A_300 = arith.index_cast %add3A_256 : i32 to index
      %swap3A_301 = arith.constant 32 : index
      %swap3A_302 = tpu.vector_load %arg11[%swap3A_300, %swap3A_301] {strides = array<i32>} : memref<80x128xf32, #tpu.memory_space<vmem>>, vector<1x16xf32>,
      %swap3A_303 = vector.shape_cast %swap3A_302 : vector<1x16xf32> to vector<16xf32>
      %swap3A_304 = vector.shape_cast %max3A_299 : vector<16xf32> to vector<1x16xf32>
      tpu.vector_store %arg11[%swap3A_300, %swap3A_301], %swap3A_304 {strides = array<i32>} : memref<80x128xf32, #tpu.memory_space<vmem>>, vector<1x16xf32>,
      %get3A_305 = arith.index_cast %add3A_256 : i32 to index
      %get3A_306 = arith.constant 48 : index
      %get3A_307 = tpu.vector_load %arg11[%get3A_305, %get3A_306] {strides = array<i32>} : memref<80x128xf32, #tpu.memory_space<vmem>>, vector<1x16xf32>,
      %get3A_308 = vector.shape_cast %get3A_307 : vector<1x16xf32> to vector<16xf32>
      %get3A_309 = arith.index_cast %add3A_256 : i32 to index
      %get3A_310 = arith.constant 48 : index
      %get3A_311 = tpu.vector_load %arg13[%get3A_309, %get3A_310] {strides = array<i32>} : memref<80x128xf32, #tpu.memory_space<vmem>>, vector<1x16xf32>,
      %get3A_312 = vector.shape_cast %get3A_311 : vector<1x16xf32> to vector<16xf32>
      %add3A_313 = arith.addf %get3A_308, %get3A_312 : vector<16xf32>
      %max3A_314 = arith.constant 0.000000e+00 : f32
      %max3A_315 = vector.broadcast %max3A_314 : f32 to vector<16xf32>
      %max3A_316 = arith.maximumf %add3A_313, %max3A_315 : vector<16xf32>
      %swap3A_317 = arith.index_cast %add3A_256 : i32 to index
      %swap3A_318 = arith.constant 48 : index
      %swap3A_319 = tpu.vector_load %arg11[%swap3A_317, %swap3A_318] {strides = array<i32>} : memref<80x128xf32, #tpu.memory_space<vmem>>, vector<1x16xf32>,
      %swap3A_320 = vector.shape_cast %swap3A_319 : vector<1x16xf32> to vector<16xf32>
      %swap3A_321 = vector.shape_cast %max3A_316 : vector<16xf32> to vector<1x16xf32>
      tpu.vector_store %arg11[%swap3A_317, %swap3A_318], %swap3A_321 {strides = array<i32>} : memref<80x128xf32, #tpu.memory_space<vmem>>, vector<1x16xf32>,
      %get3A_322 = arith.index_cast %add3A_256 : i32 to index
      %get3A_323 = arith.constant 64 : index
      %get3A_324 = tpu.vector_load %arg11[%get3A_322, %get3A_323] {strides = array<i32>} : memref<80x128xf32, #tpu.memory_space<vmem>>, vector<1x16xf32>,
      %get3A_325 = vector.shape_cast %get3A_324 : vector<1x16xf32> to vector<16xf32>
      %get3A_326 = arith.index_cast %add3A_256 : i32 to index
      %get3A_327 = arith.constant 64 : index
      %get3A_328 = tpu.vector_load %arg13[%get3A_326, %get3A_327] {strides = array<i32>} : memref<80x128xf32, #tpu.memory_space<vmem>>, vector<1x16xf32>,
      %get3A_329 = vector.shape_cast %get3A_328 : vector<1x16xf32> to vector<16xf32>
      %add3A_330 = arith.addf %get3A_325, %get3A_329 : vector<16xf32>
      %max3A_331 = arith.constant 0.000000e+00 : f32
      %max3A_332 = vector.broadcast %max3A_331 : f32 to vector<16xf32>
      %max3A_333 = arith.maximumf %add3A_330, %max3A_332 : vector<16xf32>
      %swap3A_334 = arith.index_cast %add3A_256 : i32 to index
      %swap3A_335 = arith.constant 64 : index
      %swap3A_336 = tpu.vector_load %arg11[%swap3A_334, %swap3A_335] {strides = array<i32>} : memref<80x128xf32, #tpu.memory_space<vmem>>, vector<1x16xf32>,
      %swap3A_337 = vector.shape_cast %swap3A_336 : vector<1x16xf32> to vector<16xf32>
      %swap3A_338 = vector.shape_cast %max3A_333 : vector<16xf32> to vector<1x16xf32>
      tpu.vector_store %arg11[%swap3A_334, %swap3A_335], %swap3A_338 {strides = array<i32>} : memref<80x128xf32, #tpu.memory_space<vmem>>, vector<1x16xf32>,
      %get3A_339 = arith.index_cast %add3A_256 : i32 to index
      %get3A_340 = arith.constant 80 : index
      %get3A_341 = tpu.vector_load %arg11[%get3A_339, %get3A_340] {strides = array<i32>} : memref<80x128xf32, #tpu.memory_space<vmem>>, vector<1x16xf32>,
      %get3A_342 = vector.shape_cast %get3A_341 : vector<1x16xf32> to vector<16xf32>
      %get3A_343 = arith.index_cast %add3A_256 : i32 to index
      %get3A_344 = arith.constant 80 : index
      %get3A_345 = tpu.vector_load %arg13[%get3A_343, %get3A_344] {strides = array<i32>} : memref<80x128xf32, #tpu.memory_space<vmem>>, vector<1x16xf32>,
      %get3A_346 = vector.shape_cast %get3A_345 : vector<1x16xf32> to vector<16xf32>
      %add3A_347 = arith.addf %get3A_342, %get3A_346 : vector<16xf32>
      %max3A_348 = arith.constant 0.000000e+00 : f32
      %max3A_349 = vector.broadcast %max3A_348 : f32 to vector<16xf32>
      %max3A_350 = arith.maximumf %add3A_347, %max3A_349 : vector<16xf32>
      %swap3A_351 = arith.index_cast %add3A_256 : i32 to index
      %swap3A_352 = arith.constant 80 : index
      %swap3A_353 = tpu.vector_load %arg11[%swap3A_351, %swap3A_352] {strides = array<i32>} : memref<80x128xf32, #tpu.memory_space<vmem>>, vector<1x16xf32>,
      %swap3A_354 = vector.shape_cast %swap3A_353 : vector<1x16xf32> to vector<16xf32>
      %swap3A_355 = vector.shape_cast %max3A_350 : vector<16xf32> to vector<1x16xf32>
      tpu.vector_store %arg11[%swap3A_351, %swap3A_352], %swap3A_355 {strides = array<i32>} : memref<80x128xf32, #tpu.memory_space<vmem>>, vector<1x16xf32>,
      %get3A_356 = arith.index_cast %add3A_256 : i32 to index
      %get3A_357 = arith.constant 96 : index
      %get3A_358 = tpu.vector_load %arg11[%get3A_356, %get3A_357] {strides = array<i32>} : memref<80x128xf32, #tpu.memory_space<vmem>>, vector<1x16xf32>,
      %get3A_359 = vector.shape_cast %get3A_358 : vector<1x16xf32> to vector<16xf32>
      %get3A_360 = arith.index_cast %add3A_256 : i32 to index
      %get3A_361 = arith.constant 96 : index
      %get3A_362 = tpu.vector_load %arg13[%get3A_360, %get3A_361] {strides = array<i32>} : memref<80x128xf32, #tpu.memory_space<vmem>>, vector<1x16xf32>,
      %get3A_363 = vector.shape_cast %get3A_362 : vector<1x16xf32> to vector<16xf32>
      %add3A_364 = arith.addf %get3A_359, %get3A_363 : vector<16xf32>
      %max3A_365 = arith.constant 0.000000e+00 : f32
      %max3A_366 = vector.broadcast %max3A_365 : f32 to vector<16xf32>
      %max3A_367 = arith.maximumf %add3A_364, %max3A_366 : vector<16xf32>
      %swap3A_368 = arith.index_cast %add3A_256 : i32 to index
      %swap3A_369 = arith.constant 96 : index
      %swap3A_370 = tpu.vector_load %arg11[%swap3A_368, %swap3A_369] {strides = array<i32>} : memref<80x128xf32, #tpu.memory_space<vmem>>, vector<1x16xf32>,
      %swap3A_371 = vector.shape_cast %swap3A_370 : vector<1x16xf32> to vector<16xf32>
      %swap3A_372 = vector.shape_cast %max3A_367 : vector<16xf32> to vector<1x16xf32>
      tpu.vector_store %arg11[%swap3A_368, %swap3A_369], %swap3A_372 {strides = array<i32>} : memref<80x128xf32, #tpu.memory_space<vmem>>, vector<1x16xf32>,
      %get3A_373 = arith.index_cast %add3A_256 : i32 to index
      %get3A_374 = arith.constant 112 : index
      %get3A_375 = tpu.vector_load %arg11[%get3A_373, %get3A_374] {strides = array<i32>} : memref<80x128xf32, #tpu.memory_space<vmem>>, vector<1x16xf32>,
      %get3A_376 = vector.shape_cast %get3A_375 : vector<1x16xf32> to vector<16xf32>
      %get3A_377 = arith.index_cast %add3A_256 : i32 to index
      %get3A_378 = arith.constant 112 : index
      %get3A_379 = tpu.vector_load %arg13[%get3A_377, %get3A_378] {strides = array<i32>} : memref<80x128xf32, #tpu.memory_space<vmem>>, vector<1x16xf32>,
      %get3A_380 = vector.shape_cast %get3A_379 : vector<1x16xf32> to vector<16xf32>
      %add3A_381 = arith.addf %get3A_376, %get3A_380 : vector<16xf32>
      %max3A_382 = arith.constant 0.000000e+00 : f32
      %max3A_383 = vector.broadcast %max3A_382 : f32 to vector<16xf32>
      %max3A_384 = arith.maximumf %add3A_381, %max3A_383 : vector<16xf32>
      %swap3A_385 = arith.index_cast %add3A_256 : i32 to index
      %swap3A_386 = arith.constant 112 : index
      %swap3A_387 = tpu.vector_load %arg11[%swap3A_385, %swap3A_386] {strides = array<i32>} : memref<80x128xf32, #tpu.memory_space<vmem>>, vector<1x16xf32>,
      %swap3A_388 = vector.shape_cast %swap3A_387 : vector<1x16xf32> to vector<16xf32>
      %swap3A_389 = vector.shape_cast %max3A_384 : vector<16xf32> to vector<1x16xf32>
      tpu.vector_store %arg11[%swap3A_385, %swap3A_386], %swap3A_389 {strides = array<i32>} : memref<80x128xf32, #tpu.memory_space<vmem>>, vector<1x16xf32>,
    }
    %scan3A_171 = arith.constant 80 : i32
    %add3A_172 = arith.constant 9920 : i32
    %add3A_173 = arith.addi %mul3A_24, %add3A_172 : i32
    %dma_start3A_174 = tpu.memref_slice %arg3[%add3A_173] : memref<320000xi32, #tpu.memory_space<hbm>> -> memref<80xi32, #tpu.memory_space<hbm>>
    %dma_start3A_175 = tpu.memref_slice %arg3[%add3A_173] : memref<320000xi32, #tpu.memory_space<hbm>> -> memref<80xi32, #tpu.memory_space<hbm>>
    tpu.enqueue_dma source(%dma_start3A_175 : memref<80xi32, #tpu.memory_space<hbm>>) target(%arg7 : memref<80xi32, #tpu.memory_space<vmem>>) target_semaphore(%arg15 : memref<!tpu.dma_semaphore, #tpu.memory_space<semaphore_mem>>)
    %add3A_176 = arith.constant 9760 : i32
    %add3A_177 = arith.addi %mul3A_24, %add3A_176 : i32
    %dma_wait3A_178 = tpu.memref_slice %arg4[%add3A_177] : memref<320000xi32, #tpu.memory_space<hbm>> -> memref<80xi32, #tpu.memory_space<hbm>>
    %dma_wait3A_179 = tpu.memref_slice %arg4[%add3A_177] : memref<320000xi32, #tpu.memory_space<hbm>> -> memref<80xi32, #tpu.memory_space<hbm>>
    tpu.wait_dma2 semaphore(%arg17 : memref<!tpu.dma_semaphore, #tpu.memory_space<semaphore_mem>>) src(%dma_wait3A_179 : memref<80xi32, #tpu.memory_space<hbm>>) dst(%arg9 : memref<80xi32, #tpu.memory_space<vmem>>)
    %dma_start3A_180 = arith.constant 0 : i32
    %dma_start3A_181 = arith.constant 0 : i32
    %dma_start3A_182 = tpu.memref_slice %arg25[%dma_start3A_180, %dma_start3A_181] : memref<10240x128xf32, #tpu.memory_space<vmem_shared>> -> memref<10240x128xf32, #tpu.memory_space<vmem_shared>>
    tpu.enqueue_indirect_dma source(%arg11 : memref<80x128xf32, #tpu.memory_space<vmem>>) target(%dma_start3A_182 : memref<10240x128xf32, #tpu.memory_space<vmem_shared>>) offsets(%arg9 : memref<80xi32, #tpu.memory_space<vmem>>) semaphore(%arg23 : memref<!tpu.dma_semaphore, #tpu.memory_space<semaphore_mem>>) {add = true}
    %dma_wait3A_183 = arith.constant 0 : i32
    %dma_wait3A_184 = arith.constant 0 : i32
    %dma_wait3A_185 = tpu.memref_slice %arg25[%dma_wait3A_183, %dma_wait3A_184] : memref<10240x128xf32, #tpu.memory_space<vmem_shared>> -> memref<10240x128xf32, #tpu.memory_space<vmem_shared>>
    tpu.wait_indirect_dma semaphore(%arg23 : memref<!tpu.dma_semaphore, #tpu.memory_space<semaphore_mem>>) src(%arg11 : memref<80x128xf32, #tpu.memory_space<vmem>>) dst(%dma_wait3A_185 : memref<10240x128xf32, #tpu.memory_space<vmem_shared>>)
    %add3A_186 = arith.constant 9920 : i32
    %add3A_187 = arith.addi %mul3A_24, %add3A_186 : i32
    %dma_start3A_188 = tpu.memref_slice %arg4[%add3A_187] : memref<320000xi32, #tpu.memory_space<hbm>> -> memref<80xi32, #tpu.memory_space<hbm>>
    %dma_start3A_189 = tpu.memref_slice %arg4[%add3A_187] : memref<320000xi32, #tpu.memory_space<hbm>> -> memref<80xi32, #tpu.memory_space<hbm>>
    tpu.enqueue_dma source(%dma_start3A_189 : memref<80xi32, #tpu.memory_space<hbm>>) target(%arg9 : memref<80xi32, #tpu.memory_space<vmem>>) target_semaphore(%arg17 : memref<!tpu.dma_semaphore, #tpu.memory_space<semaphore_mem>>)
    %add3A_190 = arith.constant 9920 : i32
    %add3A_191 = arith.addi %mul3A_24, %add3A_190 : i32
    %dma_wait3A_192 = tpu.memref_slice %arg3[%add3A_191] : memref<320000xi32, #tpu.memory_space<hbm>> -> memref<80xi32, #tpu.memory_space<hbm>>
    %dma_wait3A_193 = tpu.memref_slice %arg3[%add3A_191] : memref<320000xi32, #tpu.memory_space<hbm>> -> memref<80xi32, #tpu.memory_space<hbm>>
    tpu.wait_dma2 semaphore(%arg15 : memref<!tpu.dma_semaphore, #tpu.memory_space<semaphore_mem>>) src(%dma_wait3A_193 : memref<80xi32, #tpu.memory_space<hbm>>) dst(%arg7 : memref<80xi32, #tpu.memory_space<vmem>>)
    %dma_start3A_194 = arith.constant 0 : i32
    %dma_start3A_195 = arith.constant 0 : i32
    %dma_start3A_196 = tpu.memref_slice %arg2[%dma_start3A_194, %dma_start3A_195] : memref<10000x128xf32, #tpu.memory_space<hbm>> -> memref<10000x128xf32, #tpu.memory_space<hbm>>
    tpu.enqueue_indirect_dma source(%dma_start3A_196 : memref<10000x128xf32, #tpu.memory_space<hbm>>) target(%arg11 : memref<80x128xf32, #tpu.memory_space<vmem>>) offsets(%arg7 : memref<80xi32, #tpu.memory_space<vmem>>) semaphore(%arg19 : memref<!tpu.dma_semaphore, #tpu.memory_space<semaphore_mem>>)
    %add3A_197 = arith.constant 9920 : i32
    %add3A_198 = arith.addi %mul3A_24, %add3A_197 : i32
    %dma_start3A_199 = arith.constant 0 : i32
    %dma_start3A_200 = tpu.memref_slice %arg5[%add3A_198, %dma_start3A_199] : memref<320000x128xf32, #tpu.memory_space<hbm>> -> memref<80x128xf32, #tpu.memory_space<hbm>>
    %dma_start3A_201 = arith.constant 0 : i32
    %dma_start3A_202 = tpu.memref_slice %arg5[%add3A_198, %dma_start3A_201] : memref<320000x128xf32, #tpu.memory_space<hbm>> -> memref<80x128xf32, #tpu.memory_space<hbm>>
    tpu.enqueue_dma source(%dma_start3A_202 : memref<80x128xf32, #tpu.memory_space<hbm>>) target(%arg13 : memref<80x128xf32, #tpu.memory_space<vmem>>) target_semaphore(%arg21 : memref<!tpu.dma_semaphore, #tpu.memory_space<semaphore_mem>>)
    %dma_wait3A_203 = arith.constant 0 : i32
    %dma_wait3A_204 = arith.constant 0 : i32
    %dma_wait3A_205 = tpu.memref_slice %arg2[%dma_wait3A_203, %dma_wait3A_204] : memref<10000x128xf32, #tpu.memory_space<hbm>> -> memref<10000x128xf32, #tpu.memory_space<hbm>>
    tpu.wait_indirect_dma semaphore(%arg20 : memref<!tpu.dma_semaphore, #tpu.memory_space<semaphore_mem>>) src(%dma_wait3A_205 : memref<10000x128xf32, #tpu.memory_space<hbm>>) dst(%arg12 : memref<80x128xf32, #tpu.memory_space<vmem>>)
    %add3A_206 = arith.constant 9840 : i32
    %add3A_207 = arith.addi %mul3A_24, %add3A_206 : i32
    %dma_wait3A_208 = arith.constant 0 : i32
    %dma_wait3A_209 = tpu.memref_slice %arg5[%add3A_207, %dma_wait3A_208] : memref<320000x128xf32, #tpu.memory_space<hbm>> -> memref<80x128xf32, #tpu.memory_space<hbm>>
    %dma_wait3A_210 = arith.constant 0 : i32
    %dma_wait3A_211 = tpu.memref_slice %arg5[%add3A_207, %dma_wait3A_210] : memref<320000x128xf32, #tpu.memory_space<hbm>> -> memref<80x128xf32, #tpu.memory_space<hbm>>
    tpu.wait_dma2 semaphore(%arg22 : memref<!tpu.dma_semaphore, #tpu.memory_space<semaphore_mem>>) src(%dma_wait3A_211 : memref<80x128xf32, #tpu.memory_space<hbm>>) dst(%arg14 : memref<80x128xf32, #tpu.memory_space<vmem>>)
    %scan3A_212 = arith.constant 0 : i32
    %scan3A_213 = arith.constant 80 : i32
    %scan3A_214 = arith.addi %scan3A_212, %scan3A_213 : i32
    %scan3A_215 = arith.constant 1 : i32
    scf.for %scan3A_252 = %scan3A_212 to %scan3A_214 step %scan3A_215  : i32 {
      %mul3A_253 = arith.constant 1 : i32
      %mul3A_254 = arith.muli %scan3A_252, %mul3A_253 : i32
      %add3A_255 = arith.constant 0 : i32
      %add3A_256 = arith.addi %add3A_255, %mul3A_254 : i32
      %get3A = arith.index_cast %add3A_256 : i32 to index
      %get3A_257 = arith.constant 0 : index
      %get3A_258 = tpu.vector_load %arg12[%get3A, %get3A_257] {strides = array<i32>} : memref<80x128xf32, #tpu.memory_space<vmem>>, vector<1x16xf32>,
      %get3A_259 = vector.shape_cast %get3A_258 : vector<1x16xf32> to vector<16xf32>
      %get3A_260 = arith.index_cast %add3A_256 : i32 to index
      %get3A_261 = arith.constant 0 : index
      %get3A_262 = tpu.vector_load %arg14[%get3A_260, %get3A_261] {strides = array<i32>} : memref<80x128xf32, #tpu.memory_space<vmem>>, vector<1x16xf32>,
      %get3A_263 = vector.shape_cast %get3A_262 : vector<1x16xf32> to vector<16xf32>
      %add3A_264 = arith.addf %get3A_259, %get3A_263 : vector<16xf32>
      %max3A = arith.constant 0.000000e+00 : f32
      %max3A_265 = vector.broadcast %max3A : f32 to vector<16xf32>
      %max3A_266 = arith.maximumf %add3A_264, %max3A_265 : vector<16xf32>
      %swap3A = arith.index_cast %add3A_256 : i32 to index
      %swap3A_267 = arith.constant 0 : index
      %swap3A_268 = tpu.vector_load %arg12[%swap3A, %swap3A_267] {strides = array<i32>} : memref<80x128xf32, #tpu.memory_space<vmem>>, vector<1x16xf32>,
      %swap3A_269 = vector.shape_cast %swap3A_268 : vector<1x16xf32> to vector<16xf32>
      %swap3A_270 = vector.shape_cast %max3A_266 : vector<16xf32> to vector<1x16xf32>
      tpu.vector_store %arg12[%swap3A, %swap3A_267], %swap3A_270 {strides = array<i32>} : memref<80x128xf32, #tpu.memory_space<vmem>>, vector<1x16xf32>,
      %get3A_271 = arith.index_cast %add3A_256 : i32 to index
      %get3A_272 = arith.constant 16 : index
      %get3A_273 = tpu.vector_load %arg12[%get3A_271, %get3A_272] {strides = array<i32>} : memref<80x128xf32, #tpu.memory_space<vmem>>, vector<1x16xf32>,
      %get3A_274 = vector.shape_cast %get3A_273 : vector<1x16xf32> to vector<16xf32>
      %get3A_275 = arith.index_cast %add3A_256 : i32 to index
      %get3A_276 = arith.constant 16 : index
      %get3A_277 = tpu.vector_load %arg14[%get3A_275, %get3A_276] {strides = array<i32>} : memref<80x128xf32, #tpu.memory_space<vmem>>, vector<1x16xf32>,
      %get3A_278 = vector.shape_cast %get3A_277 : vector<1x16xf32> to vector<16xf32>
      %add3A_279 = arith.addf %get3A_274, %get3A_278 : vector<16xf32>
      %max3A_280 = arith.constant 0.000000e+00 : f32
      %max3A_281 = vector.broadcast %max3A_280 : f32 to vector<16xf32>
      %max3A_282 = arith.maximumf %add3A_279, %max3A_281 : vector<16xf32>
      %swap3A_283 = arith.index_cast %add3A_256 : i32 to index
      %swap3A_284 = arith.constant 16 : index
      %swap3A_285 = tpu.vector_load %arg12[%swap3A_283, %swap3A_284] {strides = array<i32>} : memref<80x128xf32, #tpu.memory_space<vmem>>, vector<1x16xf32>,
      %swap3A_286 = vector.shape_cast %swap3A_285 : vector<1x16xf32> to vector<16xf32>
      %swap3A_287 = vector.shape_cast %max3A_282 : vector<16xf32> to vector<1x16xf32>
      tpu.vector_store %arg12[%swap3A_283, %swap3A_284], %swap3A_287 {strides = array<i32>} : memref<80x128xf32, #tpu.memory_space<vmem>>, vector<1x16xf32>,
      %get3A_288 = arith.index_cast %add3A_256 : i32 to index
      %get3A_289 = arith.constant 32 : index
      %get3A_290 = tpu.vector_load %arg12[%get3A_288, %get3A_289] {strides = array<i32>} : memref<80x128xf32, #tpu.memory_space<vmem>>, vector<1x16xf32>,
      %get3A_291 = vector.shape_cast %get3A_290 : vector<1x16xf32> to vector<16xf32>
      %get3A_292 = arith.index_cast %add3A_256 : i32 to index
      %get3A_293 = arith.constant 32 : index
      %get3A_294 = tpu.vector_load %arg14[%get3A_292, %get3A_293] {strides = array<i32>} : memref<80x128xf32, #tpu.memory_space<vmem>>, vector<1x16xf32>,
      %get3A_295 = vector.shape_cast %get3A_294 : vector<1x16xf32> to vector<16xf32>
      %add3A_296 = arith.addf %get3A_291, %get3A_295 : vector<16xf32>
      %max3A_297 = arith.constant 0.000000e+00 : f32
      %max3A_298 = vector.broadcast %max3A_297 : f32 to vector<16xf32>
      %max3A_299 = arith.maximumf %add3A_296, %max3A_298 : vector<16xf32>
      %swap3A_300 = arith.index_cast %add3A_256 : i32 to index
      %swap3A_301 = arith.constant 32 : index
      %swap3A_302 = tpu.vector_load %arg12[%swap3A_300, %swap3A_301] {strides = array<i32>} : memref<80x128xf32, #tpu.memory_space<vmem>>, vector<1x16xf32>,
      %swap3A_303 = vector.shape_cast %swap3A_302 : vector<1x16xf32> to vector<16xf32>
      %swap3A_304 = vector.shape_cast %max3A_299 : vector<16xf32> to vector<1x16xf32>
      tpu.vector_store %arg12[%swap3A_300, %swap3A_301], %swap3A_304 {strides = array<i32>} : memref<80x128xf32, #tpu.memory_space<vmem>>, vector<1x16xf32>,
      %get3A_305 = arith.index_cast %add3A_256 : i32 to index
      %get3A_306 = arith.constant 48 : index
      %get3A_307 = tpu.vector_load %arg12[%get3A_305, %get3A_306] {strides = array<i32>} : memref<80x128xf32, #tpu.memory_space<vmem>>, vector<1x16xf32>,
      %get3A_308 = vector.shape_cast %get3A_307 : vector<1x16xf32> to vector<16xf32>
      %get3A_309 = arith.index_cast %add3A_256 : i32 to index
      %get3A_310 = arith.constant 48 : index
      %get3A_311 = tpu.vector_load %arg14[%get3A_309, %get3A_310] {strides = array<i32>} : memref<80x128xf32, #tpu.memory_space<vmem>>, vector<1x16xf32>,
      %get3A_312 = vector.shape_cast %get3A_311 : vector<1x16xf32> to vector<16xf32>
      %add3A_313 = arith.addf %get3A_308, %get3A_312 : vector<16xf32>
      %max3A_314 = arith.constant 0.000000e+00 : f32
      %max3A_315 = vector.broadcast %max3A_314 : f32 to vector<16xf32>
      %max3A_316 = arith.maximumf %add3A_313, %max3A_315 : vector<16xf32>
      %swap3A_317 = arith.index_cast %add3A_256 : i32 to index
      %swap3A_318 = arith.constant 48 : index
      %swap3A_319 = tpu.vector_load %arg12[%swap3A_317, %swap3A_318] {strides = array<i32>} : memref<80x128xf32, #tpu.memory_space<vmem>>, vector<1x16xf32>,
      %swap3A_320 = vector.shape_cast %swap3A_319 : vector<1x16xf32> to vector<16xf32>
      %swap3A_321 = vector.shape_cast %max3A_316 : vector<16xf32> to vector<1x16xf32>
      tpu.vector_store %arg12[%swap3A_317, %swap3A_318], %swap3A_321 {strides = array<i32>} : memref<80x128xf32, #tpu.memory_space<vmem>>, vector<1x16xf32>,
      %get3A_322 = arith.index_cast %add3A_256 : i32 to index
      %get3A_323 = arith.constant 64 : index
      %get3A_324 = tpu.vector_load %arg12[%get3A_322, %get3A_323] {strides = array<i32>} : memref<80x128xf32, #tpu.memory_space<vmem>>, vector<1x16xf32>,
      %get3A_325 = vector.shape_cast %get3A_324 : vector<1x16xf32> to vector<16xf32>
      %get3A_326 = arith.index_cast %add3A_256 : i32 to index
      %get3A_327 = arith.constant 64 : index
      %get3A_328 = tpu.vector_load %arg14[%get3A_326, %get3A_327] {strides = array<i32>} : memref<80x128xf32, #tpu.memory_space<vmem>>, vector<1x16xf32>,
      %get3A_329 = vector.shape_cast %get3A_328 : vector<1x16xf32> to vector<16xf32>
      %add3A_330 = arith.addf %get3A_325, %get3A_329 : vector<16xf32>
      %max3A_331 = arith.constant 0.000000e+00 : f32
      %max3A_332 = vector.broadcast %max3A_331 : f32 to vector<16xf32>
      %max3A_333 = arith.maximumf %add3A_330, %max3A_332 : vector<16xf32>
      %swap3A_334 = arith.index_cast %add3A_256 : i32 to index
      %swap3A_335 = arith.constant 64 : index
      %swap3A_336 = tpu.vector_load %arg12[%swap3A_334, %swap3A_335] {strides = array<i32>} : memref<80x128xf32, #tpu.memory_space<vmem>>, vector<1x16xf32>,
      %swap3A_337 = vector.shape_cast %swap3A_336 : vector<1x16xf32> to vector<16xf32>
      %swap3A_338 = vector.shape_cast %max3A_333 : vector<16xf32> to vector<1x16xf32>
      tpu.vector_store %arg12[%swap3A_334, %swap3A_335], %swap3A_338 {strides = array<i32>} : memref<80x128xf32, #tpu.memory_space<vmem>>, vector<1x16xf32>,
      %get3A_339 = arith.index_cast %add3A_256 : i32 to index
      %get3A_340 = arith.constant 80 : index
      %get3A_341 = tpu.vector_load %arg12[%get3A_339, %get3A_340] {strides = array<i32>} : memref<80x128xf32, #tpu.memory_space<vmem>>, vector<1x16xf32>,
      %get3A_342 = vector.shape_cast %get3A_341 : vector<1x16xf32> to vector<16xf32>
      %get3A_343 = arith.index_cast %add3A_256 : i32 to index
      %get3A_344 = arith.constant 80 : index
      %get3A_345 = tpu.vector_load %arg14[%get3A_343, %get3A_344] {strides = array<i32>} : memref<80x128xf32, #tpu.memory_space<vmem>>, vector<1x16xf32>,
      %get3A_346 = vector.shape_cast %get3A_345 : vector<1x16xf32> to vector<16xf32>
      %add3A_347 = arith.addf %get3A_342, %get3A_346 : vector<16xf32>
      %max3A_348 = arith.constant 0.000000e+00 : f32
      %max3A_349 = vector.broadcast %max3A_348 : f32 to vector<16xf32>
      %max3A_350 = arith.maximumf %add3A_347, %max3A_349 : vector<16xf32>
      %swap3A_351 = arith.index_cast %add3A_256 : i32 to index
      %swap3A_352 = arith.constant 80 : index
      %swap3A_353 = tpu.vector_load %arg12[%swap3A_351, %swap3A_352] {strides = array<i32>} : memref<80x128xf32, #tpu.memory_space<vmem>>, vector<1x16xf32>,
      %swap3A_354 = vector.shape_cast %swap3A_353 : vector<1x16xf32> to vector<16xf32>
      %swap3A_355 = vector.shape_cast %max3A_350 : vector<16xf32> to vector<1x16xf32>
      tpu.vector_store %arg12[%swap3A_351, %swap3A_352], %swap3A_355 {strides = array<i32>} : memref<80x128xf32, #tpu.memory_space<vmem>>, vector<1x16xf32>,
      %get3A_356 = arith.index_cast %add3A_256 : i32 to index
      %get3A_357 = arith.constant 96 : index
      %get3A_358 = tpu.vector_load %arg12[%get3A_356, %get3A_357] {strides = array<i32>} : memref<80x128xf32, #tpu.memory_space<vmem>>, vector<1x16xf32>,
      %get3A_359 = vector.shape_cast %get3A_358 : vector<1x16xf32> to vector<16xf32>
      %get3A_360 = arith.index_cast %add3A_256 : i32 to index
      %get3A_361 = arith.constant 96 : index
      %get3A_362 = tpu.vector_load %arg14[%get3A_360, %get3A_361] {strides = array<i32>} : memref<80x128xf32, #tpu.memory_space<vmem>>, vector<1x16xf32>,
      %get3A_363 = vector.shape_cast %get3A_362 : vector<1x16xf32> to vector<16xf32>
      %add3A_364 = arith.addf %get3A_359, %get3A_363 : vector<16xf32>
      %max3A_365 = arith.constant 0.000000e+00 : f32
      %max3A_366 = vector.broadcast %max3A_365 : f32 to vector<16xf32>
      %max3A_367 = arith.maximumf %add3A_364, %max3A_366 : vector<16xf32>
      %swap3A_368 = arith.index_cast %add3A_256 : i32 to index
      %swap3A_369 = arith.constant 96 : index
      %swap3A_370 = tpu.vector_load %arg12[%swap3A_368, %swap3A_369] {strides = array<i32>} : memref<80x128xf32, #tpu.memory_space<vmem>>, vector<1x16xf32>,
      %swap3A_371 = vector.shape_cast %swap3A_370 : vector<1x16xf32> to vector<16xf32>
      %swap3A_372 = vector.shape_cast %max3A_367 : vector<16xf32> to vector<1x16xf32>
      tpu.vector_store %arg12[%swap3A_368, %swap3A_369], %swap3A_372 {strides = array<i32>} : memref<80x128xf32, #tpu.memory_space<vmem>>, vector<1x16xf32>,
      %get3A_373 = arith.index_cast %add3A_256 : i32 to index
      %get3A_374 = arith.constant 112 : index
      %get3A_375 = tpu.vector_load %arg12[%get3A_373, %get3A_374] {strides = array<i32>} : memref<80x128xf32, #tpu.memory_space<vmem>>, vector<1x16xf32>,
      %get3A_376 = vector.shape_cast %get3A_375 : vector<1x16xf32> to vector<16xf32>
      %get3A_377 = arith.index_cast %add3A_256 : i32 to index
      %get3A_378 = arith.constant 112 : index
      %get3A_379 = tpu.vector_load %arg14[%get3A_377, %get3A_378] {strides = array<i32>} : memref<80x128xf32, #tpu.memory_space<vmem>>, vector<1x16xf32>,
      %get3A_380 = vector.shape_cast %get3A_379 : vector<1x16xf32> to vector<16xf32>
      %add3A_381 = arith.addf %get3A_376, %get3A_380 : vector<16xf32>
      %max3A_382 = arith.constant 0.000000e+00 : f32
      %max3A_383 = vector.broadcast %max3A_382 : f32 to vector<16xf32>
      %max3A_384 = arith.maximumf %add3A_381, %max3A_383 : vector<16xf32>
      %swap3A_385 = arith.index_cast %add3A_256 : i32 to index
      %swap3A_386 = arith.constant 112 : index
      %swap3A_387 = tpu.vector_load %arg12[%swap3A_385, %swap3A_386] {strides = array<i32>} : memref<80x128xf32, #tpu.memory_space<vmem>>, vector<1x16xf32>,
      %swap3A_388 = vector.shape_cast %swap3A_387 : vector<1x16xf32> to vector<16xf32>
      %swap3A_389 = vector.shape_cast %max3A_384 : vector<16xf32> to vector<1x16xf32>
      tpu.vector_store %arg12[%swap3A_385, %swap3A_386], %swap3A_389 {strides = array<i32>} : memref<80x128xf32, #tpu.memory_space<vmem>>, vector<1x16xf32>,
    }
    %scan3A_216 = arith.constant 80 : i32
    %add3A_217 = arith.constant 9840 : i32
    %add3A_218 = arith.addi %mul3A_24, %add3A_217 : i32
    %dma_wait3A_219 = tpu.memref_slice %arg4[%add3A_218] : memref<320000xi32, #tpu.memory_space<hbm>> -> memref<80xi32, #tpu.memory_space<hbm>>
    %dma_wait3A_220 = tpu.memref_slice %arg4[%add3A_218] : memref<320000xi32, #tpu.memory_space<hbm>> -> memref<80xi32, #tpu.memory_space<hbm>>
    tpu.wait_dma2 semaphore(%arg18 : memref<!tpu.dma_semaphore, #tpu.memory_space<semaphore_mem>>) src(%dma_wait3A_220 : memref<80xi32, #tpu.memory_space<hbm>>) dst(%arg10 : memref<80xi32, #tpu.memory_space<vmem>>)
    %dma_start3A_221 = arith.constant 0 : i32
    %dma_start3A_222 = arith.constant 0 : i32
    %dma_start3A_223 = tpu.memref_slice %arg25[%dma_start3A_221, %dma_start3A_222] : memref<10240x128xf32, #tpu.memory_space<vmem_shared>> -> memref<10240x128xf32, #tpu.memory_space<vmem_shared>>
    tpu.enqueue_indirect_dma source(%arg12 : memref<80x128xf32, #tpu.memory_space<vmem>>) target(%dma_start3A_223 : memref<10240x128xf32, #tpu.memory_space<vmem_shared>>) offsets(%arg10 : memref<80xi32, #tpu.memory_space<vmem>>) semaphore(%arg24 : memref<!tpu.dma_semaphore, #tpu.memory_space<semaphore_mem>>) {add = true}
    %dma_wait3A_224 = arith.constant 0 : i32
    %dma_wait3A_225 = arith.constant 0 : i32
    %dma_wait3A_226 = tpu.memref_slice %arg25[%dma_wait3A_224, %dma_wait3A_225] : memref<10240x128xf32, #tpu.memory_space<vmem_shared>> -> memref<10240x128xf32, #tpu.memory_space<vmem_shared>>
    tpu.wait_indirect_dma semaphore(%arg24 : memref<!tpu.dma_semaphore, #tpu.memory_space<semaphore_mem>>) src(%arg12 : memref<80x128xf32, #tpu.memory_space<vmem>>) dst(%dma_wait3A_226 : memref<10240x128xf32, #tpu.memory_space<vmem_shared>>)
    %dma_wait3A_227 = arith.constant 0 : i32
    %dma_wait3A_228 = arith.constant 0 : i32
    %dma_wait3A_229 = tpu.memref_slice %arg2[%dma_wait3A_227, %dma_wait3A_228] : memref<10000x128xf32, #tpu.memory_space<hbm>> -> memref<10000x128xf32, #tpu.memory_space<hbm>>
    tpu.wait_indirect_dma semaphore(%arg19 : memref<!tpu.dma_semaphore, #tpu.memory_space<semaphore_mem>>) src(%dma_wait3A_229 : memref<10000x128xf32, #tpu.memory_space<hbm>>) dst(%arg11 : memref<80x128xf32, #tpu.memory_space<vmem>>)
    %add3A_230 = arith.constant 9920 : i32
    %add3A_231 = arith.addi %mul3A_24, %add3A_230 : i32
    %dma_wait3A_232 = arith.constant 0 : i32
    %dma_wait3A_233 = tpu.memref_slice %arg5[%add3A_231, %dma_wait3A_232] : memref<320000x128xf32, #tpu.memory_space<hbm>> -> memref<80x128xf32, #tpu.memory_space<hbm>>
    %dma_wait3A_234 = arith.constant 0 : i32
    %dma_wait3A_235 = tpu.memref_slice %arg5[%add3A_231, %dma_wait3A_234] : memref<320000x128xf32, #tpu.memory_space<hbm>> -> memref<80x128xf32, #tpu.memory_space<hbm>>
    tpu.wait_dma2 semaphore(%arg21 : memref<!tpu.dma_semaphore, #tpu.memory_space<semaphore_mem>>) src(%dma_wait3A_235 : memref<80x128xf32, #tpu.memory_space<hbm>>) dst(%arg13 : memref<80x128xf32, #tpu.memory_space<vmem>>)
    %scan3A_236 = arith.constant 0 : i32
    %scan3A_237 = arith.constant 80 : i32
    %scan3A_238 = arith.addi %scan3A_236, %scan3A_237 : i32
    %scan3A_239 = arith.constant 1 : i32
    scf.for %scan3A_252 = %scan3A_236 to %scan3A_238 step %scan3A_239  : i32 {
      %mul3A_253 = arith.constant 1 : i32
      %mul3A_254 = arith.muli %scan3A_252, %mul3A_253 : i32
      %add3A_255 = arith.constant 0 : i32
      %add3A_256 = arith.addi %add3A_255, %mul3A_254 : i32
      %get3A = arith.index_cast %add3A_256 : i32 to index
      %get3A_257 = arith.constant 0 : index
      %get3A_258 = tpu.vector_load %arg11[%get3A, %get3A_257] {strides = array<i32>} : memref<80x128xf32, #tpu.memory_space<vmem>>, vector<1x16xf32>,
      %get3A_259 = vector.shape_cast %get3A_258 : vector<1x16xf32> to vector<16xf32>
      %get3A_260 = arith.index_cast %add3A_256 : i32 to index
      %get3A_261 = arith.constant 0 : index
      %get3A_262 = tpu.vector_load %arg13[%get3A_260, %get3A_261] {strides = array<i32>} : memref<80x128xf32, #tpu.memory_space<vmem>>, vector<1x16xf32>,
      %get3A_263 = vector.shape_cast %get3A_262 : vector<1x16xf32> to vector<16xf32>
      %add3A_264 = arith.addf %get3A_259, %get3A_263 : vector<16xf32>
      %max3A = arith.constant 0.000000e+00 : f32
      %max3A_265 = vector.broadcast %max3A : f32 to vector<16xf32>
      %max3A_266 = arith.maximumf %add3A_264, %max3A_265 : vector<16xf32>
      %swap3A = arith.index_cast %add3A_256 : i32 to index
      %swap3A_267 = arith.constant 0 : index
      %swap3A_268 = tpu.vector_load %arg11[%swap3A, %swap3A_267] {strides = array<i32>} : memref<80x128xf32, #tpu.memory_space<vmem>>, vector<1x16xf32>,
      %swap3A_269 = vector.shape_cast %swap3A_268 : vector<1x16xf32> to vector<16xf32>
      %swap3A_270 = vector.shape_cast %max3A_266 : vector<16xf32> to vector<1x16xf32>
      tpu.vector_store %arg11[%swap3A, %swap3A_267], %swap3A_270 {strides = array<i32>} : memref<80x128xf32, #tpu.memory_space<vmem>>, vector<1x16xf32>,
      %get3A_271 = arith.index_cast %add3A_256 : i32 to index
      %get3A_272 = arith.constant 16 : index
      %get3A_273 = tpu.vector_load %arg11[%get3A_271, %get3A_272] {strides = array<i32>} : memref<80x128xf32, #tpu.memory_space<vmem>>, vector<1x16xf32>,
      %get3A_274 = vector.shape_cast %get3A_273 : vector<1x16xf32> to vector<16xf32>
      %get3A_275 = arith.index_cast %add3A_256 : i32 to index
      %get3A_276 = arith.constant 16 : index
      %get3A_277 = tpu.vector_load %arg13[%get3A_275, %get3A_276] {strides = array<i32>} : memref<80x128xf32, #tpu.memory_space<vmem>>, vector<1x16xf32>,
      %get3A_278 = vector.shape_cast %get3A_277 : vector<1x16xf32> to vector<16xf32>
      %add3A_279 = arith.addf %get3A_274, %get3A_278 : vector<16xf32>
      %max3A_280 = arith.constant 0.000000e+00 : f32
      %max3A_281 = vector.broadcast %max3A_280 : f32 to vector<16xf32>
      %max3A_282 = arith.maximumf %add3A_279, %max3A_281 : vector<16xf32>
      %swap3A_283 = arith.index_cast %add3A_256 : i32 to index
      %swap3A_284 = arith.constant 16 : index
      %swap3A_285 = tpu.vector_load %arg11[%swap3A_283, %swap3A_284] {strides = array<i32>} : memref<80x128xf32, #tpu.memory_space<vmem>>, vector<1x16xf32>,
      %swap3A_286 = vector.shape_cast %swap3A_285 : vector<1x16xf32> to vector<16xf32>
      %swap3A_287 = vector.shape_cast %max3A_282 : vector<16xf32> to vector<1x16xf32>
      tpu.vector_store %arg11[%swap3A_283, %swap3A_284], %swap3A_287 {strides = array<i32>} : memref<80x128xf32, #tpu.memory_space<vmem>>, vector<1x16xf32>,
      %get3A_288 = arith.index_cast %add3A_256 : i32 to index
      %get3A_289 = arith.constant 32 : index
      %get3A_290 = tpu.vector_load %arg11[%get3A_288, %get3A_289] {strides = array<i32>} : memref<80x128xf32, #tpu.memory_space<vmem>>, vector<1x16xf32>,
      %get3A_291 = vector.shape_cast %get3A_290 : vector<1x16xf32> to vector<16xf32>
      %get3A_292 = arith.index_cast %add3A_256 : i32 to index
      %get3A_293 = arith.constant 32 : index
      %get3A_294 = tpu.vector_load %arg13[%get3A_292, %get3A_293] {strides = array<i32>} : memref<80x128xf32, #tpu.memory_space<vmem>>, vector<1x16xf32>,
      %get3A_295 = vector.shape_cast %get3A_294 : vector<1x16xf32> to vector<16xf32>
      %add3A_296 = arith.addf %get3A_291, %get3A_295 : vector<16xf32>
      %max3A_297 = arith.constant 0.000000e+00 : f32
      %max3A_298 = vector.broadcast %max3A_297 : f32 to vector<16xf32>
      %max3A_299 = arith.maximumf %add3A_296, %max3A_298 : vector<16xf32>
      %swap3A_300 = arith.index_cast %add3A_256 : i32 to index
      %swap3A_301 = arith.constant 32 : index
      %swap3A_302 = tpu.vector_load %arg11[%swap3A_300, %swap3A_301] {strides = array<i32>} : memref<80x128xf32, #tpu.memory_space<vmem>>, vector<1x16xf32>,
      %swap3A_303 = vector.shape_cast %swap3A_302 : vector<1x16xf32> to vector<16xf32>
      %swap3A_304 = vector.shape_cast %max3A_299 : vector<16xf32> to vector<1x16xf32>
      tpu.vector_store %arg11[%swap3A_300, %swap3A_301], %swap3A_304 {strides = array<i32>} : memref<80x128xf32, #tpu.memory_space<vmem>>, vector<1x16xf32>,
      %get3A_305 = arith.index_cast %add3A_256 : i32 to index
      %get3A_306 = arith.constant 48 : index
      %get3A_307 = tpu.vector_load %arg11[%get3A_305, %get3A_306] {strides = array<i32>} : memref<80x128xf32, #tpu.memory_space<vmem>>, vector<1x16xf32>,
      %get3A_308 = vector.shape_cast %get3A_307 : vector<1x16xf32> to vector<16xf32>
      %get3A_309 = arith.index_cast %add3A_256 : i32 to index
      %get3A_310 = arith.constant 48 : index
      %get3A_311 = tpu.vector_load %arg13[%get3A_309, %get3A_310] {strides = array<i32>} : memref<80x128xf32, #tpu.memory_space<vmem>>, vector<1x16xf32>,
      %get3A_312 = vector.shape_cast %get3A_311 : vector<1x16xf32> to vector<16xf32>
      %add3A_313 = arith.addf %get3A_308, %get3A_312 : vector<16xf32>
      %max3A_314 = arith.constant 0.000000e+00 : f32
      %max3A_315 = vector.broadcast %max3A_314 : f32 to vector<16xf32>
      %max3A_316 = arith.maximumf %add3A_313, %max3A_315 : vector<16xf32>
      %swap3A_317 = arith.index_cast %add3A_256 : i32 to index
      %swap3A_318 = arith.constant 48 : index
      %swap3A_319 = tpu.vector_load %arg11[%swap3A_317, %swap3A_318] {strides = array<i32>} : memref<80x128xf32, #tpu.memory_space<vmem>>, vector<1x16xf32>,
      %swap3A_320 = vector.shape_cast %swap3A_319 : vector<1x16xf32> to vector<16xf32>
      %swap3A_321 = vector.shape_cast %max3A_316 : vector<16xf32> to vector<1x16xf32>
      tpu.vector_store %arg11[%swap3A_317, %swap3A_318], %swap3A_321 {strides = array<i32>} : memref<80x128xf32, #tpu.memory_space<vmem>>, vector<1x16xf32>,
      %get3A_322 = arith.index_cast %add3A_256 : i32 to index
      %get3A_323 = arith.constant 64 : index
      %get3A_324 = tpu.vector_load %arg11[%get3A_322, %get3A_323] {strides = array<i32>} : memref<80x128xf32, #tpu.memory_space<vmem>>, vector<1x16xf32>,
      %get3A_325 = vector.shape_cast %get3A_324 : vector<1x16xf32> to vector<16xf32>
      %get3A_326 = arith.index_cast %add3A_256 : i32 to index
      %get3A_327 = arith.constant 64 : index
      %get3A_328 = tpu.vector_load %arg13[%get3A_326, %get3A_327] {strides = array<i32>} : memref<80x128xf32, #tpu.memory_space<vmem>>, vector<1x16xf32>,
      %get3A_329 = vector.shape_cast %get3A_328 : vector<1x16xf32> to vector<16xf32>
      %add3A_330 = arith.addf %get3A_325, %get3A_329 : vector<16xf32>
      %max3A_331 = arith.constant 0.000000e+00 : f32
      %max3A_332 = vector.broadcast %max3A_331 : f32 to vector<16xf32>
      %max3A_333 = arith.maximumf %add3A_330, %max3A_332 : vector<16xf32>
      %swap3A_334 = arith.index_cast %add3A_256 : i32 to index
      %swap3A_335 = arith.constant 64 : index
      %swap3A_336 = tpu.vector_load %arg11[%swap3A_334, %swap3A_335] {strides = array<i32>} : memref<80x128xf32, #tpu.memory_space<vmem>>, vector<1x16xf32>,
      %swap3A_337 = vector.shape_cast %swap3A_336 : vector<1x16xf32> to vector<16xf32>
      %swap3A_338 = vector.shape_cast %max3A_333 : vector<16xf32> to vector<1x16xf32>
      tpu.vector_store %arg11[%swap3A_334, %swap3A_335], %swap3A_338 {strides = array<i32>} : memref<80x128xf32, #tpu.memory_space<vmem>>, vector<1x16xf32>,
      %get3A_339 = arith.index_cast %add3A_256 : i32 to index
      %get3A_340 = arith.constant 80 : index
      %get3A_341 = tpu.vector_load %arg11[%get3A_339, %get3A_340] {strides = array<i32>} : memref<80x128xf32, #tpu.memory_space<vmem>>, vector<1x16xf32>,
      %get3A_342 = vector.shape_cast %get3A_341 : vector<1x16xf32> to vector<16xf32>
      %get3A_343 = arith.index_cast %add3A_256 : i32 to index
      %get3A_344 = arith.constant 80 : index
      %get3A_345 = tpu.vector_load %arg13[%get3A_343, %get3A_344] {strides = array<i32>} : memref<80x128xf32, #tpu.memory_space<vmem>>, vector<1x16xf32>,
      %get3A_346 = vector.shape_cast %get3A_345 : vector<1x16xf32> to vector<16xf32>
      %add3A_347 = arith.addf %get3A_342, %get3A_346 : vector<16xf32>
      %max3A_348 = arith.constant 0.000000e+00 : f32
      %max3A_349 = vector.broadcast %max3A_348 : f32 to vector<16xf32>
      %max3A_350 = arith.maximumf %add3A_347, %max3A_349 : vector<16xf32>
      %swap3A_351 = arith.index_cast %add3A_256 : i32 to index
      %swap3A_352 = arith.constant 80 : index
      %swap3A_353 = tpu.vector_load %arg11[%swap3A_351, %swap3A_352] {strides = array<i32>} : memref<80x128xf32, #tpu.memory_space<vmem>>, vector<1x16xf32>,
      %swap3A_354 = vector.shape_cast %swap3A_353 : vector<1x16xf32> to vector<16xf32>
      %swap3A_355 = vector.shape_cast %max3A_350 : vector<16xf32> to vector<1x16xf32>
      tpu.vector_store %arg11[%swap3A_351, %swap3A_352], %swap3A_355 {strides = array<i32>} : memref<80x128xf32, #tpu.memory_space<vmem>>, vector<1x16xf32>,
      %get3A_356 = arith.index_cast %add3A_256 : i32 to index
      %get3A_357 = arith.constant 96 : index
      %get3A_358 = tpu.vector_load %arg11[%get3A_356, %get3A_357] {strides = array<i32>} : memref<80x128xf32, #tpu.memory_space<vmem>>, vector<1x16xf32>,
      %get3A_359 = vector.shape_cast %get3A_358 : vector<1x16xf32> to vector<16xf32>
      %get3A_360 = arith.index_cast %add3A_256 : i32 to index
      %get3A_361 = arith.constant 96 : index
      %get3A_362 = tpu.vector_load %arg13[%get3A_360, %get3A_361] {strides = array<i32>} : memref<80x128xf32, #tpu.memory_space<vmem>>, vector<1x16xf32>,
      %get3A_363 = vector.shape_cast %get3A_362 : vector<1x16xf32> to vector<16xf32>
      %add3A_364 = arith.addf %get3A_359, %get3A_363 : vector<16xf32>
      %max3A_365 = arith.constant 0.000000e+00 : f32
      %max3A_366 = vector.broadcast %max3A_365 : f32 to vector<16xf32>
      %max3A_367 = arith.maximumf %add3A_364, %max3A_366 : vector<16xf32>
      %swap3A_368 = arith.index_cast %add3A_256 : i32 to index
      %swap3A_369 = arith.constant 96 : index
      %swap3A_370 = tpu.vector_load %arg11[%swap3A_368, %swap3A_369] {strides = array<i32>} : memref<80x128xf32, #tpu.memory_space<vmem>>, vector<1x16xf32>,
      %swap3A_371 = vector.shape_cast %swap3A_370 : vector<1x16xf32> to vector<16xf32>
      %swap3A_372 = vector.shape_cast %max3A_367 : vector<16xf32> to vector<1x16xf32>
      tpu.vector_store %arg11[%swap3A_368, %swap3A_369], %swap3A_372 {strides = array<i32>} : memref<80x128xf32, #tpu.memory_space<vmem>>, vector<1x16xf32>,
      %get3A_373 = arith.index_cast %add3A_256 : i32 to index
      %get3A_374 = arith.constant 112 : index
      %get3A_375 = tpu.vector_load %arg11[%get3A_373, %get3A_374] {strides = array<i32>} : memref<80x128xf32, #tpu.memory_space<vmem>>, vector<1x16xf32>,
      %get3A_376 = vector.shape_cast %get3A_375 : vector<1x16xf32> to vector<16xf32>
      %get3A_377 = arith.index_cast %add3A_256 : i32 to index
      %get3A_378 = arith.constant 112 : index
      %get3A_379 = tpu.vector_load %arg13[%get3A_377, %get3A_378] {strides = array<i32>} : memref<80x128xf32, #tpu.memory_space<vmem>>, vector<1x16xf32>,
      %get3A_380 = vector.shape_cast %get3A_379 : vector<1x16xf32> to vector<16xf32>
      %add3A_381 = arith.addf %get3A_376, %get3A_380 : vector<16xf32>
      %max3A_382 = arith.constant 0.000000e+00 : f32
      %max3A_383 = vector.broadcast %max3A_382 : f32 to vector<16xf32>
      %max3A_384 = arith.maximumf %add3A_381, %max3A_383 : vector<16xf32>
      %swap3A_385 = arith.index_cast %add3A_256 : i32 to index
      %swap3A_386 = arith.constant 112 : index
      %swap3A_387 = tpu.vector_load %arg11[%swap3A_385, %swap3A_386] {strides = array<i32>} : memref<80x128xf32, #tpu.memory_space<vmem>>, vector<1x16xf32>,
      %swap3A_388 = vector.shape_cast %swap3A_387 : vector<1x16xf32> to vector<16xf32>
      %swap3A_389 = vector.shape_cast %max3A_384 : vector<16xf32> to vector<1x16xf32>
      tpu.vector_store %arg11[%swap3A_385, %swap3A_386], %swap3A_389 {strides = array<i32>} : memref<80x128xf32, #tpu.memory_space<vmem>>, vector<1x16xf32>,
    }
    %scan3A_240 = arith.constant 80 : i32
    %add3A_241 = arith.constant 9920 : i32
    %add3A_242 = arith.addi %mul3A_24, %add3A_241 : i32
    %dma_wait3A_243 = tpu.memref_slice %arg4[%add3A_242] : memref<320000xi32, #tpu.memory_space<hbm>> -> memref<80xi32, #tpu.memory_space<hbm>>
    %dma_wait3A_244 = tpu.memref_slice %arg4[%add3A_242] : memref<320000xi32, #tpu.memory_space<hbm>> -> memref<80xi32, #tpu.memory_space<hbm>>
    tpu.wait_dma2 semaphore(%arg17 : memref<!tpu.dma_semaphore, #tpu.memory_space<semaphore_mem>>) src(%dma_wait3A_244 : memref<80xi32, #tpu.memory_space<hbm>>) dst(%arg9 : memref<80xi32, #tpu.memory_space<vmem>>)
    %dma_start3A_245 = arith.constant 0 : i32
    %dma_start3A_246 = arith.constant 0 : i32
    %dma_start3A_247 = tpu.memref_slice %arg25[%dma_start3A_245, %dma_start3A_246] : memref<10240x128xf32, #tpu.memory_space<vmem_shared>> -> memref<10240x128xf32, #tpu.memory_space<vmem_shared>>
    tpu.enqueue_indirect_dma source(%arg11 : memref<80x128xf32, #tpu.memory_space<vmem>>) target(%dma_start3A_247 : memref<10240x128xf32, #tpu.memory_space<vmem_shared>>) offsets(%arg9 : memref<80xi32, #tpu.memory_space<vmem>>) semaphore(%arg23 : memref<!tpu.dma_semaphore, #tpu.memory_space<semaphore_mem>>) {add = true}
    %dma_wait3A_248 = arith.constant 0 : i32
    %dma_wait3A_249 = arith.constant 0 : i32
    %dma_wait3A_250 = tpu.memref_slice %arg25[%dma_wait3A_248, %dma_wait3A_249] : memref<10240x128xf32, #tpu.memory_space<vmem_shared>> -> memref<10240x128xf32, #tpu.memory_space<vmem_shared>>
    tpu.wait_indirect_dma semaphore(%arg23 : memref<!tpu.dma_semaphore, #tpu.memory_space<semaphore_mem>>) src(%arg11 : memref<80x128xf32, #tpu.memory_space<vmem>>) dst(%dma_wait3A_250 : memref<10240x128xf32, #tpu.memory_space<vmem_shared>>)
    %barrier3A_251 = arith.constant 0 : index
    tpu.barrier barrier_id(%barrier3A_251)
    "tpu.region"() ({
      %run_scoped3A = tpu.sem_alloc : memref<!tpu.dma_semaphore, #tpu.memory_space<semaphore_mem>>
      %dma_start3A_252 = arith.constant 0 : i32
      %dma_start3A_253 = tpu.memref_slice %arg6[%arg0, %mul3A_6, %dma_start3A_252] : memref<2x10240x128xf32, #tpu.memory_space<hbm>> -> memref<1x640x128xf32, #tpu.memory_space<hbm>>
      %dma_start3A_254 = tpu.memref_squeeze %dma_start3A_253 : memref<1x640x128xf32, #tpu.memory_space<hbm>> -> memref<640x128xf32, #tpu.memory_space<hbm>>
      %dma_start3A_255 = arith.constant 0 : i32
      %dma_start3A_256 = tpu.memref_slice %arg25[%mul3A_6, %dma_start3A_255] : memref<10240x128xf32, #tpu.memory_space<vmem_shared>> -> memref<640x128xf32, #tpu.memory_space<vmem_shared>>
      tpu.enqueue_dma source(%dma_start3A_256 : memref<640x128xf32, #tpu.memory_space<vmem_shared>>) target(%dma_start3A_254 : memref<640x128xf32, #tpu.memory_space<hbm>>) target_semaphore(%run_scoped3A : memref<!tpu.dma_semaphore, #tpu.memory_space<semaphore_mem>>)
      %dma_wait3A_257 = arith.constant 0 : i32
      %dma_wait3A_258 = tpu.memref_slice %arg6[%arg0, %mul3A_6, %dma_wait3A_257] : memref<2x10240x128xf32, #tpu.memory_space<hbm>> -> memref<1x640x128xf32, #tpu.memory_space<hbm>>
      %dma_wait3A_259 = tpu.memref_squeeze %dma_wait3A_258 : memref<1x640x128xf32, #tpu.memory_space<hbm>> -> memref<640x128xf32, #tpu.memory_space<hbm>>
      %dma_wait3A_260 = arith.constant 0 : i32
      %dma_wait3A_261 = tpu.memref_slice %arg25[%mul3A_6, %dma_wait3A_260] : memref<10240x128xf32, #tpu.memory_space<vmem_shared>> -> memref<640x128xf32, #tpu.memory_space<vmem_shared>>
      tpu.wait_dma2 semaphore(%run_scoped3A : memref<!tpu.dma_semaphore, #tpu.memory_space<semaphore_mem>>) src(%dma_wait3A_261 : memref<640x128xf32, #tpu.memory_space<vmem_shared>>) dst(%dma_wait3A_259 : memref<640x128xf32, #tpu.memory_space<hbm>>)
      tpu.yield
    }) : () -> ()
    return
  }
}

#map = affine_map<(d0, d1) -> (0, 0)>
#map1 = affine_map<(d0, d1) -> (0)>
#map2 = affine_map<(d0, d1) -> (0, 0, 0)>
module attributes {stable_mosaic.version = 14 : i64} {
  func.func @_sc_edge_body(%arg0: i32, %arg1: i32, %arg2: memref<10000x128xf32, #tpu.memory_space<hbm>>, %arg3: memref<320000xi32, #tpu.memory_space<hbm>>, %arg4: memref<320000xi32, #tpu.memory_space<hbm>>, %arg5: memref<320000x128xf32, #tpu.memory_space<hbm>>, %arg6: memref<2x10240x128xf32, #tpu.memory_space<hbm>>, %arg7: memref<80xi32, #tpu.memory_space<vmem>>, %arg8: memref<80xi32, #tpu.memory_space<vmem>>, %arg9: memref<80xi32, #tpu.memory_space<vmem>>, %arg10: memref<80xi32, #tpu.memory_space<vmem>>, %arg11: memref<80x128xf32, #tpu.memory_space<vmem>>, %arg12: memref<80x128xf32, #tpu.memory_space<vmem>>, %arg13: memref<80x128xf32, #tpu.memory_space<vmem>>, %arg14: memref<80x128xf32, #tpu.memory_space<vmem>>, %arg15: memref<!tpu.dma_semaphore, #tpu.memory_space<semaphore_mem>>, %arg16: memref<!tpu.dma_semaphore, #tpu.memory_space<semaphore_mem>>, %arg17: memref<!tpu.dma_semaphore, #tpu.memory_space<semaphore_mem>>, %arg18: memref<!tpu.dma_semaphore, #tpu.memory_space<semaphore_mem>>, %arg19: memref<!tpu.dma_semaphore, #tpu.memory_space<semaphore_mem>>, %arg20: memref<!tpu.dma_semaphore, #tpu.memory_space<semaphore_mem>>, %arg21: memref<!tpu.dma_semaphore, #tpu.memory_space<semaphore_mem>>, %arg22: memref<!tpu.dma_semaphore, #tpu.memory_space<semaphore_mem>>, %arg23: memref<!tpu.dma_semaphore, #tpu.memory_space<semaphore_mem>>, %arg24: memref<!tpu.dma_semaphore, #tpu.memory_space<semaphore_mem>>, %arg25: memref<10240x128xf32, #tpu.memory_space<vmem_shared>>) attributes {dimension_semantics = [#tpu.dimension_semantics<core_parallel>, #tpu.dimension_semantics<subcore_parallel>], iteration_bounds = array<i64: 2, 16>, scalar_prefetch = 0 : i64, scratch_operands = 19 : i64, tpu.core_type = #tpu.core_type<sc_vector_subcore>, window_params = [{transform_indices = #map}, {transform_indices = #map1}, {transform_indices = #map1}, {transform_indices = #map}, {transform_indices = #map2}]} {
    %mul3A = arith.constant 16 : i32
    %mul3A_0 = arith.muli %arg0, %mul3A : i32
    %add3A = arith.addi %mul3A_0, %arg1 : i32
    %scan3A = arith.constant 0 : i32
    %scan3A_1 = arith.constant 80 : i32
    %scan3A_2 = arith.addi %scan3A, %scan3A_1 : i32
    %scan3A_3 = arith.constant 1 : i32
    scf.for %scan3A_252 = %scan3A to %scan3A_2 step %scan3A_3  : i32 {
      %mul3A_253 = arith.constant 1 : i32
      %mul3A_254 = arith.muli %scan3A_252, %mul3A_253 : i32
      %add3A_255 = arith.constant 0 : i32
      %add3A_256 = arith.addi %add3A_255, %mul3A_254 : i32
      %broadcast_in_dim3A = arith.constant 0.000000e+00 : f32
      %broadcast_in_dim3A_257 = vector.broadcast %broadcast_in_dim3A : f32 to vector<16xf32>
      %swap3A = arith.index_cast %add3A_256 : i32 to index
      %swap3A_258 = arith.constant 0 : index
      %swap3A_259 = tpu.vector_load %arg11[%swap3A, %swap3A_258] {strides = array<i32>} : memref<80x128xf32, #tpu.memory_space<vmem>>, vector<1x16xf32>,
      %swap3A_260 = vector.shape_cast %swap3A_259 : vector<1x16xf32> to vector<16xf32>
      %swap3A_261 = vector.shape_cast %broadcast_in_dim3A_257 : vector<16xf32> to vector<1x16xf32>
      tpu.vector_store %arg11[%swap3A, %swap3A_258], %swap3A_261 {strides = array<i32>} : memref<80x128xf32, #tpu.memory_space<vmem>>, vector<1x16xf32>,
      %broadcast_in_dim3A_262 = arith.constant 0.000000e+00 : f32
      %broadcast_in_dim3A_263 = vector.broadcast %broadcast_in_dim3A_262 : f32 to vector<16xf32>
      %swap3A_264 = arith.index_cast %add3A_256 : i32 to index
      %swap3A_265 = arith.constant 16 : index
      %swap3A_266 = tpu.vector_load %arg11[%swap3A_264, %swap3A_265] {strides = array<i32>} : memref<80x128xf32, #tpu.memory_space<vmem>>, vector<1x16xf32>,
      %swap3A_267 = vector.shape_cast %swap3A_266 : vector<1x16xf32> to vector<16xf32>
      %swap3A_268 = vector.shape_cast %broadcast_in_dim3A_263 : vector<16xf32> to vector<1x16xf32>
      tpu.vector_store %arg11[%swap3A_264, %swap3A_265], %swap3A_268 {strides = array<i32>} : memref<80x128xf32, #tpu.memory_space<vmem>>, vector<1x16xf32>,
      %broadcast_in_dim3A_269 = arith.constant 0.000000e+00 : f32
      %broadcast_in_dim3A_270 = vector.broadcast %broadcast_in_dim3A_269 : f32 to vector<16xf32>
      %swap3A_271 = arith.index_cast %add3A_256 : i32 to index
      %swap3A_272 = arith.constant 32 : index
      %swap3A_273 = tpu.vector_load %arg11[%swap3A_271, %swap3A_272] {strides = array<i32>} : memref<80x128xf32, #tpu.memory_space<vmem>>, vector<1x16xf32>,
      %swap3A_274 = vector.shape_cast %swap3A_273 : vector<1x16xf32> to vector<16xf32>
      %swap3A_275 = vector.shape_cast %broadcast_in_dim3A_270 : vector<16xf32> to vector<1x16xf32>
      tpu.vector_store %arg11[%swap3A_271, %swap3A_272], %swap3A_275 {strides = array<i32>} : memref<80x128xf32, #tpu.memory_space<vmem>>, vector<1x16xf32>,
      %broadcast_in_dim3A_276 = arith.constant 0.000000e+00 : f32
      %broadcast_in_dim3A_277 = vector.broadcast %broadcast_in_dim3A_276 : f32 to vector<16xf32>
      %swap3A_278 = arith.index_cast %add3A_256 : i32 to index
      %swap3A_279 = arith.constant 48 : index
      %swap3A_280 = tpu.vector_load %arg11[%swap3A_278, %swap3A_279] {strides = array<i32>} : memref<80x128xf32, #tpu.memory_space<vmem>>, vector<1x16xf32>,
      %swap3A_281 = vector.shape_cast %swap3A_280 : vector<1x16xf32> to vector<16xf32>
      %swap3A_282 = vector.shape_cast %broadcast_in_dim3A_277 : vector<16xf32> to vector<1x16xf32>
      tpu.vector_store %arg11[%swap3A_278, %swap3A_279], %swap3A_282 {strides = array<i32>} : memref<80x128xf32, #tpu.memory_space<vmem>>, vector<1x16xf32>,
      %broadcast_in_dim3A_283 = arith.constant 0.000000e+00 : f32
      %broadcast_in_dim3A_284 = vector.broadcast %broadcast_in_dim3A_283 : f32 to vector<16xf32>
      %swap3A_285 = arith.index_cast %add3A_256 : i32 to index
      %swap3A_286 = arith.constant 64 : index
      %swap3A_287 = tpu.vector_load %arg11[%swap3A_285, %swap3A_286] {strides = array<i32>} : memref<80x128xf32, #tpu.memory_space<vmem>>, vector<1x16xf32>,
      %swap3A_288 = vector.shape_cast %swap3A_287 : vector<1x16xf32> to vector<16xf32>
      %swap3A_289 = vector.shape_cast %broadcast_in_dim3A_284 : vector<16xf32> to vector<1x16xf32>
      tpu.vector_store %arg11[%swap3A_285, %swap3A_286], %swap3A_289 {strides = array<i32>} : memref<80x128xf32, #tpu.memory_space<vmem>>, vector<1x16xf32>,
      %broadcast_in_dim3A_290 = arith.constant 0.000000e+00 : f32
      %broadcast_in_dim3A_291 = vector.broadcast %broadcast_in_dim3A_290 : f32 to vector<16xf32>
      %swap3A_292 = arith.index_cast %add3A_256 : i32 to index
      %swap3A_293 = arith.constant 80 : index
      %swap3A_294 = tpu.vector_load %arg11[%swap3A_292, %swap3A_293] {strides = array<i32>} : memref<80x128xf32, #tpu.memory_space<vmem>>, vector<1x16xf32>,
      %swap3A_295 = vector.shape_cast %swap3A_294 : vector<1x16xf32> to vector<16xf32>
      %swap3A_296 = vector.shape_cast %broadcast_in_dim3A_291 : vector<16xf32> to vector<1x16xf32>
      tpu.vector_store %arg11[%swap3A_292, %swap3A_293], %swap3A_296 {strides = array<i32>} : memref<80x128xf32, #tpu.memory_space<vmem>>, vector<1x16xf32>,
      %broadcast_in_dim3A_297 = arith.constant 0.000000e+00 : f32
      %broadcast_in_dim3A_298 = vector.broadcast %broadcast_in_dim3A_297 : f32 to vector<16xf32>
      %swap3A_299 = arith.index_cast %add3A_256 : i32 to index
      %swap3A_300 = arith.constant 96 : index
      %swap3A_301 = tpu.vector_load %arg11[%swap3A_299, %swap3A_300] {strides = array<i32>} : memref<80x128xf32, #tpu.memory_space<vmem>>, vector<1x16xf32>,
      %swap3A_302 = vector.shape_cast %swap3A_301 : vector<1x16xf32> to vector<16xf32>
      %swap3A_303 = vector.shape_cast %broadcast_in_dim3A_298 : vector<16xf32> to vector<1x16xf32>
      tpu.vector_store %arg11[%swap3A_299, %swap3A_300], %swap3A_303 {strides = array<i32>} : memref<80x128xf32, #tpu.memory_space<vmem>>, vector<1x16xf32>,
      %broadcast_in_dim3A_304 = arith.constant 0.000000e+00 : f32
      %broadcast_in_dim3A_305 = vector.broadcast %broadcast_in_dim3A_304 : f32 to vector<16xf32>
      %swap3A_306 = arith.index_cast %add3A_256 : i32 to index
      %swap3A_307 = arith.constant 112 : index
      %swap3A_308 = tpu.vector_load %arg11[%swap3A_306, %swap3A_307] {strides = array<i32>} : memref<80x128xf32, #tpu.memory_space<vmem>>, vector<1x16xf32>,
      %swap3A_309 = vector.shape_cast %swap3A_308 : vector<1x16xf32> to vector<16xf32>
      %swap3A_310 = vector.shape_cast %broadcast_in_dim3A_305 : vector<16xf32> to vector<1x16xf32>
      tpu.vector_store %arg11[%swap3A_306, %swap3A_307], %swap3A_310 {strides = array<i32>} : memref<80x128xf32, #tpu.memory_space<vmem>>, vector<1x16xf32>,
    }
    %scan3A_4 = arith.constant 80 : i32
    %mul3A_5 = arith.constant 640 : i32
    %mul3A_6 = arith.muli %arg1, %mul3A_5 : i32
    %add3A_7 = arith.constant 0 : i32
    %add3A_8 = arith.addi %mul3A_6, %add3A_7 : i32
    "tpu.region"() ({
      %run_scoped3A = tpu.sem_alloc : memref<!tpu.dma_semaphore, #tpu.memory_space<semaphore_mem>>
      %dma_start3A_252 = arith.constant 0 : i32
      %dma_start3A_253 = tpu.memref_slice %arg25[%add3A_8, %dma_start3A_252] : memref<10240x128xf32, #tpu.memory_space<vmem_shared>> -> memref<80x128xf32, #tpu.memory_space<vmem_shared>>
      %dma_start3A_254 = arith.constant 0 : i32
      %dma_start3A_255 = tpu.memref_slice %arg25[%add3A_8, %dma_start3A_254] : memref<10240x128xf32, #tpu.memory_space<vmem_shared>> -> memref<80x128xf32, #tpu.memory_space<vmem_shared>>
      tpu.enqueue_dma source(%arg11 : memref<80x128xf32, #tpu.memory_space<vmem>>) target(%dma_start3A_255 : memref<80x128xf32, #tpu.memory_space<vmem_shared>>) target_semaphore(%run_scoped3A : memref<!tpu.dma_semaphore, #tpu.memory_space<semaphore_mem>>)
      %dma_wait3A_256 = arith.constant 0 : i32
      %dma_wait3A_257 = tpu.memref_slice %arg25[%add3A_8, %dma_wait3A_256] : memref<10240x128xf32, #tpu.memory_space<vmem_shared>> -> memref<80x128xf32, #tpu.memory_space<vmem_shared>>
      %dma_wait3A_258 = arith.constant 0 : i32
      %dma_wait3A_259 = tpu.memref_slice %arg25[%add3A_8, %dma_wait3A_258] : memref<10240x128xf32, #tpu.memory_space<vmem_shared>> -> memref<80x128xf32, #tpu.memory_space<vmem_shared>>
      tpu.wait_dma2 semaphore(%run_scoped3A : memref<!tpu.dma_semaphore, #tpu.memory_space<semaphore_mem>>) src(%arg11 : memref<80x128xf32, #tpu.memory_space<vmem>>) dst(%dma_wait3A_259 : memref<80x128xf32, #tpu.memory_space<vmem_shared>>)
      tpu.yield
    }) : () -> ()
    %add3A_9 = arith.constant 80 : i32
    %add3A_10 = arith.addi %mul3A_6, %add3A_9 : i32
    "tpu.region"() ({
      %run_scoped3A = tpu.sem_alloc : memref<!tpu.dma_semaphore, #tpu.memory_space<semaphore_mem>>
      %dma_start3A_252 = arith.constant 0 : i32
      %dma_start3A_253 = tpu.memref_slice %arg25[%add3A_10, %dma_start3A_252] : memref<10240x128xf32, #tpu.memory_space<vmem_shared>> -> memref<80x128xf32, #tpu.memory_space<vmem_shared>>
      %dma_start3A_254 = arith.constant 0 : i32
      %dma_start3A_255 = tpu.memref_slice %arg25[%add3A_10, %dma_start3A_254] : memref<10240x128xf32, #tpu.memory_space<vmem_shared>> -> memref<80x128xf32, #tpu.memory_space<vmem_shared>>
      tpu.enqueue_dma source(%arg11 : memref<80x128xf32, #tpu.memory_space<vmem>>) target(%dma_start3A_255 : memref<80x128xf32, #tpu.memory_space<vmem_shared>>) target_semaphore(%run_scoped3A : memref<!tpu.dma_semaphore, #tpu.memory_space<semaphore_mem>>)
      %dma_wait3A_256 = arith.constant 0 : i32
      %dma_wait3A_257 = tpu.memref_slice %arg25[%add3A_10, %dma_wait3A_256] : memref<10240x128xf32, #tpu.memory_space<vmem_shared>> -> memref<80x128xf32, #tpu.memory_space<vmem_shared>>
      %dma_wait3A_258 = arith.constant 0 : i32
      %dma_wait3A_259 = tpu.memref_slice %arg25[%add3A_10, %dma_wait3A_258] : memref<10240x128xf32, #tpu.memory_space<vmem_shared>> -> memref<80x128xf32, #tpu.memory_space<vmem_shared>>
      tpu.wait_dma2 semaphore(%run_scoped3A : memref<!tpu.dma_semaphore, #tpu.memory_space<semaphore_mem>>) src(%arg11 : memref<80x128xf32, #tpu.memory_space<vmem>>) dst(%dma_wait3A_259 : memref<80x128xf32, #tpu.memory_space<vmem_shared>>)
      tpu.yield
    }) : () -> ()
    %add3A_11 = arith.constant 160 : i32
    %add3A_12 = arith.addi %mul3A_6, %add3A_11 : i32
    "tpu.region"() ({
      %run_scoped3A = tpu.sem_alloc : memref<!tpu.dma_semaphore, #tpu.memory_space<semaphore_mem>>
      %dma_start3A_252 = arith.constant 0 : i32
      %dma_start3A_253 = tpu.memref_slice %arg25[%add3A_12, %dma_start3A_252] : memref<10240x128xf32, #tpu.memory_space<vmem_shared>> -> memref<80x128xf32, #tpu.memory_space<vmem_shared>>
      %dma_start3A_254 = arith.constant 0 : i32
      %dma_start3A_255 = tpu.memref_slice %arg25[%add3A_12, %dma_start3A_254] : memref<10240x128xf32, #tpu.memory_space<vmem_shared>> -> memref<80x128xf32, #tpu.memory_space<vmem_shared>>
      tpu.enqueue_dma source(%arg11 : memref<80x128xf32, #tpu.memory_space<vmem>>) target(%dma_start3A_255 : memref<80x128xf32, #tpu.memory_space<vmem_shared>>) target_semaphore(%run_scoped3A : memref<!tpu.dma_semaphore, #tpu.memory_space<semaphore_mem>>)
      %dma_wait3A_256 = arith.constant 0 : i32
      %dma_wait3A_257 = tpu.memref_slice %arg25[%add3A_12, %dma_wait3A_256] : memref<10240x128xf32, #tpu.memory_space<vmem_shared>> -> memref<80x128xf32, #tpu.memory_space<vmem_shared>>
      %dma_wait3A_258 = arith.constant 0 : i32
      %dma_wait3A_259 = tpu.memref_slice %arg25[%add3A_12, %dma_wait3A_258] : memref<10240x128xf32, #tpu.memory_space<vmem_shared>> -> memref<80x128xf32, #tpu.memory_space<vmem_shared>>
      tpu.wait_dma2 semaphore(%run_scoped3A : memref<!tpu.dma_semaphore, #tpu.memory_space<semaphore_mem>>) src(%arg11 : memref<80x128xf32, #tpu.memory_space<vmem>>) dst(%dma_wait3A_259 : memref<80x128xf32, #tpu.memory_space<vmem_shared>>)
      tpu.yield
    }) : () -> ()
    %add3A_13 = arith.constant 240 : i32
    %add3A_14 = arith.addi %mul3A_6, %add3A_13 : i32
    "tpu.region"() ({
      %run_scoped3A = tpu.sem_alloc : memref<!tpu.dma_semaphore, #tpu.memory_space<semaphore_mem>>
      %dma_start3A_252 = arith.constant 0 : i32
      %dma_start3A_253 = tpu.memref_slice %arg25[%add3A_14, %dma_start3A_252] : memref<10240x128xf32, #tpu.memory_space<vmem_shared>> -> memref<80x128xf32, #tpu.memory_space<vmem_shared>>
      %dma_start3A_254 = arith.constant 0 : i32
      %dma_start3A_255 = tpu.memref_slice %arg25[%add3A_14, %dma_start3A_254] : memref<10240x128xf32, #tpu.memory_space<vmem_shared>> -> memref<80x128xf32, #tpu.memory_space<vmem_shared>>
      tpu.enqueue_dma source(%arg11 : memref<80x128xf32, #tpu.memory_space<vmem>>) target(%dma_start3A_255 : memref<80x128xf32, #tpu.memory_space<vmem_shared>>) target_semaphore(%run_scoped3A : memref<!tpu.dma_semaphore, #tpu.memory_space<semaphore_mem>>)
      %dma_wait3A_256 = arith.constant 0 : i32
      %dma_wait3A_257 = tpu.memref_slice %arg25[%add3A_14, %dma_wait3A_256] : memref<10240x128xf32, #tpu.memory_space<vmem_shared>> -> memref<80x128xf32, #tpu.memory_space<vmem_shared>>
      %dma_wait3A_258 = arith.constant 0 : i32
      %dma_wait3A_259 = tpu.memref_slice %arg25[%add3A_14, %dma_wait3A_258] : memref<10240x128xf32, #tpu.memory_space<vmem_shared>> -> memref<80x128xf32, #tpu.memory_space<vmem_shared>>
      tpu.wait_dma2 semaphore(%run_scoped3A : memref<!tpu.dma_semaphore, #tpu.memory_space<semaphore_mem>>) src(%arg11 : memref<80x128xf32, #tpu.memory_space<vmem>>) dst(%dma_wait3A_259 : memref<80x128xf32, #tpu.memory_space<vmem_shared>>)
      tpu.yield
    }) : () -> ()
    %add3A_15 = arith.constant 320 : i32
    %add3A_16 = arith.addi %mul3A_6, %add3A_15 : i32
    "tpu.region"() ({
      %run_scoped3A = tpu.sem_alloc : memref<!tpu.dma_semaphore, #tpu.memory_space<semaphore_mem>>
      %dma_start3A_252 = arith.constant 0 : i32
      %dma_start3A_253 = tpu.memref_slice %arg25[%add3A_16, %dma_start3A_252] : memref<10240x128xf32, #tpu.memory_space<vmem_shared>> -> memref<80x128xf32, #tpu.memory_space<vmem_shared>>
      %dma_start3A_254 = arith.constant 0 : i32
      %dma_start3A_255 = tpu.memref_slice %arg25[%add3A_16, %dma_start3A_254] : memref<10240x128xf32, #tpu.memory_space<vmem_shared>> -> memref<80x128xf32, #tpu.memory_space<vmem_shared>>
      tpu.enqueue_dma source(%arg11 : memref<80x128xf32, #tpu.memory_space<vmem>>) target(%dma_start3A_255 : memref<80x128xf32, #tpu.memory_space<vmem_shared>>) target_semaphore(%run_scoped3A : memref<!tpu.dma_semaphore, #tpu.memory_space<semaphore_mem>>)
      %dma_wait3A_256 = arith.constant 0 : i32
      %dma_wait3A_257 = tpu.memref_slice %arg25[%add3A_16, %dma_wait3A_256] : memref<10240x128xf32, #tpu.memory_space<vmem_shared>> -> memref<80x128xf32, #tpu.memory_space<vmem_shared>>
      %dma_wait3A_258 = arith.constant 0 : i32
      %dma_wait3A_259 = tpu.memref_slice %arg25[%add3A_16, %dma_wait3A_258] : memref<10240x128xf32, #tpu.memory_space<vmem_shared>> -> memref<80x128xf32, #tpu.memory_space<vmem_shared>>
      tpu.wait_dma2 semaphore(%run_scoped3A : memref<!tpu.dma_semaphore, #tpu.memory_space<semaphore_mem>>) src(%arg11 : memref<80x128xf32, #tpu.memory_space<vmem>>) dst(%dma_wait3A_259 : memref<80x128xf32, #tpu.memory_space<vmem_shared>>)
      tpu.yield
    }) : () -> ()
    %add3A_17 = arith.constant 400 : i32
    %add3A_18 = arith.addi %mul3A_6, %add3A_17 : i32
    "tpu.region"() ({
      %run_scoped3A = tpu.sem_alloc : memref<!tpu.dma_semaphore, #tpu.memory_space<semaphore_mem>>
      %dma_start3A_252 = arith.constant 0 : i32
      %dma_start3A_253 = tpu.memref_slice %arg25[%add3A_18, %dma_start3A_252] : memref<10240x128xf32, #tpu.memory_space<vmem_shared>> -> memref<80x128xf32, #tpu.memory_space<vmem_shared>>
      %dma_start3A_254 = arith.constant 0 : i32
      %dma_start3A_255 = tpu.memref_slice %arg25[%add3A_18, %dma_start3A_254] : memref<10240x128xf32, #tpu.memory_space<vmem_shared>> -> memref<80x128xf32, #tpu.memory_space<vmem_shared>>
      tpu.enqueue_dma source(%arg11 : memref<80x128xf32, #tpu.memory_space<vmem>>) target(%dma_start3A_255 : memref<80x128xf32, #tpu.memory_space<vmem_shared>>) target_semaphore(%run_scoped3A : memref<!tpu.dma_semaphore, #tpu.memory_space<semaphore_mem>>)
      %dma_wait3A_256 = arith.constant 0 : i32
      %dma_wait3A_257 = tpu.memref_slice %arg25[%add3A_18, %dma_wait3A_256] : memref<10240x128xf32, #tpu.memory_space<vmem_shared>> -> memref<80x128xf32, #tpu.memory_space<vmem_shared>>
      %dma_wait3A_258 = arith.constant 0 : i32
      %dma_wait3A_259 = tpu.memref_slice %arg25[%add3A_18, %dma_wait3A_258] : memref<10240x128xf32, #tpu.memory_space<vmem_shared>> -> memref<80x128xf32, #tpu.memory_space<vmem_shared>>
      tpu.wait_dma2 semaphore(%run_scoped3A : memref<!tpu.dma_semaphore, #tpu.memory_space<semaphore_mem>>) src(%arg11 : memref<80x128xf32, #tpu.memory_space<vmem>>) dst(%dma_wait3A_259 : memref<80x128xf32, #tpu.memory_space<vmem_shared>>)
      tpu.yield
    }) : () -> ()
    %add3A_19 = arith.constant 480 : i32
    %add3A_20 = arith.addi %mul3A_6, %add3A_19 : i32
    "tpu.region"() ({
      %run_scoped3A = tpu.sem_alloc : memref<!tpu.dma_semaphore, #tpu.memory_space<semaphore_mem>>
      %dma_start3A_252 = arith.constant 0 : i32
      %dma_start3A_253 = tpu.memref_slice %arg25[%add3A_20, %dma_start3A_252] : memref<10240x128xf32, #tpu.memory_space<vmem_shared>> -> memref<80x128xf32, #tpu.memory_space<vmem_shared>>
      %dma_start3A_254 = arith.constant 0 : i32
      %dma_start3A_255 = tpu.memref_slice %arg25[%add3A_20, %dma_start3A_254] : memref<10240x128xf32, #tpu.memory_space<vmem_shared>> -> memref<80x128xf32, #tpu.memory_space<vmem_shared>>
      tpu.enqueue_dma source(%arg11 : memref<80x128xf32, #tpu.memory_space<vmem>>) target(%dma_start3A_255 : memref<80x128xf32, #tpu.memory_space<vmem_shared>>) target_semaphore(%run_scoped3A : memref<!tpu.dma_semaphore, #tpu.memory_space<semaphore_mem>>)
      %dma_wait3A_256 = arith.constant 0 : i32
      %dma_wait3A_257 = tpu.memref_slice %arg25[%add3A_20, %dma_wait3A_256] : memref<10240x128xf32, #tpu.memory_space<vmem_shared>> -> memref<80x128xf32, #tpu.memory_space<vmem_shared>>
      %dma_wait3A_258 = arith.constant 0 : i32
      %dma_wait3A_259 = tpu.memref_slice %arg25[%add3A_20, %dma_wait3A_258] : memref<10240x128xf32, #tpu.memory_space<vmem_shared>> -> memref<80x128xf32, #tpu.memory_space<vmem_shared>>
      tpu.wait_dma2 semaphore(%run_scoped3A : memref<!tpu.dma_semaphore, #tpu.memory_space<semaphore_mem>>) src(%arg11 : memref<80x128xf32, #tpu.memory_space<vmem>>) dst(%dma_wait3A_259 : memref<80x128xf32, #tpu.memory_space<vmem_shared>>)
      tpu.yield
    }) : () -> ()
    %add3A_21 = arith.constant 560 : i32
    %add3A_22 = arith.addi %mul3A_6, %add3A_21 : i32
    "tpu.region"() ({
      %run_scoped3A = tpu.sem_alloc : memref<!tpu.dma_semaphore, #tpu.memory_space<semaphore_mem>>
      %dma_start3A_252 = arith.constant 0 : i32
      %dma_start3A_253 = tpu.memref_slice %arg25[%add3A_22, %dma_start3A_252] : memref<10240x128xf32, #tpu.memory_space<vmem_shared>> -> memref<80x128xf32, #tpu.memory_space<vmem_shared>>
      %dma_start3A_254 = arith.constant 0 : i32
      %dma_start3A_255 = tpu.memref_slice %arg25[%add3A_22, %dma_start3A_254] : memref<10240x128xf32, #tpu.memory_space<vmem_shared>> -> memref<80x128xf32, #tpu.memory_space<vmem_shared>>
      tpu.enqueue_dma source(%arg11 : memref<80x128xf32, #tpu.memory_space<vmem>>) target(%dma_start3A_255 : memref<80x128xf32, #tpu.memory_space<vmem_shared>>) target_semaphore(%run_scoped3A : memref<!tpu.dma_semaphore, #tpu.memory_space<semaphore_mem>>)
      %dma_wait3A_256 = arith.constant 0 : i32
      %dma_wait3A_257 = tpu.memref_slice %arg25[%add3A_22, %dma_wait3A_256] : memref<10240x128xf32, #tpu.memory_space<vmem_shared>> -> memref<80x128xf32, #tpu.memory_space<vmem_shared>>
      %dma_wait3A_258 = arith.constant 0 : i32
      %dma_wait3A_259 = tpu.memref_slice %arg25[%add3A_22, %dma_wait3A_258] : memref<10240x128xf32, #tpu.memory_space<vmem_shared>> -> memref<80x128xf32, #tpu.memory_space<vmem_shared>>
      tpu.wait_dma2 semaphore(%run_scoped3A : memref<!tpu.dma_semaphore, #tpu.memory_space<semaphore_mem>>) src(%arg11 : memref<80x128xf32, #tpu.memory_space<vmem>>) dst(%dma_wait3A_259 : memref<80x128xf32, #tpu.memory_space<vmem_shared>>)
      tpu.yield
    }) : () -> ()
    %barrier3A = arith.constant 0 : index
    tpu.barrier barrier_id(%barrier3A)
    %mul3A_23 = arith.constant 10000 : i32
    %mul3A_24 = arith.muli %add3A, %mul3A_23 : i32
    %add3A_25 = arith.constant 0 : i32
    %add3A_26 = arith.addi %mul3A_24, %add3A_25 : i32
    %dma_start3A = tpu.memref_slice %arg3[%add3A_26] : memref<320000xi32, #tpu.memory_space<hbm>> -> memref<80xi32, #tpu.memory_space<hbm>>
    %dma_start3A_27 = tpu.memref_slice %arg3[%add3A_26] : memref<320000xi32, #tpu.memory_space<hbm>> -> memref<80xi32, #tpu.memory_space<hbm>>
    tpu.enqueue_dma source(%dma_start3A_27 : memref<80xi32, #tpu.memory_space<hbm>>) target(%arg7 : memref<80xi32, #tpu.memory_space<vmem>>) target_semaphore(%arg15 : memref<!tpu.dma_semaphore, #tpu.memory_space<semaphore_mem>>)
    %add3A_28 = arith.constant 80 : i32
    %add3A_29 = arith.addi %mul3A_24, %add3A_28 : i32
    %dma_start3A_30 = tpu.memref_slice %arg3[%add3A_29] : memref<320000xi32, #tpu.memory_space<hbm>> -> memref<80xi32, #tpu.memory_space<hbm>>
    %dma_start3A_31 = tpu.memref_slice %arg3[%add3A_29] : memref<320000xi32, #tpu.memory_space<hbm>> -> memref<80xi32, #tpu.memory_space<hbm>>
    tpu.enqueue_dma source(%dma_start3A_31 : memref<80xi32, #tpu.memory_space<hbm>>) target(%arg8 : memref<80xi32, #tpu.memory_space<vmem>>) target_semaphore(%arg16 : memref<!tpu.dma_semaphore, #tpu.memory_space<semaphore_mem>>)
    %add3A_32 = arith.constant 0 : i32
    %add3A_33 = arith.addi %mul3A_24, %add3A_32 : i32
    %dma_start3A_34 = tpu.memref_slice %arg4[%add3A_33] : memref<320000xi32, #tpu.memory_space<hbm>> -> memref<80xi32, #tpu.memory_space<hbm>>
    %dma_start3A_35 = tpu.memref_slice %arg4[%add3A_33] : memref<320000xi32, #tpu.memory_space<hbm>> -> memref<80xi32, #tpu.memory_space<hbm>>
    tpu.enqueue_dma source(%dma_start3A_35 : memref<80xi32, #tpu.memory_space<hbm>>) target(%arg9 : memref<80xi32, #tpu.memory_space<vmem>>) target_semaphore(%arg17 : memref<!tpu.dma_semaphore, #tpu.memory_space<semaphore_mem>>)
    %add3A_36 = arith.constant 0 : i32
    %add3A_37 = arith.addi %mul3A_24, %add3A_36 : i32
    %dma_wait3A = tpu.memref_slice %arg3[%add3A_37] : memref<320000xi32, #tpu.memory_space<hbm>> -> memref<80xi32, #tpu.memory_space<hbm>>
    %dma_wait3A_38 = tpu.memref_slice %arg3[%add3A_37] : memref<320000xi32, #tpu.memory_space<hbm>> -> memref<80xi32, #tpu.memory_space<hbm>>
    tpu.wait_dma2 semaphore(%arg15 : memref<!tpu.dma_semaphore, #tpu.memory_space<semaphore_mem>>) src(%dma_wait3A_38 : memref<80xi32, #tpu.memory_space<hbm>>) dst(%arg7 : memref<80xi32, #tpu.memory_space<vmem>>)
    %dma_start3A_39 = arith.constant 0 : i32
    %dma_start3A_40 = arith.constant 0 : i32
    %dma_start3A_41 = tpu.memref_slice %arg2[%dma_start3A_39, %dma_start3A_40] : memref<10000x128xf32, #tpu.memory_space<hbm>> -> memref<10000x128xf32, #tpu.memory_space<hbm>>
    tpu.enqueue_indirect_dma source(%dma_start3A_41 : memref<10000x128xf32, #tpu.memory_space<hbm>>) target(%arg11 : memref<80x128xf32, #tpu.memory_space<vmem>>) offsets(%arg7 : memref<80xi32, #tpu.memory_space<vmem>>) semaphore(%arg19 : memref<!tpu.dma_semaphore, #tpu.memory_space<semaphore_mem>>)
    %dma_start3A_42 = arith.constant 0 : i32
    %dma_start3A_43 = tpu.memref_slice %arg5[%mul3A_24, %dma_start3A_42] : memref<320000x128xf32, #tpu.memory_space<hbm>> -> memref<80x128xf32, #tpu.memory_space<hbm>>
    %dma_start3A_44 = arith.constant 0 : i32
    %dma_start3A_45 = tpu.memref_slice %arg5[%mul3A_24, %dma_start3A_44] : memref<320000x128xf32, #tpu.memory_space<hbm>> -> memref<80x128xf32, #tpu.memory_space<hbm>>
    tpu.enqueue_dma source(%dma_start3A_45 : memref<80x128xf32, #tpu.memory_space<hbm>>) target(%arg13 : memref<80x128xf32, #tpu.memory_space<vmem>>) target_semaphore(%arg21 : memref<!tpu.dma_semaphore, #tpu.memory_space<semaphore_mem>>)
    %add3A_46 = arith.constant 80 : i32
    %add3A_47 = arith.addi %mul3A_24, %add3A_46 : i32
    %dma_start3A_48 = tpu.memref_slice %arg4[%add3A_47] : memref<320000xi32, #tpu.memory_space<hbm>> -> memref<80xi32, #tpu.memory_space<hbm>>
    %dma_start3A_49 = tpu.memref_slice %arg4[%add3A_47] : memref<320000xi32, #tpu.memory_space<hbm>> -> memref<80xi32, #tpu.memory_space<hbm>>
    tpu.enqueue_dma source(%dma_start3A_49 : memref<80xi32, #tpu.memory_space<hbm>>) target(%arg10 : memref<80xi32, #tpu.memory_space<vmem>>) target_semaphore(%arg18 : memref<!tpu.dma_semaphore, #tpu.memory_space<semaphore_mem>>)
    %add3A_50 = arith.constant 80 : i32
    %add3A_51 = arith.addi %mul3A_24, %add3A_50 : i32
    %dma_wait3A_52 = tpu.memref_slice %arg3[%add3A_51] : memref<320000xi32, #tpu.memory_space<hbm>> -> memref<80xi32, #tpu.memory_space<hbm>>
    %dma_wait3A_53 = tpu.memref_slice %arg3[%add3A_51] : memref<320000xi32, #tpu.memory_space<hbm>> -> memref<80xi32, #tpu.memory_space<hbm>>
    tpu.wait_dma2 semaphore(%arg16 : memref<!tpu.dma_semaphore, #tpu.memory_space<semaphore_mem>>) src(%dma_wait3A_53 : memref<80xi32, #tpu.memory_space<hbm>>) dst(%arg8 : memref<80xi32, #tpu.memory_space<vmem>>)
    %dma_start3A_54 = arith.constant 0 : i32
    %dma_start3A_55 = arith.constant 0 : i32
    %dma_start3A_56 = tpu.memref_slice %arg2[%dma_start3A_54, %dma_start3A_55] : memref<10000x128xf32, #tpu.memory_space<hbm>> -> memref<10000x128xf32, #tpu.memory_space<hbm>>
    tpu.enqueue_indirect_dma source(%dma_start3A_56 : memref<10000x128xf32, #tpu.memory_space<hbm>>) target(%arg12 : memref<80x128xf32, #tpu.memory_space<vmem>>) offsets(%arg8 : memref<80xi32, #tpu.memory_space<vmem>>) semaphore(%arg20 : memref<!tpu.dma_semaphore, #tpu.memory_space<semaphore_mem>>)
    %add3A_57 = arith.constant 80 : i32
    %add3A_58 = arith.addi %mul3A_24, %add3A_57 : i32
    %dma_start3A_59 = arith.constant 0 : i32
    %dma_start3A_60 = tpu.memref_slice %arg5[%add3A_58, %dma_start3A_59] : memref<320000x128xf32, #tpu.memory_space<hbm>> -> memref<80x128xf32, #tpu.memory_space<hbm>>
    %dma_start3A_61 = arith.constant 0 : i32
    %dma_start3A_62 = tpu.memref_slice %arg5[%add3A_58, %dma_start3A_61] : memref<320000x128xf32, #tpu.memory_space<hbm>> -> memref<80x128xf32, #tpu.memory_space<hbm>>
    tpu.enqueue_dma source(%dma_start3A_62 : memref<80x128xf32, #tpu.memory_space<hbm>>) target(%arg14 : memref<80x128xf32, #tpu.memory_space<vmem>>) target_semaphore(%arg22 : memref<!tpu.dma_semaphore, #tpu.memory_space<semaphore_mem>>)
    %dma_wait3A_63 = arith.constant 0 : i32
    %dma_wait3A_64 = arith.constant 0 : i32
    %dma_wait3A_65 = tpu.memref_slice %arg2[%dma_wait3A_63, %dma_wait3A_64] : memref<10000x128xf32, #tpu.memory_space<hbm>> -> memref<10000x128xf32, #tpu.memory_space<hbm>>
    tpu.wait_indirect_dma semaphore(%arg19 : memref<!tpu.dma_semaphore, #tpu.memory_space<semaphore_mem>>) src(%dma_wait3A_65 : memref<10000x128xf32, #tpu.memory_space<hbm>>) dst(%arg11 : memref<80x128xf32, #tpu.memory_space<vmem>>)
    %add3A_66 = arith.constant 0 : i32
    %add3A_67 = arith.addi %mul3A_24, %add3A_66 : i32
    %dma_wait3A_68 = arith.constant 0 : i32
    %dma_wait3A_69 = tpu.memref_slice %arg5[%add3A_67, %dma_wait3A_68] : memref<320000x128xf32, #tpu.memory_space<hbm>> -> memref<80x128xf32, #tpu.memory_space<hbm>>
    %dma_wait3A_70 = arith.constant 0 : i32
    %dma_wait3A_71 = tpu.memref_slice %arg5[%add3A_67, %dma_wait3A_70] : memref<320000x128xf32, #tpu.memory_space<hbm>> -> memref<80x128xf32, #tpu.memory_space<hbm>>
    tpu.wait_dma2 semaphore(%arg21 : memref<!tpu.dma_semaphore, #tpu.memory_space<semaphore_mem>>) src(%dma_wait3A_71 : memref<80x128xf32, #tpu.memory_space<hbm>>) dst(%arg13 : memref<80x128xf32, #tpu.memory_space<vmem>>)
    %scan3A_72 = arith.constant 0 : i32
    %scan3A_73 = arith.constant 80 : i32
    %scan3A_74 = arith.addi %scan3A_72, %scan3A_73 : i32
    %scan3A_75 = arith.constant 1 : i32
    scf.for %scan3A_252 = %scan3A_72 to %scan3A_74 step %scan3A_75  : i32 {
      %mul3A_253 = arith.constant 1 : i32
      %mul3A_254 = arith.muli %scan3A_252, %mul3A_253 : i32
      %add3A_255 = arith.constant 0 : i32
      %add3A_256 = arith.addi %add3A_255, %mul3A_254 : i32
      %get3A = arith.index_cast %add3A_256 : i32 to index
      %get3A_257 = arith.constant 0 : index
      %get3A_258 = tpu.vector_load %arg11[%get3A, %get3A_257] {strides = array<i32>} : memref<80x128xf32, #tpu.memory_space<vmem>>, vector<1x16xf32>,
      %get3A_259 = vector.shape_cast %get3A_258 : vector<1x16xf32> to vector<16xf32>
      %get3A_260 = arith.index_cast %add3A_256 : i32 to index
      %get3A_261 = arith.constant 0 : index
      %get3A_262 = tpu.vector_load %arg13[%get3A_260, %get3A_261] {strides = array<i32>} : memref<80x128xf32, #tpu.memory_space<vmem>>, vector<1x16xf32>,
      %get3A_263 = vector.shape_cast %get3A_262 : vector<1x16xf32> to vector<16xf32>
      %add3A_264 = arith.addf %get3A_259, %get3A_263 : vector<16xf32>
      %max3A = arith.constant 0.000000e+00 : f32
      %max3A_265 = vector.broadcast %max3A : f32 to vector<16xf32>
      %max3A_266 = arith.maximumf %add3A_264, %max3A_265 : vector<16xf32>
      %swap3A = arith.index_cast %add3A_256 : i32 to index
      %swap3A_267 = arith.constant 0 : index
      %swap3A_268 = tpu.vector_load %arg11[%swap3A, %swap3A_267] {strides = array<i32>} : memref<80x128xf32, #tpu.memory_space<vmem>>, vector<1x16xf32>,
      %swap3A_269 = vector.shape_cast %swap3A_268 : vector<1x16xf32> to vector<16xf32>
      %swap3A_270 = vector.shape_cast %max3A_266 : vector<16xf32> to vector<1x16xf32>
      tpu.vector_store %arg11[%swap3A, %swap3A_267], %swap3A_270 {strides = array<i32>} : memref<80x128xf32, #tpu.memory_space<vmem>>, vector<1x16xf32>,
      %get3A_271 = arith.index_cast %add3A_256 : i32 to index
      %get3A_272 = arith.constant 16 : index
      %get3A_273 = tpu.vector_load %arg11[%get3A_271, %get3A_272] {strides = array<i32>} : memref<80x128xf32, #tpu.memory_space<vmem>>, vector<1x16xf32>,
      %get3A_274 = vector.shape_cast %get3A_273 : vector<1x16xf32> to vector<16xf32>
      %get3A_275 = arith.index_cast %add3A_256 : i32 to index
      %get3A_276 = arith.constant 16 : index
      %get3A_277 = tpu.vector_load %arg13[%get3A_275, %get3A_276] {strides = array<i32>} : memref<80x128xf32, #tpu.memory_space<vmem>>, vector<1x16xf32>,
      %get3A_278 = vector.shape_cast %get3A_277 : vector<1x16xf32> to vector<16xf32>
      %add3A_279 = arith.addf %get3A_274, %get3A_278 : vector<16xf32>
      %max3A_280 = arith.constant 0.000000e+00 : f32
      %max3A_281 = vector.broadcast %max3A_280 : f32 to vector<16xf32>
      %max3A_282 = arith.maximumf %add3A_279, %max3A_281 : vector<16xf32>
      %swap3A_283 = arith.index_cast %add3A_256 : i32 to index
      %swap3A_284 = arith.constant 16 : index
      %swap3A_285 = tpu.vector_load %arg11[%swap3A_283, %swap3A_284] {strides = array<i32>} : memref<80x128xf32, #tpu.memory_space<vmem>>, vector<1x16xf32>,
      %swap3A_286 = vector.shape_cast %swap3A_285 : vector<1x16xf32> to vector<16xf32>
      %swap3A_287 = vector.shape_cast %max3A_282 : vector<16xf32> to vector<1x16xf32>
      tpu.vector_store %arg11[%swap3A_283, %swap3A_284], %swap3A_287 {strides = array<i32>} : memref<80x128xf32, #tpu.memory_space<vmem>>, vector<1x16xf32>,
      %get3A_288 = arith.index_cast %add3A_256 : i32 to index
      %get3A_289 = arith.constant 32 : index
      %get3A_290 = tpu.vector_load %arg11[%get3A_288, %get3A_289] {strides = array<i32>} : memref<80x128xf32, #tpu.memory_space<vmem>>, vector<1x16xf32>,
      %get3A_291 = vector.shape_cast %get3A_290 : vector<1x16xf32> to vector<16xf32>
      %get3A_292 = arith.index_cast %add3A_256 : i32 to index
      %get3A_293 = arith.constant 32 : index
      %get3A_294 = tpu.vector_load %arg13[%get3A_292, %get3A_293] {strides = array<i32>} : memref<80x128xf32, #tpu.memory_space<vmem>>, vector<1x16xf32>,
      %get3A_295 = vector.shape_cast %get3A_294 : vector<1x16xf32> to vector<16xf32>
      %add3A_296 = arith.addf %get3A_291, %get3A_295 : vector<16xf32>
      %max3A_297 = arith.constant 0.000000e+00 : f32
      %max3A_298 = vector.broadcast %max3A_297 : f32 to vector<16xf32>
      %max3A_299 = arith.maximumf %add3A_296, %max3A_298 : vector<16xf32>
      %swap3A_300 = arith.index_cast %add3A_256 : i32 to index
      %swap3A_301 = arith.constant 32 : index
      %swap3A_302 = tpu.vector_load %arg11[%swap3A_300, %swap3A_301] {strides = array<i32>} : memref<80x128xf32, #tpu.memory_space<vmem>>, vector<1x16xf32>,
      %swap3A_303 = vector.shape_cast %swap3A_302 : vector<1x16xf32> to vector<16xf32>
      %swap3A_304 = vector.shape_cast %max3A_299 : vector<16xf32> to vector<1x16xf32>
      tpu.vector_store %arg11[%swap3A_300, %swap3A_301], %swap3A_304 {strides = array<i32>} : memref<80x128xf32, #tpu.memory_space<vmem>>, vector<1x16xf32>,
      %get3A_305 = arith.index_cast %add3A_256 : i32 to index
      %get3A_306 = arith.constant 48 : index
      %get3A_307 = tpu.vector_load %arg11[%get3A_305, %get3A_306] {strides = array<i32>} : memref<80x128xf32, #tpu.memory_space<vmem>>, vector<1x16xf32>,
      %get3A_308 = vector.shape_cast %get3A_307 : vector<1x16xf32> to vector<16xf32>
      %get3A_309 = arith.index_cast %add3A_256 : i32 to index
      %get3A_310 = arith.constant 48 : index
      %get3A_311 = tpu.vector_load %arg13[%get3A_309, %get3A_310] {strides = array<i32>} : memref<80x128xf32, #tpu.memory_space<vmem>>, vector<1x16xf32>,
      %get3A_312 = vector.shape_cast %get3A_311 : vector<1x16xf32> to vector<16xf32>
      %add3A_313 = arith.addf %get3A_308, %get3A_312 : vector<16xf32>
      %max3A_314 = arith.constant 0.000000e+00 : f32
      %max3A_315 = vector.broadcast %max3A_314 : f32 to vector<16xf32>
      %max3A_316 = arith.maximumf %add3A_313, %max3A_315 : vector<16xf32>
      %swap3A_317 = arith.index_cast %add3A_256 : i32 to index
      %swap3A_318 = arith.constant 48 : index
      %swap3A_319 = tpu.vector_load %arg11[%swap3A_317, %swap3A_318] {strides = array<i32>} : memref<80x128xf32, #tpu.memory_space<vmem>>, vector<1x16xf32>,
      %swap3A_320 = vector.shape_cast %swap3A_319 : vector<1x16xf32> to vector<16xf32>
      %swap3A_321 = vector.shape_cast %max3A_316 : vector<16xf32> to vector<1x16xf32>
      tpu.vector_store %arg11[%swap3A_317, %swap3A_318], %swap3A_321 {strides = array<i32>} : memref<80x128xf32, #tpu.memory_space<vmem>>, vector<1x16xf32>,
      %get3A_322 = arith.index_cast %add3A_256 : i32 to index
      %get3A_323 = arith.constant 64 : index
      %get3A_324 = tpu.vector_load %arg11[%get3A_322, %get3A_323] {strides = array<i32>} : memref<80x128xf32, #tpu.memory_space<vmem>>, vector<1x16xf32>,
      %get3A_325 = vector.shape_cast %get3A_324 : vector<1x16xf32> to vector<16xf32>
      %get3A_326 = arith.index_cast %add3A_256 : i32 to index
      %get3A_327 = arith.constant 64 : index
      %get3A_328 = tpu.vector_load %arg13[%get3A_326, %get3A_327] {strides = array<i32>} : memref<80x128xf32, #tpu.memory_space<vmem>>, vector<1x16xf32>,
      %get3A_329 = vector.shape_cast %get3A_328 : vector<1x16xf32> to vector<16xf32>
      %add3A_330 = arith.addf %get3A_325, %get3A_329 : vector<16xf32>
      %max3A_331 = arith.constant 0.000000e+00 : f32
      %max3A_332 = vector.broadcast %max3A_331 : f32 to vector<16xf32>
      %max3A_333 = arith.maximumf %add3A_330, %max3A_332 : vector<16xf32>
      %swap3A_334 = arith.index_cast %add3A_256 : i32 to index
      %swap3A_335 = arith.constant 64 : index
      %swap3A_336 = tpu.vector_load %arg11[%swap3A_334, %swap3A_335] {strides = array<i32>} : memref<80x128xf32, #tpu.memory_space<vmem>>, vector<1x16xf32>,
      %swap3A_337 = vector.shape_cast %swap3A_336 : vector<1x16xf32> to vector<16xf32>
      %swap3A_338 = vector.shape_cast %max3A_333 : vector<16xf32> to vector<1x16xf32>
      tpu.vector_store %arg11[%swap3A_334, %swap3A_335], %swap3A_338 {strides = array<i32>} : memref<80x128xf32, #tpu.memory_space<vmem>>, vector<1x16xf32>,
      %get3A_339 = arith.index_cast %add3A_256 : i32 to index
      %get3A_340 = arith.constant 80 : index
      %get3A_341 = tpu.vector_load %arg11[%get3A_339, %get3A_340] {strides = array<i32>} : memref<80x128xf32, #tpu.memory_space<vmem>>, vector<1x16xf32>,
      %get3A_342 = vector.shape_cast %get3A_341 : vector<1x16xf32> to vector<16xf32>
      %get3A_343 = arith.index_cast %add3A_256 : i32 to index
      %get3A_344 = arith.constant 80 : index
      %get3A_345 = tpu.vector_load %arg13[%get3A_343, %get3A_344] {strides = array<i32>} : memref<80x128xf32, #tpu.memory_space<vmem>>, vector<1x16xf32>,
      %get3A_346 = vector.shape_cast %get3A_345 : vector<1x16xf32> to vector<16xf32>
      %add3A_347 = arith.addf %get3A_342, %get3A_346 : vector<16xf32>
      %max3A_348 = arith.constant 0.000000e+00 : f32
      %max3A_349 = vector.broadcast %max3A_348 : f32 to vector<16xf32>
      %max3A_350 = arith.maximumf %add3A_347, %max3A_349 : vector<16xf32>
      %swap3A_351 = arith.index_cast %add3A_256 : i32 to index
      %swap3A_352 = arith.constant 80 : index
      %swap3A_353 = tpu.vector_load %arg11[%swap3A_351, %swap3A_352] {strides = array<i32>} : memref<80x128xf32, #tpu.memory_space<vmem>>, vector<1x16xf32>,
      %swap3A_354 = vector.shape_cast %swap3A_353 : vector<1x16xf32> to vector<16xf32>
      %swap3A_355 = vector.shape_cast %max3A_350 : vector<16xf32> to vector<1x16xf32>
      tpu.vector_store %arg11[%swap3A_351, %swap3A_352], %swap3A_355 {strides = array<i32>} : memref<80x128xf32, #tpu.memory_space<vmem>>, vector<1x16xf32>,
      %get3A_356 = arith.index_cast %add3A_256 : i32 to index
      %get3A_357 = arith.constant 96 : index
      %get3A_358 = tpu.vector_load %arg11[%get3A_356, %get3A_357] {strides = array<i32>} : memref<80x128xf32, #tpu.memory_space<vmem>>, vector<1x16xf32>,
      %get3A_359 = vector.shape_cast %get3A_358 : vector<1x16xf32> to vector<16xf32>
      %get3A_360 = arith.index_cast %add3A_256 : i32 to index
      %get3A_361 = arith.constant 96 : index
      %get3A_362 = tpu.vector_load %arg13[%get3A_360, %get3A_361] {strides = array<i32>} : memref<80x128xf32, #tpu.memory_space<vmem>>, vector<1x16xf32>,
      %get3A_363 = vector.shape_cast %get3A_362 : vector<1x16xf32> to vector<16xf32>
      %add3A_364 = arith.addf %get3A_359, %get3A_363 : vector<16xf32>
      %max3A_365 = arith.constant 0.000000e+00 : f32
      %max3A_366 = vector.broadcast %max3A_365 : f32 to vector<16xf32>
      %max3A_367 = arith.maximumf %add3A_364, %max3A_366 : vector<16xf32>
      %swap3A_368 = arith.index_cast %add3A_256 : i32 to index
      %swap3A_369 = arith.constant 96 : index
      %swap3A_370 = tpu.vector_load %arg11[%swap3A_368, %swap3A_369] {strides = array<i32>} : memref<80x128xf32, #tpu.memory_space<vmem>>, vector<1x16xf32>,
      %swap3A_371 = vector.shape_cast %swap3A_370 : vector<1x16xf32> to vector<16xf32>
      %swap3A_372 = vector.shape_cast %max3A_367 : vector<16xf32> to vector<1x16xf32>
      tpu.vector_store %arg11[%swap3A_368, %swap3A_369], %swap3A_372 {strides = array<i32>} : memref<80x128xf32, #tpu.memory_space<vmem>>, vector<1x16xf32>,
      %get3A_373 = arith.index_cast %add3A_256 : i32 to index
      %get3A_374 = arith.constant 112 : index
      %get3A_375 = tpu.vector_load %arg11[%get3A_373, %get3A_374] {strides = array<i32>} : memref<80x128xf32, #tpu.memory_space<vmem>>, vector<1x16xf32>,
      %get3A_376 = vector.shape_cast %get3A_375 : vector<1x16xf32> to vector<16xf32>
      %get3A_377 = arith.index_cast %add3A_256 : i32 to index
      %get3A_378 = arith.constant 112 : index
      %get3A_379 = tpu.vector_load %arg13[%get3A_377, %get3A_378] {strides = array<i32>} : memref<80x128xf32, #tpu.memory_space<vmem>>, vector<1x16xf32>,
      %get3A_380 = vector.shape_cast %get3A_379 : vector<1x16xf32> to vector<16xf32>
      %add3A_381 = arith.addf %get3A_376, %get3A_380 : vector<16xf32>
      %max3A_382 = arith.constant 0.000000e+00 : f32
      %max3A_383 = vector.broadcast %max3A_382 : f32 to vector<16xf32>
      %max3A_384 = arith.maximumf %add3A_381, %max3A_383 : vector<16xf32>
      %swap3A_385 = arith.index_cast %add3A_256 : i32 to index
      %swap3A_386 = arith.constant 112 : index
      %swap3A_387 = tpu.vector_load %arg11[%swap3A_385, %swap3A_386] {strides = array<i32>} : memref<80x128xf32, #tpu.memory_space<vmem>>, vector<1x16xf32>,
      %swap3A_388 = vector.shape_cast %swap3A_387 : vector<1x16xf32> to vector<16xf32>
      %swap3A_389 = vector.shape_cast %max3A_384 : vector<16xf32> to vector<1x16xf32>
      tpu.vector_store %arg11[%swap3A_385, %swap3A_386], %swap3A_389 {strides = array<i32>} : memref<80x128xf32, #tpu.memory_space<vmem>>, vector<1x16xf32>,
    }
    %scan3A_76 = arith.constant 80 : i32
    %add3A_77 = arith.constant 160 : i32
    %add3A_78 = arith.addi %mul3A_24, %add3A_77 : i32
    %dma_start3A_79 = tpu.memref_slice %arg3[%add3A_78] : memref<320000xi32, #tpu.memory_space<hbm>> -> memref<80xi32, #tpu.memory_space<hbm>>
    %dma_start3A_80 = tpu.memref_slice %arg3[%add3A_78] : memref<320000xi32, #tpu.memory_space<hbm>> -> memref<80xi32, #tpu.memory_space<hbm>>
    tpu.enqueue_dma source(%dma_start3A_80 : memref<80xi32, #tpu.memory_space<hbm>>) target(%arg7 : memref<80xi32, #tpu.memory_space<vmem>>) target_semaphore(%arg15 : memref<!tpu.dma_semaphore, #tpu.memory_space<semaphore_mem>>)
    %add3A_81 = arith.constant 0 : i32
    %add3A_82 = arith.addi %mul3A_24, %add3A_81 : i32
    %dma_wait3A_83 = tpu.memref_slice %arg4[%add3A_82] : memref<320000xi32, #tpu.memory_space<hbm>> -> memref<80xi32, #tpu.memory_space<hbm>>
    %dma_wait3A_84 = tpu.memref_slice %arg4[%add3A_82] : memref<320000xi32, #tpu.memory_space<hbm>> -> memref<80xi32, #tpu.memory_space<hbm>>
    tpu.wait_dma2 semaphore(%arg17 : memref<!tpu.dma_semaphore, #tpu.memory_space<semaphore_mem>>) src(%dma_wait3A_84 : memref<80xi32, #tpu.memory_space<hbm>>) dst(%arg9 : memref<80xi32, #tpu.memory_space<vmem>>)
    %dma_start3A_85 = arith.constant 0 : i32
    %dma_start3A_86 = arith.constant 0 : i32
    %dma_start3A_87 = tpu.memref_slice %arg25[%dma_start3A_85, %dma_start3A_86] : memref<10240x128xf32, #tpu.memory_space<vmem_shared>> -> memref<10240x128xf32, #tpu.memory_space<vmem_shared>>
    tpu.enqueue_indirect_dma source(%arg11 : memref<80x128xf32, #tpu.memory_space<vmem>>) target(%dma_start3A_87 : memref<10240x128xf32, #tpu.memory_space<vmem_shared>>) offsets(%arg9 : memref<80xi32, #tpu.memory_space<vmem>>) semaphore(%arg23 : memref<!tpu.dma_semaphore, #tpu.memory_space<semaphore_mem>>) {add = true}
    %scan3A_88 = arith.constant 0 : i32
    %scan3A_89 = arith.constant 60 : i32
    %scan3A_90 = arith.addi %scan3A_88, %scan3A_89 : i32
    %scan3A_91 = arith.constant 1 : i32
    scf.for %scan3A_252 = %scan3A_88 to %scan3A_90 step %scan3A_91  : i32 {
      %mul3A_253 = arith.constant 1 : i32
      %mul3A_254 = arith.muli %scan3A_252, %mul3A_253 : i32
      %add3A_255 = arith.constant 0 : i32
      %add3A_256 = arith.addi %add3A_255, %mul3A_254 : i32
      %mul3A_257 = arith.constant 2 : i32
      %mul3A_258 = arith.muli %mul3A_257, %add3A_256 : i32
      %add3A_259 = arith.constant 1 : i32
      %add3A_260 = arith.addi %add3A_259, %mul3A_258 : i32
      %dma_wait3A_261 = arith.constant 0 : i32
      %dma_wait3A_262 = arith.constant 0 : i32
      %dma_wait3A_263 = tpu.memref_slice %arg25[%dma_wait3A_261, %dma_wait3A_262] : memref<10240x128xf32, #tpu.memory_space<vmem_shared>> -> memref<10240x128xf32, #tpu.memory_space<vmem_shared>>
      tpu.wait_indirect_dma semaphore(%arg23 : memref<!tpu.dma_semaphore, #tpu.memory_space<semaphore_mem>>) src(%arg11 : memref<80x128xf32, #tpu.memory_space<vmem>>) dst(%dma_wait3A_263 : memref<10240x128xf32, #tpu.memory_space<vmem_shared>>)
      %add3A_264 = arith.constant 1 : i32
      %add3A_265 = arith.addi %add3A_260, %add3A_264 : i32
      %mul3A_266 = arith.constant 80 : i32
      %mul3A_267 = arith.muli %add3A_265, %mul3A_266 : i32
      %add3A_268 = arith.addi %mul3A_24, %mul3A_267 : i32
      %dma_start3A_269 = tpu.memref_slice %arg4[%add3A_268] : memref<320000xi32, #tpu.memory_space<hbm>> -> memref<80xi32, #tpu.memory_space<hbm>>
      %dma_start3A_270 = tpu.memref_slice %arg4[%add3A_268] : memref<320000xi32, #tpu.memory_space<hbm>> -> memref<80xi32, #tpu.memory_space<hbm>>
      tpu.enqueue_dma source(%dma_start3A_270 : memref<80xi32, #tpu.memory_space<hbm>>) target(%arg9 : memref<80xi32, #tpu.memory_space<vmem>>) target_semaphore(%arg17 : memref<!tpu.dma_semaphore, #tpu.memory_space<semaphore_mem>>)
      %add3A_271 = arith.constant 1 : i32
      %add3A_272 = arith.addi %add3A_260, %add3A_271 : i32
      %mul3A_273 = arith.constant 80 : i32
      %mul3A_274 = arith.muli %add3A_272, %mul3A_273 : i32
      %add3A_275 = arith.addi %mul3A_24, %mul3A_274 : i32
      %dma_wait3A_276 = tpu.memref_slice %arg3[%add3A_275] : memref<320000xi32, #tpu.memory_space<hbm>> -> memref<80xi32, #tpu.memory_space<hbm>>
      %dma_wait3A_277 = tpu.memref_slice %arg3[%add3A_275] : memref<320000xi32, #tpu.memory_space<hbm>> -> memref<80xi32, #tpu.memory_space<hbm>>
      tpu.wait_dma2 semaphore(%arg15 : memref<!tpu.dma_semaphore, #tpu.memory_space<semaphore_mem>>) src(%dma_wait3A_277 : memref<80xi32, #tpu.memory_space<hbm>>) dst(%arg7 : memref<80xi32, #tpu.memory_space<vmem>>)
      %dma_start3A_278 = arith.constant 0 : i32
      %dma_start3A_279 = arith.constant 0 : i32
      %dma_start3A_280 = tpu.memref_slice %arg2[%dma_start3A_278, %dma_start3A_279] : memref<10000x128xf32, #tpu.memory_space<hbm>> -> memref<10000x128xf32, #tpu.memory_space<hbm>>
      tpu.enqueue_indirect_dma source(%dma_start3A_280 : memref<10000x128xf32, #tpu.memory_space<hbm>>) target(%arg11 : memref<80x128xf32, #tpu.memory_space<vmem>>) offsets(%arg7 : memref<80xi32, #tpu.memory_space<vmem>>) semaphore(%arg19 : memref<!tpu.dma_semaphore, #tpu.memory_space<semaphore_mem>>)
      %add3A_281 = arith.constant 1 : i32
      %add3A_282 = arith.addi %add3A_260, %add3A_281 : i32
      %mul3A_283 = arith.constant 80 : i32
      %mul3A_284 = arith.muli %add3A_282, %mul3A_283 : i32
      %add3A_285 = arith.addi %mul3A_24, %mul3A_284 : i32
      %dma_start3A_286 = arith.constant 0 : i32
      %dma_start3A_287 = tpu.memref_slice %arg5[%add3A_285, %dma_start3A_286] : memref<320000x128xf32, #tpu.memory_space<hbm>> -> memref<80x128xf32, #tpu.memory_space<hbm>>
      %dma_start3A_288 = arith.constant 0 : i32
      %dma_start3A_289 = tpu.memref_slice %arg5[%add3A_285, %dma_start3A_288] : memref<320000x128xf32, #tpu.memory_space<hbm>> -> memref<80x128xf32, #tpu.memory_space<hbm>>
      tpu.enqueue_dma source(%dma_start3A_289 : memref<80x128xf32, #tpu.memory_space<hbm>>) target(%arg13 : memref<80x128xf32, #tpu.memory_space<vmem>>) target_semaphore(%arg21 : memref<!tpu.dma_semaphore, #tpu.memory_space<semaphore_mem>>)
      %dma_wait3A_290 = arith.constant 0 : i32
      %dma_wait3A_291 = arith.constant 0 : i32
      %dma_wait3A_292 = tpu.memref_slice %arg2[%dma_wait3A_290, %dma_wait3A_291] : memref<10000x128xf32, #tpu.memory_space<hbm>> -> memref<10000x128xf32, #tpu.memory_space<hbm>>
      tpu.wait_indirect_dma semaphore(%arg20 : memref<!tpu.dma_semaphore, #tpu.memory_space<semaphore_mem>>) src(%dma_wait3A_292 : memref<10000x128xf32, #tpu.memory_space<hbm>>) dst(%arg12 : memref<80x128xf32, #tpu.memory_space<vmem>>)
      %mul3A_293 = arith.constant 80 : i32
      %mul3A_294 = arith.muli %add3A_260, %mul3A_293 : i32
      %add3A_295 = arith.addi %mul3A_24, %mul3A_294 : i32
      %dma_wait3A_296 = arith.constant 0 : i32
      %dma_wait3A_297 = tpu.memref_slice %arg5[%add3A_295, %dma_wait3A_296] : memref<320000x128xf32, #tpu.memory_space<hbm>> -> memref<80x128xf32, #tpu.memory_space<hbm>>
      %dma_wait3A_298 = arith.constant 0 : i32
      %dma_wait3A_299 = tpu.memref_slice %arg5[%add3A_295, %dma_wait3A_298] : memref<320000x128xf32, #tpu.memory_space<hbm>> -> memref<80x128xf32, #tpu.memory_space<hbm>>
      tpu.wait_dma2 semaphore(%arg22 : memref<!tpu.dma_semaphore, #tpu.memory_space<semaphore_mem>>) src(%dma_wait3A_299 : memref<80x128xf32, #tpu.memory_space<hbm>>) dst(%arg14 : memref<80x128xf32, #tpu.memory_space<vmem>>)
      %scan3A_300 = arith.constant 0 : i32
      %scan3A_301 = arith.constant 80 : i32
      %scan3A_302 = arith.addi %scan3A_300, %scan3A_301 : i32
      %scan3A_303 = arith.constant 1 : i32
      scf.for %scan3A_383 = %scan3A_300 to %scan3A_302 step %scan3A_303  : i32 {
        %mul3A_384 = arith.constant 1 : i32
        %mul3A_385 = arith.muli %scan3A_383, %mul3A_384 : i32
        %add3A_386 = arith.constant 0 : i32
        %add3A_387 = arith.addi %add3A_386, %mul3A_385 : i32
        %get3A = arith.index_cast %add3A_387 : i32 to index
        %get3A_388 = arith.constant 0 : index
        %get3A_389 = tpu.vector_load %arg12[%get3A, %get3A_388] {strides = array<i32>} : memref<80x128xf32, #tpu.memory_space<vmem>>, vector<1x16xf32>,
        %get3A_390 = vector.shape_cast %get3A_389 : vector<1x16xf32> to vector<16xf32>
        %get3A_391 = arith.index_cast %add3A_387 : i32 to index
        %get3A_392 = arith.constant 0 : index
        %get3A_393 = tpu.vector_load %arg14[%get3A_391, %get3A_392] {strides = array<i32>} : memref<80x128xf32, #tpu.memory_space<vmem>>, vector<1x16xf32>,
        %get3A_394 = vector.shape_cast %get3A_393 : vector<1x16xf32> to vector<16xf32>
        %add3A_395 = arith.addf %get3A_390, %get3A_394 : vector<16xf32>
        %max3A = arith.constant 0.000000e+00 : f32
        %max3A_396 = vector.broadcast %max3A : f32 to vector<16xf32>
        %max3A_397 = arith.maximumf %add3A_395, %max3A_396 : vector<16xf32>
        %swap3A = arith.index_cast %add3A_387 : i32 to index
        %swap3A_398 = arith.constant 0 : index
        %swap3A_399 = tpu.vector_load %arg12[%swap3A, %swap3A_398] {strides = array<i32>} : memref<80x128xf32, #tpu.memory_space<vmem>>, vector<1x16xf32>,
        %swap3A_400 = vector.shape_cast %swap3A_399 : vector<1x16xf32> to vector<16xf32>
        %swap3A_401 = vector.shape_cast %max3A_397 : vector<16xf32> to vector<1x16xf32>
        tpu.vector_store %arg12[%swap3A, %swap3A_398], %swap3A_401 {strides = array<i32>} : memref<80x128xf32, #tpu.memory_space<vmem>>, vector<1x16xf32>,
        %get3A_402 = arith.index_cast %add3A_387 : i32 to index
        %get3A_403 = arith.constant 16 : index
        %get3A_404 = tpu.vector_load %arg12[%get3A_402, %get3A_403] {strides = array<i32>} : memref<80x128xf32, #tpu.memory_space<vmem>>, vector<1x16xf32>,
        %get3A_405 = vector.shape_cast %get3A_404 : vector<1x16xf32> to vector<16xf32>
        %get3A_406 = arith.index_cast %add3A_387 : i32 to index
        %get3A_407 = arith.constant 16 : index
        %get3A_408 = tpu.vector_load %arg14[%get3A_406, %get3A_407] {strides = array<i32>} : memref<80x128xf32, #tpu.memory_space<vmem>>, vector<1x16xf32>,
        %get3A_409 = vector.shape_cast %get3A_408 : vector<1x16xf32> to vector<16xf32>
        %add3A_410 = arith.addf %get3A_405, %get3A_409 : vector<16xf32>
        %max3A_411 = arith.constant 0.000000e+00 : f32
        %max3A_412 = vector.broadcast %max3A_411 : f32 to vector<16xf32>
        %max3A_413 = arith.maximumf %add3A_410, %max3A_412 : vector<16xf32>
        %swap3A_414 = arith.index_cast %add3A_387 : i32 to index
        %swap3A_415 = arith.constant 16 : index
        %swap3A_416 = tpu.vector_load %arg12[%swap3A_414, %swap3A_415] {strides = array<i32>} : memref<80x128xf32, #tpu.memory_space<vmem>>, vector<1x16xf32>,
        %swap3A_417 = vector.shape_cast %swap3A_416 : vector<1x16xf32> to vector<16xf32>
        %swap3A_418 = vector.shape_cast %max3A_413 : vector<16xf32> to vector<1x16xf32>
        tpu.vector_store %arg12[%swap3A_414, %swap3A_415], %swap3A_418 {strides = array<i32>} : memref<80x128xf32, #tpu.memory_space<vmem>>, vector<1x16xf32>,
        %get3A_419 = arith.index_cast %add3A_387 : i32 to index
        %get3A_420 = arith.constant 32 : index
        %get3A_421 = tpu.vector_load %arg12[%get3A_419, %get3A_420] {strides = array<i32>} : memref<80x128xf32, #tpu.memory_space<vmem>>, vector<1x16xf32>,
        %get3A_422 = vector.shape_cast %get3A_421 : vector<1x16xf32> to vector<16xf32>
        %get3A_423 = arith.index_cast %add3A_387 : i32 to index
        %get3A_424 = arith.constant 32 : index
        %get3A_425 = tpu.vector_load %arg14[%get3A_423, %get3A_424] {strides = array<i32>} : memref<80x128xf32, #tpu.memory_space<vmem>>, vector<1x16xf32>,
        %get3A_426 = vector.shape_cast %get3A_425 : vector<1x16xf32> to vector<16xf32>
        %add3A_427 = arith.addf %get3A_422, %get3A_426 : vector<16xf32>
        %max3A_428 = arith.constant 0.000000e+00 : f32
        %max3A_429 = vector.broadcast %max3A_428 : f32 to vector<16xf32>
        %max3A_430 = arith.maximumf %add3A_427, %max3A_429 : vector<16xf32>
        %swap3A_431 = arith.index_cast %add3A_387 : i32 to index
        %swap3A_432 = arith.constant 32 : index
        %swap3A_433 = tpu.vector_load %arg12[%swap3A_431, %swap3A_432] {strides = array<i32>} : memref<80x128xf32, #tpu.memory_space<vmem>>, vector<1x16xf32>,
        %swap3A_434 = vector.shape_cast %swap3A_433 : vector<1x16xf32> to vector<16xf32>
        %swap3A_435 = vector.shape_cast %max3A_430 : vector<16xf32> to vector<1x16xf32>
        tpu.vector_store %arg12[%swap3A_431, %swap3A_432], %swap3A_435 {strides = array<i32>} : memref<80x128xf32, #tpu.memory_space<vmem>>, vector<1x16xf32>,
        %get3A_436 = arith.index_cast %add3A_387 : i32 to index
        %get3A_437 = arith.constant 48 : index
        %get3A_438 = tpu.vector_load %arg12[%get3A_436, %get3A_437] {strides = array<i32>} : memref<80x128xf32, #tpu.memory_space<vmem>>, vector<1x16xf32>,
        %get3A_439 = vector.shape_cast %get3A_438 : vector<1x16xf32> to vector<16xf32>
        %get3A_440 = arith.index_cast %add3A_387 : i32 to index
        %get3A_441 = arith.constant 48 : index
        %get3A_442 = tpu.vector_load %arg14[%get3A_440, %get3A_441] {strides = array<i32>} : memref<80x128xf32, #tpu.memory_space<vmem>>, vector<1x16xf32>,
        %get3A_443 = vector.shape_cast %get3A_442 : vector<1x16xf32> to vector<16xf32>
        %add3A_444 = arith.addf %get3A_439, %get3A_443 : vector<16xf32>
        %max3A_445 = arith.constant 0.000000e+00 : f32
        %max3A_446 = vector.broadcast %max3A_445 : f32 to vector<16xf32>
        %max3A_447 = arith.maximumf %add3A_444, %max3A_446 : vector<16xf32>
        %swap3A_448 = arith.index_cast %add3A_387 : i32 to index
        %swap3A_449 = arith.constant 48 : index
        %swap3A_450 = tpu.vector_load %arg12[%swap3A_448, %swap3A_449] {strides = array<i32>} : memref<80x128xf32, #tpu.memory_space<vmem>>, vector<1x16xf32>,
        %swap3A_451 = vector.shape_cast %swap3A_450 : vector<1x16xf32> to vector<16xf32>
        %swap3A_452 = vector.shape_cast %max3A_447 : vector<16xf32> to vector<1x16xf32>
        tpu.vector_store %arg12[%swap3A_448, %swap3A_449], %swap3A_452 {strides = array<i32>} : memref<80x128xf32, #tpu.memory_space<vmem>>, vector<1x16xf32>,
        %get3A_453 = arith.index_cast %add3A_387 : i32 to index
        %get3A_454 = arith.constant 64 : index
        %get3A_455 = tpu.vector_load %arg12[%get3A_453, %get3A_454] {strides = array<i32>} : memref<80x128xf32, #tpu.memory_space<vmem>>, vector<1x16xf32>,
        %get3A_456 = vector.shape_cast %get3A_455 : vector<1x16xf32> to vector<16xf32>
        %get3A_457 = arith.index_cast %add3A_387 : i32 to index
        %get3A_458 = arith.constant 64 : index
        %get3A_459 = tpu.vector_load %arg14[%get3A_457, %get3A_458] {strides = array<i32>} : memref<80x128xf32, #tpu.memory_space<vmem>>, vector<1x16xf32>,
        %get3A_460 = vector.shape_cast %get3A_459 : vector<1x16xf32> to vector<16xf32>
        %add3A_461 = arith.addf %get3A_456, %get3A_460 : vector<16xf32>
        %max3A_462 = arith.constant 0.000000e+00 : f32
        %max3A_463 = vector.broadcast %max3A_462 : f32 to vector<16xf32>
        %max3A_464 = arith.maximumf %add3A_461, %max3A_463 : vector<16xf32>
        %swap3A_465 = arith.index_cast %add3A_387 : i32 to index
        %swap3A_466 = arith.constant 64 : index
        %swap3A_467 = tpu.vector_load %arg12[%swap3A_465, %swap3A_466] {strides = array<i32>} : memref<80x128xf32, #tpu.memory_space<vmem>>, vector<1x16xf32>,
        %swap3A_468 = vector.shape_cast %swap3A_467 : vector<1x16xf32> to vector<16xf32>
        %swap3A_469 = vector.shape_cast %max3A_464 : vector<16xf32> to vector<1x16xf32>
        tpu.vector_store %arg12[%swap3A_465, %swap3A_466], %swap3A_469 {strides = array<i32>} : memref<80x128xf32, #tpu.memory_space<vmem>>, vector<1x16xf32>,
        %get3A_470 = arith.index_cast %add3A_387 : i32 to index
        %get3A_471 = arith.constant 80 : index
        %get3A_472 = tpu.vector_load %arg12[%get3A_470, %get3A_471] {strides = array<i32>} : memref<80x128xf32, #tpu.memory_space<vmem>>, vector<1x16xf32>,
        %get3A_473 = vector.shape_cast %get3A_472 : vector<1x16xf32> to vector<16xf32>
        %get3A_474 = arith.index_cast %add3A_387 : i32 to index
        %get3A_475 = arith.constant 80 : index
        %get3A_476 = tpu.vector_load %arg14[%get3A_474, %get3A_475] {strides = array<i32>} : memref<80x128xf32, #tpu.memory_space<vmem>>, vector<1x16xf32>,
        %get3A_477 = vector.shape_cast %get3A_476 : vector<1x16xf32> to vector<16xf32>
        %add3A_478 = arith.addf %get3A_473, %get3A_477 : vector<16xf32>
        %max3A_479 = arith.constant 0.000000e+00 : f32
        %max3A_480 = vector.broadcast %max3A_479 : f32 to vector<16xf32>
        %max3A_481 = arith.maximumf %add3A_478, %max3A_480 : vector<16xf32>
        %swap3A_482 = arith.index_cast %add3A_387 : i32 to index
        %swap3A_483 = arith.constant 80 : index
        %swap3A_484 = tpu.vector_load %arg12[%swap3A_482, %swap3A_483] {strides = array<i32>} : memref<80x128xf32, #tpu.memory_space<vmem>>, vector<1x16xf32>,
        %swap3A_485 = vector.shape_cast %swap3A_484 : vector<1x16xf32> to vector<16xf32>
        %swap3A_486 = vector.shape_cast %max3A_481 : vector<16xf32> to vector<1x16xf32>
        tpu.vector_store %arg12[%swap3A_482, %swap3A_483], %swap3A_486 {strides = array<i32>} : memref<80x128xf32, #tpu.memory_space<vmem>>, vector<1x16xf32>,
        %get3A_487 = arith.index_cast %add3A_387 : i32 to index
        %get3A_488 = arith.constant 96 : index
        %get3A_489 = tpu.vector_load %arg12[%get3A_487, %get3A_488] {strides = array<i32>} : memref<80x128xf32, #tpu.memory_space<vmem>>, vector<1x16xf32>,
        %get3A_490 = vector.shape_cast %get3A_489 : vector<1x16xf32> to vector<16xf32>
        %get3A_491 = arith.index_cast %add3A_387 : i32 to index
        %get3A_492 = arith.constant 96 : index
        %get3A_493 = tpu.vector_load %arg14[%get3A_491, %get3A_492] {strides = array<i32>} : memref<80x128xf32, #tpu.memory_space<vmem>>, vector<1x16xf32>,
        %get3A_494 = vector.shape_cast %get3A_493 : vector<1x16xf32> to vector<16xf32>
        %add3A_495 = arith.addf %get3A_490, %get3A_494 : vector<16xf32>
        %max3A_496 = arith.constant 0.000000e+00 : f32
        %max3A_497 = vector.broadcast %max3A_496 : f32 to vector<16xf32>
        %max3A_498 = arith.maximumf %add3A_495, %max3A_497 : vector<16xf32>
        %swap3A_499 = arith.index_cast %add3A_387 : i32 to index
        %swap3A_500 = arith.constant 96 : index
        %swap3A_501 = tpu.vector_load %arg12[%swap3A_499, %swap3A_500] {strides = array<i32>} : memref<80x128xf32, #tpu.memory_space<vmem>>, vector<1x16xf32>,
        %swap3A_502 = vector.shape_cast %swap3A_501 : vector<1x16xf32> to vector<16xf32>
        %swap3A_503 = vector.shape_cast %max3A_498 : vector<16xf32> to vector<1x16xf32>
        tpu.vector_store %arg12[%swap3A_499, %swap3A_500], %swap3A_503 {strides = array<i32>} : memref<80x128xf32, #tpu.memory_space<vmem>>, vector<1x16xf32>,
        %get3A_504 = arith.index_cast %add3A_387 : i32 to index
        %get3A_505 = arith.constant 112 : index
        %get3A_506 = tpu.vector_load %arg12[%get3A_504, %get3A_505] {strides = array<i32>} : memref<80x128xf32, #tpu.memory_space<vmem>>, vector<1x16xf32>,
        %get3A_507 = vector.shape_cast %get3A_506 : vector<1x16xf32> to vector<16xf32>
        %get3A_508 = arith.index_cast %add3A_387 : i32 to index
        %get3A_509 = arith.constant 112 : index
        %get3A_510 = tpu.vector_load %arg14[%get3A_508, %get3A_509] {strides = array<i32>} : memref<80x128xf32, #tpu.memory_space<vmem>>, vector<1x16xf32>,
        %get3A_511 = vector.shape_cast %get3A_510 : vector<1x16xf32> to vector<16xf32>
        %add3A_512 = arith.addf %get3A_507, %get3A_511 : vector<16xf32>
        %max3A_513 = arith.constant 0.000000e+00 : f32
        %max3A_514 = vector.broadcast %max3A_513 : f32 to vector<16xf32>
        %max3A_515 = arith.maximumf %add3A_512, %max3A_514 : vector<16xf32>
        %swap3A_516 = arith.index_cast %add3A_387 : i32 to index
        %swap3A_517 = arith.constant 112 : index
        %swap3A_518 = tpu.vector_load %arg12[%swap3A_516, %swap3A_517] {strides = array<i32>} : memref<80x128xf32, #tpu.memory_space<vmem>>, vector<1x16xf32>,
        %swap3A_519 = vector.shape_cast %swap3A_518 : vector<1x16xf32> to vector<16xf32>
        %swap3A_520 = vector.shape_cast %max3A_515 : vector<16xf32> to vector<1x16xf32>
        tpu.vector_store %arg12[%swap3A_516, %swap3A_517], %swap3A_520 {strides = array<i32>} : memref<80x128xf32, #tpu.memory_space<vmem>>, vector<1x16xf32>,
      }
      %scan3A_304 = arith.constant 80 : i32
      %add3A_305 = arith.constant 2 : i32
      %add3A_306 = arith.addi %add3A_260, %add3A_305 : i32
      %mul3A_307 = arith.constant 80 : i32
      %mul3A_308 = arith.muli %add3A_306, %mul3A_307 : i32
      %add3A_309 = arith.addi %mul3A_24, %mul3A_308 : i32
      %dma_start3A_310 = tpu.memref_slice %arg3[%add3A_309] : memref<320000xi32, #tpu.memory_space<hbm>> -> memref<80xi32, #tpu.memory_space<hbm>>
      %dma_start3A_311 = tpu.memref_slice %arg3[%add3A_309] : memref<320000xi32, #tpu.memory_space<hbm>> -> memref<80xi32, #tpu.memory_space<hbm>>
      tpu.enqueue_dma source(%dma_start3A_311 : memref<80xi32, #tpu.memory_space<hbm>>) target(%arg8 : memref<80xi32, #tpu.memory_space<vmem>>) target_semaphore(%arg16 : memref<!tpu.dma_semaphore, #tpu.memory_space<semaphore_mem>>)
      %mul3A_312 = arith.constant 80 : i32
      %mul3A_313 = arith.muli %add3A_260, %mul3A_312 : i32
      %add3A_314 = arith.addi %mul3A_24, %mul3A_313 : i32
      %dma_wait3A_315 = tpu.memref_slice %arg4[%add3A_314] : memref<320000xi32, #tpu.memory_space<hbm>> -> memref<80xi32, #tpu.memory_space<hbm>>
      %dma_wait3A_316 = tpu.memref_slice %arg4[%add3A_314] : memref<320000xi32, #tpu.memory_space<hbm>> -> memref<80xi32, #tpu.memory_space<hbm>>
      tpu.wait_dma2 semaphore(%arg18 : memref<!tpu.dma_semaphore, #tpu.memory_space<semaphore_mem>>) src(%dma_wait3A_316 : memref<80xi32, #tpu.memory_space<hbm>>) dst(%arg10 : memref<80xi32, #tpu.memory_space<vmem>>)
      %dma_start3A_317 = arith.constant 0 : i32
      %dma_start3A_318 = arith.constant 0 : i32
      %dma_start3A_319 = tpu.memref_slice %arg25[%dma_start3A_317, %dma_start3A_318] : memref<10240x128xf32, #tpu.memory_space<vmem_shared>> -> memref<10240x128xf32, #tpu.memory_space<vmem_shared>>
      tpu.enqueue_indirect_dma source(%arg12 : memref<80x128xf32, #tpu.memory_space<vmem>>) target(%dma_start3A_319 : memref<10240x128xf32, #tpu.memory_space<vmem_shared>>) offsets(%arg10 : memref<80xi32, #tpu.memory_space<vmem>>) semaphore(%arg24 : memref<!tpu.dma_semaphore, #tpu.memory_space<semaphore_mem>>) {add = true}
      %mul3A_320 = arith.constant 2 : i32
      %mul3A_321 = arith.muli %mul3A_320, %add3A_256 : i32
      %add3A_322 = arith.constant 2 : i32
      %add3A_323 = arith.addi %add3A_322, %mul3A_321 : i32
      %dma_wait3A_324 = arith.constant 0 : i32
      %dma_wait3A_325 = arith.constant 0 : i32
      %dma_wait3A_326 = tpu.memref_slice %arg25[%dma_wait3A_324, %dma_wait3A_325] : memref<10240x128xf32, #tpu.memory_space<vmem_shared>> -> memref<10240x128xf32, #tpu.memory_space<vmem_shared>>
      tpu.wait_indirect_dma semaphore(%arg24 : memref<!tpu.dma_semaphore, #tpu.memory_space<semaphore_mem>>) src(%arg12 : memref<80x128xf32, #tpu.memory_space<vmem>>) dst(%dma_wait3A_326 : memref<10240x128xf32, #tpu.memory_space<vmem_shared>>)
      %add3A_327 = arith.constant 1 : i32
      %add3A_328 = arith.addi %add3A_323, %add3A_327 : i32
      %mul3A_329 = arith.constant 80 : i32
      %mul3A_330 = arith.muli %add3A_328, %mul3A_329 : i32
      %add3A_331 = arith.addi %mul3A_24, %mul3A_330 : i32
      %dma_start3A_332 = tpu.memref_slice %arg4[%add3A_331] : memref<320000xi32, #tpu.memory_space<hbm>> -> memref<80xi32, #tpu.memory_space<hbm>>
      %dma_start3A_333 = tpu.memref_slice %arg4[%add3A_331] : memref<320000xi32, #tpu.memory_space<hbm>> -> memref<80xi32, #tpu.memory_space<hbm>>
      tpu.enqueue_dma source(%dma_start3A_333 : memref<80xi32, #tpu.memory_space<hbm>>) target(%arg10 : memref<80xi32, #tpu.memory_space<vmem>>) target_semaphore(%arg18 : memref<!tpu.dma_semaphore, #tpu.memory_space<semaphore_mem>>)
      %add3A_334 = arith.constant 1 : i32
      %add3A_335 = arith.addi %add3A_323, %add3A_334 : i32
      %mul3A_336 = arith.constant 80 : i32
      %mul3A_337 = arith.muli %add3A_335, %mul3A_336 : i32
      %add3A_338 = arith.addi %mul3A_24, %mul3A_337 : i32
      %dma_wait3A_339 = tpu.memref_slice %arg3[%add3A_338] : memref<320000xi32, #tpu.memory_space<hbm>> -> memref<80xi32, #tpu.memory_space<hbm>>
      %dma_wait3A_340 = tpu.memref_slice %arg3[%add3A_338] : memref<320000xi32, #tpu.memory_space<hbm>> -> memref<80xi32, #tpu.memory_space<hbm>>
      tpu.wait_dma2 semaphore(%arg16 : memref<!tpu.dma_semaphore, #tpu.memory_space<semaphore_mem>>) src(%dma_wait3A_340 : memref<80xi32, #tpu.memory_space<hbm>>) dst(%arg8 : memref<80xi32, #tpu.memory_space<vmem>>)
      %dma_start3A_341 = arith.constant 0 : i32
      %dma_start3A_342 = arith.constant 0 : i32
      %dma_start3A_343 = tpu.memref_slice %arg2[%dma_start3A_341, %dma_start3A_342] : memref<10000x128xf32, #tpu.memory_space<hbm>> -> memref<10000x128xf32, #tpu.memory_space<hbm>>
      tpu.enqueue_indirect_dma source(%dma_start3A_343 : memref<10000x128xf32, #tpu.memory_space<hbm>>) target(%arg12 : memref<80x128xf32, #tpu.memory_space<vmem>>) offsets(%arg8 : memref<80xi32, #tpu.memory_space<vmem>>) semaphore(%arg20 : memref<!tpu.dma_semaphore, #tpu.memory_space<semaphore_mem>>)
      %add3A_344 = arith.constant 1 : i32
      %add3A_345 = arith.addi %add3A_323, %add3A_344 : i32
      %mul3A_346 = arith.constant 80 : i32
      %mul3A_347 = arith.muli %add3A_345, %mul3A_346 : i32
      %add3A_348 = arith.addi %mul3A_24, %mul3A_347 : i32
      %dma_start3A_349 = arith.constant 0 : i32
      %dma_start3A_350 = tpu.memref_slice %arg5[%add3A_348, %dma_start3A_349] : memref<320000x128xf32, #tpu.memory_space<hbm>> -> memref<80x128xf32, #tpu.memory_space<hbm>>
      %dma_start3A_351 = arith.constant 0 : i32
      %dma_start3A_352 = tpu.memref_slice %arg5[%add3A_348, %dma_start3A_351] : memref<320000x128xf32, #tpu.memory_space<hbm>> -> memref<80x128xf32, #tpu.memory_space<hbm>>
      tpu.enqueue_dma source(%dma_start3A_352 : memref<80x128xf32, #tpu.memory_space<hbm>>) target(%arg14 : memref<80x128xf32, #tpu.memory_space<vmem>>) target_semaphore(%arg22 : memref<!tpu.dma_semaphore, #tpu.memory_space<semaphore_mem>>)
      %dma_wait3A_353 = arith.constant 0 : i32
      %dma_wait3A_354 = arith.constant 0 : i32
      %dma_wait3A_355 = tpu.memref_slice %arg2[%dma_wait3A_353, %dma_wait3A_354] : memref<10000x128xf32, #tpu.memory_space<hbm>> -> memref<10000x128xf32, #tpu.memory_space<hbm>>
      tpu.wait_indirect_dma semaphore(%arg19 : memref<!tpu.dma_semaphore, #tpu.memory_space<semaphore_mem>>) src(%dma_wait3A_355 : memref<10000x128xf32, #tpu.memory_space<hbm>>) dst(%arg11 : memref<80x128xf32, #tpu.memory_space<vmem>>)
      %mul3A_356 = arith.constant 80 : i32
      %mul3A_357 = arith.muli %add3A_323, %mul3A_356 : i32
      %add3A_358 = arith.addi %mul3A_24, %mul3A_357 : i32
      %dma_wait3A_359 = arith.constant 0 : i32
      %dma_wait3A_360 = tpu.memref_slice %arg5[%add3A_358, %dma_wait3A_359] : memref<320000x128xf32, #tpu.memory_space<hbm>> -> memref<80x128xf32, #tpu.memory_space<hbm>>
      %dma_wait3A_361 = arith.constant 0 : i32
      %dma_wait3A_362 = tpu.memref_slice %arg5[%add3A_358, %dma_wait3A_361] : memref<320000x128xf32, #tpu.memory_space<hbm>> -> memref<80x128xf32, #tpu.memory_space<hbm>>
      tpu.wait_dma2 semaphore(%arg21 : memref<!tpu.dma_semaphore, #tpu.memory_space<semaphore_mem>>) src(%dma_wait3A_362 : memref<80x128xf32, #tpu.memory_space<hbm>>) dst(%arg13 : memref<80x128xf32, #tpu.memory_space<vmem>>)
      %scan3A_363 = arith.constant 0 : i32
      %scan3A_364 = arith.constant 80 : i32
      %scan3A_365 = arith.addi %scan3A_363, %scan3A_364 : i32
      %scan3A_366 = arith.constant 1 : i32
      scf.for %scan3A_383 = %scan3A_363 to %scan3A_365 step %scan3A_366  : i32 {
        %mul3A_384 = arith.constant 1 : i32
        %mul3A_385 = arith.muli %scan3A_383, %mul3A_384 : i32
        %add3A_386 = arith.constant 0 : i32
        %add3A_387 = arith.addi %add3A_386, %mul3A_385 : i32
        %get3A = arith.index_cast %add3A_387 : i32 to index
        %get3A_388 = arith.constant 0 : index
        %get3A_389 = tpu.vector_load %arg11[%get3A, %get3A_388] {strides = array<i32>} : memref<80x128xf32, #tpu.memory_space<vmem>>, vector<1x16xf32>,
        %get3A_390 = vector.shape_cast %get3A_389 : vector<1x16xf32> to vector<16xf32>
        %get3A_391 = arith.index_cast %add3A_387 : i32 to index
        %get3A_392 = arith.constant 0 : index
        %get3A_393 = tpu.vector_load %arg13[%get3A_391, %get3A_392] {strides = array<i32>} : memref<80x128xf32, #tpu.memory_space<vmem>>, vector<1x16xf32>,
        %get3A_394 = vector.shape_cast %get3A_393 : vector<1x16xf32> to vector<16xf32>
        %add3A_395 = arith.addf %get3A_390, %get3A_394 : vector<16xf32>
        %max3A = arith.constant 0.000000e+00 : f32
        %max3A_396 = vector.broadcast %max3A : f32 to vector<16xf32>
        %max3A_397 = arith.maximumf %add3A_395, %max3A_396 : vector<16xf32>
        %swap3A = arith.index_cast %add3A_387 : i32 to index
        %swap3A_398 = arith.constant 0 : index
        %swap3A_399 = tpu.vector_load %arg11[%swap3A, %swap3A_398] {strides = array<i32>} : memref<80x128xf32, #tpu.memory_space<vmem>>, vector<1x16xf32>,
        %swap3A_400 = vector.shape_cast %swap3A_399 : vector<1x16xf32> to vector<16xf32>
        %swap3A_401 = vector.shape_cast %max3A_397 : vector<16xf32> to vector<1x16xf32>
        tpu.vector_store %arg11[%swap3A, %swap3A_398], %swap3A_401 {strides = array<i32>} : memref<80x128xf32, #tpu.memory_space<vmem>>, vector<1x16xf32>,
        %get3A_402 = arith.index_cast %add3A_387 : i32 to index
        %get3A_403 = arith.constant 16 : index
        %get3A_404 = tpu.vector_load %arg11[%get3A_402, %get3A_403] {strides = array<i32>} : memref<80x128xf32, #tpu.memory_space<vmem>>, vector<1x16xf32>,
        %get3A_405 = vector.shape_cast %get3A_404 : vector<1x16xf32> to vector<16xf32>
        %get3A_406 = arith.index_cast %add3A_387 : i32 to index
        %get3A_407 = arith.constant 16 : index
        %get3A_408 = tpu.vector_load %arg13[%get3A_406, %get3A_407] {strides = array<i32>} : memref<80x128xf32, #tpu.memory_space<vmem>>, vector<1x16xf32>,
        %get3A_409 = vector.shape_cast %get3A_408 : vector<1x16xf32> to vector<16xf32>
        %add3A_410 = arith.addf %get3A_405, %get3A_409 : vector<16xf32>
        %max3A_411 = arith.constant 0.000000e+00 : f32
        %max3A_412 = vector.broadcast %max3A_411 : f32 to vector<16xf32>
        %max3A_413 = arith.maximumf %add3A_410, %max3A_412 : vector<16xf32>
        %swap3A_414 = arith.index_cast %add3A_387 : i32 to index
        %swap3A_415 = arith.constant 16 : index
        %swap3A_416 = tpu.vector_load %arg11[%swap3A_414, %swap3A_415] {strides = array<i32>} : memref<80x128xf32, #tpu.memory_space<vmem>>, vector<1x16xf32>,
        %swap3A_417 = vector.shape_cast %swap3A_416 : vector<1x16xf32> to vector<16xf32>
        %swap3A_418 = vector.shape_cast %max3A_413 : vector<16xf32> to vector<1x16xf32>
        tpu.vector_store %arg11[%swap3A_414, %swap3A_415], %swap3A_418 {strides = array<i32>} : memref<80x128xf32, #tpu.memory_space<vmem>>, vector<1x16xf32>,
        %get3A_419 = arith.index_cast %add3A_387 : i32 to index
        %get3A_420 = arith.constant 32 : index
        %get3A_421 = tpu.vector_load %arg11[%get3A_419, %get3A_420] {strides = array<i32>} : memref<80x128xf32, #tpu.memory_space<vmem>>, vector<1x16xf32>,
        %get3A_422 = vector.shape_cast %get3A_421 : vector<1x16xf32> to vector<16xf32>
        %get3A_423 = arith.index_cast %add3A_387 : i32 to index
        %get3A_424 = arith.constant 32 : index
        %get3A_425 = tpu.vector_load %arg13[%get3A_423, %get3A_424] {strides = array<i32>} : memref<80x128xf32, #tpu.memory_space<vmem>>, vector<1x16xf32>,
        %get3A_426 = vector.shape_cast %get3A_425 : vector<1x16xf32> to vector<16xf32>
        %add3A_427 = arith.addf %get3A_422, %get3A_426 : vector<16xf32>
        %max3A_428 = arith.constant 0.000000e+00 : f32
        %max3A_429 = vector.broadcast %max3A_428 : f32 to vector<16xf32>
        %max3A_430 = arith.maximumf %add3A_427, %max3A_429 : vector<16xf32>
        %swap3A_431 = arith.index_cast %add3A_387 : i32 to index
        %swap3A_432 = arith.constant 32 : index
        %swap3A_433 = tpu.vector_load %arg11[%swap3A_431, %swap3A_432] {strides = array<i32>} : memref<80x128xf32, #tpu.memory_space<vmem>>, vector<1x16xf32>,
        %swap3A_434 = vector.shape_cast %swap3A_433 : vector<1x16xf32> to vector<16xf32>
        %swap3A_435 = vector.shape_cast %max3A_430 : vector<16xf32> to vector<1x16xf32>
        tpu.vector_store %arg11[%swap3A_431, %swap3A_432], %swap3A_435 {strides = array<i32>} : memref<80x128xf32, #tpu.memory_space<vmem>>, vector<1x16xf32>,
        %get3A_436 = arith.index_cast %add3A_387 : i32 to index
        %get3A_437 = arith.constant 48 : index
        %get3A_438 = tpu.vector_load %arg11[%get3A_436, %get3A_437] {strides = array<i32>} : memref<80x128xf32, #tpu.memory_space<vmem>>, vector<1x16xf32>,
        %get3A_439 = vector.shape_cast %get3A_438 : vector<1x16xf32> to vector<16xf32>
        %get3A_440 = arith.index_cast %add3A_387 : i32 to index
        %get3A_441 = arith.constant 48 : index
        %get3A_442 = tpu.vector_load %arg13[%get3A_440, %get3A_441] {strides = array<i32>} : memref<80x128xf32, #tpu.memory_space<vmem>>, vector<1x16xf32>,
        %get3A_443 = vector.shape_cast %get3A_442 : vector<1x16xf32> to vector<16xf32>
        %add3A_444 = arith.addf %get3A_439, %get3A_443 : vector<16xf32>
        %max3A_445 = arith.constant 0.000000e+00 : f32
        %max3A_446 = vector.broadcast %max3A_445 : f32 to vector<16xf32>
        %max3A_447 = arith.maximumf %add3A_444, %max3A_446 : vector<16xf32>
        %swap3A_448 = arith.index_cast %add3A_387 : i32 to index
        %swap3A_449 = arith.constant 48 : index
        %swap3A_450 = tpu.vector_load %arg11[%swap3A_448, %swap3A_449] {strides = array<i32>} : memref<80x128xf32, #tpu.memory_space<vmem>>, vector<1x16xf32>,
        %swap3A_451 = vector.shape_cast %swap3A_450 : vector<1x16xf32> to vector<16xf32>
        %swap3A_452 = vector.shape_cast %max3A_447 : vector<16xf32> to vector<1x16xf32>
        tpu.vector_store %arg11[%swap3A_448, %swap3A_449], %swap3A_452 {strides = array<i32>} : memref<80x128xf32, #tpu.memory_space<vmem>>, vector<1x16xf32>,
        %get3A_453 = arith.index_cast %add3A_387 : i32 to index
        %get3A_454 = arith.constant 64 : index
        %get3A_455 = tpu.vector_load %arg11[%get3A_453, %get3A_454] {strides = array<i32>} : memref<80x128xf32, #tpu.memory_space<vmem>>, vector<1x16xf32>,
        %get3A_456 = vector.shape_cast %get3A_455 : vector<1x16xf32> to vector<16xf32>
        %get3A_457 = arith.index_cast %add3A_387 : i32 to index
        %get3A_458 = arith.constant 64 : index
        %get3A_459 = tpu.vector_load %arg13[%get3A_457, %get3A_458] {strides = array<i32>} : memref<80x128xf32, #tpu.memory_space<vmem>>, vector<1x16xf32>,
        %get3A_460 = vector.shape_cast %get3A_459 : vector<1x16xf32> to vector<16xf32>
        %add3A_461 = arith.addf %get3A_456, %get3A_460 : vector<16xf32>
        %max3A_462 = arith.constant 0.000000e+00 : f32
        %max3A_463 = vector.broadcast %max3A_462 : f32 to vector<16xf32>
        %max3A_464 = arith.maximumf %add3A_461, %max3A_463 : vector<16xf32>
        %swap3A_465 = arith.index_cast %add3A_387 : i32 to index
        %swap3A_466 = arith.constant 64 : index
        %swap3A_467 = tpu.vector_load %arg11[%swap3A_465, %swap3A_466] {strides = array<i32>} : memref<80x128xf32, #tpu.memory_space<vmem>>, vector<1x16xf32>,
        %swap3A_468 = vector.shape_cast %swap3A_467 : vector<1x16xf32> to vector<16xf32>
        %swap3A_469 = vector.shape_cast %max3A_464 : vector<16xf32> to vector<1x16xf32>
        tpu.vector_store %arg11[%swap3A_465, %swap3A_466], %swap3A_469 {strides = array<i32>} : memref<80x128xf32, #tpu.memory_space<vmem>>, vector<1x16xf32>,
        %get3A_470 = arith.index_cast %add3A_387 : i32 to index
        %get3A_471 = arith.constant 80 : index
        %get3A_472 = tpu.vector_load %arg11[%get3A_470, %get3A_471] {strides = array<i32>} : memref<80x128xf32, #tpu.memory_space<vmem>>, vector<1x16xf32>,
        %get3A_473 = vector.shape_cast %get3A_472 : vector<1x16xf32> to vector<16xf32>
        %get3A_474 = arith.index_cast %add3A_387 : i32 to index
        %get3A_475 = arith.constant 80 : index
        %get3A_476 = tpu.vector_load %arg13[%get3A_474, %get3A_475] {strides = array<i32>} : memref<80x128xf32, #tpu.memory_space<vmem>>, vector<1x16xf32>,
        %get3A_477 = vector.shape_cast %get3A_476 : vector<1x16xf32> to vector<16xf32>
        %add3A_478 = arith.addf %get3A_473, %get3A_477 : vector<16xf32>
        %max3A_479 = arith.constant 0.000000e+00 : f32
        %max3A_480 = vector.broadcast %max3A_479 : f32 to vector<16xf32>
        %max3A_481 = arith.maximumf %add3A_478, %max3A_480 : vector<16xf32>
        %swap3A_482 = arith.index_cast %add3A_387 : i32 to index
        %swap3A_483 = arith.constant 80 : index
        %swap3A_484 = tpu.vector_load %arg11[%swap3A_482, %swap3A_483] {strides = array<i32>} : memref<80x128xf32, #tpu.memory_space<vmem>>, vector<1x16xf32>,
        %swap3A_485 = vector.shape_cast %swap3A_484 : vector<1x16xf32> to vector<16xf32>
        %swap3A_486 = vector.shape_cast %max3A_481 : vector<16xf32> to vector<1x16xf32>
        tpu.vector_store %arg11[%swap3A_482, %swap3A_483], %swap3A_486 {strides = array<i32>} : memref<80x128xf32, #tpu.memory_space<vmem>>, vector<1x16xf32>,
        %get3A_487 = arith.index_cast %add3A_387 : i32 to index
        %get3A_488 = arith.constant 96 : index
        %get3A_489 = tpu.vector_load %arg11[%get3A_487, %get3A_488] {strides = array<i32>} : memref<80x128xf32, #tpu.memory_space<vmem>>, vector<1x16xf32>,
        %get3A_490 = vector.shape_cast %get3A_489 : vector<1x16xf32> to vector<16xf32>
        %get3A_491 = arith.index_cast %add3A_387 : i32 to index
        %get3A_492 = arith.constant 96 : index
        %get3A_493 = tpu.vector_load %arg13[%get3A_491, %get3A_492] {strides = array<i32>} : memref<80x128xf32, #tpu.memory_space<vmem>>, vector<1x16xf32>,
        %get3A_494 = vector.shape_cast %get3A_493 : vector<1x16xf32> to vector<16xf32>
        %add3A_495 = arith.addf %get3A_490, %get3A_494 : vector<16xf32>
        %max3A_496 = arith.constant 0.000000e+00 : f32
        %max3A_497 = vector.broadcast %max3A_496 : f32 to vector<16xf32>
        %max3A_498 = arith.maximumf %add3A_495, %max3A_497 : vector<16xf32>
        %swap3A_499 = arith.index_cast %add3A_387 : i32 to index
        %swap3A_500 = arith.constant 96 : index
        %swap3A_501 = tpu.vector_load %arg11[%swap3A_499, %swap3A_500] {strides = array<i32>} : memref<80x128xf32, #tpu.memory_space<vmem>>, vector<1x16xf32>,
        %swap3A_502 = vector.shape_cast %swap3A_501 : vector<1x16xf32> to vector<16xf32>
        %swap3A_503 = vector.shape_cast %max3A_498 : vector<16xf32> to vector<1x16xf32>
        tpu.vector_store %arg11[%swap3A_499, %swap3A_500], %swap3A_503 {strides = array<i32>} : memref<80x128xf32, #tpu.memory_space<vmem>>, vector<1x16xf32>,
        %get3A_504 = arith.index_cast %add3A_387 : i32 to index
        %get3A_505 = arith.constant 112 : index
        %get3A_506 = tpu.vector_load %arg11[%get3A_504, %get3A_505] {strides = array<i32>} : memref<80x128xf32, #tpu.memory_space<vmem>>, vector<1x16xf32>,
        %get3A_507 = vector.shape_cast %get3A_506 : vector<1x16xf32> to vector<16xf32>
        %get3A_508 = arith.index_cast %add3A_387 : i32 to index
        %get3A_509 = arith.constant 112 : index
        %get3A_510 = tpu.vector_load %arg13[%get3A_508, %get3A_509] {strides = array<i32>} : memref<80x128xf32, #tpu.memory_space<vmem>>, vector<1x16xf32>,
        %get3A_511 = vector.shape_cast %get3A_510 : vector<1x16xf32> to vector<16xf32>
        %add3A_512 = arith.addf %get3A_507, %get3A_511 : vector<16xf32>
        %max3A_513 = arith.constant 0.000000e+00 : f32
        %max3A_514 = vector.broadcast %max3A_513 : f32 to vector<16xf32>
        %max3A_515 = arith.maximumf %add3A_512, %max3A_514 : vector<16xf32>
        %swap3A_516 = arith.index_cast %add3A_387 : i32 to index
        %swap3A_517 = arith.constant 112 : index
        %swap3A_518 = tpu.vector_load %arg11[%swap3A_516, %swap3A_517] {strides = array<i32>} : memref<80x128xf32, #tpu.memory_space<vmem>>, vector<1x16xf32>,
        %swap3A_519 = vector.shape_cast %swap3A_518 : vector<1x16xf32> to vector<16xf32>
        %swap3A_520 = vector.shape_cast %max3A_515 : vector<16xf32> to vector<1x16xf32>
        tpu.vector_store %arg11[%swap3A_516, %swap3A_517], %swap3A_520 {strides = array<i32>} : memref<80x128xf32, #tpu.memory_space<vmem>>, vector<1x16xf32>,
      }
      %scan3A_367 = arith.constant 80 : i32
      %add3A_368 = arith.constant 2 : i32
      %add3A_369 = arith.addi %add3A_323, %add3A_368 : i32
      %mul3A_370 = arith.constant 80 : i32
      %mul3A_371 = arith.muli %add3A_369, %mul3A_370 : i32
      %add3A_372 = arith.addi %mul3A_24, %mul3A_371 : i32
      %dma_start3A_373 = tpu.memref_slice %arg3[%add3A_372] : memref<320000xi32, #tpu.memory_space<hbm>> -> memref<80xi32, #tpu.memory_space<hbm>>
      %dma_start3A_374 = tpu.memref_slice %arg3[%add3A_372] : memref<320000xi32, #tpu.memory_space<hbm>> -> memref<80xi32, #tpu.memory_space<hbm>>
      tpu.enqueue_dma source(%dma_start3A_374 : memref<80xi32, #tpu.memory_space<hbm>>) target(%arg7 : memref<80xi32, #tpu.memory_space<vmem>>) target_semaphore(%arg15 : memref<!tpu.dma_semaphore, #tpu.memory_space<semaphore_mem>>)
      %mul3A_375 = arith.constant 80 : i32
      %mul3A_376 = arith.muli %add3A_323, %mul3A_375 : i32
      %add3A_377 = arith.addi %mul3A_24, %mul3A_376 : i32
      %dma_wait3A_378 = tpu.memref_slice %arg4[%add3A_377] : memref<320000xi32, #tpu.memory_space<hbm>> -> memref<80xi32, #tpu.memory_space<hbm>>
      %dma_wait3A_379 = tpu.memref_slice %arg4[%add3A_377] : memref<320000xi32, #tpu.memory_space<hbm>> -> memref<80xi32, #tpu.memory_space<hbm>>
      tpu.wait_dma2 semaphore(%arg17 : memref<!tpu.dma_semaphore, #tpu.memory_space<semaphore_mem>>) src(%dma_wait3A_379 : memref<80xi32, #tpu.memory_space<hbm>>) dst(%arg9 : memref<80xi32, #tpu.memory_space<vmem>>)
      %dma_start3A_380 = arith.constant 0 : i32
      %dma_start3A_381 = arith.constant 0 : i32
      %dma_start3A_382 = tpu.memref_slice %arg25[%dma_start3A_380, %dma_start3A_381] : memref<10240x128xf32, #tpu.memory_space<vmem_shared>> -> memref<10240x128xf32, #tpu.memory_space<vmem_shared>>
      tpu.enqueue_indirect_dma source(%arg11 : memref<80x128xf32, #tpu.memory_space<vmem>>) target(%dma_start3A_382 : memref<10240x128xf32, #tpu.memory_space<vmem_shared>>) offsets(%arg9 : memref<80xi32, #tpu.memory_space<vmem>>) semaphore(%arg23 : memref<!tpu.dma_semaphore, #tpu.memory_space<semaphore_mem>>) {add = true}
    }
    %scan3A_92 = arith.constant 60 : i32
    %dma_wait3A_93 = arith.constant 0 : i32
    %dma_wait3A_94 = arith.constant 0 : i32
    %dma_wait3A_95 = tpu.memref_slice %arg25[%dma_wait3A_93, %dma_wait3A_94] : memref<10240x128xf32, #tpu.memory_space<vmem_shared>> -> memref<10240x128xf32, #tpu.memory_space<vmem_shared>>
    tpu.wait_indirect_dma semaphore(%arg23 : memref<!tpu.dma_semaphore, #tpu.memory_space<semaphore_mem>>) src(%arg11 : memref<80x128xf32, #tpu.memory_space<vmem>>) dst(%dma_wait3A_95 : memref<10240x128xf32, #tpu.memory_space<vmem_shared>>)
    %add3A_96 = arith.constant 9760 : i32
    %add3A_97 = arith.addi %mul3A_24, %add3A_96 : i32
    %dma_start3A_98 = tpu.memref_slice %arg4[%add3A_97] : memref<320000xi32, #tpu.memory_space<hbm>> -> memref<80xi32, #tpu.memory_space<hbm>>
    %dma_start3A_99 = tpu.memref_slice %arg4[%add3A_97] : memref<320000xi32, #tpu.memory_space<hbm>> -> memref<80xi32, #tpu.memory_space<hbm>>
    tpu.enqueue_dma source(%dma_start3A_99 : memref<80xi32, #tpu.memory_space<hbm>>) target(%arg9 : memref<80xi32, #tpu.memory_space<vmem>>) target_semaphore(%arg17 : memref<!tpu.dma_semaphore, #tpu.memory_space<semaphore_mem>>)
    %add3A_100 = arith.constant 9760 : i32
    %add3A_101 = arith.addi %mul3A_24, %add3A_100 : i32
    %dma_wait3A_102 = tpu.memref_slice %arg3[%add3A_101] : memref<320000xi32, #tpu.memory_space<hbm>> -> memref<80xi32, #tpu.memory_space<hbm>>
    %dma_wait3A_103 = tpu.memref_slice %arg3[%add3A_101] : memref<320000xi32, #tpu.memory_space<hbm>> -> memref<80xi32, #tpu.memory_space<hbm>>
    tpu.wait_dma2 semaphore(%arg15 : memref<!tpu.dma_semaphore, #tpu.memory_space<semaphore_mem>>) src(%dma_wait3A_103 : memref<80xi32, #tpu.memory_space<hbm>>) dst(%arg7 : memref<80xi32, #tpu.memory_space<vmem>>)
    %dma_start3A_104 = arith.constant 0 : i32
    %dma_start3A_105 = arith.constant 0 : i32
    %dma_start3A_106 = tpu.memref_slice %arg2[%dma_start3A_104, %dma_start3A_105] : memref<10000x128xf32, #tpu.memory_space<hbm>> -> memref<10000x128xf32, #tpu.memory_space<hbm>>
    tpu.enqueue_indirect_dma source(%dma_start3A_106 : memref<10000x128xf32, #tpu.memory_space<hbm>>) target(%arg11 : memref<80x128xf32, #tpu.memory_space<vmem>>) offsets(%arg7 : memref<80xi32, #tpu.memory_space<vmem>>) semaphore(%arg19 : memref<!tpu.dma_semaphore, #tpu.memory_space<semaphore_mem>>)
    %add3A_107 = arith.constant 9760 : i32
    %add3A_108 = arith.addi %mul3A_24, %add3A_107 : i32
    %dma_start3A_109 = arith.constant 0 : i32
    %dma_start3A_110 = tpu.memref_slice %arg5[%add3A_108, %dma_start3A_109] : memref<320000x128xf32, #tpu.memory_space<hbm>> -> memref<80x128xf32, #tpu.memory_space<hbm>>
    %dma_start3A_111 = arith.constant 0 : i32
    %dma_start3A_112 = tpu.memref_slice %arg5[%add3A_108, %dma_start3A_111] : memref<320000x128xf32, #tpu.memory_space<hbm>> -> memref<80x128xf32, #tpu.memory_space<hbm>>
    tpu.enqueue_dma source(%dma_start3A_112 : memref<80x128xf32, #tpu.memory_space<hbm>>) target(%arg13 : memref<80x128xf32, #tpu.memory_space<vmem>>) target_semaphore(%arg21 : memref<!tpu.dma_semaphore, #tpu.memory_space<semaphore_mem>>)
    %dma_wait3A_113 = arith.constant 0 : i32
    %dma_wait3A_114 = arith.constant 0 : i32
    %dma_wait3A_115 = tpu.memref_slice %arg2[%dma_wait3A_113, %dma_wait3A_114] : memref<10000x128xf32, #tpu.memory_space<hbm>> -> memref<10000x128xf32, #tpu.memory_space<hbm>>
    tpu.wait_indirect_dma semaphore(%arg20 : memref<!tpu.dma_semaphore, #tpu.memory_space<semaphore_mem>>) src(%dma_wait3A_115 : memref<10000x128xf32, #tpu.memory_space<hbm>>) dst(%arg12 : memref<80x128xf32, #tpu.memory_space<vmem>>)
    %add3A_116 = arith.constant 9680 : i32
    %add3A_117 = arith.addi %mul3A_24, %add3A_116 : i32
    %dma_wait3A_118 = arith.constant 0 : i32
    %dma_wait3A_119 = tpu.memref_slice %arg5[%add3A_117, %dma_wait3A_118] : memref<320000x128xf32, #tpu.memory_space<hbm>> -> memref<80x128xf32, #tpu.memory_space<hbm>>
    %dma_wait3A_120 = arith.constant 0 : i32
    %dma_wait3A_121 = tpu.memref_slice %arg5[%add3A_117, %dma_wait3A_120] : memref<320000x128xf32, #tpu.memory_space<hbm>> -> memref<80x128xf32, #tpu.memory_space<hbm>>
    tpu.wait_dma2 semaphore(%arg22 : memref<!tpu.dma_semaphore, #tpu.memory_space<semaphore_mem>>) src(%dma_wait3A_121 : memref<80x128xf32, #tpu.memory_space<hbm>>) dst(%arg14 : memref<80x128xf32, #tpu.memory_space<vmem>>)
    %scan3A_122 = arith.constant 0 : i32
    %scan3A_123 = arith.constant 80 : i32
    %scan3A_124 = arith.addi %scan3A_122, %scan3A_123 : i32
    %scan3A_125 = arith.constant 1 : i32
    scf.for %scan3A_252 = %scan3A_122 to %scan3A_124 step %scan3A_125  : i32 {
      %mul3A_253 = arith.constant 1 : i32
      %mul3A_254 = arith.muli %scan3A_252, %mul3A_253 : i32
      %add3A_255 = arith.constant 0 : i32
      %add3A_256 = arith.addi %add3A_255, %mul3A_254 : i32
      %get3A = arith.index_cast %add3A_256 : i32 to index
      %get3A_257 = arith.constant 0 : index
      %get3A_258 = tpu.vector_load %arg12[%get3A, %get3A_257] {strides = array<i32>} : memref<80x128xf32, #tpu.memory_space<vmem>>, vector<1x16xf32>,
      %get3A_259 = vector.shape_cast %get3A_258 : vector<1x16xf32> to vector<16xf32>
      %get3A_260 = arith.index_cast %add3A_256 : i32 to index
      %get3A_261 = arith.constant 0 : index
      %get3A_262 = tpu.vector_load %arg14[%get3A_260, %get3A_261] {strides = array<i32>} : memref<80x128xf32, #tpu.memory_space<vmem>>, vector<1x16xf32>,
      %get3A_263 = vector.shape_cast %get3A_262 : vector<1x16xf32> to vector<16xf32>
      %add3A_264 = arith.addf %get3A_259, %get3A_263 : vector<16xf32>
      %max3A = arith.constant 0.000000e+00 : f32
      %max3A_265 = vector.broadcast %max3A : f32 to vector<16xf32>
      %max3A_266 = arith.maximumf %add3A_264, %max3A_265 : vector<16xf32>
      %swap3A = arith.index_cast %add3A_256 : i32 to index
      %swap3A_267 = arith.constant 0 : index
      %swap3A_268 = tpu.vector_load %arg12[%swap3A, %swap3A_267] {strides = array<i32>} : memref<80x128xf32, #tpu.memory_space<vmem>>, vector<1x16xf32>,
      %swap3A_269 = vector.shape_cast %swap3A_268 : vector<1x16xf32> to vector<16xf32>
      %swap3A_270 = vector.shape_cast %max3A_266 : vector<16xf32> to vector<1x16xf32>
      tpu.vector_store %arg12[%swap3A, %swap3A_267], %swap3A_270 {strides = array<i32>} : memref<80x128xf32, #tpu.memory_space<vmem>>, vector<1x16xf32>,
      %get3A_271 = arith.index_cast %add3A_256 : i32 to index
      %get3A_272 = arith.constant 16 : index
      %get3A_273 = tpu.vector_load %arg12[%get3A_271, %get3A_272] {strides = array<i32>} : memref<80x128xf32, #tpu.memory_space<vmem>>, vector<1x16xf32>,
      %get3A_274 = vector.shape_cast %get3A_273 : vector<1x16xf32> to vector<16xf32>
      %get3A_275 = arith.index_cast %add3A_256 : i32 to index
      %get3A_276 = arith.constant 16 : index
      %get3A_277 = tpu.vector_load %arg14[%get3A_275, %get3A_276] {strides = array<i32>} : memref<80x128xf32, #tpu.memory_space<vmem>>, vector<1x16xf32>,
      %get3A_278 = vector.shape_cast %get3A_277 : vector<1x16xf32> to vector<16xf32>
      %add3A_279 = arith.addf %get3A_274, %get3A_278 : vector<16xf32>
      %max3A_280 = arith.constant 0.000000e+00 : f32
      %max3A_281 = vector.broadcast %max3A_280 : f32 to vector<16xf32>
      %max3A_282 = arith.maximumf %add3A_279, %max3A_281 : vector<16xf32>
      %swap3A_283 = arith.index_cast %add3A_256 : i32 to index
      %swap3A_284 = arith.constant 16 : index
      %swap3A_285 = tpu.vector_load %arg12[%swap3A_283, %swap3A_284] {strides = array<i32>} : memref<80x128xf32, #tpu.memory_space<vmem>>, vector<1x16xf32>,
      %swap3A_286 = vector.shape_cast %swap3A_285 : vector<1x16xf32> to vector<16xf32>
      %swap3A_287 = vector.shape_cast %max3A_282 : vector<16xf32> to vector<1x16xf32>
      tpu.vector_store %arg12[%swap3A_283, %swap3A_284], %swap3A_287 {strides = array<i32>} : memref<80x128xf32, #tpu.memory_space<vmem>>, vector<1x16xf32>,
      %get3A_288 = arith.index_cast %add3A_256 : i32 to index
      %get3A_289 = arith.constant 32 : index
      %get3A_290 = tpu.vector_load %arg12[%get3A_288, %get3A_289] {strides = array<i32>} : memref<80x128xf32, #tpu.memory_space<vmem>>, vector<1x16xf32>,
      %get3A_291 = vector.shape_cast %get3A_290 : vector<1x16xf32> to vector<16xf32>
      %get3A_292 = arith.index_cast %add3A_256 : i32 to index
      %get3A_293 = arith.constant 32 : index
      %get3A_294 = tpu.vector_load %arg14[%get3A_292, %get3A_293] {strides = array<i32>} : memref<80x128xf32, #tpu.memory_space<vmem>>, vector<1x16xf32>,
      %get3A_295 = vector.shape_cast %get3A_294 : vector<1x16xf32> to vector<16xf32>
      %add3A_296 = arith.addf %get3A_291, %get3A_295 : vector<16xf32>
      %max3A_297 = arith.constant 0.000000e+00 : f32
      %max3A_298 = vector.broadcast %max3A_297 : f32 to vector<16xf32>
      %max3A_299 = arith.maximumf %add3A_296, %max3A_298 : vector<16xf32>
      %swap3A_300 = arith.index_cast %add3A_256 : i32 to index
      %swap3A_301 = arith.constant 32 : index
      %swap3A_302 = tpu.vector_load %arg12[%swap3A_300, %swap3A_301] {strides = array<i32>} : memref<80x128xf32, #tpu.memory_space<vmem>>, vector<1x16xf32>,
      %swap3A_303 = vector.shape_cast %swap3A_302 : vector<1x16xf32> to vector<16xf32>
      %swap3A_304 = vector.shape_cast %max3A_299 : vector<16xf32> to vector<1x16xf32>
      tpu.vector_store %arg12[%swap3A_300, %swap3A_301], %swap3A_304 {strides = array<i32>} : memref<80x128xf32, #tpu.memory_space<vmem>>, vector<1x16xf32>,
      %get3A_305 = arith.index_cast %add3A_256 : i32 to index
      %get3A_306 = arith.constant 48 : index
      %get3A_307 = tpu.vector_load %arg12[%get3A_305, %get3A_306] {strides = array<i32>} : memref<80x128xf32, #tpu.memory_space<vmem>>, vector<1x16xf32>,
      %get3A_308 = vector.shape_cast %get3A_307 : vector<1x16xf32> to vector<16xf32>
      %get3A_309 = arith.index_cast %add3A_256 : i32 to index
      %get3A_310 = arith.constant 48 : index
      %get3A_311 = tpu.vector_load %arg14[%get3A_309, %get3A_310] {strides = array<i32>} : memref<80x128xf32, #tpu.memory_space<vmem>>, vector<1x16xf32>,
      %get3A_312 = vector.shape_cast %get3A_311 : vector<1x16xf32> to vector<16xf32>
      %add3A_313 = arith.addf %get3A_308, %get3A_312 : vector<16xf32>
      %max3A_314 = arith.constant 0.000000e+00 : f32
      %max3A_315 = vector.broadcast %max3A_314 : f32 to vector<16xf32>
      %max3A_316 = arith.maximumf %add3A_313, %max3A_315 : vector<16xf32>
      %swap3A_317 = arith.index_cast %add3A_256 : i32 to index
      %swap3A_318 = arith.constant 48 : index
      %swap3A_319 = tpu.vector_load %arg12[%swap3A_317, %swap3A_318] {strides = array<i32>} : memref<80x128xf32, #tpu.memory_space<vmem>>, vector<1x16xf32>,
      %swap3A_320 = vector.shape_cast %swap3A_319 : vector<1x16xf32> to vector<16xf32>
      %swap3A_321 = vector.shape_cast %max3A_316 : vector<16xf32> to vector<1x16xf32>
      tpu.vector_store %arg12[%swap3A_317, %swap3A_318], %swap3A_321 {strides = array<i32>} : memref<80x128xf32, #tpu.memory_space<vmem>>, vector<1x16xf32>,
      %get3A_322 = arith.index_cast %add3A_256 : i32 to index
      %get3A_323 = arith.constant 64 : index
      %get3A_324 = tpu.vector_load %arg12[%get3A_322, %get3A_323] {strides = array<i32>} : memref<80x128xf32, #tpu.memory_space<vmem>>, vector<1x16xf32>,
      %get3A_325 = vector.shape_cast %get3A_324 : vector<1x16xf32> to vector<16xf32>
      %get3A_326 = arith.index_cast %add3A_256 : i32 to index
      %get3A_327 = arith.constant 64 : index
      %get3A_328 = tpu.vector_load %arg14[%get3A_326, %get3A_327] {strides = array<i32>} : memref<80x128xf32, #tpu.memory_space<vmem>>, vector<1x16xf32>,
      %get3A_329 = vector.shape_cast %get3A_328 : vector<1x16xf32> to vector<16xf32>
      %add3A_330 = arith.addf %get3A_325, %get3A_329 : vector<16xf32>
      %max3A_331 = arith.constant 0.000000e+00 : f32
      %max3A_332 = vector.broadcast %max3A_331 : f32 to vector<16xf32>
      %max3A_333 = arith.maximumf %add3A_330, %max3A_332 : vector<16xf32>
      %swap3A_334 = arith.index_cast %add3A_256 : i32 to index
      %swap3A_335 = arith.constant 64 : index
      %swap3A_336 = tpu.vector_load %arg12[%swap3A_334, %swap3A_335] {strides = array<i32>} : memref<80x128xf32, #tpu.memory_space<vmem>>, vector<1x16xf32>,
      %swap3A_337 = vector.shape_cast %swap3A_336 : vector<1x16xf32> to vector<16xf32>
      %swap3A_338 = vector.shape_cast %max3A_333 : vector<16xf32> to vector<1x16xf32>
      tpu.vector_store %arg12[%swap3A_334, %swap3A_335], %swap3A_338 {strides = array<i32>} : memref<80x128xf32, #tpu.memory_space<vmem>>, vector<1x16xf32>,
      %get3A_339 = arith.index_cast %add3A_256 : i32 to index
      %get3A_340 = arith.constant 80 : index
      %get3A_341 = tpu.vector_load %arg12[%get3A_339, %get3A_340] {strides = array<i32>} : memref<80x128xf32, #tpu.memory_space<vmem>>, vector<1x16xf32>,
      %get3A_342 = vector.shape_cast %get3A_341 : vector<1x16xf32> to vector<16xf32>
      %get3A_343 = arith.index_cast %add3A_256 : i32 to index
      %get3A_344 = arith.constant 80 : index
      %get3A_345 = tpu.vector_load %arg14[%get3A_343, %get3A_344] {strides = array<i32>} : memref<80x128xf32, #tpu.memory_space<vmem>>, vector<1x16xf32>,
      %get3A_346 = vector.shape_cast %get3A_345 : vector<1x16xf32> to vector<16xf32>
      %add3A_347 = arith.addf %get3A_342, %get3A_346 : vector<16xf32>
      %max3A_348 = arith.constant 0.000000e+00 : f32
      %max3A_349 = vector.broadcast %max3A_348 : f32 to vector<16xf32>
      %max3A_350 = arith.maximumf %add3A_347, %max3A_349 : vector<16xf32>
      %swap3A_351 = arith.index_cast %add3A_256 : i32 to index
      %swap3A_352 = arith.constant 80 : index
      %swap3A_353 = tpu.vector_load %arg12[%swap3A_351, %swap3A_352] {strides = array<i32>} : memref<80x128xf32, #tpu.memory_space<vmem>>, vector<1x16xf32>,
      %swap3A_354 = vector.shape_cast %swap3A_353 : vector<1x16xf32> to vector<16xf32>
      %swap3A_355 = vector.shape_cast %max3A_350 : vector<16xf32> to vector<1x16xf32>
      tpu.vector_store %arg12[%swap3A_351, %swap3A_352], %swap3A_355 {strides = array<i32>} : memref<80x128xf32, #tpu.memory_space<vmem>>, vector<1x16xf32>,
      %get3A_356 = arith.index_cast %add3A_256 : i32 to index
      %get3A_357 = arith.constant 96 : index
      %get3A_358 = tpu.vector_load %arg12[%get3A_356, %get3A_357] {strides = array<i32>} : memref<80x128xf32, #tpu.memory_space<vmem>>, vector<1x16xf32>,
      %get3A_359 = vector.shape_cast %get3A_358 : vector<1x16xf32> to vector<16xf32>
      %get3A_360 = arith.index_cast %add3A_256 : i32 to index
      %get3A_361 = arith.constant 96 : index
      %get3A_362 = tpu.vector_load %arg14[%get3A_360, %get3A_361] {strides = array<i32>} : memref<80x128xf32, #tpu.memory_space<vmem>>, vector<1x16xf32>,
      %get3A_363 = vector.shape_cast %get3A_362 : vector<1x16xf32> to vector<16xf32>
      %add3A_364 = arith.addf %get3A_359, %get3A_363 : vector<16xf32>
      %max3A_365 = arith.constant 0.000000e+00 : f32
      %max3A_366 = vector.broadcast %max3A_365 : f32 to vector<16xf32>
      %max3A_367 = arith.maximumf %add3A_364, %max3A_366 : vector<16xf32>
      %swap3A_368 = arith.index_cast %add3A_256 : i32 to index
      %swap3A_369 = arith.constant 96 : index
      %swap3A_370 = tpu.vector_load %arg12[%swap3A_368, %swap3A_369] {strides = array<i32>} : memref<80x128xf32, #tpu.memory_space<vmem>>, vector<1x16xf32>,
      %swap3A_371 = vector.shape_cast %swap3A_370 : vector<1x16xf32> to vector<16xf32>
      %swap3A_372 = vector.shape_cast %max3A_367 : vector<16xf32> to vector<1x16xf32>
      tpu.vector_store %arg12[%swap3A_368, %swap3A_369], %swap3A_372 {strides = array<i32>} : memref<80x128xf32, #tpu.memory_space<vmem>>, vector<1x16xf32>,
      %get3A_373 = arith.index_cast %add3A_256 : i32 to index
      %get3A_374 = arith.constant 112 : index
      %get3A_375 = tpu.vector_load %arg12[%get3A_373, %get3A_374] {strides = array<i32>} : memref<80x128xf32, #tpu.memory_space<vmem>>, vector<1x16xf32>,
      %get3A_376 = vector.shape_cast %get3A_375 : vector<1x16xf32> to vector<16xf32>
      %get3A_377 = arith.index_cast %add3A_256 : i32 to index
      %get3A_378 = arith.constant 112 : index
      %get3A_379 = tpu.vector_load %arg14[%get3A_377, %get3A_378] {strides = array<i32>} : memref<80x128xf32, #tpu.memory_space<vmem>>, vector<1x16xf32>,
      %get3A_380 = vector.shape_cast %get3A_379 : vector<1x16xf32> to vector<16xf32>
      %add3A_381 = arith.addf %get3A_376, %get3A_380 : vector<16xf32>
      %max3A_382 = arith.constant 0.000000e+00 : f32
      %max3A_383 = vector.broadcast %max3A_382 : f32 to vector<16xf32>
      %max3A_384 = arith.maximumf %add3A_381, %max3A_383 : vector<16xf32>
      %swap3A_385 = arith.index_cast %add3A_256 : i32 to index
      %swap3A_386 = arith.constant 112 : index
      %swap3A_387 = tpu.vector_load %arg12[%swap3A_385, %swap3A_386] {strides = array<i32>} : memref<80x128xf32, #tpu.memory_space<vmem>>, vector<1x16xf32>,
      %swap3A_388 = vector.shape_cast %swap3A_387 : vector<1x16xf32> to vector<16xf32>
      %swap3A_389 = vector.shape_cast %max3A_384 : vector<16xf32> to vector<1x16xf32>
      tpu.vector_store %arg12[%swap3A_385, %swap3A_386], %swap3A_389 {strides = array<i32>} : memref<80x128xf32, #tpu.memory_space<vmem>>, vector<1x16xf32>,
    }
    %scan3A_126 = arith.constant 80 : i32
    %add3A_127 = arith.constant 9840 : i32
    %add3A_128 = arith.addi %mul3A_24, %add3A_127 : i32
    %dma_start3A_129 = tpu.memref_slice %arg3[%add3A_128] : memref<320000xi32, #tpu.memory_space<hbm>> -> memref<80xi32, #tpu.memory_space<hbm>>
    %dma_start3A_130 = tpu.memref_slice %arg3[%add3A_128] : memref<320000xi32, #tpu.memory_space<hbm>> -> memref<80xi32, #tpu.memory_space<hbm>>
    tpu.enqueue_dma source(%dma_start3A_130 : memref<80xi32, #tpu.memory_space<hbm>>) target(%arg8 : memref<80xi32, #tpu.memory_space<vmem>>) target_semaphore(%arg16 : memref<!tpu.dma_semaphore, #tpu.memory_space<semaphore_mem>>)
    %add3A_131 = arith.constant 9680 : i32
    %add3A_132 = arith.addi %mul3A_24, %add3A_131 : i32
    %dma_wait3A_133 = tpu.memref_slice %arg4[%add3A_132] : memref<320000xi32, #tpu.memory_space<hbm>> -> memref<80xi32, #tpu.memory_space<hbm>>
    %dma_wait3A_134 = tpu.memref_slice %arg4[%add3A_132] : memref<320000xi32, #tpu.memory_space<hbm>> -> memref<80xi32, #tpu.memory_space<hbm>>
    tpu.wait_dma2 semaphore(%arg18 : memref<!tpu.dma_semaphore, #tpu.memory_space<semaphore_mem>>) src(%dma_wait3A_134 : memref<80xi32, #tpu.memory_space<hbm>>) dst(%arg10 : memref<80xi32, #tpu.memory_space<vmem>>)
    %dma_start3A_135 = arith.constant 0 : i32
    %dma_start3A_136 = arith.constant 0 : i32
    %dma_start3A_137 = tpu.memref_slice %arg25[%dma_start3A_135, %dma_start3A_136] : memref<10240x128xf32, #tpu.memory_space<vmem_shared>> -> memref<10240x128xf32, #tpu.memory_space<vmem_shared>>
    tpu.enqueue_indirect_dma source(%arg12 : memref<80x128xf32, #tpu.memory_space<vmem>>) target(%dma_start3A_137 : memref<10240x128xf32, #tpu.memory_space<vmem_shared>>) offsets(%arg10 : memref<80xi32, #tpu.memory_space<vmem>>) semaphore(%arg24 : memref<!tpu.dma_semaphore, #tpu.memory_space<semaphore_mem>>) {add = true}
    %dma_wait3A_138 = arith.constant 0 : i32
    %dma_wait3A_139 = arith.constant 0 : i32
    %dma_wait3A_140 = tpu.memref_slice %arg25[%dma_wait3A_138, %dma_wait3A_139] : memref<10240x128xf32, #tpu.memory_space<vmem_shared>> -> memref<10240x128xf32, #tpu.memory_space<vmem_shared>>
    tpu.wait_indirect_dma semaphore(%arg24 : memref<!tpu.dma_semaphore, #tpu.memory_space<semaphore_mem>>) src(%arg12 : memref<80x128xf32, #tpu.memory_space<vmem>>) dst(%dma_wait3A_140 : memref<10240x128xf32, #tpu.memory_space<vmem_shared>>)
    %add3A_141 = arith.constant 9840 : i32
    %add3A_142 = arith.addi %mul3A_24, %add3A_141 : i32
    %dma_start3A_143 = tpu.memref_slice %arg4[%add3A_142] : memref<320000xi32, #tpu.memory_space<hbm>> -> memref<80xi32, #tpu.memory_space<hbm>>
    %dma_start3A_144 = tpu.memref_slice %arg4[%add3A_142] : memref<320000xi32, #tpu.memory_space<hbm>> -> memref<80xi32, #tpu.memory_space<hbm>>
    tpu.enqueue_dma source(%dma_start3A_144 : memref<80xi32, #tpu.memory_space<hbm>>) target(%arg10 : memref<80xi32, #tpu.memory_space<vmem>>) target_semaphore(%arg18 : memref<!tpu.dma_semaphore, #tpu.memory_space<semaphore_mem>>)
    %add3A_145 = arith.constant 9840 : i32
    %add3A_146 = arith.addi %mul3A_24, %add3A_145 : i32
    %dma_wait3A_147 = tpu.memref_slice %arg3[%add3A_146] : memref<320000xi32, #tpu.memory_space<hbm>> -> memref<80xi32, #tpu.memory_space<hbm>>
    %dma_wait3A_148 = tpu.memref_slice %arg3[%add3A_146] : memref<320000xi32, #tpu.memory_space<hbm>> -> memref<80xi32, #tpu.memory_space<hbm>>
    tpu.wait_dma2 semaphore(%arg16 : memref<!tpu.dma_semaphore, #tpu.memory_space<semaphore_mem>>) src(%dma_wait3A_148 : memref<80xi32, #tpu.memory_space<hbm>>) dst(%arg8 : memref<80xi32, #tpu.memory_space<vmem>>)
    %dma_start3A_149 = arith.constant 0 : i32
    %dma_start3A_150 = arith.constant 0 : i32
    %dma_start3A_151 = tpu.memref_slice %arg2[%dma_start3A_149, %dma_start3A_150] : memref<10000x128xf32, #tpu.memory_space<hbm>> -> memref<10000x128xf32, #tpu.memory_space<hbm>>
    tpu.enqueue_indirect_dma source(%dma_start3A_151 : memref<10000x128xf32, #tpu.memory_space<hbm>>) target(%arg12 : memref<80x128xf32, #tpu.memory_space<vmem>>) offsets(%arg8 : memref<80xi32, #tpu.memory_space<vmem>>) semaphore(%arg20 : memref<!tpu.dma_semaphore, #tpu.memory_space<semaphore_mem>>)
    %add3A_152 = arith.constant 9840 : i32
    %add3A_153 = arith.addi %mul3A_24, %add3A_152 : i32
    %dma_start3A_154 = arith.constant 0 : i32
    %dma_start3A_155 = tpu.memref_slice %arg5[%add3A_153, %dma_start3A_154] : memref<320000x128xf32, #tpu.memory_space<hbm>> -> memref<80x128xf32, #tpu.memory_space<hbm>>
    %dma_start3A_156 = arith.constant 0 : i32
    %dma_start3A_157 = tpu.memref_slice %arg5[%add3A_153, %dma_start3A_156] : memref<320000x128xf32, #tpu.memory_space<hbm>> -> memref<80x128xf32, #tpu.memory_space<hbm>>
    tpu.enqueue_dma source(%dma_start3A_157 : memref<80x128xf32, #tpu.memory_space<hbm>>) target(%arg14 : memref<80x128xf32, #tpu.memory_space<vmem>>) target_semaphore(%arg22 : memref<!tpu.dma_semaphore, #tpu.memory_space<semaphore_mem>>)
    %dma_wait3A_158 = arith.constant 0 : i32
    %dma_wait3A_159 = arith.constant 0 : i32
    %dma_wait3A_160 = tpu.memref_slice %arg2[%dma_wait3A_158, %dma_wait3A_159] : memref<10000x128xf32, #tpu.memory_space<hbm>> -> memref<10000x128xf32, #tpu.memory_space<hbm>>
    tpu.wait_indirect_dma semaphore(%arg19 : memref<!tpu.dma_semaphore, #tpu.memory_space<semaphore_mem>>) src(%dma_wait3A_160 : memref<10000x128xf32, #tpu.memory_space<hbm>>) dst(%arg11 : memref<80x128xf32, #tpu.memory_space<vmem>>)
    %add3A_161 = arith.constant 9760 : i32
    %add3A_162 = arith.addi %mul3A_24, %add3A_161 : i32
    %dma_wait3A_163 = arith.constant 0 : i32
    %dma_wait3A_164 = tpu.memref_slice %arg5[%add3A_162, %dma_wait3A_163] : memref<320000x128xf32, #tpu.memory_space<hbm>> -> memref<80x128xf32, #tpu.memory_space<hbm>>
    %dma_wait3A_165 = arith.constant 0 : i32
    %dma_wait3A_166 = tpu.memref_slice %arg5[%add3A_162, %dma_wait3A_165] : memref<320000x128xf32, #tpu.memory_space<hbm>> -> memref<80x128xf32, #tpu.memory_space<hbm>>
    tpu.wait_dma2 semaphore(%arg21 : memref<!tpu.dma_semaphore, #tpu.memory_space<semaphore_mem>>) src(%dma_wait3A_166 : memref<80x128xf32, #tpu.memory_space<hbm>>) dst(%arg13 : memref<80x128xf32, #tpu.memory_space<vmem>>)
    %scan3A_167 = arith.constant 0 : i32
    %scan3A_168 = arith.constant 80 : i32
    %scan3A_169 = arith.addi %scan3A_167, %scan3A_168 : i32
    %scan3A_170 = arith.constant 1 : i32
    scf.for %scan3A_252 = %scan3A_167 to %scan3A_169 step %scan3A_170  : i32 {
      %mul3A_253 = arith.constant 1 : i32
      %mul3A_254 = arith.muli %scan3A_252, %mul3A_253 : i32
      %add3A_255 = arith.constant 0 : i32
      %add3A_256 = arith.addi %add3A_255, %mul3A_254 : i32
      %get3A = arith.index_cast %add3A_256 : i32 to index
      %get3A_257 = arith.constant 0 : index
      %get3A_258 = tpu.vector_load %arg11[%get3A, %get3A_257] {strides = array<i32>} : memref<80x128xf32, #tpu.memory_space<vmem>>, vector<1x16xf32>,
      %get3A_259 = vector.shape_cast %get3A_258 : vector<1x16xf32> to vector<16xf32>
      %get3A_260 = arith.index_cast %add3A_256 : i32 to index
      %get3A_261 = arith.constant 0 : index
      %get3A_262 = tpu.vector_load %arg13[%get3A_260, %get3A_261] {strides = array<i32>} : memref<80x128xf32, #tpu.memory_space<vmem>>, vector<1x16xf32>,
      %get3A_263 = vector.shape_cast %get3A_262 : vector<1x16xf32> to vector<16xf32>
      %add3A_264 = arith.addf %get3A_259, %get3A_263 : vector<16xf32>
      %max3A = arith.constant 0.000000e+00 : f32
      %max3A_265 = vector.broadcast %max3A : f32 to vector<16xf32>
      %max3A_266 = arith.maximumf %add3A_264, %max3A_265 : vector<16xf32>
      %swap3A = arith.index_cast %add3A_256 : i32 to index
      %swap3A_267 = arith.constant 0 : index
      %swap3A_268 = tpu.vector_load %arg11[%swap3A, %swap3A_267] {strides = array<i32>} : memref<80x128xf32, #tpu.memory_space<vmem>>, vector<1x16xf32>,
      %swap3A_269 = vector.shape_cast %swap3A_268 : vector<1x16xf32> to vector<16xf32>
      %swap3A_270 = vector.shape_cast %max3A_266 : vector<16xf32> to vector<1x16xf32>
      tpu.vector_store %arg11[%swap3A, %swap3A_267], %swap3A_270 {strides = array<i32>} : memref<80x128xf32, #tpu.memory_space<vmem>>, vector<1x16xf32>,
      %get3A_271 = arith.index_cast %add3A_256 : i32 to index
      %get3A_272 = arith.constant 16 : index
      %get3A_273 = tpu.vector_load %arg11[%get3A_271, %get3A_272] {strides = array<i32>} : memref<80x128xf32, #tpu.memory_space<vmem>>, vector<1x16xf32>,
      %get3A_274 = vector.shape_cast %get3A_273 : vector<1x16xf32> to vector<16xf32>
      %get3A_275 = arith.index_cast %add3A_256 : i32 to index
      %get3A_276 = arith.constant 16 : index
      %get3A_277 = tpu.vector_load %arg13[%get3A_275, %get3A_276] {strides = array<i32>} : memref<80x128xf32, #tpu.memory_space<vmem>>, vector<1x16xf32>,
      %get3A_278 = vector.shape_cast %get3A_277 : vector<1x16xf32> to vector<16xf32>
      %add3A_279 = arith.addf %get3A_274, %get3A_278 : vector<16xf32>
      %max3A_280 = arith.constant 0.000000e+00 : f32
      %max3A_281 = vector.broadcast %max3A_280 : f32 to vector<16xf32>
      %max3A_282 = arith.maximumf %add3A_279, %max3A_281 : vector<16xf32>
      %swap3A_283 = arith.index_cast %add3A_256 : i32 to index
      %swap3A_284 = arith.constant 16 : index
      %swap3A_285 = tpu.vector_load %arg11[%swap3A_283, %swap3A_284] {strides = array<i32>} : memref<80x128xf32, #tpu.memory_space<vmem>>, vector<1x16xf32>,
      %swap3A_286 = vector.shape_cast %swap3A_285 : vector<1x16xf32> to vector<16xf32>
      %swap3A_287 = vector.shape_cast %max3A_282 : vector<16xf32> to vector<1x16xf32>
      tpu.vector_store %arg11[%swap3A_283, %swap3A_284], %swap3A_287 {strides = array<i32>} : memref<80x128xf32, #tpu.memory_space<vmem>>, vector<1x16xf32>,
      %get3A_288 = arith.index_cast %add3A_256 : i32 to index
      %get3A_289 = arith.constant 32 : index
      %get3A_290 = tpu.vector_load %arg11[%get3A_288, %get3A_289] {strides = array<i32>} : memref<80x128xf32, #tpu.memory_space<vmem>>, vector<1x16xf32>,
      %get3A_291 = vector.shape_cast %get3A_290 : vector<1x16xf32> to vector<16xf32>
      %get3A_292 = arith.index_cast %add3A_256 : i32 to index
      %get3A_293 = arith.constant 32 : index
      %get3A_294 = tpu.vector_load %arg13[%get3A_292, %get3A_293] {strides = array<i32>} : memref<80x128xf32, #tpu.memory_space<vmem>>, vector<1x16xf32>,
      %get3A_295 = vector.shape_cast %get3A_294 : vector<1x16xf32> to vector<16xf32>
      %add3A_296 = arith.addf %get3A_291, %get3A_295 : vector<16xf32>
      %max3A_297 = arith.constant 0.000000e+00 : f32
      %max3A_298 = vector.broadcast %max3A_297 : f32 to vector<16xf32>
      %max3A_299 = arith.maximumf %add3A_296, %max3A_298 : vector<16xf32>
      %swap3A_300 = arith.index_cast %add3A_256 : i32 to index
      %swap3A_301 = arith.constant 32 : index
      %swap3A_302 = tpu.vector_load %arg11[%swap3A_300, %swap3A_301] {strides = array<i32>} : memref<80x128xf32, #tpu.memory_space<vmem>>, vector<1x16xf32>,
      %swap3A_303 = vector.shape_cast %swap3A_302 : vector<1x16xf32> to vector<16xf32>
      %swap3A_304 = vector.shape_cast %max3A_299 : vector<16xf32> to vector<1x16xf32>
      tpu.vector_store %arg11[%swap3A_300, %swap3A_301], %swap3A_304 {strides = array<i32>} : memref<80x128xf32, #tpu.memory_space<vmem>>, vector<1x16xf32>,
      %get3A_305 = arith.index_cast %add3A_256 : i32 to index
      %get3A_306 = arith.constant 48 : index
      %get3A_307 = tpu.vector_load %arg11[%get3A_305, %get3A_306] {strides = array<i32>} : memref<80x128xf32, #tpu.memory_space<vmem>>, vector<1x16xf32>,
      %get3A_308 = vector.shape_cast %get3A_307 : vector<1x16xf32> to vector<16xf32>
      %get3A_309 = arith.index_cast %add3A_256 : i32 to index
      %get3A_310 = arith.constant 48 : index
      %get3A_311 = tpu.vector_load %arg13[%get3A_309, %get3A_310] {strides = array<i32>} : memref<80x128xf32, #tpu.memory_space<vmem>>, vector<1x16xf32>,
      %get3A_312 = vector.shape_cast %get3A_311 : vector<1x16xf32> to vector<16xf32>
      %add3A_313 = arith.addf %get3A_308, %get3A_312 : vector<16xf32>
      %max3A_314 = arith.constant 0.000000e+00 : f32
      %max3A_315 = vector.broadcast %max3A_314 : f32 to vector<16xf32>
      %max3A_316 = arith.maximumf %add3A_313, %max3A_315 : vector<16xf32>
      %swap3A_317 = arith.index_cast %add3A_256 : i32 to index
      %swap3A_318 = arith.constant 48 : index
      %swap3A_319 = tpu.vector_load %arg11[%swap3A_317, %swap3A_318] {strides = array<i32>} : memref<80x128xf32, #tpu.memory_space<vmem>>, vector<1x16xf32>,
      %swap3A_320 = vector.shape_cast %swap3A_319 : vector<1x16xf32> to vector<16xf32>
      %swap3A_321 = vector.shape_cast %max3A_316 : vector<16xf32> to vector<1x16xf32>
      tpu.vector_store %arg11[%swap3A_317, %swap3A_318], %swap3A_321 {strides = array<i32>} : memref<80x128xf32, #tpu.memory_space<vmem>>, vector<1x16xf32>,
      %get3A_322 = arith.index_cast %add3A_256 : i32 to index
      %get3A_323 = arith.constant 64 : index
      %get3A_324 = tpu.vector_load %arg11[%get3A_322, %get3A_323] {strides = array<i32>} : memref<80x128xf32, #tpu.memory_space<vmem>>, vector<1x16xf32>,
      %get3A_325 = vector.shape_cast %get3A_324 : vector<1x16xf32> to vector<16xf32>
      %get3A_326 = arith.index_cast %add3A_256 : i32 to index
      %get3A_327 = arith.constant 64 : index
      %get3A_328 = tpu.vector_load %arg13[%get3A_326, %get3A_327] {strides = array<i32>} : memref<80x128xf32, #tpu.memory_space<vmem>>, vector<1x16xf32>,
      %get3A_329 = vector.shape_cast %get3A_328 : vector<1x16xf32> to vector<16xf32>
      %add3A_330 = arith.addf %get3A_325, %get3A_329 : vector<16xf32>
      %max3A_331 = arith.constant 0.000000e+00 : f32
      %max3A_332 = vector.broadcast %max3A_331 : f32 to vector<16xf32>
      %max3A_333 = arith.maximumf %add3A_330, %max3A_332 : vector<16xf32>
      %swap3A_334 = arith.index_cast %add3A_256 : i32 to index
      %swap3A_335 = arith.constant 64 : index
      %swap3A_336 = tpu.vector_load %arg11[%swap3A_334, %swap3A_335] {strides = array<i32>} : memref<80x128xf32, #tpu.memory_space<vmem>>, vector<1x16xf32>,
      %swap3A_337 = vector.shape_cast %swap3A_336 : vector<1x16xf32> to vector<16xf32>
      %swap3A_338 = vector.shape_cast %max3A_333 : vector<16xf32> to vector<1x16xf32>
      tpu.vector_store %arg11[%swap3A_334, %swap3A_335], %swap3A_338 {strides = array<i32>} : memref<80x128xf32, #tpu.memory_space<vmem>>, vector<1x16xf32>,
      %get3A_339 = arith.index_cast %add3A_256 : i32 to index
      %get3A_340 = arith.constant 80 : index
      %get3A_341 = tpu.vector_load %arg11[%get3A_339, %get3A_340] {strides = array<i32>} : memref<80x128xf32, #tpu.memory_space<vmem>>, vector<1x16xf32>,
      %get3A_342 = vector.shape_cast %get3A_341 : vector<1x16xf32> to vector<16xf32>
      %get3A_343 = arith.index_cast %add3A_256 : i32 to index
      %get3A_344 = arith.constant 80 : index
      %get3A_345 = tpu.vector_load %arg13[%get3A_343, %get3A_344] {strides = array<i32>} : memref<80x128xf32, #tpu.memory_space<vmem>>, vector<1x16xf32>,
      %get3A_346 = vector.shape_cast %get3A_345 : vector<1x16xf32> to vector<16xf32>
      %add3A_347 = arith.addf %get3A_342, %get3A_346 : vector<16xf32>
      %max3A_348 = arith.constant 0.000000e+00 : f32
      %max3A_349 = vector.broadcast %max3A_348 : f32 to vector<16xf32>
      %max3A_350 = arith.maximumf %add3A_347, %max3A_349 : vector<16xf32>
      %swap3A_351 = arith.index_cast %add3A_256 : i32 to index
      %swap3A_352 = arith.constant 80 : index
      %swap3A_353 = tpu.vector_load %arg11[%swap3A_351, %swap3A_352] {strides = array<i32>} : memref<80x128xf32, #tpu.memory_space<vmem>>, vector<1x16xf32>,
      %swap3A_354 = vector.shape_cast %swap3A_353 : vector<1x16xf32> to vector<16xf32>
      %swap3A_355 = vector.shape_cast %max3A_350 : vector<16xf32> to vector<1x16xf32>
      tpu.vector_store %arg11[%swap3A_351, %swap3A_352], %swap3A_355 {strides = array<i32>} : memref<80x128xf32, #tpu.memory_space<vmem>>, vector<1x16xf32>,
      %get3A_356 = arith.index_cast %add3A_256 : i32 to index
      %get3A_357 = arith.constant 96 : index
      %get3A_358 = tpu.vector_load %arg11[%get3A_356, %get3A_357] {strides = array<i32>} : memref<80x128xf32, #tpu.memory_space<vmem>>, vector<1x16xf32>,
      %get3A_359 = vector.shape_cast %get3A_358 : vector<1x16xf32> to vector<16xf32>
      %get3A_360 = arith.index_cast %add3A_256 : i32 to index
      %get3A_361 = arith.constant 96 : index
      %get3A_362 = tpu.vector_load %arg13[%get3A_360, %get3A_361] {strides = array<i32>} : memref<80x128xf32, #tpu.memory_space<vmem>>, vector<1x16xf32>,
      %get3A_363 = vector.shape_cast %get3A_362 : vector<1x16xf32> to vector<16xf32>
      %add3A_364 = arith.addf %get3A_359, %get3A_363 : vector<16xf32>
      %max3A_365 = arith.constant 0.000000e+00 : f32
      %max3A_366 = vector.broadcast %max3A_365 : f32 to vector<16xf32>
      %max3A_367 = arith.maximumf %add3A_364, %max3A_366 : vector<16xf32>
      %swap3A_368 = arith.index_cast %add3A_256 : i32 to index
      %swap3A_369 = arith.constant 96 : index
      %swap3A_370 = tpu.vector_load %arg11[%swap3A_368, %swap3A_369] {strides = array<i32>} : memref<80x128xf32, #tpu.memory_space<vmem>>, vector<1x16xf32>,
      %swap3A_371 = vector.shape_cast %swap3A_370 : vector<1x16xf32> to vector<16xf32>
      %swap3A_372 = vector.shape_cast %max3A_367 : vector<16xf32> to vector<1x16xf32>
      tpu.vector_store %arg11[%swap3A_368, %swap3A_369], %swap3A_372 {strides = array<i32>} : memref<80x128xf32, #tpu.memory_space<vmem>>, vector<1x16xf32>,
      %get3A_373 = arith.index_cast %add3A_256 : i32 to index
      %get3A_374 = arith.constant 112 : index
      %get3A_375 = tpu.vector_load %arg11[%get3A_373, %get3A_374] {strides = array<i32>} : memref<80x128xf32, #tpu.memory_space<vmem>>, vector<1x16xf32>,
      %get3A_376 = vector.shape_cast %get3A_375 : vector<1x16xf32> to vector<16xf32>
      %get3A_377 = arith.index_cast %add3A_256 : i32 to index
      %get3A_378 = arith.constant 112 : index
      %get3A_379 = tpu.vector_load %arg13[%get3A_377, %get3A_378] {strides = array<i32>} : memref<80x128xf32, #tpu.memory_space<vmem>>, vector<1x16xf32>,
      %get3A_380 = vector.shape_cast %get3A_379 : vector<1x16xf32> to vector<16xf32>
      %add3A_381 = arith.addf %get3A_376, %get3A_380 : vector<16xf32>
      %max3A_382 = arith.constant 0.000000e+00 : f32
      %max3A_383 = vector.broadcast %max3A_382 : f32 to vector<16xf32>
      %max3A_384 = arith.maximumf %add3A_381, %max3A_383 : vector<16xf32>
      %swap3A_385 = arith.index_cast %add3A_256 : i32 to index
      %swap3A_386 = arith.constant 112 : index
      %swap3A_387 = tpu.vector_load %arg11[%swap3A_385, %swap3A_386] {strides = array<i32>} : memref<80x128xf32, #tpu.memory_space<vmem>>, vector<1x16xf32>,
      %swap3A_388 = vector.shape_cast %swap3A_387 : vector<1x16xf32> to vector<16xf32>
      %swap3A_389 = vector.shape_cast %max3A_384 : vector<16xf32> to vector<1x16xf32>
      tpu.vector_store %arg11[%swap3A_385, %swap3A_386], %swap3A_389 {strides = array<i32>} : memref<80x128xf32, #tpu.memory_space<vmem>>, vector<1x16xf32>,
    }
    %scan3A_171 = arith.constant 80 : i32
    %add3A_172 = arith.constant 9920 : i32
    %add3A_173 = arith.addi %mul3A_24, %add3A_172 : i32
    %dma_start3A_174 = tpu.memref_slice %arg3[%add3A_173] : memref<320000xi32, #tpu.memory_space<hbm>> -> memref<80xi32, #tpu.memory_space<hbm>>
    %dma_start3A_175 = tpu.memref_slice %arg3[%add3A_173] : memref<320000xi32, #tpu.memory_space<hbm>> -> memref<80xi32, #tpu.memory_space<hbm>>
    tpu.enqueue_dma source(%dma_start3A_175 : memref<80xi32, #tpu.memory_space<hbm>>) target(%arg7 : memref<80xi32, #tpu.memory_space<vmem>>) target_semaphore(%arg15 : memref<!tpu.dma_semaphore, #tpu.memory_space<semaphore_mem>>)
    %add3A_176 = arith.constant 9760 : i32
    %add3A_177 = arith.addi %mul3A_24, %add3A_176 : i32
    %dma_wait3A_178 = tpu.memref_slice %arg4[%add3A_177] : memref<320000xi32, #tpu.memory_space<hbm>> -> memref<80xi32, #tpu.memory_space<hbm>>
    %dma_wait3A_179 = tpu.memref_slice %arg4[%add3A_177] : memref<320000xi32, #tpu.memory_space<hbm>> -> memref<80xi32, #tpu.memory_space<hbm>>
    tpu.wait_dma2 semaphore(%arg17 : memref<!tpu.dma_semaphore, #tpu.memory_space<semaphore_mem>>) src(%dma_wait3A_179 : memref<80xi32, #tpu.memory_space<hbm>>) dst(%arg9 : memref<80xi32, #tpu.memory_space<vmem>>)
    %dma_start3A_180 = arith.constant 0 : i32
    %dma_start3A_181 = arith.constant 0 : i32
    %dma_start3A_182 = tpu.memref_slice %arg25[%dma_start3A_180, %dma_start3A_181] : memref<10240x128xf32, #tpu.memory_space<vmem_shared>> -> memref<10240x128xf32, #tpu.memory_space<vmem_shared>>
    tpu.enqueue_indirect_dma source(%arg11 : memref<80x128xf32, #tpu.memory_space<vmem>>) target(%dma_start3A_182 : memref<10240x128xf32, #tpu.memory_space<vmem_shared>>) offsets(%arg9 : memref<80xi32, #tpu.memory_space<vmem>>) semaphore(%arg23 : memref<!tpu.dma_semaphore, #tpu.memory_space<semaphore_mem>>) {add = true}
    %dma_wait3A_183 = arith.constant 0 : i32
    %dma_wait3A_184 = arith.constant 0 : i32
    %dma_wait3A_185 = tpu.memref_slice %arg25[%dma_wait3A_183, %dma_wait3A_184] : memref<10240x128xf32, #tpu.memory_space<vmem_shared>> -> memref<10240x128xf32, #tpu.memory_space<vmem_shared>>
    tpu.wait_indirect_dma semaphore(%arg23 : memref<!tpu.dma_semaphore, #tpu.memory_space<semaphore_mem>>) src(%arg11 : memref<80x128xf32, #tpu.memory_space<vmem>>) dst(%dma_wait3A_185 : memref<10240x128xf32, #tpu.memory_space<vmem_shared>>)
    %add3A_186 = arith.constant 9920 : i32
    %add3A_187 = arith.addi %mul3A_24, %add3A_186 : i32
    %dma_start3A_188 = tpu.memref_slice %arg4[%add3A_187] : memref<320000xi32, #tpu.memory_space<hbm>> -> memref<80xi32, #tpu.memory_space<hbm>>
    %dma_start3A_189 = tpu.memref_slice %arg4[%add3A_187] : memref<320000xi32, #tpu.memory_space<hbm>> -> memref<80xi32, #tpu.memory_space<hbm>>
    tpu.enqueue_dma source(%dma_start3A_189 : memref<80xi32, #tpu.memory_space<hbm>>) target(%arg9 : memref<80xi32, #tpu.memory_space<vmem>>) target_semaphore(%arg17 : memref<!tpu.dma_semaphore, #tpu.memory_space<semaphore_mem>>)
    %add3A_190 = arith.constant 9920 : i32
    %add3A_191 = arith.addi %mul3A_24, %add3A_190 : i32
    %dma_wait3A_192 = tpu.memref_slice %arg3[%add3A_191] : memref<320000xi32, #tpu.memory_space<hbm>> -> memref<80xi32, #tpu.memory_space<hbm>>
    %dma_wait3A_193 = tpu.memref_slice %arg3[%add3A_191] : memref<320000xi32, #tpu.memory_space<hbm>> -> memref<80xi32, #tpu.memory_space<hbm>>
    tpu.wait_dma2 semaphore(%arg15 : memref<!tpu.dma_semaphore, #tpu.memory_space<semaphore_mem>>) src(%dma_wait3A_193 : memref<80xi32, #tpu.memory_space<hbm>>) dst(%arg7 : memref<80xi32, #tpu.memory_space<vmem>>)
    %dma_start3A_194 = arith.constant 0 : i32
    %dma_start3A_195 = arith.constant 0 : i32
    %dma_start3A_196 = tpu.memref_slice %arg2[%dma_start3A_194, %dma_start3A_195] : memref<10000x128xf32, #tpu.memory_space<hbm>> -> memref<10000x128xf32, #tpu.memory_space<hbm>>
    tpu.enqueue_indirect_dma source(%dma_start3A_196 : memref<10000x128xf32, #tpu.memory_space<hbm>>) target(%arg11 : memref<80x128xf32, #tpu.memory_space<vmem>>) offsets(%arg7 : memref<80xi32, #tpu.memory_space<vmem>>) semaphore(%arg19 : memref<!tpu.dma_semaphore, #tpu.memory_space<semaphore_mem>>)
    %add3A_197 = arith.constant 9920 : i32
    %add3A_198 = arith.addi %mul3A_24, %add3A_197 : i32
    %dma_start3A_199 = arith.constant 0 : i32
    %dma_start3A_200 = tpu.memref_slice %arg5[%add3A_198, %dma_start3A_199] : memref<320000x128xf32, #tpu.memory_space<hbm>> -> memref<80x128xf32, #tpu.memory_space<hbm>>
    %dma_start3A_201 = arith.constant 0 : i32
    %dma_start3A_202 = tpu.memref_slice %arg5[%add3A_198, %dma_start3A_201] : memref<320000x128xf32, #tpu.memory_space<hbm>> -> memref<80x128xf32, #tpu.memory_space<hbm>>
    tpu.enqueue_dma source(%dma_start3A_202 : memref<80x128xf32, #tpu.memory_space<hbm>>) target(%arg13 : memref<80x128xf32, #tpu.memory_space<vmem>>) target_semaphore(%arg21 : memref<!tpu.dma_semaphore, #tpu.memory_space<semaphore_mem>>)
    %dma_wait3A_203 = arith.constant 0 : i32
    %dma_wait3A_204 = arith.constant 0 : i32
    %dma_wait3A_205 = tpu.memref_slice %arg2[%dma_wait3A_203, %dma_wait3A_204] : memref<10000x128xf32, #tpu.memory_space<hbm>> -> memref<10000x128xf32, #tpu.memory_space<hbm>>
    tpu.wait_indirect_dma semaphore(%arg20 : memref<!tpu.dma_semaphore, #tpu.memory_space<semaphore_mem>>) src(%dma_wait3A_205 : memref<10000x128xf32, #tpu.memory_space<hbm>>) dst(%arg12 : memref<80x128xf32, #tpu.memory_space<vmem>>)
    %add3A_206 = arith.constant 9840 : i32
    %add3A_207 = arith.addi %mul3A_24, %add3A_206 : i32
    %dma_wait3A_208 = arith.constant 0 : i32
    %dma_wait3A_209 = tpu.memref_slice %arg5[%add3A_207, %dma_wait3A_208] : memref<320000x128xf32, #tpu.memory_space<hbm>> -> memref<80x128xf32, #tpu.memory_space<hbm>>
    %dma_wait3A_210 = arith.constant 0 : i32
    %dma_wait3A_211 = tpu.memref_slice %arg5[%add3A_207, %dma_wait3A_210] : memref<320000x128xf32, #tpu.memory_space<hbm>> -> memref<80x128xf32, #tpu.memory_space<hbm>>
    tpu.wait_dma2 semaphore(%arg22 : memref<!tpu.dma_semaphore, #tpu.memory_space<semaphore_mem>>) src(%dma_wait3A_211 : memref<80x128xf32, #tpu.memory_space<hbm>>) dst(%arg14 : memref<80x128xf32, #tpu.memory_space<vmem>>)
    %scan3A_212 = arith.constant 0 : i32
    %scan3A_213 = arith.constant 80 : i32
    %scan3A_214 = arith.addi %scan3A_212, %scan3A_213 : i32
    %scan3A_215 = arith.constant 1 : i32
    scf.for %scan3A_252 = %scan3A_212 to %scan3A_214 step %scan3A_215  : i32 {
      %mul3A_253 = arith.constant 1 : i32
      %mul3A_254 = arith.muli %scan3A_252, %mul3A_253 : i32
      %add3A_255 = arith.constant 0 : i32
      %add3A_256 = arith.addi %add3A_255, %mul3A_254 : i32
      %get3A = arith.index_cast %add3A_256 : i32 to index
      %get3A_257 = arith.constant 0 : index
      %get3A_258 = tpu.vector_load %arg12[%get3A, %get3A_257] {strides = array<i32>} : memref<80x128xf32, #tpu.memory_space<vmem>>, vector<1x16xf32>,
      %get3A_259 = vector.shape_cast %get3A_258 : vector<1x16xf32> to vector<16xf32>
      %get3A_260 = arith.index_cast %add3A_256 : i32 to index
      %get3A_261 = arith.constant 0 : index
      %get3A_262 = tpu.vector_load %arg14[%get3A_260, %get3A_261] {strides = array<i32>} : memref<80x128xf32, #tpu.memory_space<vmem>>, vector<1x16xf32>,
      %get3A_263 = vector.shape_cast %get3A_262 : vector<1x16xf32> to vector<16xf32>
      %add3A_264 = arith.addf %get3A_259, %get3A_263 : vector<16xf32>
      %max3A = arith.constant 0.000000e+00 : f32
      %max3A_265 = vector.broadcast %max3A : f32 to vector<16xf32>
      %max3A_266 = arith.maximumf %add3A_264, %max3A_265 : vector<16xf32>
      %swap3A = arith.index_cast %add3A_256 : i32 to index
      %swap3A_267 = arith.constant 0 : index
      %swap3A_268 = tpu.vector_load %arg12[%swap3A, %swap3A_267] {strides = array<i32>} : memref<80x128xf32, #tpu.memory_space<vmem>>, vector<1x16xf32>,
      %swap3A_269 = vector.shape_cast %swap3A_268 : vector<1x16xf32> to vector<16xf32>
      %swap3A_270 = vector.shape_cast %max3A_266 : vector<16xf32> to vector<1x16xf32>
      tpu.vector_store %arg12[%swap3A, %swap3A_267], %swap3A_270 {strides = array<i32>} : memref<80x128xf32, #tpu.memory_space<vmem>>, vector<1x16xf32>,
      %get3A_271 = arith.index_cast %add3A_256 : i32 to index
      %get3A_272 = arith.constant 16 : index
      %get3A_273 = tpu.vector_load %arg12[%get3A_271, %get3A_272] {strides = array<i32>} : memref<80x128xf32, #tpu.memory_space<vmem>>, vector<1x16xf32>,
      %get3A_274 = vector.shape_cast %get3A_273 : vector<1x16xf32> to vector<16xf32>
      %get3A_275 = arith.index_cast %add3A_256 : i32 to index
      %get3A_276 = arith.constant 16 : index
      %get3A_277 = tpu.vector_load %arg14[%get3A_275, %get3A_276] {strides = array<i32>} : memref<80x128xf32, #tpu.memory_space<vmem>>, vector<1x16xf32>,
      %get3A_278 = vector.shape_cast %get3A_277 : vector<1x16xf32> to vector<16xf32>
      %add3A_279 = arith.addf %get3A_274, %get3A_278 : vector<16xf32>
      %max3A_280 = arith.constant 0.000000e+00 : f32
      %max3A_281 = vector.broadcast %max3A_280 : f32 to vector<16xf32>
      %max3A_282 = arith.maximumf %add3A_279, %max3A_281 : vector<16xf32>
      %swap3A_283 = arith.index_cast %add3A_256 : i32 to index
      %swap3A_284 = arith.constant 16 : index
      %swap3A_285 = tpu.vector_load %arg12[%swap3A_283, %swap3A_284] {strides = array<i32>} : memref<80x128xf32, #tpu.memory_space<vmem>>, vector<1x16xf32>,
      %swap3A_286 = vector.shape_cast %swap3A_285 : vector<1x16xf32> to vector<16xf32>
      %swap3A_287 = vector.shape_cast %max3A_282 : vector<16xf32> to vector<1x16xf32>
      tpu.vector_store %arg12[%swap3A_283, %swap3A_284], %swap3A_287 {strides = array<i32>} : memref<80x128xf32, #tpu.memory_space<vmem>>, vector<1x16xf32>,
      %get3A_288 = arith.index_cast %add3A_256 : i32 to index
      %get3A_289 = arith.constant 32 : index
      %get3A_290 = tpu.vector_load %arg12[%get3A_288, %get3A_289] {strides = array<i32>} : memref<80x128xf32, #tpu.memory_space<vmem>>, vector<1x16xf32>,
      %get3A_291 = vector.shape_cast %get3A_290 : vector<1x16xf32> to vector<16xf32>
      %get3A_292 = arith.index_cast %add3A_256 : i32 to index
      %get3A_293 = arith.constant 32 : index
      %get3A_294 = tpu.vector_load %arg14[%get3A_292, %get3A_293] {strides = array<i32>} : memref<80x128xf32, #tpu.memory_space<vmem>>, vector<1x16xf32>,
      %get3A_295 = vector.shape_cast %get3A_294 : vector<1x16xf32> to vector<16xf32>
      %add3A_296 = arith.addf %get3A_291, %get3A_295 : vector<16xf32>
      %max3A_297 = arith.constant 0.000000e+00 : f32
      %max3A_298 = vector.broadcast %max3A_297 : f32 to vector<16xf32>
      %max3A_299 = arith.maximumf %add3A_296, %max3A_298 : vector<16xf32>
      %swap3A_300 = arith.index_cast %add3A_256 : i32 to index
      %swap3A_301 = arith.constant 32 : index
      %swap3A_302 = tpu.vector_load %arg12[%swap3A_300, %swap3A_301] {strides = array<i32>} : memref<80x128xf32, #tpu.memory_space<vmem>>, vector<1x16xf32>,
      %swap3A_303 = vector.shape_cast %swap3A_302 : vector<1x16xf32> to vector<16xf32>
      %swap3A_304 = vector.shape_cast %max3A_299 : vector<16xf32> to vector<1x16xf32>
      tpu.vector_store %arg12[%swap3A_300, %swap3A_301], %swap3A_304 {strides = array<i32>} : memref<80x128xf32, #tpu.memory_space<vmem>>, vector<1x16xf32>,
      %get3A_305 = arith.index_cast %add3A_256 : i32 to index
      %get3A_306 = arith.constant 48 : index
      %get3A_307 = tpu.vector_load %arg12[%get3A_305, %get3A_306] {strides = array<i32>} : memref<80x128xf32, #tpu.memory_space<vmem>>, vector<1x16xf32>,
      %get3A_308 = vector.shape_cast %get3A_307 : vector<1x16xf32> to vector<16xf32>
      %get3A_309 = arith.index_cast %add3A_256 : i32 to index
      %get3A_310 = arith.constant 48 : index
      %get3A_311 = tpu.vector_load %arg14[%get3A_309, %get3A_310] {strides = array<i32>} : memref<80x128xf32, #tpu.memory_space<vmem>>, vector<1x16xf32>,
      %get3A_312 = vector.shape_cast %get3A_311 : vector<1x16xf32> to vector<16xf32>
      %add3A_313 = arith.addf %get3A_308, %get3A_312 : vector<16xf32>
      %max3A_314 = arith.constant 0.000000e+00 : f32
      %max3A_315 = vector.broadcast %max3A_314 : f32 to vector<16xf32>
      %max3A_316 = arith.maximumf %add3A_313, %max3A_315 : vector<16xf32>
      %swap3A_317 = arith.index_cast %add3A_256 : i32 to index
      %swap3A_318 = arith.constant 48 : index
      %swap3A_319 = tpu.vector_load %arg12[%swap3A_317, %swap3A_318] {strides = array<i32>} : memref<80x128xf32, #tpu.memory_space<vmem>>, vector<1x16xf32>,
      %swap3A_320 = vector.shape_cast %swap3A_319 : vector<1x16xf32> to vector<16xf32>
      %swap3A_321 = vector.shape_cast %max3A_316 : vector<16xf32> to vector<1x16xf32>
      tpu.vector_store %arg12[%swap3A_317, %swap3A_318], %swap3A_321 {strides = array<i32>} : memref<80x128xf32, #tpu.memory_space<vmem>>, vector<1x16xf32>,
      %get3A_322 = arith.index_cast %add3A_256 : i32 to index
      %get3A_323 = arith.constant 64 : index
      %get3A_324 = tpu.vector_load %arg12[%get3A_322, %get3A_323] {strides = array<i32>} : memref<80x128xf32, #tpu.memory_space<vmem>>, vector<1x16xf32>,
      %get3A_325 = vector.shape_cast %get3A_324 : vector<1x16xf32> to vector<16xf32>
      %get3A_326 = arith.index_cast %add3A_256 : i32 to index
      %get3A_327 = arith.constant 64 : index
      %get3A_328 = tpu.vector_load %arg14[%get3A_326, %get3A_327] {strides = array<i32>} : memref<80x128xf32, #tpu.memory_space<vmem>>, vector<1x16xf32>,
      %get3A_329 = vector.shape_cast %get3A_328 : vector<1x16xf32> to vector<16xf32>
      %add3A_330 = arith.addf %get3A_325, %get3A_329 : vector<16xf32>
      %max3A_331 = arith.constant 0.000000e+00 : f32
      %max3A_332 = vector.broadcast %max3A_331 : f32 to vector<16xf32>
      %max3A_333 = arith.maximumf %add3A_330, %max3A_332 : vector<16xf32>
      %swap3A_334 = arith.index_cast %add3A_256 : i32 to index
      %swap3A_335 = arith.constant 64 : index
      %swap3A_336 = tpu.vector_load %arg12[%swap3A_334, %swap3A_335] {strides = array<i32>} : memref<80x128xf32, #tpu.memory_space<vmem>>, vector<1x16xf32>,
      %swap3A_337 = vector.shape_cast %swap3A_336 : vector<1x16xf32> to vector<16xf32>
      %swap3A_338 = vector.shape_cast %max3A_333 : vector<16xf32> to vector<1x16xf32>
      tpu.vector_store %arg12[%swap3A_334, %swap3A_335], %swap3A_338 {strides = array<i32>} : memref<80x128xf32, #tpu.memory_space<vmem>>, vector<1x16xf32>,
      %get3A_339 = arith.index_cast %add3A_256 : i32 to index
      %get3A_340 = arith.constant 80 : index
      %get3A_341 = tpu.vector_load %arg12[%get3A_339, %get3A_340] {strides = array<i32>} : memref<80x128xf32, #tpu.memory_space<vmem>>, vector<1x16xf32>,
      %get3A_342 = vector.shape_cast %get3A_341 : vector<1x16xf32> to vector<16xf32>
      %get3A_343 = arith.index_cast %add3A_256 : i32 to index
      %get3A_344 = arith.constant 80 : index
      %get3A_345 = tpu.vector_load %arg14[%get3A_343, %get3A_344] {strides = array<i32>} : memref<80x128xf32, #tpu.memory_space<vmem>>, vector<1x16xf32>,
      %get3A_346 = vector.shape_cast %get3A_345 : vector<1x16xf32> to vector<16xf32>
      %add3A_347 = arith.addf %get3A_342, %get3A_346 : vector<16xf32>
      %max3A_348 = arith.constant 0.000000e+00 : f32
      %max3A_349 = vector.broadcast %max3A_348 : f32 to vector<16xf32>
      %max3A_350 = arith.maximumf %add3A_347, %max3A_349 : vector<16xf32>
      %swap3A_351 = arith.index_cast %add3A_256 : i32 to index
      %swap3A_352 = arith.constant 80 : index
      %swap3A_353 = tpu.vector_load %arg12[%swap3A_351, %swap3A_352] {strides = array<i32>} : memref<80x128xf32, #tpu.memory_space<vmem>>, vector<1x16xf32>,
      %swap3A_354 = vector.shape_cast %swap3A_353 : vector<1x16xf32> to vector<16xf32>
      %swap3A_355 = vector.shape_cast %max3A_350 : vector<16xf32> to vector<1x16xf32>
      tpu.vector_store %arg12[%swap3A_351, %swap3A_352], %swap3A_355 {strides = array<i32>} : memref<80x128xf32, #tpu.memory_space<vmem>>, vector<1x16xf32>,
      %get3A_356 = arith.index_cast %add3A_256 : i32 to index
      %get3A_357 = arith.constant 96 : index
      %get3A_358 = tpu.vector_load %arg12[%get3A_356, %get3A_357] {strides = array<i32>} : memref<80x128xf32, #tpu.memory_space<vmem>>, vector<1x16xf32>,
      %get3A_359 = vector.shape_cast %get3A_358 : vector<1x16xf32> to vector<16xf32>
      %get3A_360 = arith.index_cast %add3A_256 : i32 to index
      %get3A_361 = arith.constant 96 : index
      %get3A_362 = tpu.vector_load %arg14[%get3A_360, %get3A_361] {strides = array<i32>} : memref<80x128xf32, #tpu.memory_space<vmem>>, vector<1x16xf32>,
      %get3A_363 = vector.shape_cast %get3A_362 : vector<1x16xf32> to vector<16xf32>
      %add3A_364 = arith.addf %get3A_359, %get3A_363 : vector<16xf32>
      %max3A_365 = arith.constant 0.000000e+00 : f32
      %max3A_366 = vector.broadcast %max3A_365 : f32 to vector<16xf32>
      %max3A_367 = arith.maximumf %add3A_364, %max3A_366 : vector<16xf32>
      %swap3A_368 = arith.index_cast %add3A_256 : i32 to index
      %swap3A_369 = arith.constant 96 : index
      %swap3A_370 = tpu.vector_load %arg12[%swap3A_368, %swap3A_369] {strides = array<i32>} : memref<80x128xf32, #tpu.memory_space<vmem>>, vector<1x16xf32>,
      %swap3A_371 = vector.shape_cast %swap3A_370 : vector<1x16xf32> to vector<16xf32>
      %swap3A_372 = vector.shape_cast %max3A_367 : vector<16xf32> to vector<1x16xf32>
      tpu.vector_store %arg12[%swap3A_368, %swap3A_369], %swap3A_372 {strides = array<i32>} : memref<80x128xf32, #tpu.memory_space<vmem>>, vector<1x16xf32>,
      %get3A_373 = arith.index_cast %add3A_256 : i32 to index
      %get3A_374 = arith.constant 112 : index
      %get3A_375 = tpu.vector_load %arg12[%get3A_373, %get3A_374] {strides = array<i32>} : memref<80x128xf32, #tpu.memory_space<vmem>>, vector<1x16xf32>,
      %get3A_376 = vector.shape_cast %get3A_375 : vector<1x16xf32> to vector<16xf32>
      %get3A_377 = arith.index_cast %add3A_256 : i32 to index
      %get3A_378 = arith.constant 112 : index
      %get3A_379 = tpu.vector_load %arg14[%get3A_377, %get3A_378] {strides = array<i32>} : memref<80x128xf32, #tpu.memory_space<vmem>>, vector<1x16xf32>,
      %get3A_380 = vector.shape_cast %get3A_379 : vector<1x16xf32> to vector<16xf32>
      %add3A_381 = arith.addf %get3A_376, %get3A_380 : vector<16xf32>
      %max3A_382 = arith.constant 0.000000e+00 : f32
      %max3A_383 = vector.broadcast %max3A_382 : f32 to vector<16xf32>
      %max3A_384 = arith.maximumf %add3A_381, %max3A_383 : vector<16xf32>
      %swap3A_385 = arith.index_cast %add3A_256 : i32 to index
      %swap3A_386 = arith.constant 112 : index
      %swap3A_387 = tpu.vector_load %arg12[%swap3A_385, %swap3A_386] {strides = array<i32>} : memref<80x128xf32, #tpu.memory_space<vmem>>, vector<1x16xf32>,
      %swap3A_388 = vector.shape_cast %swap3A_387 : vector<1x16xf32> to vector<16xf32>
      %swap3A_389 = vector.shape_cast %max3A_384 : vector<16xf32> to vector<1x16xf32>
      tpu.vector_store %arg12[%swap3A_385, %swap3A_386], %swap3A_389 {strides = array<i32>} : memref<80x128xf32, #tpu.memory_space<vmem>>, vector<1x16xf32>,
    }
    %scan3A_216 = arith.constant 80 : i32
    %add3A_217 = arith.constant 9840 : i32
    %add3A_218 = arith.addi %mul3A_24, %add3A_217 : i32
    %dma_wait3A_219 = tpu.memref_slice %arg4[%add3A_218] : memref<320000xi32, #tpu.memory_space<hbm>> -> memref<80xi32, #tpu.memory_space<hbm>>
    %dma_wait3A_220 = tpu.memref_slice %arg4[%add3A_218] : memref<320000xi32, #tpu.memory_space<hbm>> -> memref<80xi32, #tpu.memory_space<hbm>>
    tpu.wait_dma2 semaphore(%arg18 : memref<!tpu.dma_semaphore, #tpu.memory_space<semaphore_mem>>) src(%dma_wait3A_220 : memref<80xi32, #tpu.memory_space<hbm>>) dst(%arg10 : memref<80xi32, #tpu.memory_space<vmem>>)
    %dma_start3A_221 = arith.constant 0 : i32
    %dma_start3A_222 = arith.constant 0 : i32
    %dma_start3A_223 = tpu.memref_slice %arg25[%dma_start3A_221, %dma_start3A_222] : memref<10240x128xf32, #tpu.memory_space<vmem_shared>> -> memref<10240x128xf32, #tpu.memory_space<vmem_shared>>
    tpu.enqueue_indirect_dma source(%arg12 : memref<80x128xf32, #tpu.memory_space<vmem>>) target(%dma_start3A_223 : memref<10240x128xf32, #tpu.memory_space<vmem_shared>>) offsets(%arg10 : memref<80xi32, #tpu.memory_space<vmem>>) semaphore(%arg24 : memref<!tpu.dma_semaphore, #tpu.memory_space<semaphore_mem>>) {add = true}
    %dma_wait3A_224 = arith.constant 0 : i32
    %dma_wait3A_225 = arith.constant 0 : i32
    %dma_wait3A_226 = tpu.memref_slice %arg25[%dma_wait3A_224, %dma_wait3A_225] : memref<10240x128xf32, #tpu.memory_space<vmem_shared>> -> memref<10240x128xf32, #tpu.memory_space<vmem_shared>>
    tpu.wait_indirect_dma semaphore(%arg24 : memref<!tpu.dma_semaphore, #tpu.memory_space<semaphore_mem>>) src(%arg12 : memref<80x128xf32, #tpu.memory_space<vmem>>) dst(%dma_wait3A_226 : memref<10240x128xf32, #tpu.memory_space<vmem_shared>>)
    %dma_wait3A_227 = arith.constant 0 : i32
    %dma_wait3A_228 = arith.constant 0 : i32
    %dma_wait3A_229 = tpu.memref_slice %arg2[%dma_wait3A_227, %dma_wait3A_228] : memref<10000x128xf32, #tpu.memory_space<hbm>> -> memref<10000x128xf32, #tpu.memory_space<hbm>>
    tpu.wait_indirect_dma semaphore(%arg19 : memref<!tpu.dma_semaphore, #tpu.memory_space<semaphore_mem>>) src(%dma_wait3A_229 : memref<10000x128xf32, #tpu.memory_space<hbm>>) dst(%arg11 : memref<80x128xf32, #tpu.memory_space<vmem>>)
    %add3A_230 = arith.constant 9920 : i32
    %add3A_231 = arith.addi %mul3A_24, %add3A_230 : i32
    %dma_wait3A_232 = arith.constant 0 : i32
    %dma_wait3A_233 = tpu.memref_slice %arg5[%add3A_231, %dma_wait3A_232] : memref<320000x128xf32, #tpu.memory_space<hbm>> -> memref<80x128xf32, #tpu.memory_space<hbm>>
    %dma_wait3A_234 = arith.constant 0 : i32
    %dma_wait3A_235 = tpu.memref_slice %arg5[%add3A_231, %dma_wait3A_234] : memref<320000x128xf32, #tpu.memory_space<hbm>> -> memref<80x128xf32, #tpu.memory_space<hbm>>
    tpu.wait_dma2 semaphore(%arg21 : memref<!tpu.dma_semaphore, #tpu.memory_space<semaphore_mem>>) src(%dma_wait3A_235 : memref<80x128xf32, #tpu.memory_space<hbm>>) dst(%arg13 : memref<80x128xf32, #tpu.memory_space<vmem>>)
    %scan3A_236 = arith.constant 0 : i32
    %scan3A_237 = arith.constant 80 : i32
    %scan3A_238 = arith.addi %scan3A_236, %scan3A_237 : i32
    %scan3A_239 = arith.constant 1 : i32
    scf.for %scan3A_252 = %scan3A_236 to %scan3A_238 step %scan3A_239  : i32 {
      %mul3A_253 = arith.constant 1 : i32
      %mul3A_254 = arith.muli %scan3A_252, %mul3A_253 : i32
      %add3A_255 = arith.constant 0 : i32
      %add3A_256 = arith.addi %add3A_255, %mul3A_254 : i32
      %get3A = arith.index_cast %add3A_256 : i32 to index
      %get3A_257 = arith.constant 0 : index
      %get3A_258 = tpu.vector_load %arg11[%get3A, %get3A_257] {strides = array<i32>} : memref<80x128xf32, #tpu.memory_space<vmem>>, vector<1x16xf32>,
      %get3A_259 = vector.shape_cast %get3A_258 : vector<1x16xf32> to vector<16xf32>
      %get3A_260 = arith.index_cast %add3A_256 : i32 to index
      %get3A_261 = arith.constant 0 : index
      %get3A_262 = tpu.vector_load %arg13[%get3A_260, %get3A_261] {strides = array<i32>} : memref<80x128xf32, #tpu.memory_space<vmem>>, vector<1x16xf32>,
      %get3A_263 = vector.shape_cast %get3A_262 : vector<1x16xf32> to vector<16xf32>
      %add3A_264 = arith.addf %get3A_259, %get3A_263 : vector<16xf32>
      %max3A = arith.constant 0.000000e+00 : f32
      %max3A_265 = vector.broadcast %max3A : f32 to vector<16xf32>
      %max3A_266 = arith.maximumf %add3A_264, %max3A_265 : vector<16xf32>
      %swap3A = arith.index_cast %add3A_256 : i32 to index
      %swap3A_267 = arith.constant 0 : index
      %swap3A_268 = tpu.vector_load %arg11[%swap3A, %swap3A_267] {strides = array<i32>} : memref<80x128xf32, #tpu.memory_space<vmem>>, vector<1x16xf32>,
      %swap3A_269 = vector.shape_cast %swap3A_268 : vector<1x16xf32> to vector<16xf32>
      %swap3A_270 = vector.shape_cast %max3A_266 : vector<16xf32> to vector<1x16xf32>
      tpu.vector_store %arg11[%swap3A, %swap3A_267], %swap3A_270 {strides = array<i32>} : memref<80x128xf32, #tpu.memory_space<vmem>>, vector<1x16xf32>,
      %get3A_271 = arith.index_cast %add3A_256 : i32 to index
      %get3A_272 = arith.constant 16 : index
      %get3A_273 = tpu.vector_load %arg11[%get3A_271, %get3A_272] {strides = array<i32>} : memref<80x128xf32, #tpu.memory_space<vmem>>, vector<1x16xf32>,
      %get3A_274 = vector.shape_cast %get3A_273 : vector<1x16xf32> to vector<16xf32>
      %get3A_275 = arith.index_cast %add3A_256 : i32 to index
      %get3A_276 = arith.constant 16 : index
      %get3A_277 = tpu.vector_load %arg13[%get3A_275, %get3A_276] {strides = array<i32>} : memref<80x128xf32, #tpu.memory_space<vmem>>, vector<1x16xf32>,
      %get3A_278 = vector.shape_cast %get3A_277 : vector<1x16xf32> to vector<16xf32>
      %add3A_279 = arith.addf %get3A_274, %get3A_278 : vector<16xf32>
      %max3A_280 = arith.constant 0.000000e+00 : f32
      %max3A_281 = vector.broadcast %max3A_280 : f32 to vector<16xf32>
      %max3A_282 = arith.maximumf %add3A_279, %max3A_281 : vector<16xf32>
      %swap3A_283 = arith.index_cast %add3A_256 : i32 to index
      %swap3A_284 = arith.constant 16 : index
      %swap3A_285 = tpu.vector_load %arg11[%swap3A_283, %swap3A_284] {strides = array<i32>} : memref<80x128xf32, #tpu.memory_space<vmem>>, vector<1x16xf32>,
      %swap3A_286 = vector.shape_cast %swap3A_285 : vector<1x16xf32> to vector<16xf32>
      %swap3A_287 = vector.shape_cast %max3A_282 : vector<16xf32> to vector<1x16xf32>
      tpu.vector_store %arg11[%swap3A_283, %swap3A_284], %swap3A_287 {strides = array<i32>} : memref<80x128xf32, #tpu.memory_space<vmem>>, vector<1x16xf32>,
      %get3A_288 = arith.index_cast %add3A_256 : i32 to index
      %get3A_289 = arith.constant 32 : index
      %get3A_290 = tpu.vector_load %arg11[%get3A_288, %get3A_289] {strides = array<i32>} : memref<80x128xf32, #tpu.memory_space<vmem>>, vector<1x16xf32>,
      %get3A_291 = vector.shape_cast %get3A_290 : vector<1x16xf32> to vector<16xf32>
      %get3A_292 = arith.index_cast %add3A_256 : i32 to index
      %get3A_293 = arith.constant 32 : index
      %get3A_294 = tpu.vector_load %arg13[%get3A_292, %get3A_293] {strides = array<i32>} : memref<80x128xf32, #tpu.memory_space<vmem>>, vector<1x16xf32>,
      %get3A_295 = vector.shape_cast %get3A_294 : vector<1x16xf32> to vector<16xf32>
      %add3A_296 = arith.addf %get3A_291, %get3A_295 : vector<16xf32>
      %max3A_297 = arith.constant 0.000000e+00 : f32
      %max3A_298 = vector.broadcast %max3A_297 : f32 to vector<16xf32>
      %max3A_299 = arith.maximumf %add3A_296, %max3A_298 : vector<16xf32>
      %swap3A_300 = arith.index_cast %add3A_256 : i32 to index
      %swap3A_301 = arith.constant 32 : index
      %swap3A_302 = tpu.vector_load %arg11[%swap3A_300, %swap3A_301] {strides = array<i32>} : memref<80x128xf32, #tpu.memory_space<vmem>>, vector<1x16xf32>,
      %swap3A_303 = vector.shape_cast %swap3A_302 : vector<1x16xf32> to vector<16xf32>
      %swap3A_304 = vector.shape_cast %max3A_299 : vector<16xf32> to vector<1x16xf32>
      tpu.vector_store %arg11[%swap3A_300, %swap3A_301], %swap3A_304 {strides = array<i32>} : memref<80x128xf32, #tpu.memory_space<vmem>>, vector<1x16xf32>,
      %get3A_305 = arith.index_cast %add3A_256 : i32 to index
      %get3A_306 = arith.constant 48 : index
      %get3A_307 = tpu.vector_load %arg11[%get3A_305, %get3A_306] {strides = array<i32>} : memref<80x128xf32, #tpu.memory_space<vmem>>, vector<1x16xf32>,
      %get3A_308 = vector.shape_cast %get3A_307 : vector<1x16xf32> to vector<16xf32>
      %get3A_309 = arith.index_cast %add3A_256 : i32 to index
      %get3A_310 = arith.constant 48 : index
      %get3A_311 = tpu.vector_load %arg13[%get3A_309, %get3A_310] {strides = array<i32>} : memref<80x128xf32, #tpu.memory_space<vmem>>, vector<1x16xf32>,
      %get3A_312 = vector.shape_cast %get3A_311 : vector<1x16xf32> to vector<16xf32>
      %add3A_313 = arith.addf %get3A_308, %get3A_312 : vector<16xf32>
      %max3A_314 = arith.constant 0.000000e+00 : f32
      %max3A_315 = vector.broadcast %max3A_314 : f32 to vector<16xf32>
      %max3A_316 = arith.maximumf %add3A_313, %max3A_315 : vector<16xf32>
      %swap3A_317 = arith.index_cast %add3A_256 : i32 to index
      %swap3A_318 = arith.constant 48 : index
      %swap3A_319 = tpu.vector_load %arg11[%swap3A_317, %swap3A_318] {strides = array<i32>} : memref<80x128xf32, #tpu.memory_space<vmem>>, vector<1x16xf32>,
      %swap3A_320 = vector.shape_cast %swap3A_319 : vector<1x16xf32> to vector<16xf32>
      %swap3A_321 = vector.shape_cast %max3A_316 : vector<16xf32> to vector<1x16xf32>
      tpu.vector_store %arg11[%swap3A_317, %swap3A_318], %swap3A_321 {strides = array<i32>} : memref<80x128xf32, #tpu.memory_space<vmem>>, vector<1x16xf32>,
      %get3A_322 = arith.index_cast %add3A_256 : i32 to index
      %get3A_323 = arith.constant 64 : index
      %get3A_324 = tpu.vector_load %arg11[%get3A_322, %get3A_323] {strides = array<i32>} : memref<80x128xf32, #tpu.memory_space<vmem>>, vector<1x16xf32>,
      %get3A_325 = vector.shape_cast %get3A_324 : vector<1x16xf32> to vector<16xf32>
      %get3A_326 = arith.index_cast %add3A_256 : i32 to index
      %get3A_327 = arith.constant 64 : index
      %get3A_328 = tpu.vector_load %arg13[%get3A_326, %get3A_327] {strides = array<i32>} : memref<80x128xf32, #tpu.memory_space<vmem>>, vector<1x16xf32>,
      %get3A_329 = vector.shape_cast %get3A_328 : vector<1x16xf32> to vector<16xf32>
      %add3A_330 = arith.addf %get3A_325, %get3A_329 : vector<16xf32>
      %max3A_331 = arith.constant 0.000000e+00 : f32
      %max3A_332 = vector.broadcast %max3A_331 : f32 to vector<16xf32>
      %max3A_333 = arith.maximumf %add3A_330, %max3A_332 : vector<16xf32>
      %swap3A_334 = arith.index_cast %add3A_256 : i32 to index
      %swap3A_335 = arith.constant 64 : index
      %swap3A_336 = tpu.vector_load %arg11[%swap3A_334, %swap3A_335] {strides = array<i32>} : memref<80x128xf32, #tpu.memory_space<vmem>>, vector<1x16xf32>,
      %swap3A_337 = vector.shape_cast %swap3A_336 : vector<1x16xf32> to vector<16xf32>
      %swap3A_338 = vector.shape_cast %max3A_333 : vector<16xf32> to vector<1x16xf32>
      tpu.vector_store %arg11[%swap3A_334, %swap3A_335], %swap3A_338 {strides = array<i32>} : memref<80x128xf32, #tpu.memory_space<vmem>>, vector<1x16xf32>,
      %get3A_339 = arith.index_cast %add3A_256 : i32 to index
      %get3A_340 = arith.constant 80 : index
      %get3A_341 = tpu.vector_load %arg11[%get3A_339, %get3A_340] {strides = array<i32>} : memref<80x128xf32, #tpu.memory_space<vmem>>, vector<1x16xf32>,
      %get3A_342 = vector.shape_cast %get3A_341 : vector<1x16xf32> to vector<16xf32>
      %get3A_343 = arith.index_cast %add3A_256 : i32 to index
      %get3A_344 = arith.constant 80 : index
      %get3A_345 = tpu.vector_load %arg13[%get3A_343, %get3A_344] {strides = array<i32>} : memref<80x128xf32, #tpu.memory_space<vmem>>, vector<1x16xf32>,
      %get3A_346 = vector.shape_cast %get3A_345 : vector<1x16xf32> to vector<16xf32>
      %add3A_347 = arith.addf %get3A_342, %get3A_346 : vector<16xf32>
      %max3A_348 = arith.constant 0.000000e+00 : f32
      %max3A_349 = vector.broadcast %max3A_348 : f32 to vector<16xf32>
      %max3A_350 = arith.maximumf %add3A_347, %max3A_349 : vector<16xf32>
      %swap3A_351 = arith.index_cast %add3A_256 : i32 to index
      %swap3A_352 = arith.constant 80 : index
      %swap3A_353 = tpu.vector_load %arg11[%swap3A_351, %swap3A_352] {strides = array<i32>} : memref<80x128xf32, #tpu.memory_space<vmem>>, vector<1x16xf32>,
      %swap3A_354 = vector.shape_cast %swap3A_353 : vector<1x16xf32> to vector<16xf32>
      %swap3A_355 = vector.shape_cast %max3A_350 : vector<16xf32> to vector<1x16xf32>
      tpu.vector_store %arg11[%swap3A_351, %swap3A_352], %swap3A_355 {strides = array<i32>} : memref<80x128xf32, #tpu.memory_space<vmem>>, vector<1x16xf32>,
      %get3A_356 = arith.index_cast %add3A_256 : i32 to index
      %get3A_357 = arith.constant 96 : index
      %get3A_358 = tpu.vector_load %arg11[%get3A_356, %get3A_357] {strides = array<i32>} : memref<80x128xf32, #tpu.memory_space<vmem>>, vector<1x16xf32>,
      %get3A_359 = vector.shape_cast %get3A_358 : vector<1x16xf32> to vector<16xf32>
      %get3A_360 = arith.index_cast %add3A_256 : i32 to index
      %get3A_361 = arith.constant 96 : index
      %get3A_362 = tpu.vector_load %arg13[%get3A_360, %get3A_361] {strides = array<i32>} : memref<80x128xf32, #tpu.memory_space<vmem>>, vector<1x16xf32>,
      %get3A_363 = vector.shape_cast %get3A_362 : vector<1x16xf32> to vector<16xf32>
      %add3A_364 = arith.addf %get3A_359, %get3A_363 : vector<16xf32>
      %max3A_365 = arith.constant 0.000000e+00 : f32
      %max3A_366 = vector.broadcast %max3A_365 : f32 to vector<16xf32>
      %max3A_367 = arith.maximumf %add3A_364, %max3A_366 : vector<16xf32>
      %swap3A_368 = arith.index_cast %add3A_256 : i32 to index
      %swap3A_369 = arith.constant 96 : index
      %swap3A_370 = tpu.vector_load %arg11[%swap3A_368, %swap3A_369] {strides = array<i32>} : memref<80x128xf32, #tpu.memory_space<vmem>>, vector<1x16xf32>,
      %swap3A_371 = vector.shape_cast %swap3A_370 : vector<1x16xf32> to vector<16xf32>
      %swap3A_372 = vector.shape_cast %max3A_367 : vector<16xf32> to vector<1x16xf32>
      tpu.vector_store %arg11[%swap3A_368, %swap3A_369], %swap3A_372 {strides = array<i32>} : memref<80x128xf32, #tpu.memory_space<vmem>>, vector<1x16xf32>,
      %get3A_373 = arith.index_cast %add3A_256 : i32 to index
      %get3A_374 = arith.constant 112 : index
      %get3A_375 = tpu.vector_load %arg11[%get3A_373, %get3A_374] {strides = array<i32>} : memref<80x128xf32, #tpu.memory_space<vmem>>, vector<1x16xf32>,
      %get3A_376 = vector.shape_cast %get3A_375 : vector<1x16xf32> to vector<16xf32>
      %get3A_377 = arith.index_cast %add3A_256 : i32 to index
      %get3A_378 = arith.constant 112 : index
      %get3A_379 = tpu.vector_load %arg13[%get3A_377, %get3A_378] {strides = array<i32>} : memref<80x128xf32, #tpu.memory_space<vmem>>, vector<1x16xf32>,
      %get3A_380 = vector.shape_cast %get3A_379 : vector<1x16xf32> to vector<16xf32>
      %add3A_381 = arith.addf %get3A_376, %get3A_380 : vector<16xf32>
      %max3A_382 = arith.constant 0.000000e+00 : f32
      %max3A_383 = vector.broadcast %max3A_382 : f32 to vector<16xf32>
      %max3A_384 = arith.maximumf %add3A_381, %max3A_383 : vector<16xf32>
      %swap3A_385 = arith.index_cast %add3A_256 : i32 to index
      %swap3A_386 = arith.constant 112 : index
      %swap3A_387 = tpu.vector_load %arg11[%swap3A_385, %swap3A_386] {strides = array<i32>} : memref<80x128xf32, #tpu.memory_space<vmem>>, vector<1x16xf32>,
      %swap3A_388 = vector.shape_cast %swap3A_387 : vector<1x16xf32> to vector<16xf32>
      %swap3A_389 = vector.shape_cast %max3A_384 : vector<16xf32> to vector<1x16xf32>
      tpu.vector_store %arg11[%swap3A_385, %swap3A_386], %swap3A_389 {strides = array<i32>} : memref<80x128xf32, #tpu.memory_space<vmem>>, vector<1x16xf32>,
    }
    %scan3A_240 = arith.constant 80 : i32
    %add3A_241 = arith.constant 9920 : i32
    %add3A_242 = arith.addi %mul3A_24, %add3A_241 : i32
    %dma_wait3A_243 = tpu.memref_slice %arg4[%add3A_242] : memref<320000xi32, #tpu.memory_space<hbm>> -> memref<80xi32, #tpu.memory_space<hbm>>
    %dma_wait3A_244 = tpu.memref_slice %arg4[%add3A_242] : memref<320000xi32, #tpu.memory_space<hbm>> -> memref<80xi32, #tpu.memory_space<hbm>>
    tpu.wait_dma2 semaphore(%arg17 : memref<!tpu.dma_semaphore, #tpu.memory_space<semaphore_mem>>) src(%dma_wait3A_244 : memref<80xi32, #tpu.memory_space<hbm>>) dst(%arg9 : memref<80xi32, #tpu.memory_space<vmem>>)
    %dma_start3A_245 = arith.constant 0 : i32
    %dma_start3A_246 = arith.constant 0 : i32
    %dma_start3A_247 = tpu.memref_slice %arg25[%dma_start3A_245, %dma_start3A_246] : memref<10240x128xf32, #tpu.memory_space<vmem_shared>> -> memref<10240x128xf32, #tpu.memory_space<vmem_shared>>
    tpu.enqueue_indirect_dma source(%arg11 : memref<80x128xf32, #tpu.memory_space<vmem>>) target(%dma_start3A_247 : memref<10240x128xf32, #tpu.memory_space<vmem_shared>>) offsets(%arg9 : memref<80xi32, #tpu.memory_space<vmem>>) semaphore(%arg23 : memref<!tpu.dma_semaphore, #tpu.memory_space<semaphore_mem>>) {add = true}
    %dma_wait3A_248 = arith.constant 0 : i32
    %dma_wait3A_249 = arith.constant 0 : i32
    %dma_wait3A_250 = tpu.memref_slice %arg25[%dma_wait3A_248, %dma_wait3A_249] : memref<10240x128xf32, #tpu.memory_space<vmem_shared>> -> memref<10240x128xf32, #tpu.memory_space<vmem_shared>>
    tpu.wait_indirect_dma semaphore(%arg23 : memref<!tpu.dma_semaphore, #tpu.memory_space<semaphore_mem>>) src(%arg11 : memref<80x128xf32, #tpu.memory_space<vmem>>) dst(%dma_wait3A_250 : memref<10240x128xf32, #tpu.memory_space<vmem_shared>>)
    %barrier3A_251 = arith.constant 0 : index
    tpu.barrier barrier_id(%barrier3A_251)
    "tpu.region"() ({
      %run_scoped3A = tpu.sem_alloc : memref<!tpu.dma_semaphore, #tpu.memory_space<semaphore_mem>>
      %dma_start3A_252 = arith.constant 0 : i32
      %dma_start3A_253 = tpu.memref_slice %arg6[%arg0, %mul3A_6, %dma_start3A_252] : memref<2x10240x128xf32, #tpu.memory_space<hbm>> -> memref<1x640x128xf32, #tpu.memory_space<hbm>>
      %dma_start3A_254 = tpu.memref_squeeze %dma_start3A_253 : memref<1x640x128xf32, #tpu.memory_space<hbm>> -> memref<640x128xf32, #tpu.memory_space<hbm>>
      %dma_start3A_255 = arith.constant 0 : i32
      %dma_start3A_256 = tpu.memref_slice %arg25[%mul3A_6, %dma_start3A_255] : memref<10240x128xf32, #tpu.memory_space<vmem_shared>> -> memref<640x128xf32, #tpu.memory_space<vmem_shared>>
      tpu.enqueue_dma source(%dma_start3A_256 : memref<640x128xf32, #tpu.memory_space<vmem_shared>>) target(%dma_start3A_254 : memref<640x128xf32, #tpu.memory_space<hbm>>) target_semaphore(%run_scoped3A : memref<!tpu.dma_semaphore, #tpu.memory_space<semaphore_mem>>)
      %dma_wait3A_257 = arith.constant 0 : i32
      %dma_wait3A_258 = tpu.memref_slice %arg6[%arg0, %mul3A_6, %dma_wait3A_257] : memref<2x10240x128xf32, #tpu.memory_space<hbm>> -> memref<1x640x128xf32, #tpu.memory_space<hbm>>
      %dma_wait3A_259 = tpu.memref_squeeze %dma_wait3A_258 : memref<1x640x128xf32, #tpu.memory_space<hbm>> -> memref<640x128xf32, #tpu.memory_space<hbm>>
      %dma_wait3A_260 = arith.constant 0 : i32
      %dma_wait3A_261 = tpu.memref_slice %arg25[%mul3A_6, %dma_wait3A_260] : memref<10240x128xf32, #tpu.memory_space<vmem_shared>> -> memref<640x128xf32, #tpu.memory_space<vmem_shared>>
      tpu.wait_dma2 semaphore(%run_scoped3A : memref<!tpu.dma_semaphore, #tpu.memory_space<semaphore_mem>>) src(%dma_wait3A_261 : memref<640x128xf32, #tpu.memory_space<vmem_shared>>) dst(%dma_wait3A_259 : memref<640x128xf32, #tpu.memory_space<hbm>>)
      tpu.yield
    }) : () -> ()
    return
  }
}

module attributes {stable_mosaic.version = 14 : i64} {
  func.func @_tc_body(%arg0: i32, %arg1: memref<2x2000x128xf32, #tpu.memory_space<vmem>>, %arg2: memref<2x2000x128xf32, #tpu.memory_space<vmem>>, %arg3: memref<2000x128xf32, #tpu.memory_space<vmem>>, %arg4: memref<128x128xf32, #tpu.memory_space<vmem>>, %arg5: memref<1x128xf32, #tpu.memory_space<vmem>>, %arg6: memref<128x128xf32, #tpu.memory_space<vmem>>, %arg7: memref<2000x128xf32, #tpu.memory_space<vmem>>) attributes {dimension_semantics = [#tpu.dimension_semantics<arbitrary>], iteration_bounds = array<i64: 5>, scalar_prefetch = 0 : i64, scratch_operands = 0 : i64, tpu.core_type = #tpu.core_type<tc>, window_params = [{transform_indices = @transform_0, window_bounds = array<i64: 2, 2000, 128>}, {transform_indices = @transform_1, window_bounds = array<i64: 2, 2000, 128>}, {transform_indices = @transform_2, window_bounds = array<i64: 2000, 128>}, {pipeline_mode = #tpu.pipeline_mode<synchronous>, transform_indices = @transform_3, window_bounds = array<i64: 128, 128>}, {pipeline_mode = #tpu.pipeline_mode<synchronous>, transform_indices = @transform_4, window_bounds = array<i64: 1, 128>}, {pipeline_mode = #tpu.pipeline_mode<synchronous>, transform_indices = @transform_5, window_bounds = array<i64: 128, 128>}, {transform_indices = @transform_6, window_bounds = array<i64: 2000, 128>}]} {
    %get3A = arith.constant 0 : index
    %get3A_0 = arith.constant 0 : index
    %get3A_1 = arith.constant 0 : index
    %get3A_2 = vector.load %arg1[%get3A, %get3A_0, %get3A_1] : memref<2x2000x128xf32, #tpu.memory_space<vmem>>, vector<1x2000x128xf32>
    %get3A_3 = vector.shape_cast %get3A_2 : vector<1x2000x128xf32> to vector<2000x128xf32>
    %get3A_4 = arith.constant 1 : index
    %get3A_5 = arith.constant 0 : index
    %get3A_6 = arith.constant 0 : index
    %get3A_7 = vector.load %arg1[%get3A_4, %get3A_5, %get3A_6] : memref<2x2000x128xf32, #tpu.memory_space<vmem>>, vector<1x2000x128xf32>
    %get3A_8 = vector.shape_cast %get3A_7 : vector<1x2000x128xf32> to vector<2000x128xf32>
    %add3A = arith.addf %get3A_3, %get3A_8 : vector<2000x128xf32>
    %get3A_9 = arith.constant 0 : index
    %get3A_10 = arith.constant 0 : index
    %get3A_11 = arith.constant 0 : index
    %get3A_12 = vector.load %arg2[%get3A_9, %get3A_10, %get3A_11] : memref<2x2000x128xf32, #tpu.memory_space<vmem>>, vector<1x2000x1xf32>
    %get3A_13 = vector.shape_cast %get3A_12 : vector<1x2000x1xf32> to vector<2000xf32>
    %get3A_14 = arith.constant 1 : index
    %get3A_15 = arith.constant 0 : index
    %get3A_16 = arith.constant 0 : index
    %get3A_17 = vector.load %arg2[%get3A_14, %get3A_15, %get3A_16] : memref<2x2000x128xf32, #tpu.memory_space<vmem>>, vector<1x2000x1xf32>
    %get3A_18 = vector.shape_cast %get3A_17 : vector<1x2000x1xf32> to vector<2000xf32>
    %add3A_19 = arith.addf %get3A_13, %get3A_18 : vector<2000xf32>
    %max3A = arith.constant 1.000000e+00 : f32
    %max3A_20 = vector.broadcast %max3A : f32 to vector<2000xf32>
    %max3A_21 = arith.maximumf %add3A_19, %max3A_20 : vector<2000xf32>
    %div3A = arith.constant 1.000000e+00 : f32
    %div3A_22 = vector.broadcast %div3A : f32 to vector<2000xf32>
    %div3A_23 = arith.divf %div3A_22, %max3A_21 : vector<2000xf32>
    %broadcast_in_dim3A = vector.shape_cast %div3A_23 : vector<2000xf32> to vector<2000x1xf32>
    %mul3A = vector.broadcast %broadcast_in_dim3A : vector<2000x1xf32> to vector<2000x128xf32>
    %mul3A_24 = arith.mulf %add3A, %mul3A : vector<2000x128xf32>
    %get3A_25 = arith.constant 0 : index
    %get3A_26 = arith.constant 0 : index
    %get3A_27 = vector.load %arg4[%get3A_25, %get3A_26] : memref<128x128xf32, #tpu.memory_space<vmem>>, vector<128x128xf32>
    %dot_general3A = arith.constant dense<0.000000e+00> : vector<2000x128xf32>
    %dot_general3A_28 = tpu.matmul %mul3A_24, %get3A_27, %dot_general3A {dimension_numbers = #tpu.dot_dimension_numbers<[1], [1], [0], [0], [0, 0, 1, 0], [], []>, transpose_lhs_hint = false} : vector<2000x128xf32>, vector<128x128xf32>, vector<2000x128xf32> -> vector<2000x128xf32>
    %get3A_29 = arith.constant 0 : index
    %get3A_30 = arith.constant 0 : index
    %get3A_31 = vector.load %arg5[%get3A_29, %get3A_30] : memref<1x128xf32, #tpu.memory_space<vmem>>, vector<1x128xf32>
    %add3A_32 = vector.broadcast %get3A_31 : vector<1x128xf32> to vector<2000x128xf32>
    %add3A_33 = arith.addf %dot_general3A_28, %add3A_32 : vector<2000x128xf32>
    %get3A_34 = arith.constant 0 : index
    %get3A_35 = arith.constant 0 : index
    %get3A_36 = vector.load %arg3[%get3A_34, %get3A_35] : memref<2000x128xf32, #tpu.memory_space<vmem>>, vector<2000x128xf32>
    %get3A_37 = arith.constant 0 : index
    %get3A_38 = arith.constant 0 : index
    %get3A_39 = vector.load %arg6[%get3A_37, %get3A_38] : memref<128x128xf32, #tpu.memory_space<vmem>>, vector<128x128xf32>
    %dot_general3A_40 = arith.constant dense<0.000000e+00> : vector<2000x128xf32>
    %dot_general3A_41 = tpu.matmul %get3A_36, %get3A_39, %dot_general3A_40 {dimension_numbers = #tpu.dot_dimension_numbers<[1], [1], [0], [0], [0, 0, 1, 0], [], []>, transpose_lhs_hint = false} : vector<2000x128xf32>, vector<128x128xf32>, vector<2000x128xf32> -> vector<2000x128xf32>
    %add3A_42 = arith.addf %add3A_33, %dot_general3A_41 : vector<2000x128xf32>
    %max3A_43 = arith.constant 0.000000e+00 : f32
    %max3A_44 = vector.broadcast %max3A_43 : f32 to vector<2000x128xf32>
    %max3A_45 = arith.maximumf %add3A_42, %max3A_44 : vector<2000x128xf32>
    %swap3A = arith.constant 0 : index
    %swap3A_46 = arith.constant 0 : index
    %swap3A_47 = vector.load %arg7[%swap3A, %swap3A_46] : memref<2000x128xf32, #tpu.memory_space<vmem>>, vector<2000x128xf32>
    tpu.vector_store %arg7[%swap3A, %swap3A_46], %max3A_45 {strides = array<i32>} : memref<2000x128xf32, #tpu.memory_space<vmem>>, vector<2000x128xf32>,
    return
  }
  func.func @transform_0(%arg0: i32) -> (i32, i32, i32) {
    %c0_i32 = arith.constant 0 : i32
    %c0_i32_0 = arith.constant 0 : i32
    %c0_i32_1 = arith.constant 0 : i32
    return %c0_i32, %arg0, %c0_i32_0 : i32, i32, i32
  }
  func.func @transform_1(%arg0: i32) -> (i32, i32, i32) {
    %c0_i32 = arith.constant 0 : i32
    %c0_i32_0 = arith.constant 0 : i32
    %c0_i32_1 = arith.constant 0 : i32
    return %c0_i32, %arg0, %c0_i32_0 : i32, i32, i32
  }
  func.func @transform_2(%arg0: i32) -> (i32, i32) {
    %c0_i32 = arith.constant 0 : i32
    %c0_i32_0 = arith.constant 0 : i32
    return %arg0, %c0_i32 : i32, i32
  }
  func.func @transform_3(%arg0: i32) -> (i32, i32) {
    %c0_i32 = arith.constant 0 : i32
    %c0_i32_0 = arith.constant 0 : i32
    %c0_i32_1 = arith.constant 0 : i32
    return %c0_i32, %c0_i32_0 : i32, i32
  }
  func.func @transform_4(%arg0: i32) -> (i32, i32) {
    %c0_i32 = arith.constant 0 : i32
    %c0_i32_0 = arith.constant 0 : i32
    %c0_i32_1 = arith.constant 0 : i32
    return %c0_i32, %c0_i32_0 : i32, i32
  }
  func.func @transform_5(%arg0: i32) -> (i32, i32) {
    %c0_i32 = arith.constant 0 : i32
    %c0_i32_0 = arith.constant 0 : i32
    %c0_i32_1 = arith.constant 0 : i32
    return %c0_i32, %c0_i32_0 : i32, i32
  }
  func.func @transform_6(%arg0: i32) -> (i32, i32) {
    %c0_i32 = arith.constant 0 : i32
    %c0_i32_0 = arith.constant 0 : i32
    return %arg0, %c0_i32 : i32, i32
  }
}

module attributes {stable_mosaic.version = 14 : i64} {
  func.func @_tc_body(%arg0: i32, %arg1: memref<2x2000x128xf32, #tpu.memory_space<vmem>>, %arg2: memref<2x2000x128xf32, #tpu.memory_space<vmem>>, %arg3: memref<2000x128xf32, #tpu.memory_space<vmem>>, %arg4: memref<128x128xf32, #tpu.memory_space<vmem>>, %arg5: memref<1x128xf32, #tpu.memory_space<vmem>>, %arg6: memref<128x128xf32, #tpu.memory_space<vmem>>, %arg7: memref<2000x128xf32, #tpu.memory_space<vmem>>) attributes {dimension_semantics = [#tpu.dimension_semantics<arbitrary>], iteration_bounds = array<i64: 5>, scalar_prefetch = 0 : i64, scratch_operands = 0 : i64, tpu.core_type = #tpu.core_type<tc>, window_params = [{transform_indices = @transform_0, window_bounds = array<i64: 2, 2000, 128>}, {transform_indices = @transform_1, window_bounds = array<i64: 2, 2000, 128>}, {transform_indices = @transform_2, window_bounds = array<i64: 2000, 128>}, {pipeline_mode = #tpu.pipeline_mode<synchronous>, transform_indices = @transform_3, window_bounds = array<i64: 128, 128>}, {pipeline_mode = #tpu.pipeline_mode<synchronous>, transform_indices = @transform_4, window_bounds = array<i64: 1, 128>}, {pipeline_mode = #tpu.pipeline_mode<synchronous>, transform_indices = @transform_5, window_bounds = array<i64: 128, 128>}, {transform_indices = @transform_6, window_bounds = array<i64: 2000, 128>}]} {
    %get3A = arith.constant 0 : index
    %get3A_0 = arith.constant 0 : index
    %get3A_1 = arith.constant 0 : index
    %get3A_2 = vector.load %arg1[%get3A, %get3A_0, %get3A_1] : memref<2x2000x128xf32, #tpu.memory_space<vmem>>, vector<1x2000x128xf32>
    %get3A_3 = vector.shape_cast %get3A_2 : vector<1x2000x128xf32> to vector<2000x128xf32>
    %get3A_4 = arith.constant 1 : index
    %get3A_5 = arith.constant 0 : index
    %get3A_6 = arith.constant 0 : index
    %get3A_7 = vector.load %arg1[%get3A_4, %get3A_5, %get3A_6] : memref<2x2000x128xf32, #tpu.memory_space<vmem>>, vector<1x2000x128xf32>
    %get3A_8 = vector.shape_cast %get3A_7 : vector<1x2000x128xf32> to vector<2000x128xf32>
    %add3A = arith.addf %get3A_3, %get3A_8 : vector<2000x128xf32>
    %get3A_9 = arith.constant 0 : index
    %get3A_10 = arith.constant 0 : index
    %get3A_11 = arith.constant 0 : index
    %get3A_12 = vector.load %arg2[%get3A_9, %get3A_10, %get3A_11] : memref<2x2000x128xf32, #tpu.memory_space<vmem>>, vector<1x2000x1xf32>
    %get3A_13 = vector.shape_cast %get3A_12 : vector<1x2000x1xf32> to vector<2000xf32>
    %get3A_14 = arith.constant 1 : index
    %get3A_15 = arith.constant 0 : index
    %get3A_16 = arith.constant 0 : index
    %get3A_17 = vector.load %arg2[%get3A_14, %get3A_15, %get3A_16] : memref<2x2000x128xf32, #tpu.memory_space<vmem>>, vector<1x2000x1xf32>
    %get3A_18 = vector.shape_cast %get3A_17 : vector<1x2000x1xf32> to vector<2000xf32>
    %add3A_19 = arith.addf %get3A_13, %get3A_18 : vector<2000xf32>
    %max3A = arith.constant 1.000000e+00 : f32
    %max3A_20 = vector.broadcast %max3A : f32 to vector<2000xf32>
    %max3A_21 = arith.maximumf %add3A_19, %max3A_20 : vector<2000xf32>
    %div3A = arith.constant 1.000000e+00 : f32
    %div3A_22 = vector.broadcast %div3A : f32 to vector<2000xf32>
    %div3A_23 = arith.divf %div3A_22, %max3A_21 : vector<2000xf32>
    %broadcast_in_dim3A = vector.shape_cast %div3A_23 : vector<2000xf32> to vector<2000x1xf32>
    %mul3A = vector.broadcast %broadcast_in_dim3A : vector<2000x1xf32> to vector<2000x128xf32>
    %mul3A_24 = arith.mulf %add3A, %mul3A : vector<2000x128xf32>
    %get3A_25 = arith.constant 0 : index
    %get3A_26 = arith.constant 0 : index
    %get3A_27 = vector.load %arg4[%get3A_25, %get3A_26] : memref<128x128xf32, #tpu.memory_space<vmem>>, vector<128x128xf32>
    %dot_general3A = arith.constant dense<0.000000e+00> : vector<2000x128xf32>
    %dot_general3A_28 = tpu.matmul %mul3A_24, %get3A_27, %dot_general3A {dimension_numbers = #tpu.dot_dimension_numbers<[1], [1], [0], [0], [0, 0, 1, 0], [], []>, transpose_lhs_hint = false} : vector<2000x128xf32>, vector<128x128xf32>, vector<2000x128xf32> -> vector<2000x128xf32>
    %get3A_29 = arith.constant 0 : index
    %get3A_30 = arith.constant 0 : index
    %get3A_31 = vector.load %arg5[%get3A_29, %get3A_30] : memref<1x128xf32, #tpu.memory_space<vmem>>, vector<1x128xf32>
    %add3A_32 = vector.broadcast %get3A_31 : vector<1x128xf32> to vector<2000x128xf32>
    %add3A_33 = arith.addf %dot_general3A_28, %add3A_32 : vector<2000x128xf32>
    %get3A_34 = arith.constant 0 : index
    %get3A_35 = arith.constant 0 : index
    %get3A_36 = vector.load %arg3[%get3A_34, %get3A_35] : memref<2000x128xf32, #tpu.memory_space<vmem>>, vector<2000x128xf32>
    %get3A_37 = arith.constant 0 : index
    %get3A_38 = arith.constant 0 : index
    %get3A_39 = vector.load %arg6[%get3A_37, %get3A_38] : memref<128x128xf32, #tpu.memory_space<vmem>>, vector<128x128xf32>
    %dot_general3A_40 = arith.constant dense<0.000000e+00> : vector<2000x128xf32>
    %dot_general3A_41 = tpu.matmul %get3A_36, %get3A_39, %dot_general3A_40 {dimension_numbers = #tpu.dot_dimension_numbers<[1], [1], [0], [0], [0, 0, 1, 0], [], []>, transpose_lhs_hint = false} : vector<2000x128xf32>, vector<128x128xf32>, vector<2000x128xf32> -> vector<2000x128xf32>
    %add3A_42 = arith.addf %add3A_33, %dot_general3A_41 : vector<2000x128xf32>
    %swap3A = arith.constant 0 : index
    %swap3A_43 = arith.constant 0 : index
    %swap3A_44 = vector.load %arg7[%swap3A, %swap3A_43] : memref<2000x128xf32, #tpu.memory_space<vmem>>, vector<2000x128xf32>
    tpu.vector_store %arg7[%swap3A, %swap3A_43], %add3A_42 {strides = array<i32>} : memref<2000x128xf32, #tpu.memory_space<vmem>>, vector<2000x128xf32>,
    return
  }
  func.func @transform_0(%arg0: i32) -> (i32, i32, i32) {
    %c0_i32 = arith.constant 0 : i32
    %c0_i32_0 = arith.constant 0 : i32
    %c0_i32_1 = arith.constant 0 : i32
    return %c0_i32, %arg0, %c0_i32_0 : i32, i32, i32
  }
  func.func @transform_1(%arg0: i32) -> (i32, i32, i32) {
    %c0_i32 = arith.constant 0 : i32
    %c0_i32_0 = arith.constant 0 : i32
    %c0_i32_1 = arith.constant 0 : i32
    return %c0_i32, %arg0, %c0_i32_0 : i32, i32, i32
  }
  func.func @transform_2(%arg0: i32) -> (i32, i32) {
    %c0_i32 = arith.constant 0 : i32
    %c0_i32_0 = arith.constant 0 : i32
    return %arg0, %c0_i32 : i32, i32
  }
  func.func @transform_3(%arg0: i32) -> (i32, i32) {
    %c0_i32 = arith.constant 0 : i32
    %c0_i32_0 = arith.constant 0 : i32
    %c0_i32_1 = arith.constant 0 : i32
    return %c0_i32, %c0_i32_0 : i32, i32
  }
  func.func @transform_4(%arg0: i32) -> (i32, i32) {
    %c0_i32 = arith.constant 0 : i32
    %c0_i32_0 = arith.constant 0 : i32
    %c0_i32_1 = arith.constant 0 : i32
    return %c0_i32, %c0_i32_0 : i32, i32
  }
  func.func @transform_5(%arg0: i32) -> (i32, i32) {
    %c0_i32 = arith.constant 0 : i32
    %c0_i32_0 = arith.constant 0 : i32
    %c0_i32_1 = arith.constant 0 : i32
    return %c0_i32, %c0_i32_0 : i32, i32
  }
  func.func @transform_6(%arg0: i32) -> (i32, i32) {
    %c0_i32 = arith.constant 0 : i32
    %c0_i32_0 = arith.constant 0 : i32
    return %arg0, %c0_i32 : i32, i32
  }
}

</mosaic_0001>

<sc_bundles>
// kernel: kernel.10.cloned.1.call-start
scs
__scs_entry_jumppad:
0x0: {  	(pc) =	sbr.rel $0x88, $3  }
0x1: {  	(tag) =	ssettag $0x0;
	lr =	simm.s32 $0x1  }
0x2: {  	[smem:$0x3F98] =	sst lr;
	_ =	strace $0xD0000000  }
0x3: {  	_ = 	snop  }
0x4: {  	_ = 	snop  }
0x5: {  	_ = 	snop  }
0x6: {  	_ = 	snop  }
0x7: {  	_ = 	snop  }
__scs_overlays_trampoline_lowered:
0x8: {  	[smem:$0x3FA7] =	sst s0  }
0x9: {  	[smem:$0x3FA8] =	sst s1  }
0xa: {  	[smem:$0x3FA9] =	sst s2  }
0xb: {  	[smem:$0x3FAA] =	sst s3  }
0xc: {  	[smem:$0x3FAB] =	sst s4  }
0xd: {  	[smem:$0x3FAC] =	sst s5  }
0xe: {  	[smem:$0x3FAD] =	sst s6  }
0xf: {  	[smem:$0x3FAE] =	sst s7  }
0x10: {  	[smem:$0x3FAF] =	sst s8  }
0x11: {  	[smem:$0x3FB0] =	sst s9;
	s0 =	simm.s32 @!p0 $0x0  }
0x12: {  	s1 =	sld [smem:$0x3F96];
	s0 =	simm.s32 @p0 $0x1  }
0x13: {  	[smem:$0x3FB1] =	sst s0;
	s0 =	simm.s32 @!p1 $0x0  }
0x14: {  	s2 =	sld [smem:$0x3F95];
	s0 =	simm.s32 @p1 $0x1  }
0x15: {  	[smem:$0x3FB2] =	sst s0;
	s0 =	simm.s32 @!p2 $0x0  }
0x16: {  	s3 =	sld [smem:$0x3FDB];
	s0 =	simm.s32 @p2 $0x1  }
0x17: {  	s4 =	simm.s32 $0x1BF5;
	[smem:$0x3FB4] =	sst s0  }
0x18: {  	s0 =	sld [smem:$0x3F97];
	_ =	swait.ge [sflag:s4], $0x0  }
0x19: {  	s7 =	sld [smem:$0x3F98]  }
0x1a: {  	s8 =	sadd.s32 $0xFFFFE003, lr  }
0x1b: {  	s9 =	sadd.s32 $0xFFFFFEF7, lr;
	s5 =	simm.s32 $0xFFFFFFFF;
	p2 =	slt.u32 s8, $0xFFFFF086  }
0x1c: {  	p1 =	slt.u32 s9, $0xF7A;
	s5 =	simm.s32 @!p2 $0x0  }
0x1d: {  	s5 =	simm.s32 @p1 $0x1;
	p0 =	seq.s32 s7, s2  }
0x1e: {  	s7 =	smul.u32 @!p0 $0xF7A, s2;
	p2 =	seq.s32 @!p0 s5, $0x0  }
0x1f: {  	s9 =	smul.u32 $0xF7A, s1;
	s8 =	simm.s32 @!p0 $0x1BF5;
	p2 =	por !p2, p0  }
0x20: {  	[sflag:s8] =	ssyncset.s32 @!p0 $0xFFFFF086;
	s6 =	sadd.s32 @!p0 s3, s7;
	s7 =	simm.s32 @!p0 $0x108  }
0x21: {  	s3 =	sadd.s32 s3, s9;
	s6 =	sadd.s32 @!p0 $0x88, s6;
	s7 =	simm.s32 @p2 $0x1082  }
0x22: {  	[simem:s7], [sflag:s8] =	dma.local @!p0 [hbm:s6], $0xF7A  }
0x23: {  	s9 =	sor.u32 $0xD0000000, s2;
	s6 =	simm.s32 $0x108;
	_ =	swait.ge @!p0 [sflag:s8], $0x0  }
0x24: {  	s3 =	sadd.s32 $0x88, s3;
	s6 =	simm.s32 @!p1 $0x1082;
	[sflag:s4] =	ssyncset.s32 $0xFFFFF086  }
0x25: {  	[simem:s6], [sflag:s4] =	dma.local [hbm:s3], $0xF7A  }
0x26: {  	[smem:$0x3F98] =	sst s1;
	(tag) =	ssettag s2;
	_ =	strace s9  }
0x27: {  	s1 =	sld [smem:$0x3FA8]  }
0x28: {  	s2 =	sld [smem:$0x3FA9]  }
0x29: {  	s4 =	sld [smem:$0x3FAB]  }
0x2a: {  	p0 =	seq.s32 s5, $0x0;
	s5 =	sld [smem:$0x3FAC]  }
0x2b: {  	s6 =	sld [smem:$0x3FAD]  }
0x2c: {  	s7 =	sld [smem:$0x3FAE]  }
0x2d: {  	s3 =	simm.s32 $0x108;
	s8 =	sld [smem:$0x3FAF]  }
0x2e: {  	s3 =	simm.s32 @!p0 $0x1082;
	s9 =	sld [smem:$0x3FB0]  }
0x2f: {  	lr =	sadd.s32 s0, s3;
	s0 =	sld [smem:$0x3FA7]  }
0x30: {  	s3 =	sld [smem:$0x3FAA]  }
0x31: {  	[smem:$0x3FB3] =	sst s10  }
0x32: {  	s10 =	sld [smem:$0x3FB1];
	_ =	sdelay $0x3  }
0x33: {  	p0 =	seq.s32 s10, $0x1;
	s10 =	sld [smem:$0x3FB3];
	_ =	sdelay $0x3  }
0x34: {  	[smem:$0x3FB3] =	sst s10  }
0x35: {  	s10 =	sld [smem:$0x3FB2];
	_ =	sdelay $0x3  }
0x36: {  	p1 =	seq.s32 s10, $0x1;
	s10 =	sld [smem:$0x3FB3];
	_ =	sdelay $0x3  }
0x37: {  	[smem:$0x3FB3] =	sst s10  }
0x38: {  	s10 =	sld [smem:$0x3FB4]  }
0x39: {  	_ = 	snop;
	(pc) =	sbr.ind lr, $3  }
0x3a: {  	_ = 	snop  }
0x3b: {  	_ = 	snop  }
0x3c: {  	p2 =	seq.s32 s10, $0x1;
	s10 =	sld [smem:$0x3FB3]  }
0x3d: {  	_ =	shalt  }
0x3e: {  	_ =	shalt  }
0x3f: {  	_ =	shalt  }
0x40: {  	_ =	shalt  }
0x41: {  	_ =	shalt  }
0x42: {  	_ =	shalt  }
0x43: {  	_ =	shalt  }
0x44: {  	_ =	shalt  }
0x45: {  	_ =	shalt  }
0x46: {  	_ =	shalt  }
0x47: {  	_ =	shalt  }
0x48: {  	_ =	shalt  }
0x49: {  	_ =	shalt  }
0x4a: {  	_ =	shalt  }
0x4b: {  	_ =	shalt  }
0x4c: {  	_ =	shalt  }
0x4d: {  	_ =	shalt  }
0x4e: {  	_ =	shalt  }
0x4f: {  	_ =	shalt  }
0x50: {  	_ =	shalt  }
0x51: {  	_ =	shalt  }
0x52: {  	_ =	shalt  }
0x53: {  	_ =	shalt  }
0x54: {  	_ =	shalt  }
0x55: {  	_ =	shalt  }
0x56: {  	_ =	shalt  }
0x57: {  	_ =	shalt  }
0x58: {  	_ =	shalt  }
0x59: {  	_ =	shalt  }
0x5a: {  	_ =	shalt  }
0x5b: {  	_ =	shalt  }
0x5c: {  	_ =	shalt  }
0x5d: {  	_ =	shalt  }
0x5e: {  	_ =	shalt  }
0x5f: {  	_ =	shalt  }
0x60: {  	_ =	shalt  }
0x61: {  	_ =	shalt  }
0x62: {  	_ =	shalt  }
0x63: {  	_ =	shalt  }
0x64: {  	_ =	shalt  }
0x65: {  	_ =	shalt  }
0x66: {  	_ =	shalt  }
0x67: {  	_ =	shalt  }
0x68: {  	_ =	shalt  }
0x69: {  	_ =	shalt  }
0x6a: {  	_ =	shalt  }
0x6b: {  	_ =	shalt  }
0x6c: {  	_ =	shalt  }
0x6d: {  	_ =	shalt  }
0x6e: {  	_ =	shalt  }
0x6f: {  	_ =	shalt  }
0x70: {  	_ =	shalt  }
0x71: {  	_ =	shalt  }
0x72: {  	_ =	shalt  }
0x73: {  	_ =	shalt  }
0x74: {  	_ =	shalt  }
0x75: {  	_ =	shalt  }
0x76: {  	_ =	shalt  }
0x77: {  	_ =	shalt  }
0x78: {  	_ =	shalt  }
0x79: {  	_ =	shalt  }
0x7a: {  	_ =	shalt  }
0x7b: {  	_ =	shalt  }
0x7c: {  	_ =	shalt  }
0x7d: {  	_ =	shalt  }
0x7e: {  	_ =	shalt  }
0x7f: {  	_ =	shalt  }
0x80: {  	_ =	shalt  }
0x81: {  	_ =	shalt  }
0x82: {  	_ =	shalt  }
0x83: {  	_ =	shalt  }
0x84: {  	_ =	shalt  }
0x85: {  	_ =	shalt  }
0x86: {  	_ =	shalt  }
0x87: {  	_ =	shalt  }
.Lfunc_end0:
.L_simem_size_0:
called_computation.1_lowered:
.L_overlay_start_0:
0x88: {  	s2 =	sld [smem:$0x3FD9]  }
0x89: {  	s3 =	sld [smem:$0x3FFE];
	_ =	sdelay $0x1  }
0x8a: {  	s1 =	srdreg.scid  }
0x8b: {  	s0 =	sand.u32 $0x1, s1  }
0x8c: {  	s17 =	sshll.u32 s0, $0xA;
	s2 =	sadd.s32 s3, s2  }
0x8d: {  	s2 =	sadd.s32 s2, s17  }
0x8e: {  	[smem:$0x3FBF] =	sst s2  }
0x8f: {  	_ = 	snop  }
0x90: {  	s2 =	sld [smem:$0x3FC9]  }
0x91: {  	s18 =	sld [smem:$0x3FC7];
	(tm) =	ssettm $0x1  }
0x92: {  	s4 =	sld [smem:$0x3FFB];
	_ =	sdelay $0x3  }
0x93: {  	_ =	strace s4  }
0x94: {  	s4 =	sld [smem:$0x3FFC];
	_ =	sdelay $0x3  }
0x95: {  	_ =	strace s4  }
0x96: {  	s4 =	sld [smem:$0x3FFD];
	_ =	sdelay $0x3  }
0x97: {  	_ =	strace s4  }
0x98: {  	_ =	strace $0x8FFFFFFF  }
0x99: {  	s19 =	sld [smem:$0x3FDB];
	_ =	sdelay $0x1  }
0x9a: {  	s5 =	simm.s32 $_scs_section_size  }
0x9b: {  	s6 =	simm.s32 $_size__tile_overlayer_lowered;
	s7 =	simm.s32 $_tile_overlayer_lowered  }
0x9c: {  	s22 =	simm.s32 $0x1BFF;
	s21 =	sshll.u32 s7, $0x1;
	s4 =	sadd.s32 s5, s19  }
0x9d: {  	s8 =	simm.s32 $0x0;
	s20 =	sshll.u32 s6, $0x1;
	s6 =	sadd.s32 s21, s4  }
0x9e: {  	[timem:s8], [sflag:s22] =	dma.local [hbm:s6], s20  }
0x9f: {  	_ =	swait.ge [sflag:s22], s20  }
0xa0: {  	s5 =	ssub.s32 $0x0, s20;
	[sflag:s22] =	ssyncset.done $0x0  }
0xa1: {  	[sflag:s22] =	ssyncadd.s32 s5;
	_ =	sdelay $0x1  }
0xa2: {  	s23 =	simm.s32 $0x1B8B  }
0xa3: {  	_ =	swait.ge [sflag:s23], $0x1  }
0xa4: {  	[sflag:s23] =	ssyncset.done $0x0  }
0xa5: {  	s25 =	simm.s32 $0x1B8E;
	s24 =	sld [smem:$0x3FFE];
	[sflag:s23] =	ssyncadd.s32 $0xFFFFFFFF  }
0xa6: {  	s26 =	simm.s32 $execute0_lowered;
	[smem:$0x3FD2] =	sst s25  }
0xa7: {  	s6 =	sshll.u32 s26, $0x1;
	_ =	strace $0x80000046;
	[dreg:$0x1] =	wrdreg $0xFFFFFFFF  }
0xa8: {  	s28 =	simm.s32 $_size_execute0_lowered;
	s4 =	sadd.s32 s4, s6;
	[dreg:$0x0] =	wrdreg $0x0  }
0xa9: {  	s6 =	sshll.u32 s28, $0x1;
	[dreg:$0x2] =	wrdreg s4  }
0xaa: {  	[dreg:$0x3] =	wrdreg s6  }
0xab: {  	[dreg:$0x4] =	wrdreg $0xC0  }
0xac: {  	_ =	task [dreg:s8], $0x5FFFF  }
0xad: {  	[dreg:$0x1] =	wrdreg $0xFFFFFFFF  }
0xae: {  	[dreg:$0x0] =	wrdreg $0x60  }
0xaf: {  	[dreg:$0x2] =	wrdreg s2  }
0xb0: {  	[dreg:$0x3] =	wrdreg s24  }
0xb1: {  	[dreg:$0x4] =	wrdreg s18  }
0xb2: {  	[dreg:$0x5] =	wrdreg $0xA2000  }
0xb3: {  	[dreg:$0x6] =	wrdreg $0xA  }
0xb4: {  	_ =	task.clear_ibuf [dreg:s8], $0x7FFFF;
	_ =	strace $0x90000046  }
0xb5: {  	s29 =	simm.s32 $0xA;
	_ =	strace $0x80000048  }
0xb6: {  	_ =	swait.ge [sflag:s29], $0x1  }
0xb7: {  	[sflag:s29] =	ssyncadd.s32 $0xFFFFFFFF  }
0xb8: {  	_ =	strace $0x90000048  }
0xb9: {  	_ =	sfence  }
0xba: {  	s30 =	sld [smem:$0x0];
	_ =	sdelay $0x2  }
0xbb: {  	s31 =	sshll.u32 s1, $0xD;
	s1 =	sshrl.u32 s1, $0x2  }
0xbc: {  	s3 =	sand.u32 $0x4000, s31;
	s1 =	sadd.s32 s1, s30  }
0xbd: {  	s0 =	sor.u32 s3, s0;
	s1 =	sshll.u32 s1, $0x11  }
0xbe: {  	s0 =	sor.u32 s1, s0  }
0xbf: {  	s0 =	sadd.s32 $0x8F2B, s0  }
0xc0: {  	[sflag:s0] =	ssyncadd.remote.s32 $0x1  }
0xc1: {  	_ =	sfence.sel $0xFFFF  }
0xc2: {  	[dreg:$0x0] =	wrdreg $0xFFFFFFFF;
	(pc) =	sbr.abs _section_cstart, $3  }
0xc3: {  	[dreg:$0x1] =	wrdreg $0xFFFFFFFF  }
0xc4: {  	_ =	task.clear_ibuf [dreg:s8], $0x2FFFF;
	_ =	strace $0x9FFFFFFF  }
0xc5: {  	(tm) =	ssettm $0x7FFFFFFF  }
tec
execute0_lowered:
.L_overlay_start_1:
0x0: {  	(tag) =	ssettag $0x1  }
0x1: {  	s1 =	rddreg [dreg:$0x0]  }
0x2: {  	s0 =	rddreg [dreg:$0x1]  }
0x3: {  	s2 =	rddreg [dreg:$0x2]  }
0x4: {  	s3 =	rddreg [dreg:$0x3]  }
0x5: {  	s4 =	srdreg.scid;
	s6 =	simm.s32 $0x0;
	s9 =	stileid.u32  }
0x6: {  	s28 =	simm.s32 $0x7;
	s29 =	simm.s32 $0x3;
	s30 =	simm.s32 $0x9  }
0x7: {  	s31 =	simm.s32 $0x6;
	s4 =	sand.u32 $0x1, s4;
	s8 =	smul.u32 $0x14000, s9  }
0x8: {  	[smem:$0x7FF] =	sst s6;
	s6 =	sadd.s32 $0xBE00, s0;
	s5 =	smul.u32 $0x140000, s4  }
0x9: {  	s7 =	sadd.s32 $0x2000, s0;
	s23 =	sshll.u32 s4, $0x4;
	s4 =	ssub.s32 $0x2, s4  }
0xa: {  	_ =	strace $0x80000047;
	s10 =	sshrl.u32 s4, $0x1;
	s5 =	sadd.s32 s8, s5  }
0xb: {  	s8 =	sor.u32 s9, s23;
	s9 =	smul.u32 $0x50000, s9;
	s4 =	ssub.s32 s4, s10  }
0xc: {  	s10 =	simm.s32 $0xB;
	s5 =	sshrl.u32 s5, $0x3;
	s11 =	smul.u32 $0x2710, s8  }
0xd: {  	s8 =	smul.u32 $0x27100, s8;
	s0 =	sadd.s32 s5, s0;
	s24 =	sshrl.u32 s9, $0x2  }
0xe: {  	s9 =	simm.s32 $0xA;
	s14 =	sadd.s32 s24, s3;
	s25 =	sshrl.u32 s11, $0x3  }
0xf: {  	s26 =	sadd.s32 $0x50, s11;
	s15 =	sadd.s32 s2, s8;
	s20 =	sadd.s32 $0x2620, s11  }
0x10: {  	s22 =	sadd.s32 $0x2670, s11;
	s0 =	sadd.s32 $0x15C00, s0;
	[dreg:$0x9] =	wrdreg s15  }
0x11: {  	s12 =	sadd.s32 s6, s25;
	s13 =	sshrl.u32 s26, $0x3;
	[dreg:$0x15] =	wrdreg s0  }
0x12: {  	s5 =	sadd.s32 s7, s25;
	s16 =	sshll.u32 s26, $0x4;
	[dreg:$0x5] =	wrdreg s14  }
0x13: {  	s21 =	sshrl.u32 s20, $0x3;
	s23 =	sshrl.u32 s22, $0x3;
	[dreg:$0x6] =	wrdreg s12  }
0x14: {  	s24 =	sshll.u32 s22, $0x4;
	s22 =	sadd.s32 $0x7800, s14;
	[dreg:$0x8] =	wrdreg s5  }
0x15: {  	s25 =	sadd.s32 $0x26C0, s11;
	s12 =	sadd.s32 s6, s13;
	[dreg:$0x19] =	wrdreg s22  }
0x16: {  	s0 =	simm.s32 $0x8;
	s18 =	sadd.s32 s7, s13;
	[dreg:$0x7] =	wrdreg s12  }
0x17: {  	s5 =	sadd.s32 s2, s16;
	s8 =	sadd.s32 s7, s21;
	[dreg:$0xa] =	wrdreg s18  }
0x18: {  	s26 =	sadd.s32 s6, s23;
	s13 =	sshrl.u32 s25, $0x3;
	[dreg:$0xb] =	wrdreg s5  }
0x19: {  	s16 =	sshll.u32 s25, $0x4;
	s21 =	sadd.s32 $0x5000, s14;
	[dreg:$0xd] =	wrdreg s8  }
0x1a: {  	s25 =	sadd.s32 $0xF000, s14;
	s22 =	simm.s32 $0x180;
	[dreg:$0xf] =	wrdreg s26  }
0x1b: {  	s12 =	sadd.s32 $0xA0, s11;
	s18 =	sadd.s32 $0x140, s11;
	[dreg:$0x18] =	wrdreg s21  }
0x1c: {  	s5 =	sshll.u32 s20, $0x4;
	s15 =	sadd.s32 s6, s13;
	[dreg:$0x1c] =	wrdreg s25  }
0x1d: {  	s20 =	sadd.s32 $0x2800, s14;
	s26 =	sadd.s32 $0x11800, s14;
	[dreg:$0x12] =	wrdreg s15  }
0x1e: {  	s8 =	simm.s32 $0x0;
	s17 =	sshrl.u32 s12, $0x3;
	[dreg:$0x17] =	wrdreg s20  }
0x1f: {  	s5 =	sadd.s32 s2, s5;
	[dreg:$0x1d] =	wrdreg s26;
	s15 =	simm.s32 $0x80  }
0x20: {  	s20 =	simm.s32 $0x50;
	s19 =	sadd.s32 s6, s17;
	[dreg:$0xe] =	wrdreg s5  }
0x21: {  	s26 =	simm.s32 $0x5;
	s5 =	sadd.s32 s7, s23;
	[dreg:$0xc] =	wrdreg s19  }
0x22: {  	s17 =	sadd.s32 $0xF0, s11;
	s11 =	sadd.s32 s2, s24;
	[dreg:$0x10] =	wrdreg s5  }
0x23: {  	s23 =	sadd.s32 $0xA000, s14;
	s24 =	sadd.s32 $0xC800, s14;
	[dreg:$0x11] =	wrdreg s11  }
0x24: {  	s5 =	sadd.s32 s7, s13;
	s19 =	smax.u32 s4, $0x1;
	[dreg:$0x1a] =	wrdreg s23  }
0x25: {  	[dreg:$0x1b] =	wrdreg s24;
	s13 =	simm.s32 $0x200;
	s23 =	simm.s32 $0x2  }
0x26: {  	s24 =	simm.s32 $0x2A00;
	s4 =	simm.s32 $0x4;
	[dreg:$0x13] =	wrdreg s5  }
0x27: {  	s11 =	simm.s32 $0x0;
	s5 =	sadd.s32 s2, s16;
	[dreg:$0x16] =	wrdreg s19  }
0x28: {  	v0 =	vimm.f32 $0.0e+00;
	s16 =	simm.s32 $0x100;
	s19 =	simm.s32 $0x1;
	[dreg:$0x14] =	wrdreg s5  }
.LBB2_1:
0x29: {  	[dreg:$0x1e] =	wrdreg s8;
	s5 =	simm.s32 $0x0;
	s8 =	simm.s32 $0x200  }
.LBB2_2:
0x2a: {  	p0 =	sne.s32 s8, $0x9E00;
	[tilespmem:s5+$0x270] =	vst v0  }
0x2b: {  	[tilespmem:s5+$0x200] =	vst v0  }
0x2c: {  	[tilespmem:s5+$0x210] =	vst v0  }
.Ltmp0:
0x2d: {  	[tilespmem:s5+$0x220] =	vst v0;
	(pc) =	sbr.rel @p0 .LBB2_2-.Ltmp0, $4  }
0x2e: {  	[tilespmem:s5+$0x230] =	vst v0  }
0x2f: {  	[tilespmem:s5+$0x240] =	vst v0  }
0x30: {  	[tilespmem:s5+$0x250] =	vst v0  }
0x31: {  	[tilespmem:s5+$0x260] =	vst v0;
	s5 =	sshra.s32 s8, $0x2;
	s8 =	sadd.s32 $0x200, s8  }
0x32: {  	[tilespmem:s5+$0x270] =	vst v0  }
0x33: {  	[tilespmem:s5+$0x200] =	vst v0  }
0x34: {  	[tilespmem:s5+$0x210] =	vst v0  }
0x35: {  	[tilespmem:s5+$0x220] =	vst v0  }
0x36: {  	[tilespmem:s5+$0x230] =	vst v0  }
0x37: {  	[tilespmem:s5+$0x240] =	vst v0  }
0x38: {  	[tilespmem:s5+$0x250] =	vst v0  }
0x39: {  	[tilespmem:s5+$0x260] =	vst v0  }
0x3a: {  	[spmem:s14] =	stream.linear.scatter [tilespmem:s13], [sflag:$0xB], $0x2800, $0x38;
	[tilespmem:$0x1E200] =	vst v63  }
0x3b: {  	_ =	swait.ge [sflag:s10], $0x2800  }
0x3c: {  	[sflag:s10] =	ssyncset.done $0x0  }
0x3d: {  	s21 =	rddreg [dreg:$0x17];
	[sflag:s10] =	ssyncadd.s32 $0xFFFFD800  }
0x3e: {  	[spmem:s21] =	stream.linear.scatter [tilespmem:s13], [sflag:$0xB], $0x2800, $0x38;
	[tilespmem:$0x1E200] =	vst v63  }
0x3f: {  	_ =	swait.ge [sflag:s10], $0x2800  }
0x40: {  	[sflag:s10] =	ssyncset.done $0x0  }
0x41: {  	s25 =	rddreg [dreg:$0x18];
	[sflag:s10] =	ssyncadd.s32 $0xFFFFD800  }
0x42: {  	[spmem:s25] =	stream.linear.scatter [tilespmem:s13], [sflag:$0xB], $0x2800, $0x38;
	[tilespmem:$0x1E200] =	vst v63  }
0x43: {  	_ =	swait.ge [sflag:s10], $0x2800  }
0x44: {  	[sflag:s10] =	ssyncset.done $0x0  }
0x45: {  	s8 =	rddreg [dreg:$0x19];
	[sflag:s10] =	ssyncadd.s32 $0xFFFFD800  }
0x46: {  	[spmem:s8] =	stream.linear.scatter [tilespmem:s13], [sflag:$0xB], $0x2800, $0x38;
	[tilespmem:$0x1E200] =	vst v63  }
0x47: {  	_ =	swait.ge [sflag:s10], $0x2800  }
0x48: {  	[sflag:s10] =	ssyncset.done $0x0  }
0x49: {  	s14 =	rddreg [dreg:$0x1a];
	[sflag:s10] =	ssyncadd.s32 $0xFFFFD800  }
0x4a: {  	[spmem:s14] =	stream.linear.scatter [tilespmem:s13], [sflag:$0xB], $0x2800, $0x38;
	[tilespmem:$0x1E200] =	vst v63  }
0x4b: {  	_ =	swait.ge [sflag:s10], $0x2800  }
0x4c: {  	[sflag:s10] =	ssyncset.done $0x0  }
0x4d: {  	s21 =	rddreg [dreg:$0x1b];
	[sflag:s10] =	ssyncadd.s32 $0xFFFFD800  }
0x4e: {  	[spmem:s21] =	stream.linear.scatter [tilespmem:s13], [sflag:$0xB], $0x2800, $0x38;
	[tilespmem:$0x1E200] =	vst v63  }
0x4f: {  	_ =	swait.ge [sflag:s10], $0x2800  }
0x50: {  	[sflag:s10] =	ssyncset.done $0x0  }
0x51: {  	s25 =	rddreg [dreg:$0x1c];
	[sflag:s10] =	ssyncadd.s32 $0xFFFFD800  }
0x52: {  	[spmem:s25] =	stream.linear.scatter [tilespmem:s13], [sflag:$0xB], $0x2800, $0x38;
	[tilespmem:$0x1E200] =	vst v63  }
0x53: {  	_ =	swait.ge [sflag:s10], $0x2800  }
0x54: {  	[sflag:s10] =	ssyncset.done $0x0  }
0x55: {  	s8 =	rddreg [dreg:$0x1d];
	[sflag:s10] =	ssyncadd.s32 $0xFFFFD800  }
0x56: {  	[spmem:s8] =	stream.linear.scatter [tilespmem:s13], [sflag:$0xB], $0x2800, $0x38;
	[tilespmem:$0x1E200] =	vst v63  }
0x57: {  	_ =	swait.ge [sflag:s10], $0x2800  }
0x58: {  	[sflag:s10] =	ssyncset.done $0x0  }
0x59: {  	[sflag:s10] =	ssyncadd.s32 $0xFFFFD800  }
0x5a: {  	[bflag:$0x0] =	sbarrier.arrive $0xFFFF  }
0x5b: {  	s5 =	simm.s32 $0x0;
	s8 =	rddreg [dreg:$0x6]  }
0x5c: {  	[tilespmem:s5], [sflag:$0x1] =	stream.linear.gather [hbm4b:s8+s5], $0x50, $0x38;
	[tilespmem:$0x1E200] =	vst v63  }
0x5d: {  	s10 =	rddreg [dreg:$0x7]  }
0x5e: {  	[tilespmem:s15], [sflag:$0x2] =	stream.linear.gather [hbm4b:s10+s5], $0x50, $0x38;
	[tilespmem:$0x1E200] =	vst v63  }
0x5f: {  	s14 =	rddreg [dreg:$0x8]  }
0x60: {  	[tilespmem:s16], [sflag:$0x3] =	stream.linear.gather [hbm4b:s14+s5], $0x50, $0x38;
	[tilespmem:$0x1E200] =	vst v63  }
0x61: {  	_ =	swait.ge [sflag:s19], $0x50  }
0x62: {  	[sflag:s19] =	ssyncset.done $0x0  }
0x63: {  	[sflag:s19] =	ssyncadd.s32 $0xFFFFFFB0  }
0x64: {  	[tilespmem:s13], [sflag:$0x5] =	stream.indirect.gather [hbm4b:s1+s20], $0x80, s5, s20, $0xb8;
	[tilespmem:$0x1E200] =	vst v63  }
0x65: {  	s25 =	simm.s32 $0x5200;
	s21 =	rddreg [dreg:$0x9]  }
0x66: {  	[tilespmem:s25], [sflag:$0x7] =	stream.linear.gather [hbm4b:s21+s5], $0x2800, $0x38;
	[tilespmem:$0x1E200] =	vst v63  }
0x67: {  	s14 =	rddreg [dreg:$0xa]  }
0x68: {  	[tilespmem:s22], [sflag:$0x4] =	stream.linear.gather [hbm4b:s14+s5], $0x50, $0x38;
	[tilespmem:$0x1E200] =	vst v63  }
0x69: {  	_ =	swait.ge [sflag:s23], $0x50  }
0x6a: {  	[sflag:s23] =	ssyncset.done $0x0  }
0x6b: {  	[sflag:s23] =	ssyncadd.s32 $0xFFFFFFB0  }
0x6c: {  	[tilespmem:s24], [sflag:$0x6] =	stream.indirect.gather [hbm4b:s1+s20], $0x80, s15, s20, $0xb8;
	[tilespmem:$0x1E200] =	vst v63  }
0x6d: {  	s25 =	simm.s32 $0x7A00;
	s21 =	rddreg [dreg:$0xb]  }
0x6e: {  	[tilespmem:s25], [sflag:$0x8] =	stream.linear.gather [hbm4b:s21+s5], $0x2800, $0x38;
	[tilespmem:$0x1E200] =	vst v63  }
0x6f: {  	_ =	swait.ge [sflag:s26], $0x2800  }
0x70: {  	[sflag:s26] =	ssyncset.done $0x0  }
0x71: {  	[sflag:s26] =	ssyncadd.s32 $0xFFFFD800  }
0x72: {  	_ =	swait.ge [sflag:s28], $0x2800  }
0x73: {  	[sflag:s28] =	ssyncset.done $0x0  }
0x74: {  	s8 =	simm.s32 $0x0;
	[sflag:s28] =	ssyncadd.s32 $0xFFFFD800  }
0x75: {  	v7 =	vld [tilespmem:s8+$0x5200]  }
0x76: {  	v12 =	vld [tilespmem:s8+$0x5210]  }
0x77: {  	v6 =	vld [tilespmem:s8+$0x5220]  }
0x78: {  	v5 =	vld [tilespmem:s8+$0x5230]  }
0x79: {  	v4 =	vld [tilespmem:s8+$0x5240]  }
0x7a: {  	v3 =	vld [tilespmem:s8+$0x5250]  }
0x7b: {  	v2 =	vld [tilespmem:s8+$0x5260]  }
0x7c: {  	v1 =	vld [tilespmem:s8+$0x5270]  }
0x7d: {  	v13 =	vld [tilespmem:s8+$0x200]  }
0x7e: {  	v14 =	vld [tilespmem:s8+$0x210]  }
0x7f: {  	v11 =	vld [tilespmem:s8+$0x220]  }
0x80: {  	v10 =	vld [tilespmem:s8+$0x230]  }
0x81: {  	v9 =	vld [tilespmem:s8+$0x240]  }
0x82: {  	v8 =	vld [tilespmem:s8+$0x250];
	v13 =	vadd.f32 v7, v13  }
0x83: {  	s10 =	simm.s32 $0x200;
	v12 =	vadd.f32 v12, v14;
	v7 =	vld [tilespmem:s8+$0x260]  }
.LBB2_4:
0x84: {  	s5 =	sshra.s32 s10, $0x2;
	p0 =	sne.s32 s10, $0x9E00;
	v13 =	vmax.f32 v13, $0.0e+00;
	v6 =	vadd.f32 v6, v11;
	v11 =	vld [tilespmem:s8+$0x270]  }
0x85: {  	v14 =	vld [tilespmem:s5+$0x5200];
	[tilespmem:s8+$0x200] =	vst v13;
	v12 =	vmax.f32 v12, $0.0e+00;
	v5 =	vadd.f32 v5, v10  }
0x86: {  	v15 =	vld [tilespmem:s5+$0x5210];
	[tilespmem:s8+$0x210] =	vst v12;
	v10 =	vmax.f32 v6, $0.0e+00;
	v4 =	vadd.f32 v4, v9  }
0x87: {  	v6 =	vld [tilespmem:s5+$0x5220];
	[tilespmem:s8+$0x220] =	vst v10;
	v9 =	vmax.f32 v5, $0.0e+00;
	v3 =	vadd.f32 v3, v8  }
0x88: {  	v5 =	vld [tilespmem:s5+$0x5230];
	[tilespmem:s8+$0x230] =	vst v9;
	v8 =	vmax.f32 v4, $0.0e+00;
	v2 =	vadd.f32 v2, v7  }
0x89: {  	v4 =	vld [tilespmem:s5+$0x5240];
	[tilespmem:s8+$0x240] =	vst v8;
	v7 =	vmax.f32 v3, $0.0e+00;
	v1 =	vadd.f32 v1, v11  }
0x8a: {  	v3 =	vld [tilespmem:s5+$0x5250];
	[tilespmem:s8+$0x250] =	vst v7;
	v7 =	vmax.f32 v2, $0.0e+00  }
0x8b: {  	v2 =	vld [tilespmem:s5+$0x5260];
	[tilespmem:s8+$0x260] =	vst v7;
	v7 =	vmax.f32 v1, $0.0e+00  }
0x8c: {  	v1 =	vld [tilespmem:s5+$0x5270];
	[tilespmem:s8+$0x270] =	vst v7;
	s8 =	smov.u32 s5  }
0x8d: {  	v7 =	vld [tilespmem:s8+$0x200]  }
0x8e: {  	v12 =	vld [tilespmem:s8+$0x210]  }
.Ltmp1:
0x8f: {  	v11 =	vld [tilespmem:s8+$0x220];
	(pc) =	sbr.rel @p0 .LBB2_4-.Ltmp1, $4  }
0x90: {  	v10 =	vld [tilespmem:s8+$0x230]  }
0x91: {  	v9 =	vld [tilespmem:s8+$0x240]  }
0x92: {  	v13 =	vadd.f32 v14, v7;
	v8 =	vld [tilespmem:s8+$0x250]  }
0x93: {  	s10 =	sadd.s32 $0x200, s10;
	v12 =	vadd.f32 v15, v12;
	v7 =	vld [tilespmem:s8+$0x260]  }
0x94: {  	v13 =	vmax.f32 v13, $0.0e+00;
	v6 =	vadd.f32 v6, v11;
	v63 =	vld [tilespmem:s8+$0x270]  }
0x95: {  	[tilespmem:s8+$0x200] =	vst v13;
	v12 =	vmax.f32 v12, $0.0e+00;
	v5 =	vadd.f32 v5, v10  }
0x96: {  	[tilespmem:s8+$0x210] =	vst v12;
	v6 =	vmax.f32 v6, $0.0e+00;
	v4 =	vadd.f32 v4, v9  }
0x97: {  	[tilespmem:s8+$0x220] =	vst v6;
	v5 =	vmax.f32 v5, $0.0e+00;
	v3 =	vadd.f32 v3, v8  }
0x98: {  	[tilespmem:s8+$0x230] =	vst v5;
	v4 =	vmax.f32 v4, $0.0e+00;
	v2 =	vadd.f32 v2, v7  }
0x99: {  	[tilespmem:s8+$0x240] =	vst v4;
	v3 =	vmax.f32 v3, $0.0e+00;
	v1 =	vadd.f32 v1, v63  }
0x9a: {  	[tilespmem:s8+$0x250] =	vst v3;
	v2 =	vmax.f32 v2, $0.0e+00  }
0x9b: {  	[tilespmem:s8+$0x260] =	vst v2;
	v1 =	vmax.f32 v1, $0.0e+00  }
0x9c: {  	s5 =	rddreg [dreg:$0xc];
	[tilespmem:s8+$0x270] =	vst v1  }
0x9d: {  	[tilespmem:s11], [sflag:$0x1] =	stream.linear.gather [hbm4b:s5+s11], $0x50, $0x38;
	[tilespmem:$0x1E200] =	vst v63  }
0x9e: {  	_ =	swait.ge [sflag:s29], $0x50  }
0x9f: {  	[sflag:s29] =	ssyncset.done $0x0  }
0xa0: {  	s8 =	simm.s32 $0x0;
	[sflag:s29] =	ssyncadd.s32 $0xFFFFFFB0  }
0xa1: {  	[spmem:s3] =	stream.indirect.scatter.add.f32 [tilespmem:s13], [sflag:$0x9], $0x80, s16, s20, $0xb8;
	[tilespmem:$0x1E200] =	vst v63  }
.LBB2_6:
0xa2: {  	s10 =	smul.u32 $0xA0, s8;
	_ =	sdelay $0x1  }
0xa3: {  	_ =	swait.ge [sflag:s30], $0x2800;
	s5 =	sadd.s32 s10, s12  }
0xa4: {  	[sflag:s30] =	ssyncset.done $0x0;
	s14 =	sshrl.u32 s5, $0x3  }
0xa5: {  	[sflag:s30] =	ssyncadd.s32 $0xFFFFD800;
	s14 =	sadd.s32 s7, s14  }
0xa6: {  	[tilespmem:s16], [sflag:$0x3] =	stream.linear.gather [hbm4b:s14+s11], $0x50, $0x38;
	[tilespmem:$0x1E200] =	vst v63  }
0xa7: {  	_ =	swait.ge [sflag:s19], $0x50  }
0xa8: {  	[sflag:s19] =	ssyncset.done $0x0  }
0xa9: {  	s5 =	sshll.u32 s5, $0x4;
	[sflag:s19] =	ssyncadd.s32 $0xFFFFFFB0  }
0xaa: {  	[tilespmem:s13], [sflag:$0x5] =	stream.indirect.gather [hbm4b:s1+s20], $0x80, s11, s20, $0xb8;
	[tilespmem:$0x1E200] =	vst v63  }
0xab: {  	s25 =	simm.s32 $0x5200;
	s5 =	sadd.s32 s2, s5  }
0xac: {  	[tilespmem:s25], [sflag:$0x7] =	stream.linear.gather [hbm4b:s5+s11], $0x2800, $0x38;
	[tilespmem:$0x1E200] =	vst v63  }
0xad: {  	_ =	swait.ge [sflag:s31], $0x2800  }
0xae: {  	[sflag:s31] =	ssyncset.done $0x0  }
0xaf: {  	[sflag:s31] =	ssyncadd.s32 $0xFFFFD800  }
0xb0: {  	_ =	swait.ge [sflag:s0], $0x2800  }
0xb1: {  	[sflag:s0] =	ssyncset.done $0x0  }
0xb2: {  	s14 =	simm.s32 $0x0;
	[sflag:s0] =	ssyncadd.s32 $0xFFFFD800  }
0xb3: {  	v7 =	vld [tilespmem:s14+$0x7A00]  }
0xb4: {  	v12 =	vld [tilespmem:s14+$0x7A10]  }
0xb5: {  	v6 =	vld [tilespmem:s14+$0x7A20]  }
0xb6: {  	v5 =	vld [tilespmem:s14+$0x7A30]  }
0xb7: {  	v4 =	vld [tilespmem:s14+$0x7A40]  }
0xb8: {  	v3 =	vld [tilespmem:s14+$0x7A50]  }
0xb9: {  	v2 =	vld [tilespmem:s14+$0x7A60]  }
0xba: {  	v1 =	vld [tilespmem:s14+$0x7A70]  }
0xbb: {  	v13 =	vld [tilespmem:s14+$0x2A00]  }
0xbc: {  	v14 =	vld [tilespmem:s14+$0x2A10]  }
0xbd: {  	v11 =	vld [tilespmem:s14+$0x2A20]  }
0xbe: {  	v10 =	vld [tilespmem:s14+$0x2A30]  }
0xbf: {  	v9 =	vld [tilespmem:s14+$0x2A40]  }
0xc0: {  	v8 =	vld [tilespmem:s14+$0x2A50];
	v13 =	vadd.f32 v7, v13  }
0xc1: {  	s5 =	simm.s32 $0x200;
	v12 =	vadd.f32 v12, v14;
	v7 =	vld [tilespmem:s14+$0x2A60]  }
.LBB2_7:
0xc2: {  	s25 =	sshra.s32 s5, $0x2;
	p0 =	sne.s32 s5, $0x9E00;
	v13 =	vmax.f32 v13, $0.0e+00;
	v6 =	vadd.f32 v6, v11;
	v11 =	vld [tilespmem:s14+$0x2A70]  }
0xc3: {  	v14 =	vld [tilespmem:s25+$0x7A00];
	[tilespmem:s14+$0x2A00] =	vst v13;
	v12 =	vmax.f32 v12, $0.0e+00;
	v5 =	vadd.f32 v5, v10  }
0xc4: {  	v15 =	vld [tilespmem:s25+$0x7A10];
	[tilespmem:s14+$0x2A10] =	vst v12;
	v10 =	vmax.f32 v6, $0.0e+00;
	v4 =	vadd.f32 v4, v9  }
0xc5: {  	v6 =	vld [tilespmem:s25+$0x7A20];
	[tilespmem:s14+$0x2A20] =	vst v10;
	v9 =	vmax.f32 v5, $0.0e+00;
	v3 =	vadd.f32 v3, v8  }
0xc6: {  	v5 =	vld [tilespmem:s25+$0x7A30];
	[tilespmem:s14+$0x2A30] =	vst v9;
	v8 =	vmax.f32 v4, $0.0e+00;
	v2 =	vadd.f32 v2, v7  }
0xc7: {  	v4 =	vld [tilespmem:s25+$0x7A40];
	[tilespmem:s14+$0x2A40] =	vst v8;
	v7 =	vmax.f32 v3, $0.0e+00;
	v1 =	vadd.f32 v1, v11  }
0xc8: {  	v3 =	vld [tilespmem:s25+$0x7A50];
	[tilespmem:s14+$0x2A50] =	vst v7;
	v7 =	vmax.f32 v2, $0.0e+00  }
0xc9: {  	v2 =	vld [tilespmem:s25+$0x7A60];
	[tilespmem:s14+$0x2A60] =	vst v7;
	v7 =	vmax.f32 v1, $0.0e+00  }
0xca: {  	v1 =	vld [tilespmem:s25+$0x7A70];
	[tilespmem:s14+$0x2A70] =	vst v7;
	s14 =	smov.u32 s25  }
0xcb: {  	v7 =	vld [tilespmem:s14+$0x2A00]  }
0xcc: {  	v12 =	vld [tilespmem:s14+$0x2A10]  }
.Ltmp2:
0xcd: {  	v11 =	vld [tilespmem:s14+$0x2A20];
	(pc) =	sbr.rel @p0 .LBB2_7-.Ltmp2, $4  }
0xce: {  	v10 =	vld [tilespmem:s14+$0x2A30]  }
0xcf: {  	v9 =	vld [tilespmem:s14+$0x2A40]  }
0xd0: {  	v13 =	vadd.f32 v14, v7;
	v8 =	vld [tilespmem:s14+$0x2A50]  }
0xd1: {  	s5 =	sadd.s32 $0x200, s5;
	v12 =	vadd.f32 v15, v12;
	v7 =	vld [tilespmem:s14+$0x2A60]  }
0xd2: {  	v13 =	vmax.f32 v13, $0.0e+00;
	v6 =	vadd.f32 v6, v11;
	v11 =	vld [tilespmem:s14+$0x2A70]  }
0xd3: {  	[tilespmem:s14+$0x2A00] =	vst v13;
	v12 =	vmax.f32 v12, $0.0e+00;
	v5 =	vadd.f32 v5, v10  }
0xd4: {  	[tilespmem:s14+$0x2A10] =	vst v12;
	v6 =	vmax.f32 v6, $0.0e+00;
	v4 =	vadd.f32 v4, v9  }
0xd5: {  	[tilespmem:s14+$0x2A20] =	vst v6;
	v5 =	vmax.f32 v5, $0.0e+00;
	v3 =	vadd.f32 v3, v8  }
0xd6: {  	[tilespmem:s14+$0x2A30] =	vst v5;
	v4 =	vmax.f32 v4, $0.0e+00;
	v2 =	vadd.f32 v2, v7  }
0xd7: {  	[tilespmem:s14+$0x2A40] =	vst v4;
	v3 =	vmax.f32 v3, $0.0e+00;
	v1 =	vadd.f32 v1, v11  }
0xd8: {  	s5 =	sadd.s32 s10, s17;
	[tilespmem:s14+$0x2A50] =	vst v3;
	v2 =	vmax.f32 v2, $0.0e+00  }
0xd9: {  	s25 =	sshrl.u32 s5, $0x3;
	[tilespmem:s14+$0x2A60] =	vst v2;
	v1 =	vmax.f32 v1, $0.0e+00  }
0xda: {  	s21 =	simm.s32 $0x0;
	[tilespmem:s14+$0x2A70] =	vst v1;
	s14 =	sadd.s32 s6, s25  }
0xdb: {  	[tilespmem:s15], [sflag:$0x2] =	stream.linear.gather [hbm4b:s14+s21], $0x50, $0x38;
	[tilespmem:$0x1E200] =	vst v63  }
0xdc: {  	_ =	swait.ge [sflag:s4], $0x50  }
0xdd: {  	[sflag:s4] =	ssyncset.done $0x0  }
0xde: {  	[sflag:s4] =	ssyncadd.s32 $0xFFFFFFB0  }
0xdf: {  	[spmem:s3] =	stream.indirect.scatter.add.f32 [tilespmem:s24], [sflag:$0xA], $0x80, s22, s20, $0xb8;
	[tilespmem:$0x1E200] =	vst v63  }
0xe0: {  	_ =	swait.ge [sflag:s9], $0x2800  }
0xe1: {  	[sflag:s9] =	ssyncset.done $0x0  }
0xe2: {  	s25 =	sadd.s32 s7, s25;
	[sflag:s9] =	ssyncadd.s32 $0xFFFFD800  }
0xe3: {  	[tilespmem:s22], [sflag:$0x4] =	stream.linear.gather [hbm4b:s25+s21], $0x50, $0x38;
	[tilespmem:$0x1E200] =	vst v63  }
0xe4: {  	_ =	swait.ge [sflag:s23], $0x50  }
0xe5: {  	[sflag:s23] =	ssyncset.done $0x0  }
0xe6: {  	s5 =	sshll.u32 s5, $0x4;
	[sflag:s23] =	ssyncadd.s32 $0xFFFFFFB0  }
0xe7: {  	[tilespmem:s24], [sflag:$0x6] =	stream.indirect.gather [hbm4b:s1+s20], $0x80, s15, s20, $0xb8;
	[tilespmem:$0x1E200] =	vst v63  }
0xe8: {  	s5 =	sadd.s32 s2, s5;
	s25 =	simm.s32 $0x7A00  }
0xe9: {  	[tilespmem:s25], [sflag:$0x8] =	stream.linear.gather [hbm4b:s5+s21], $0x2800, $0x38;
	[tilespmem:$0x1E200] =	vst v63  }
0xea: {  	_ =	swait.ge [sflag:s26], $0x2800  }
0xeb: {  	[sflag:s26] =	ssyncset.done $0x0  }
0xec: {  	[sflag:s26] =	ssyncadd.s32 $0xFFFFD800  }
0xed: {  	_ =	swait.ge [sflag:s28], $0x2800  }
0xee: {  	[sflag:s28] =	ssyncset.done $0x0  }
0xef: {  	s14 =	simm.s32 $0x0;
	[sflag:s28] =	ssyncadd.s32 $0xFFFFD800  }
0xf0: {  	v7 =	vld [tilespmem:s14+$0x5200]  }
0xf1: {  	v12 =	vld [tilespmem:s14+$0x5210]  }
0xf2: {  	v6 =	vld [tilespmem:s14+$0x5220]  }
0xf3: {  	v5 =	vld [tilespmem:s14+$0x5230]  }
0xf4: {  	v4 =	vld [tilespmem:s14+$0x5240]  }
0xf5: {  	v3 =	vld [tilespmem:s14+$0x5250]  }
0xf6: {  	v2 =	vld [tilespmem:s14+$0x5260]  }
0xf7: {  	v1 =	vld [tilespmem:s14+$0x5270]  }
0xf8: {  	v13 =	vld [tilespmem:s14+$0x200]  }
0xf9: {  	v14 =	vld [tilespmem:s14+$0x210]  }
0xfa: {  	v11 =	vld [tilespmem:s14+$0x220]  }
0xfb: {  	v10 =	vld [tilespmem:s14+$0x230]  }
0xfc: {  	v9 =	vld [tilespmem:s14+$0x240]  }
0xfd: {  	v8 =	vld [tilespmem:s14+$0x250];
	v13 =	vadd.f32 v7, v13  }
0xfe: {  	s5 =	simm.s32 $0x200;
	v12 =	vadd.f32 v12, v14;
	v7 =	vld [tilespmem:s14+$0x260]  }
.LBB2_9:
0xff: {  	s21 =	sshra.s32 s5, $0x2;
	p0 =	sne.s32 s5, $0x9E00;
	v13 =	vmax.f32 v13, $0.0e+00;
	v6 =	vadd.f32 v6, v11;
	v11 =	vld [tilespmem:s14+$0x270]  }
0x100: {  	v14 =	vld [tilespmem:s21+$0x5200];
	[tilespmem:s14+$0x200] =	vst v13;
	v12 =	vmax.f32 v12, $0.0e+00;
	v5 =	vadd.f32 v5, v10  }
0x101: {  	v15 =	vld [tilespmem:s21+$0x5210];
	[tilespmem:s14+$0x210] =	vst v12;
	v10 =	vmax.f32 v6, $0.0e+00;
	v4 =	vadd.f32 v4, v9  }
0x102: {  	v6 =	vld [tilespmem:s21+$0x5220];
	[tilespmem:s14+$0x220] =	vst v10;
	v9 =	vmax.f32 v5, $0.0e+00;
	v3 =	vadd.f32 v3, v8  }
0x103: {  	v5 =	vld [tilespmem:s21+$0x5230];
	[tilespmem:s14+$0x230] =	vst v9;
	v8 =	vmax.f32 v4, $0.0e+00;
	v2 =	vadd.f32 v2, v7  }
0x104: {  	v4 =	vld [tilespmem:s21+$0x5240];
	[tilespmem:s14+$0x240] =	vst v8;
	v7 =	vmax.f32 v3, $0.0e+00;
	v1 =	vadd.f32 v1, v11  }
0x105: {  	v3 =	vld [tilespmem:s21+$0x5250];
	[tilespmem:s14+$0x250] =	vst v7;
	v7 =	vmax.f32 v2, $0.0e+00  }
0x106: {  	v2 =	vld [tilespmem:s21+$0x5260];
	[tilespmem:s14+$0x260] =	vst v7;
	v7 =	vmax.f32 v1, $0.0e+00  }
0x107: {  	v1 =	vld [tilespmem:s21+$0x5270];
	[tilespmem:s14+$0x270] =	vst v7;
	s14 =	smov.u32 s21  }
0x108: {  	v7 =	vld [tilespmem:s14+$0x200]  }
0x109: {  	v12 =	vld [tilespmem:s14+$0x210]  }
.Ltmp3:
0x10a: {  	v11 =	vld [tilespmem:s14+$0x220];
	(pc) =	sbr.rel @p0 .LBB2_9-.Ltmp3, $4  }
0x10b: {  	v10 =	vld [tilespmem:s14+$0x230]  }
0x10c: {  	v9 =	vld [tilespmem:s14+$0x240]  }
0x10d: {  	v13 =	vadd.f32 v14, v7;
	v8 =	vld [tilespmem:s14+$0x250]  }
0x10e: {  	s5 =	sadd.s32 $0x200, s5;
	v12 =	vadd.f32 v15, v12;
	v7 =	vld [tilespmem:s14+$0x260]  }
0x10f: {  	v13 =	vmax.f32 v13, $0.0e+00;
	v6 =	vadd.f32 v6, v11;
	v63 =	vld [tilespmem:s14+$0x270]  }
0x110: {  	[tilespmem:s14+$0x200] =	vst v13;
	v12 =	vmax.f32 v12, $0.0e+00;
	v5 =	vadd.f32 v5, v10  }
0x111: {  	[tilespmem:s14+$0x210] =	vst v12;
	v6 =	vmax.f32 v6, $0.0e+00;
	v4 =	vadd.f32 v4, v9  }
0x112: {  	[tilespmem:s14+$0x220] =	vst v6;
	v5 =	vmax.f32 v5, $0.0e+00;
	v3 =	vadd.f32 v3, v8  }
0x113: {  	[tilespmem:s14+$0x230] =	vst v5;
	v4 =	vmax.f32 v4, $0.0e+00;
	v2 =	vadd.f32 v2, v7  }
0x114: {  	[tilespmem:s14+$0x240] =	vst v4;
	v3 =	vmax.f32 v3, $0.0e+00;
	v1 =	vadd.f32 v1, v63  }
0x115: {  	s5 =	sadd.s32 s10, s18;
	[tilespmem:s14+$0x250] =	vst v3;
	v2 =	vmax.f32 v2, $0.0e+00  }
0x116: {  	s8 =	sadd.s32 $0x1, s8;
	s5 =	sshrl.u32 s5, $0x3;
	[tilespmem:s14+$0x260] =	vst v2;
	v1 =	vmax.f32 v1, $0.0e+00  }
0x117: {  	s25 =	simm.s32 $0x0;
	p0 =	sne.s32 s8, $0x3C;
	s5 =	sadd.s32 s6, s5;
	[tilespmem:s14+$0x270] =	vst v1  }
0x118: {  	[tilespmem:s25], [sflag:$0x1] =	stream.linear.gather [hbm4b:s5+s25], $0x50, $0x38;
	[tilespmem:$0x1E200] =	vst v63  }
.Ltmp4:
0x119: {  	_ = 	snop;
	(pc) =	sbr.rel @p0 .LBB2_6-.Ltmp4, $4  }
0x11a: {  	_ =	swait.ge [sflag:s29], $0x50  }
0x11b: {  	[sflag:s29] =	ssyncset.done $0x0  }
0x11c: {  	[sflag:s29] =	ssyncadd.s32 $0xFFFFFFB0  }
0x11d: {  	[spmem:s3] =	stream.indirect.scatter.add.f32 [tilespmem:s13], [sflag:$0x9], $0x80, s16, s20, $0xb8;
	[tilespmem:$0x1E200] =	vst v63  }
0x11e: {  	_ =	swait.ge [sflag:s30], $0x2800  }
0x11f: {  	[sflag:s30] =	ssyncset.done $0x0  }
0x120: {  	s5 =	simm.s32 $0x0;
	s8 =	rddreg [dreg:$0xd];
	[sflag:s30] =	ssyncadd.s32 $0xFFFFD800  }
0x121: {  	[tilespmem:s16], [sflag:$0x3] =	stream.linear.gather [hbm4b:s8+s5], $0x50, $0x38;
	[tilespmem:$0x1E200] =	vst v63  }
0x122: {  	_ =	swait.ge [sflag:s19], $0x50  }
0x123: {  	[sflag:s19] =	ssyncset.done $0x0  }
0x124: {  	[sflag:s19] =	ssyncadd.s32 $0xFFFFFFB0  }
0x125: {  	[tilespmem:s13], [sflag:$0x5] =	stream.indirect.gather [hbm4b:s1+s20], $0x80, s5, s20, $0xb8;
	[tilespmem:$0x1E200] =	vst v63  }
0x126: {  	s10 =	simm.s32 $0x5200;
	s25 =	rddreg [dreg:$0xe]  }
0x127: {  	[tilespmem:s10], [sflag:$0x7] =	stream.linear.gather [hbm4b:s25+s5], $0x2800, $0x38;
	[tilespmem:$0x1E200] =	vst v63  }
0x128: {  	_ =	swait.ge [sflag:s31], $0x2800  }
0x129: {  	[sflag:s31] =	ssyncset.done $0x0  }
0x12a: {  	[sflag:s31] =	ssyncadd.s32 $0xFFFFD800  }
0x12b: {  	_ =	swait.ge [sflag:s0], $0x2800  }
0x12c: {  	[sflag:s0] =	ssyncset.done $0x0  }
0x12d: {  	s8 =	simm.s32 $0x0;
	[sflag:s0] =	ssyncadd.s32 $0xFFFFD800  }
0x12e: {  	v7 =	vld [tilespmem:s8+$0x7A00]  }
0x12f: {  	v12 =	vld [tilespmem:s8+$0x7A10]  }
0x130: {  	v6 =	vld [tilespmem:s8+$0x7A20]  }
0x131: {  	v5 =	vld [tilespmem:s8+$0x7A30]  }
0x132: {  	v4 =	vld [tilespmem:s8+$0x7A40]  }
0x133: {  	v3 =	vld [tilespmem:s8+$0x7A50]  }
0x134: {  	v2 =	vld [tilespmem:s8+$0x7A60]  }
0x135: {  	v1 =	vld [tilespmem:s8+$0x7A70]  }
0x136: {  	v13 =	vld [tilespmem:s8+$0x2A00]  }
0x137: {  	v14 =	vld [tilespmem:s8+$0x2A10]  }
0x138: {  	v11 =	vld [tilespmem:s8+$0x2A20]  }
0x139: {  	v10 =	vld [tilespmem:s8+$0x2A30]  }
0x13a: {  	v9 =	vld [tilespmem:s8+$0x2A40]  }
0x13b: {  	v8 =	vld [tilespmem:s8+$0x2A50];
	v13 =	vadd.f32 v7, v13  }
0x13c: {  	s5 =	simm.s32 $0x200;
	v12 =	vadd.f32 v12, v14;
	v7 =	vld [tilespmem:s8+$0x2A60]  }
.LBB2_12:
0x13d: {  	s10 =	sshra.s32 s5, $0x2;
	p0 =	sne.s32 s5, $0x9E00;
	v13 =	vmax.f32 v13, $0.0e+00;
	v6 =	vadd.f32 v6, v11;
	v11 =	vld [tilespmem:s8+$0x2A70]  }
0x13e: {  	v14 =	vld [tilespmem:s10+$0x7A00];
	[tilespmem:s8+$0x2A00] =	vst v13;
	v12 =	vmax.f32 v12, $0.0e+00;
	v5 =	vadd.f32 v5, v10  }
0x13f: {  	v15 =	vld [tilespmem:s10+$0x7A10];
	[tilespmem:s8+$0x2A10] =	vst v12;
	v10 =	vmax.f32 v6, $0.0e+00;
	v4 =	vadd.f32 v4, v9  }
0x140: {  	v6 =	vld [tilespmem:s10+$0x7A20];
	[tilespmem:s8+$0x2A20] =	vst v10;
	v9 =	vmax.f32 v5, $0.0e+00;
	v3 =	vadd.f32 v3, v8  }
0x141: {  	v5 =	vld [tilespmem:s10+$0x7A30];
	[tilespmem:s8+$0x2A30] =	vst v9;
	v8 =	vmax.f32 v4, $0.0e+00;
	v2 =	vadd.f32 v2, v7  }
0x142: {  	v4 =	vld [tilespmem:s10+$0x7A40];
	[tilespmem:s8+$0x2A40] =	vst v8;
	v7 =	vmax.f32 v3, $0.0e+00;
	v1 =	vadd.f32 v1, v11  }
0x143: {  	v3 =	vld [tilespmem:s10+$0x7A50];
	[tilespmem:s8+$0x2A50] =	vst v7;
	v7 =	vmax.f32 v2, $0.0e+00  }
0x144: {  	v2 =	vld [tilespmem:s10+$0x7A60];
	[tilespmem:s8+$0x2A60] =	vst v7;
	v7 =	vmax.f32 v1, $0.0e+00  }
0x145: {  	v1 =	vld [tilespmem:s10+$0x7A70];
	[tilespmem:s8+$0x2A70] =	vst v7;
	s8 =	smov.u32 s10  }
0x146: {  	v7 =	vld [tilespmem:s8+$0x2A00]  }
0x147: {  	v12 =	vld [tilespmem:s8+$0x2A10]  }
.Ltmp5:
0x148: {  	v11 =	vld [tilespmem:s8+$0x2A20];
	(pc) =	sbr.rel @p0 .LBB2_12-.Ltmp5, $4  }
0x149: {  	v10 =	vld [tilespmem:s8+$0x2A30]  }
0x14a: {  	v9 =	vld [tilespmem:s8+$0x2A40]  }
0x14b: {  	v13 =	vadd.f32 v14, v7;
	v8 =	vld [tilespmem:s8+$0x2A50]  }
0x14c: {  	s5 =	sadd.s32 $0x200, s5;
	v12 =	vadd.f32 v15, v12;
	v7 =	vld [tilespmem:s8+$0x2A60]  }
0x14d: {  	v13 =	vmax.f32 v13, $0.0e+00;
	v6 =	vadd.f32 v6, v11;
	v11 =	vld [tilespmem:s8+$0x2A70]  }
0x14e: {  	[tilespmem:s8+$0x2A00] =	vst v13;
	v12 =	vmax.f32 v12, $0.0e+00;
	v5 =	vadd.f32 v5, v10  }
0x14f: {  	[tilespmem:s8+$0x2A10] =	vst v12;
	v6 =	vmax.f32 v6, $0.0e+00;
	v4 =	vadd.f32 v4, v9  }
0x150: {  	[tilespmem:s8+$0x2A20] =	vst v6;
	v5 =	vmax.f32 v5, $0.0e+00;
	v3 =	vadd.f32 v3, v8  }
0x151: {  	[tilespmem:s8+$0x2A30] =	vst v5;
	v4 =	vmax.f32 v4, $0.0e+00;
	v2 =	vadd.f32 v2, v7  }
0x152: {  	[tilespmem:s8+$0x2A40] =	vst v4;
	v3 =	vmax.f32 v3, $0.0e+00;
	v1 =	vadd.f32 v1, v11  }
0x153: {  	[tilespmem:s8+$0x2A50] =	vst v3;
	v2 =	vmax.f32 v2, $0.0e+00  }
0x154: {  	[tilespmem:s8+$0x2A60] =	vst v2;
	v1 =	vmax.f32 v1, $0.0e+00  }
0x155: {  	s5 =	simm.s32 $0x0;
	s14 =	rddreg [dreg:$0xf];
	[tilespmem:s8+$0x2A70] =	vst v1  }
0x156: {  	[tilespmem:s15], [sflag:$0x2] =	stream.linear.gather [hbm4b:s14+s5], $0x50, $0x38;
	[tilespmem:$0x1E200] =	vst v63  }
0x157: {  	_ =	swait.ge [sflag:s4], $0x50  }
0x158: {  	[sflag:s4] =	ssyncset.done $0x0  }
0x159: {  	[sflag:s4] =	ssyncadd.s32 $0xFFFFFFB0  }
0x15a: {  	[spmem:s3] =	stream.indirect.scatter.add.f32 [tilespmem:s24], [sflag:$0xA], $0x80, s22, s20, $0xb8;
	[tilespmem:$0x1E200] =	vst v63  }
0x15b: {  	_ =	swait.ge [sflag:s9], $0x2800  }
0x15c: {  	[sflag:s9] =	ssyncset.done $0x0  }
0x15d: {  	s21 =	rddreg [dreg:$0x10];
	[sflag:s9] =	ssyncadd.s32 $0xFFFFD800  }
0x15e: {  	[tilespmem:s22], [sflag:$0x4] =	stream.linear.gather [hbm4b:s21+s5], $0x50, $0x38;
	[tilespmem:$0x1E200] =	vst v63  }
0x15f: {  	_ =	swait.ge [sflag:s23], $0x50  }
0x160: {  	[sflag:s23] =	ssyncset.done $0x0  }
0x161: {  	[sflag:s23] =	ssyncadd.s32 $0xFFFFFFB0  }
0x162: {  	[tilespmem:s24], [sflag:$0x6] =	stream.indirect.gather [hbm4b:s1+s20], $0x80, s15, s20, $0xb8;
	[tilespmem:$0x1E200] =	vst v63  }
0x163: {  	s10 =	simm.s32 $0x7A00;
	s25 =	rddreg [dreg:$0x11]  }
0x164: {  	[tilespmem:s10], [sflag:$0x8] =	stream.linear.gather [hbm4b:s25+s5], $0x2800, $0x38;
	[tilespmem:$0x1E200] =	vst v63  }
0x165: {  	_ =	swait.ge [sflag:s26], $0x2800  }
0x166: {  	[sflag:s26] =	ssyncset.done $0x0  }
0x167: {  	[sflag:s26] =	ssyncadd.s32 $0xFFFFD800  }
0x168: {  	_ =	swait.ge [sflag:s28], $0x2800  }
0x169: {  	[sflag:s28] =	ssyncset.done $0x0  }
0x16a: {  	s8 =	simm.s32 $0x0;
	[sflag:s28] =	ssyncadd.s32 $0xFFFFD800  }
0x16b: {  	v7 =	vld [tilespmem:s8+$0x5200]  }
0x16c: {  	v12 =	vld [tilespmem:s8+$0x5210]  }
0x16d: {  	v6 =	vld [tilespmem:s8+$0x5220]  }
0x16e: {  	v5 =	vld [tilespmem:s8+$0x5230]  }
0x16f: {  	v4 =	vld [tilespmem:s8+$0x5240]  }
0x170: {  	v3 =	vld [tilespmem:s8+$0x5250]  }
0x171: {  	v2 =	vld [tilespmem:s8+$0x5260]  }
0x172: {  	v1 =	vld [tilespmem:s8+$0x5270]  }
0x173: {  	v13 =	vld [tilespmem:s8+$0x200]  }
0x174: {  	v14 =	vld [tilespmem:s8+$0x210]  }
0x175: {  	v11 =	vld [tilespmem:s8+$0x220]  }
0x176: {  	v10 =	vld [tilespmem:s8+$0x230]  }
0x177: {  	v9 =	vld [tilespmem:s8+$0x240]  }
0x178: {  	v8 =	vld [tilespmem:s8+$0x250];
	v13 =	vadd.f32 v7, v13  }
0x179: {  	s5 =	simm.s32 $0x200;
	v12 =	vadd.f32 v12, v14;
	v7 =	vld [tilespmem:s8+$0x260]  }
.LBB2_14:
0x17a: {  	s10 =	sshra.s32 s5, $0x2;
	p0 =	sne.s32 s5, $0x9E00;
	v13 =	vmax.f32 v13, $0.0e+00;
	v6 =	vadd.f32 v6, v11;
	v11 =	vld [tilespmem:s8+$0x270]  }
0x17b: {  	v14 =	vld [tilespmem:s10+$0x5200];
	[tilespmem:s8+$0x200] =	vst v13;
	v12 =	vmax.f32 v12, $0.0e+00;
	v5 =	vadd.f32 v5, v10  }
0x17c: {  	v15 =	vld [tilespmem:s10+$0x5210];
	[tilespmem:s8+$0x210] =	vst v12;
	v10 =	vmax.f32 v6, $0.0e+00;
	v4 =	vadd.f32 v4, v9  }
0x17d: {  	v6 =	vld [tilespmem:s10+$0x5220];
	[tilespmem:s8+$0x220] =	vst v10;
	v9 =	vmax.f32 v5, $0.0e+00;
	v3 =	vadd.f32 v3, v8  }
0x17e: {  	v5 =	vld [tilespmem:s10+$0x5230];
	[tilespmem:s8+$0x230] =	vst v9;
	v8 =	vmax.f32 v4, $0.0e+00;
	v2 =	vadd.f32 v2, v7  }
0x17f: {  	v4 =	vld [tilespmem:s10+$0x5240];
	[tilespmem:s8+$0x240] =	vst v8;
	v7 =	vmax.f32 v3, $0.0e+00;
	v1 =	vadd.f32 v1, v11  }
0x180: {  	v3 =	vld [tilespmem:s10+$0x5250];
	[tilespmem:s8+$0x250] =	vst v7;
	v7 =	vmax.f32 v2, $0.0e+00  }
0x181: {  	v2 =	vld [tilespmem:s10+$0x5260];
	[tilespmem:s8+$0x260] =	vst v7;
	v7 =	vmax.f32 v1, $0.0e+00  }
0x182: {  	v1 =	vld [tilespmem:s10+$0x5270];
	[tilespmem:s8+$0x270] =	vst v7;
	s8 =	smov.u32 s10  }
0x183: {  	v7 =	vld [tilespmem:s8+$0x200]  }
0x184: {  	v12 =	vld [tilespmem:s8+$0x210]  }
.Ltmp6:
0x185: {  	v11 =	vld [tilespmem:s8+$0x220];
	(pc) =	sbr.rel @p0 .LBB2_14-.Ltmp6, $4  }
0x186: {  	v10 =	vld [tilespmem:s8+$0x230]  }
0x187: {  	v9 =	vld [tilespmem:s8+$0x240]  }
0x188: {  	v13 =	vadd.f32 v14, v7;
	v8 =	vld [tilespmem:s8+$0x250]  }
0x189: {  	s5 =	sadd.s32 $0x200, s5;
	v12 =	vadd.f32 v15, v12;
	v7 =	vld [tilespmem:s8+$0x260]  }
0x18a: {  	v13 =	vmax.f32 v13, $0.0e+00;
	v6 =	vadd.f32 v6, v11;
	v11 =	vld [tilespmem:s8+$0x270]  }
0x18b: {  	[tilespmem:s8+$0x200] =	vst v13;
	v12 =	vmax.f32 v12, $0.0e+00;
	v5 =	vadd.f32 v5, v10  }
0x18c: {  	[tilespmem:s8+$0x210] =	vst v12;
	v6 =	vmax.f32 v6, $0.0e+00;
	v4 =	vadd.f32 v4, v9  }
0x18d: {  	[tilespmem:s8+$0x220] =	vst v6;
	v5 =	vmax.f32 v5, $0.0e+00;
	v3 =	vadd.f32 v3, v8  }
0x18e: {  	[tilespmem:s8+$0x230] =	vst v5;
	v4 =	vmax.f32 v4, $0.0e+00;
	v2 =	vadd.f32 v2, v7  }
0x18f: {  	[tilespmem:s8+$0x240] =	vst v4;
	v3 =	vmax.f32 v3, $0.0e+00;
	v1 =	vadd.f32 v1, v11  }
0x190: {  	[tilespmem:s8+$0x250] =	vst v3;
	v2 =	vmax.f32 v2, $0.0e+00  }
0x191: {  	[tilespmem:s8+$0x260] =	vst v2;
	v1 =	vmax.f32 v1, $0.0e+00  }
0x192: {  	s5 =	simm.s32 $0x0;
	s14 =	rddreg [dreg:$0x12];
	[tilespmem:s8+$0x270] =	vst v1  }
0x193: {  	[tilespmem:s5], [sflag:$0x1] =	stream.linear.gather [hbm4b:s14+s5], $0x50, $0x38;
	[tilespmem:$0x1E200] =	vst v63  }
0x194: {  	_ =	swait.ge [sflag:s29], $0x50  }
0x195: {  	[sflag:s29] =	ssyncset.done $0x0  }
0x196: {  	[sflag:s29] =	ssyncadd.s32 $0xFFFFFFB0  }
0x197: {  	[spmem:s3] =	stream.indirect.scatter.add.f32 [tilespmem:s13], [sflag:$0x9], $0x80, s16, s20, $0xb8;
	[tilespmem:$0x1E200] =	vst v63  }
0x198: {  	_ =	swait.ge [sflag:s30], $0x2800  }
0x199: {  	[sflag:s30] =	ssyncset.done $0x0  }
0x19a: {  	s21 =	rddreg [dreg:$0x13];
	[sflag:s30] =	ssyncadd.s32 $0xFFFFD800  }
0x19b: {  	[tilespmem:s16], [sflag:$0x3] =	stream.linear.gather [hbm4b:s21+s5], $0x50, $0x38;
	[tilespmem:$0x1E200] =	vst v63  }
0x19c: {  	_ =	swait.ge [sflag:s19], $0x50  }
0x19d: {  	[sflag:s19] =	ssyncset.done $0x0  }
0x19e: {  	[sflag:s19] =	ssyncadd.s32 $0xFFFFFFB0  }
0x19f: {  	[tilespmem:s13], [sflag:$0x5] =	stream.indirect.gather [hbm4b:s1+s20], $0x80, s5, s20, $0xb8;
	[tilespmem:$0x1E200] =	vst v63  }
0x1a0: {  	s10 =	simm.s32 $0x5200;
	s25 =	rddreg [dreg:$0x14]  }
0x1a1: {  	[tilespmem:s10], [sflag:$0x7] =	stream.linear.gather [hbm4b:s25+s5], $0x2800, $0x38;
	[tilespmem:$0x1E200] =	vst v63  }
0x1a2: {  	_ =	swait.ge [sflag:s31], $0x2800  }
0x1a3: {  	[sflag:s31] =	ssyncset.done $0x0  }
0x1a4: {  	[sflag:s31] =	ssyncadd.s32 $0xFFFFD800  }
0x1a5: {  	_ =	swait.ge [sflag:s0], $0x2800  }
0x1a6: {  	[sflag:s0] =	ssyncset.done $0x0  }
0x1a7: {  	s8 =	simm.s32 $0x0;
	[sflag:s0] =	ssyncadd.s32 $0xFFFFD800  }
0x1a8: {  	v7 =	vld [tilespmem:s8+$0x7A00]  }
0x1a9: {  	v12 =	vld [tilespmem:s8+$0x7A10]  }
0x1aa: {  	v6 =	vld [tilespmem:s8+$0x7A20]  }
0x1ab: {  	v5 =	vld [tilespmem:s8+$0x7A30]  }
0x1ac: {  	v4 =	vld [tilespmem:s8+$0x7A40]  }
0x1ad: {  	v3 =	vld [tilespmem:s8+$0x7A50]  }
0x1ae: {  	v2 =	vld [tilespmem:s8+$0x7A60]  }
0x1af: {  	v1 =	vld [tilespmem:s8+$0x7A70]  }
0x1b0: {  	v13 =	vld [tilespmem:s8+$0x2A00]  }
0x1b1: {  	v14 =	vld [tilespmem:s8+$0x2A10]  }
0x1b2: {  	v11 =	vld [tilespmem:s8+$0x2A20]  }
0x1b3: {  	v10 =	vld [tilespmem:s8+$0x2A30]  }
0x1b4: {  	v9 =	vld [tilespmem:s8+$0x2A40]  }
0x1b5: {  	v8 =	vld [tilespmem:s8+$0x2A50];
	v13 =	vadd.f32 v7, v13  }
0x1b6: {  	s5 =	simm.s32 $0x200;
	s14 =	rddreg [dreg:$0x5];
	v12 =	vadd.f32 v12, v14;
	v7 =	vld [tilespmem:s8+$0x2A60]  }
.LBB2_16:
0x1b7: {  	s10 =	sshra.s32 s5, $0x2;
	p0 =	sne.s32 s5, $0x9E00;
	v13 =	vmax.f32 v13, $0.0e+00;
	v6 =	vadd.f32 v6, v11;
	v11 =	vld [tilespmem:s8+$0x2A70]  }
0x1b8: {  	v14 =	vld [tilespmem:s10+$0x7A00];
	[tilespmem:s8+$0x2A00] =	vst v13;
	v12 =	vmax.f32 v12, $0.0e+00;
	v5 =	vadd.f32 v5, v10  }
0x1b9: {  	v15 =	vld [tilespmem:s10+$0x7A10];
	[tilespmem:s8+$0x2A10] =	vst v12;
	v10 =	vmax.f32 v6, $0.0e+00;
	v4 =	vadd.f32 v4, v9  }
0x1ba: {  	v6 =	vld [tilespmem:s10+$0x7A20];
	[tilespmem:s8+$0x2A20] =	vst v10;
	v9 =	vmax.f32 v5, $0.0e+00;
	v3 =	vadd.f32 v3, v8  }
0x1bb: {  	v5 =	vld [tilespmem:s10+$0x7A30];
	[tilespmem:s8+$0x2A30] =	vst v9;
	v8 =	vmax.f32 v4, $0.0e+00;
	v2 =	vadd.f32 v2, v7  }
0x1bc: {  	v4 =	vld [tilespmem:s10+$0x7A40];
	[tilespmem:s8+$0x2A40] =	vst v8;
	v7 =	vmax.f32 v3, $0.0e+00;
	v1 =	vadd.f32 v1, v11  }
0x1bd: {  	v3 =	vld [tilespmem:s10+$0x7A50];
	[tilespmem:s8+$0x2A50] =	vst v7;
	v7 =	vmax.f32 v2, $0.0e+00  }
0x1be: {  	v2 =	vld [tilespmem:s10+$0x7A60];
	[tilespmem:s8+$0x2A60] =	vst v7;
	v7 =	vmax.f32 v1, $0.0e+00  }
0x1bf: {  	v1 =	vld [tilespmem:s10+$0x7A70];
	[tilespmem:s8+$0x2A70] =	vst v7;
	s8 =	smov.u32 s10  }
0x1c0: {  	v7 =	vld [tilespmem:s8+$0x2A00]  }
0x1c1: {  	v12 =	vld [tilespmem:s8+$0x2A10]  }
.Ltmp7:
0x1c2: {  	v11 =	vld [tilespmem:s8+$0x2A20];
	(pc) =	sbr.rel @p0 .LBB2_16-.Ltmp7, $4  }
0x1c3: {  	v10 =	vld [tilespmem:s8+$0x2A30]  }
0x1c4: {  	v9 =	vld [tilespmem:s8+$0x2A40]  }
0x1c5: {  	v13 =	vadd.f32 v14, v7;
	v8 =	vld [tilespmem:s8+$0x2A50]  }
0x1c6: {  	s5 =	sadd.s32 $0x200, s5;
	v12 =	vadd.f32 v15, v12;
	v7 =	vld [tilespmem:s8+$0x2A60]  }
0x1c7: {  	v13 =	vmax.f32 v13, $0.0e+00;
	v6 =	vadd.f32 v6, v11;
	v11 =	vld [tilespmem:s8+$0x2A70]  }
0x1c8: {  	[tilespmem:s8+$0x2A00] =	vst v13;
	v12 =	vmax.f32 v12, $0.0e+00;
	v5 =	vadd.f32 v5, v10  }
0x1c9: {  	[tilespmem:s8+$0x2A10] =	vst v12;
	v6 =	vmax.f32 v6, $0.0e+00;
	v4 =	vadd.f32 v4, v9  }
0x1ca: {  	[tilespmem:s8+$0x2A20] =	vst v6;
	v5 =	vmax.f32 v5, $0.0e+00;
	v3 =	vadd.f32 v3, v8  }
0x1cb: {  	[tilespmem:s8+$0x2A30] =	vst v5;
	v4 =	vmax.f32 v4, $0.0e+00;
	v2 =	vadd.f32 v2, v7  }
0x1cc: {  	[tilespmem:s8+$0x2A40] =	vst v4;
	v3 =	vmax.f32 v3, $0.0e+00;
	v1 =	vadd.f32 v1, v11  }
0x1cd: {  	[tilespmem:s8+$0x2A50] =	vst v3;
	v2 =	vmax.f32 v2, $0.0e+00  }
0x1ce: {  	[tilespmem:s8+$0x2A60] =	vst v2;
	v1 =	vmax.f32 v1, $0.0e+00  }
0x1cf: {  	[tilespmem:s8+$0x2A70] =	vst v1  }
0x1d0: {  	_ =	swait.ge [sflag:s4], $0x50  }
0x1d1: {  	[sflag:s4] =	ssyncset.done $0x0  }
0x1d2: {  	[sflag:s4] =	ssyncadd.s32 $0xFFFFFFB0  }
0x1d3: {  	[spmem:s3] =	stream.indirect.scatter.add.f32 [tilespmem:s24], [sflag:$0xA], $0x80, s22, s20, $0xb8;
	[tilespmem:$0x1E200] =	vst v63  }
0x1d4: {  	_ =	swait.ge [sflag:s9], $0x2800  }
0x1d5: {  	[sflag:s9] =	ssyncset.done $0x0  }
0x1d6: {  	[sflag:s9] =	ssyncadd.s32 $0xFFFFD800  }
0x1d7: {  	_ =	swait.ge [sflag:s26], $0x2800  }
0x1d8: {  	[sflag:s26] =	ssyncset.done $0x0  }
0x1d9: {  	[sflag:s26] =	ssyncadd.s32 $0xFFFFD800  }
0x1da: {  	_ =	swait.ge [sflag:s28], $0x2800  }
0x1db: {  	[sflag:s28] =	ssyncset.done $0x0  }
0x1dc: {  	s8 =	simm.s32 $0x0;
	[sflag:s28] =	ssyncadd.s32 $0xFFFFD800  }
0x1dd: {  	v7 =	vld [tilespmem:s8+$0x5200]  }
0x1de: {  	v12 =	vld [tilespmem:s8+$0x5210]  }
0x1df: {  	v6 =	vld [tilespmem:s8+$0x5220]  }
0x1e0: {  	v5 =	vld [tilespmem:s8+$0x5230]  }
0x1e1: {  	v4 =	vld [tilespmem:s8+$0x5240]  }
0x1e2: {  	v3 =	vld [tilespmem:s8+$0x5250]  }
0x1e3: {  	v2 =	vld [tilespmem:s8+$0x5260]  }
0x1e4: {  	v1 =	vld [tilespmem:s8+$0x5270]  }
0x1e5: {  	v13 =	vld [tilespmem:s8+$0x200]  }
0x1e6: {  	v14 =	vld [tilespmem:s8+$0x210]  }
0x1e7: {  	v11 =	vld [tilespmem:s8+$0x220]  }
0x1e8: {  	v10 =	vld [tilespmem:s8+$0x230]  }
0x1e9: {  	v9 =	vld [tilespmem:s8+$0x240]  }
0x1ea: {  	v8 =	vld [tilespmem:s8+$0x250];
	v13 =	vadd.f32 v7, v13  }
0x1eb: {  	s5 =	simm.s32 $0x200;
	v12 =	vadd.f32 v12, v14;
	v7 =	vld [tilespmem:s8+$0x260]  }
.LBB2_18:
0x1ec: {  	s10 =	sshra.s32 s5, $0x2;
	p0 =	sne.s32 s5, $0x9E00;
	v13 =	vmax.f32 v13, $0.0e+00;
	v6 =	vadd.f32 v6, v11;
	v11 =	vld [tilespmem:s8+$0x270]  }
0x1ed: {  	v14 =	vld [tilespmem:s10+$0x5200];
	[tilespmem:s8+$0x200] =	vst v13;
	v12 =	vmax.f32 v12, $0.0e+00;
	v5 =	vadd.f32 v5, v10  }
0x1ee: {  	v15 =	vld [tilespmem:s10+$0x5210];
	[tilespmem:s8+$0x210] =	vst v12;
	v10 =	vmax.f32 v6, $0.0e+00;
	v4 =	vadd.f32 v4, v9  }
0x1ef: {  	v6 =	vld [tilespmem:s10+$0x5220];
	[tilespmem:s8+$0x220] =	vst v10;
	v9 =	vmax.f32 v5, $0.0e+00;
	v3 =	vadd.f32 v3, v8  }
0x1f0: {  	v5 =	vld [tilespmem:s10+$0x5230];
	[tilespmem:s8+$0x230] =	vst v9;
	v8 =	vmax.f32 v4, $0.0e+00;
	v2 =	vadd.f32 v2, v7  }
0x1f1: {  	v4 =	vld [tilespmem:s10+$0x5240];
	[tilespmem:s8+$0x240] =	vst v8;
	v7 =	vmax.f32 v3, $0.0e+00;
	v1 =	vadd.f32 v1, v11  }
0x1f2: {  	v3 =	vld [tilespmem:s10+$0x5250];
	[tilespmem:s8+$0x250] =	vst v7;
	v7 =	vmax.f32 v2, $0.0e+00  }
0x1f3: {  	v2 =	vld [tilespmem:s10+$0x5260];
	[tilespmem:s8+$0x260] =	vst v7;
	v7 =	vmax.f32 v1, $0.0e+00  }
0x1f4: {  	v1 =	vld [tilespmem:s10+$0x5270];
	[tilespmem:s8+$0x270] =	vst v7;
	s8 =	smov.u32 s10  }
0x1f5: {  	v7 =	vld [tilespmem:s8+$0x200]  }
0x1f6: {  	v12 =	vld [tilespmem:s8+$0x210]  }
.Ltmp8:
0x1f7: {  	v11 =	vld [tilespmem:s8+$0x220];
	(pc) =	sbr.rel @p0 .LBB2_18-.Ltmp8, $4  }
0x1f8: {  	v10 =	vld [tilespmem:s8+$0x230]  }
0x1f9: {  	v9 =	vld [tilespmem:s8+$0x240]  }
0x1fa: {  	v13 =	vadd.f32 v14, v7;
	v8 =	vld [tilespmem:s8+$0x250]  }
0x1fb: {  	s5 =	sadd.s32 $0x200, s5;
	v12 =	vadd.f32 v15, v12;
	v7 =	vld [tilespmem:s8+$0x260]  }
0x1fc: {  	v13 =	vmax.f32 v13, $0.0e+00;
	v6 =	vadd.f32 v6, v11;
	v63 =	vld [tilespmem:s8+$0x270]  }
0x1fd: {  	[tilespmem:s8+$0x200] =	vst v13;
	v12 =	vmax.f32 v12, $0.0e+00;
	v5 =	vadd.f32 v5, v10  }
0x1fe: {  	[tilespmem:s8+$0x210] =	vst v12;
	v6 =	vmax.f32 v6, $0.0e+00;
	v4 =	vadd.f32 v4, v9  }
0x1ff: {  	[tilespmem:s8+$0x220] =	vst v6;
	v5 =	vmax.f32 v5, $0.0e+00;
	v3 =	vadd.f32 v3, v8  }
0x200: {  	[tilespmem:s8+$0x230] =	vst v5;
	v4 =	vmax.f32 v4, $0.0e+00;
	v2 =	vadd.f32 v2, v7  }
0x201: {  	[tilespmem:s8+$0x240] =	vst v4;
	v3 =	vmax.f32 v3, $0.0e+00;
	v1 =	vadd.f32 v1, v63  }
0x202: {  	[tilespmem:s8+$0x250] =	vst v3;
	v2 =	vmax.f32 v2, $0.0e+00  }
0x203: {  	[tilespmem:s8+$0x260] =	vst v2;
	v1 =	vmax.f32 v1, $0.0e+00  }
0x204: {  	[tilespmem:s8+$0x270] =	vst v1  }
0x205: {  	_ =	swait.ge [sflag:s29], $0x50  }
0x206: {  	[sflag:s29] =	ssyncset.done $0x0  }
0x207: {  	[sflag:s29] =	ssyncadd.s32 $0xFFFFFFB0  }
0x208: {  	[spmem:s3] =	stream.indirect.scatter.add.f32 [tilespmem:s13], [sflag:$0x9], $0x80, s16, s20, $0xb8;
	[tilespmem:$0x1E200] =	vst v63  }
0x209: {  	_ =	swait.ge [sflag:s30], $0x2800  }
0x20a: {  	[sflag:s30] =	ssyncset.done $0x0  }
0x20b: {  	s5 =	stileid.u32;
	[sflag:s30] =	ssyncadd.s32 $0xFFFFD800  }
0x20c: {  	s5 =	sshll.u32 s5, $0x6;
	[bflag:$0x0] =	sbarrier.arrive $0xFFFF  }
0x20d: {  	s25 =	sshrl.u32 s14, $0x3;
	s5 =	sor.u32 $0x1C0B, s5;
	s10 =	rddreg [dreg:$0x15]  }
0x20e: {  	[hbm:s10], [sflag:s5] =	dma.local [spmem:s25], $0x2800  }
0x20f: {  	s10 =	simm.s32 $0xB  }
0x210: {  	_ =	swait.ge [sflag:s10], $0x2800  }
0x211: {  	s21 =	rddreg [dreg:$0x1e]  }
0x212: {  	s25 =	rddreg [dreg:$0x16];
	s8 =	sadd.s32 $0x1, s21  }
0x213: {  	p0 =	sne.s32 s8, s25  }
.Ltmp9:
0x214: {  	_ = 	snop;
	(pc) =	sbr.rel @p0 .LBB2_1-.Ltmp9, $3  }
0x215: {  	_ =	sdelay $0x1  }
0x216: {  	[sflag:s10] =	ssyncset.done $0x0  }
0x217: {  	[sflag:s10] =	ssyncadd.s32 $0xFFFFD800  }
0x218: {  	_ =	sfence.sel $0x180000  }
0x219: {  	[bflag:$0x0] =	sbarrier.arrive $0xFFFF  }
0x21a: {  	_ =	strace $0x90000047  }
0x21b: {  	s0 =	stileid.u32;
	[bflag:$0x2] =	sbarrier.arrive $0xFFFF  }
0x21c: {  	p0 =	sne.s32 s0, $0x0;
	s0 =	rddreg [dreg:$0x4]  }
0x21d: {  	s0 =	sadd.s32 @!p0 $0x100000, s0  }
0x21e: {  	[sflag:s0] =	ssyncadd.tile.s32 @!p0 $0x1;
	_ =	shalt  }
.Lfunc_end2:
_tile_overlayer_lowered:
.L_overlay_start_2:
0x21f: {  	(tag) =	ssettag $0x2  }
0x220: {  	s0 =	rddreg [dreg:$0x0];
	s2 =	stileid.u32  }
0x221: {  	s1 =	rddreg [dreg:$0x1];
	p0 =	sne.s32 s2, $0x0  }
0x222: {  	s3 =	rddreg [dreg:$0x2];
	[bflag:$0x3] =	sbarrier.arrive $0xFFFF;
	s2 =	simm.s32 @!p0 $0x1C0B  }
0x223: {  	[timem:s3], [sflag:s2] =	dma.local @!p0 [hbm:s0], s1  }
0x224: {  	s0 =	simm.s32 @!p0 $0xB  }
0x225: {  	_ =	swait.ge @!p0 [sflag:s0], s1  }
0x226: {  	s1 =	ssub.s32 @!p0 $0x0, s1;
	[sflag:s0] =	ssyncset.done @!p0 $0x0  }
0x227: {  	[sflag:s0] =	ssyncadd.s32 @!p0 s1  }
0x228: {  	[bflag:$0x3] =	sbarrier.arrive $0xFFFF  }
0x229: {  	_ =	shalt  }

// kernel: kernel.13.cloned.1.call-start
scs
__scs_entry_jumppad:
0x0: {  	(pc) =	sbr.rel $0x88, $3  }
0x1: {  	(tag) =	ssettag $0x0;
	lr =	simm.s32 $0x1  }
0x2: {  	[smem:$0x3F98] =	sst lr;
	_ =	strace $0xD0000000  }
0x3: {  	_ = 	snop  }
0x4: {  	_ = 	snop  }
0x5: {  	_ = 	snop  }
0x6: {  	_ = 	snop  }
0x7: {  	_ = 	snop  }
__scs_overlays_trampoline_lowered:
0x8: {  	[smem:$0x3FA7] =	sst s0  }
0x9: {  	[smem:$0x3FA8] =	sst s1  }
0xa: {  	[smem:$0x3FA9] =	sst s2  }
0xb: {  	[smem:$0x3FAA] =	sst s3  }
0xc: {  	[smem:$0x3FAB] =	sst s4  }
0xd: {  	[smem:$0x3FAC] =	sst s5  }
0xe: {  	[smem:$0x3FAD] =	sst s6  }
0xf: {  	[smem:$0x3FAE] =	sst s7  }
0x10: {  	[smem:$0x3FAF] =	sst s8  }
0x11: {  	[smem:$0x3FB0] =	sst s9;
	s0 =	simm.s32 @!p0 $0x0  }
0x12: {  	s1 =	sld [smem:$0x3F96];
	s0 =	simm.s32 @p0 $0x1  }
0x13: {  	[smem:$0x3FB1] =	sst s0;
	s0 =	simm.s32 @!p1 $0x0  }
0x14: {  	s2 =	sld [smem:$0x3F95];
	s0 =	simm.s32 @p1 $0x1  }
0x15: {  	[smem:$0x3FB2] =	sst s0;
	s0 =	simm.s32 @!p2 $0x0  }
0x16: {  	s3 =	sld [smem:$0x3FDB];
	s0 =	simm.s32 @p2 $0x1  }
0x17: {  	s4 =	simm.s32 $0x1BF5;
	[smem:$0x3FB4] =	sst s0  }
0x18: {  	s0 =	sld [smem:$0x3F97];
	_ =	swait.ge [sflag:s4], $0x0  }
0x19: {  	s7 =	sld [smem:$0x3F98]  }
0x1a: {  	s8 =	sadd.s32 $0xFFFFE003, lr  }
0x1b: {  	s9 =	sadd.s32 $0xFFFFFEF7, lr;
	s5 =	simm.s32 $0xFFFFFFFF;
	p2 =	slt.u32 s8, $0xFFFFF086  }
0x1c: {  	p1 =	slt.u32 s9, $0xF7A;
	s5 =	simm.s32 @!p2 $0x0  }
0x1d: {  	s5 =	simm.s32 @p1 $0x1;
	p0 =	seq.s32 s7, s2  }
0x1e: {  	s7 =	smul.u32 @!p0 $0xF7A, s2;
	p2 =	seq.s32 @!p0 s5, $0x0  }
0x1f: {  	s9 =	smul.u32 $0xF7A, s1;
	s8 =	simm.s32 @!p0 $0x1BF5;
	p2 =	por !p2, p0  }
0x20: {  	[sflag:s8] =	ssyncset.s32 @!p0 $0xFFFFF086;
	s6 =	sadd.s32 @!p0 s3, s7;
	s7 =	simm.s32 @!p0 $0x108  }
0x21: {  	s3 =	sadd.s32 s3, s9;
	s6 =	sadd.s32 @!p0 $0x88, s6;
	s7 =	simm.s32 @p2 $0x1082  }
0x22: {  	[simem:s7], [sflag:s8] =	dma.local @!p0 [hbm:s6], $0xF7A  }
0x23: {  	s9 =	sor.u32 $0xD0000000, s2;
	s6 =	simm.s32 $0x108;
	_ =	swait.ge @!p0 [sflag:s8], $0x0  }
0x24: {  	s3 =	sadd.s32 $0x88, s3;
	s6 =	simm.s32 @!p1 $0x1082;
	[sflag:s4] =	ssyncset.s32 $0xFFFFF086  }
0x25: {  	[simem:s6], [sflag:s4] =	dma.local [hbm:s3], $0xF7A  }
0x26: {  	[smem:$0x3F98] =	sst s1;
	(tag) =	ssettag s2;
	_ =	strace s9  }
0x27: {  	s1 =	sld [smem:$0x3FA8]  }
0x28: {  	s2 =	sld [smem:$0x3FA9]  }
0x29: {  	s4 =	sld [smem:$0x3FAB]  }
0x2a: {  	p0 =	seq.s32 s5, $0x0;
	s5 =	sld [smem:$0x3FAC]  }
0x2b: {  	s6 =	sld [smem:$0x3FAD]  }
0x2c: {  	s7 =	sld [smem:$0x3FAE]  }
0x2d: {  	s3 =	simm.s32 $0x108;
	s8 =	sld [smem:$0x3FAF]  }
0x2e: {  	s3 =	simm.s32 @!p0 $0x1082;
	s9 =	sld [smem:$0x3FB0]  }
0x2f: {  	lr =	sadd.s32 s0, s3;
	s0 =	sld [smem:$0x3FA7]  }
0x30: {  	s3 =	sld [smem:$0x3FAA]  }
0x31: {  	[smem:$0x3FB3] =	sst s10  }
0x32: {  	s10 =	sld [smem:$0x3FB1];
	_ =	sdelay $0x3  }
0x33: {  	p0 =	seq.s32 s10, $0x1;
	s10 =	sld [smem:$0x3FB3];
	_ =	sdelay $0x3  }
0x34: {  	[smem:$0x3FB3] =	sst s10  }
0x35: {  	s10 =	sld [smem:$0x3FB2];
	_ =	sdelay $0x3  }
0x36: {  	p1 =	seq.s32 s10, $0x1;
	s10 =	sld [smem:$0x3FB3];
	_ =	sdelay $0x3  }
0x37: {  	[smem:$0x3FB3] =	sst s10  }
0x38: {  	s10 =	sld [smem:$0x3FB4]  }
0x39: {  	_ = 	snop;
	(pc) =	sbr.ind lr, $3  }
0x3a: {  	_ = 	snop  }
0x3b: {  	_ = 	snop  }
0x3c: {  	p2 =	seq.s32 s10, $0x1;
	s10 =	sld [smem:$0x3FB3]  }
0x3d: {  	_ =	shalt  }
0x3e: {  	_ =	shalt  }
0x3f: {  	_ =	shalt  }
0x40: {  	_ =	shalt  }
0x41: {  	_ =	shalt  }
0x42: {  	_ =	shalt  }
0x43: {  	_ =	shalt  }
0x44: {  	_ =	shalt  }
0x45: {  	_ =	shalt  }
0x46: {  	_ =	shalt  }
0x47: {  	_ =	shalt  }
0x48: {  	_ =	shalt  }
0x49: {  	_ =	shalt  }
0x4a: {  	_ =	shalt  }
0x4b: {  	_ =	shalt  }
0x4c: {  	_ =	shalt  }
0x4d: {  	_ =	shalt  }
0x4e: {  	_ =	shalt  }
0x4f: {  	_ =	shalt  }
0x50: {  	_ =	shalt  }
0x51: {  	_ =	shalt  }
0x52: {  	_ =	shalt  }
0x53: {  	_ =	shalt  }
0x54: {  	_ =	shalt  }
0x55: {  	_ =	shalt  }
0x56: {  	_ =	shalt  }
0x57: {  	_ =	shalt  }
0x58: {  	_ =	shalt  }
0x59: {  	_ =	shalt  }
0x5a: {  	_ =	shalt  }
0x5b: {  	_ =	shalt  }
0x5c: {  	_ =	shalt  }
0x5d: {  	_ =	shalt  }
0x5e: {  	_ =	shalt  }
0x5f: {  	_ =	shalt  }
0x60: {  	_ =	shalt  }
0x61: {  	_ =	shalt  }
0x62: {  	_ =	shalt  }
0x63: {  	_ =	shalt  }
0x64: {  	_ =	shalt  }
0x65: {  	_ =	shalt  }
0x66: {  	_ =	shalt  }
0x67: {  	_ =	shalt  }
0x68: {  	_ =	shalt  }
0x69: {  	_ =	shalt  }
0x6a: {  	_ =	shalt  }
0x6b: {  	_ =	shalt  }
0x6c: {  	_ =	shalt  }
0x6d: {  	_ =	shalt  }
0x6e: {  	_ =	shalt  }
0x6f: {  	_ =	shalt  }
0x70: {  	_ =	shalt  }
0x71: {  	_ =	shalt  }
0x72: {  	_ =	shalt  }
0x73: {  	_ =	shalt  }
0x74: {  	_ =	shalt  }
0x75: {  	_ =	shalt  }
0x76: {  	_ =	shalt  }
0x77: {  	_ =	shalt  }
0x78: {  	_ =	shalt  }
0x79: {  	_ =	shalt  }
0x7a: {  	_ =	shalt  }
0x7b: {  	_ =	shalt  }
0x7c: {  	_ =	shalt  }
0x7d: {  	_ =	shalt  }
0x7e: {  	_ =	shalt  }
0x7f: {  	_ =	shalt  }
0x80: {  	_ =	shalt  }
0x81: {  	_ =	shalt  }
0x82: {  	_ =	shalt  }
0x83: {  	_ =	shalt  }
0x84: {  	_ =	shalt  }
0x85: {  	_ =	shalt  }
0x86: {  	_ =	shalt  }
0x87: {  	_ =	shalt  }
.Lfunc_end0:
.L_simem_size_0:
called_computation.2_lowered:
.L_overlay_start_0:
0x88: {  	s2 =	sld [smem:$0x3FD9]  }
0x89: {  	s3 =	sld [smem:$0x3FFE];
	_ =	sdelay $0x1  }
0x8a: {  	s1 =	srdreg.scid  }
0x8b: {  	s0 =	sand.u32 $0x1, s1  }
0x8c: {  	s17 =	sshll.u32 s0, $0xA;
	s2 =	sadd.s32 s3, s2  }
0x8d: {  	s2 =	sadd.s32 s2, s17  }
0x8e: {  	[smem:$0x3FBF] =	sst s2  }
0x8f: {  	_ = 	snop  }
0x90: {  	s2 =	sld [smem:$0x3FC7]  }
0x91: {  	s18 =	sld [smem:$0x3FD0];
	(tm) =	ssettm $0x1  }
0x92: {  	s4 =	sld [smem:$0x3FFB];
	_ =	sdelay $0x3  }
0x93: {  	_ =	strace s4  }
0x94: {  	s4 =	sld [smem:$0x3FFC];
	_ =	sdelay $0x3  }
0x95: {  	_ =	strace s4  }
0x96: {  	s4 =	sld [smem:$0x3FFD];
	_ =	sdelay $0x3  }
0x97: {  	_ =	strace s4  }
0x98: {  	_ =	strace $0x8FFFFFFF  }
0x99: {  	s19 =	sld [smem:$0x3FDB];
	_ =	sdelay $0x1  }
0x9a: {  	s5 =	simm.s32 $_scs_section_size  }
0x9b: {  	s6 =	simm.s32 $_size__tile_overlayer_lowered;
	s7 =	simm.s32 $_tile_overlayer_lowered  }
0x9c: {  	s22 =	simm.s32 $0x1BFF;
	s21 =	sshll.u32 s7, $0x1;
	s4 =	sadd.s32 s5, s19  }
0x9d: {  	s8 =	simm.s32 $0x0;
	s20 =	sshll.u32 s6, $0x1;
	s6 =	sadd.s32 s21, s4  }
0x9e: {  	[timem:s8], [sflag:s22] =	dma.local [hbm:s6], s20  }
0x9f: {  	_ =	swait.ge [sflag:s22], s20  }
0xa0: {  	s5 =	ssub.s32 $0x0, s20;
	[sflag:s22] =	ssyncset.done $0x0  }
0xa1: {  	[sflag:s22] =	ssyncadd.s32 s5;
	_ =	sdelay $0x1  }
0xa2: {  	s23 =	simm.s32 $0x1B8B  }
0xa3: {  	_ =	swait.ge [sflag:s23], $0x1  }
0xa4: {  	[sflag:s23] =	ssyncset.done $0x0  }
0xa5: {  	s25 =	simm.s32 $0x1B8E;
	s24 =	sld [smem:$0x3FFE];
	[sflag:s23] =	ssyncadd.s32 $0xFFFFFFFF  }
0xa6: {  	s26 =	simm.s32 $execute0_lowered;
	[smem:$0x3FD2] =	sst s25  }
0xa7: {  	s6 =	sshll.u32 s26, $0x1;
	_ =	strace $0x8000004C;
	[dreg:$0x1] =	wrdreg $0xFFFFFFFF  }
0xa8: {  	s28 =	simm.s32 $_size_execute0_lowered;
	s4 =	sadd.s32 s4, s6;
	[dreg:$0x0] =	wrdreg $0x0  }
0xa9: {  	s6 =	sshll.u32 s28, $0x1;
	[dreg:$0x2] =	wrdreg s4  }
0xaa: {  	[dreg:$0x3] =	wrdreg s6  }
0xab: {  	[dreg:$0x4] =	wrdreg $0xC0  }
0xac: {  	_ =	task [dreg:s8], $0x5FFFF  }
0xad: {  	[dreg:$0x1] =	wrdreg $0xFFFFFFFF  }
0xae: {  	[dreg:$0x0] =	wrdreg $0x60  }
0xaf: {  	[dreg:$0x2] =	wrdreg s18  }
0xb0: {  	[dreg:$0x3] =	wrdreg s24  }
0xb1: {  	[dreg:$0x4] =	wrdreg s2  }
0xb2: {  	[dreg:$0x5] =	wrdreg $0xA2000  }
0xb3: {  	[dreg:$0x6] =	wrdreg $0x9  }
0xb4: {  	_ =	task.clear_ibuf [dreg:s8], $0x7FFFF;
	_ =	strace $0x9000004C  }
0xb5: {  	s29 =	simm.s32 $0x9;
	_ =	strace $0x8000004E  }
0xb6: {  	_ =	swait.ge [sflag:s29], $0x1  }
0xb7: {  	[sflag:s29] =	ssyncadd.s32 $0xFFFFFFFF  }
0xb8: {  	_ =	strace $0x9000004E  }
0xb9: {  	_ =	sfence  }
0xba: {  	s30 =	sld [smem:$0x0];
	_ =	sdelay $0x2  }
0xbb: {  	s31 =	sshll.u32 s1, $0xD;
	s1 =	sshrl.u32 s1, $0x2  }
0xbc: {  	s3 =	sand.u32 $0x4000, s31;
	s1 =	sadd.s32 s1, s30  }
0xbd: {  	s0 =	sor.u32 s3, s0;
	s1 =	sshll.u32 s1, $0x11  }
0xbe: {  	s0 =	sor.u32 s1, s0  }
0xbf: {  	s0 =	sadd.s32 $0x8F2B, s0  }
0xc0: {  	[sflag:s0] =	ssyncadd.remote.s32 $0x1  }
0xc1: {  	_ =	sfence.sel $0xFFFF  }
0xc2: {  	[dreg:$0x0] =	wrdreg $0xFFFFFFFF;
	(pc) =	sbr.abs _section_cstart, $3  }
0xc3: {  	[dreg:$0x1] =	wrdreg $0xFFFFFFFF  }
0xc4: {  	_ =	task.clear_ibuf [dreg:s8], $0x2FFFF;
	_ =	strace $0x9FFFFFFF  }
0xc5: {  	(tm) =	ssettm $0x7FFFFFFF  }
tec
execute0_lowered:
.L_overlay_start_1:
0x0: {  	(tag) =	ssettag $0x1  }
0x1: {  	s1 =	rddreg [dreg:$0x0]  }
0x2: {  	s0 =	rddreg [dreg:$0x1]  }
0x3: {  	s2 =	rddreg [dreg:$0x2]  }
0x4: {  	s3 =	rddreg [dreg:$0x3]  }
0x5: {  	s4 =	srdreg.scid;
	s6 =	simm.s32 $0x0;
	s9 =	stileid.u32  }
0x6: {  	s28 =	simm.s32 $0x7;
	s29 =	simm.s32 $0x3;
	s30 =	simm.s32 $0x9  }
0x7: {  	s31 =	simm.s32 $0x6;
	s4 =	sand.u32 $0x1, s4;
	s8 =	smul.u32 $0x14000, s9  }
0x8: {  	[smem:$0x7FF] =	sst s6;
	s6 =	sadd.s32 $0xBE00, s0;
	s5 =	smul.u32 $0x140000, s4  }
0x9: {  	s7 =	sadd.s32 $0x2000, s0;
	s23 =	sshll.u32 s4, $0x4;
	s4 =	ssub.s32 $0x2, s4  }
0xa: {  	_ =	strace $0x8000004D;
	s10 =	sshrl.u32 s4, $0x1;
	s5 =	sadd.s32 s8, s5  }
0xb: {  	s8 =	sor.u32 s9, s23;
	s9 =	smul.u32 $0x50000, s9;
	s4 =	ssub.s32 s4, s10  }
0xc: {  	s10 =	simm.s32 $0xB;
	s5 =	sshrl.u32 s5, $0x3;
	s11 =	smul.u32 $0x2710, s8  }
0xd: {  	s8 =	smul.u32 $0x27100, s8;
	s0 =	sadd.s32 s5, s0;
	s24 =	sshrl.u32 s9, $0x2  }
0xe: {  	s9 =	simm.s32 $0xA;
	s14 =	sadd.s32 s24, s3;
	s25 =	sshrl.u32 s11, $0x3  }
0xf: {  	s26 =	sadd.s32 $0x50, s11;
	s15 =	sadd.s32 s2, s8;
	s20 =	sadd.s32 $0x2620, s11  }
0x10: {  	s22 =	sadd.s32 $0x2670, s11;
	s0 =	sadd.s32 $0x15C00, s0;
	[dreg:$0x9] =	wrdreg s15  }
0x11: {  	s12 =	sadd.s32 s6, s25;
	s13 =	sshrl.u32 s26, $0x3;
	[dreg:$0x15] =	wrdreg s0  }
0x12: {  	s5 =	sadd.s32 s7, s25;
	s16 =	sshll.u32 s26, $0x4;
	[dreg:$0x5] =	wrdreg s14  }
0x13: {  	s21 =	sshrl.u32 s20, $0x3;
	s23 =	sshrl.u32 s22, $0x3;
	[dreg:$0x6] =	wrdreg s12  }
0x14: {  	s24 =	sshll.u32 s22, $0x4;
	s22 =	sadd.s32 $0x7800, s14;
	[dreg:$0x8] =	wrdreg s5  }
0x15: {  	s25 =	sadd.s32 $0x26C0, s11;
	s12 =	sadd.s32 s6, s13;
	[dreg:$0x19] =	wrdreg s22  }
0x16: {  	s0 =	simm.s32 $0x8;
	s18 =	sadd.s32 s7, s13;
	[dreg:$0x7] =	wrdreg s12  }
0x17: {  	s5 =	sadd.s32 s2, s16;
	s8 =	sadd.s32 s7, s21;
	[dreg:$0xa] =	wrdreg s18  }
0x18: {  	s26 =	sadd.s32 s6, s23;
	s13 =	sshrl.u32 s25, $0x3;
	[dreg:$0xb] =	wrdreg s5  }
0x19: {  	s16 =	sshll.u32 s25, $0x4;
	s21 =	sadd.s32 $0x5000, s14;
	[dreg:$0xd] =	wrdreg s8  }
0x1a: {  	s25 =	sadd.s32 $0xF000, s14;
	s22 =	simm.s32 $0x180;
	[dreg:$0xf] =	wrdreg s26  }
0x1b: {  	s12 =	sadd.s32 $0xA0, s11;
	s18 =	sadd.s32 $0x140, s11;
	[dreg:$0x18] =	wrdreg s21  }
0x1c: {  	s5 =	sshll.u32 s20, $0x4;
	s15 =	sadd.s32 s6, s13;
	[dreg:$0x1c] =	wrdreg s25  }
0x1d: {  	s20 =	sadd.s32 $0x2800, s14;
	s26 =	sadd.s32 $0x11800, s14;
	[dreg:$0x12] =	wrdreg s15  }
0x1e: {  	s8 =	simm.s32 $0x0;
	s17 =	sshrl.u32 s12, $0x3;
	[dreg:$0x17] =	wrdreg s20  }
0x1f: {  	s5 =	sadd.s32 s2, s5;
	[dreg:$0x1d] =	wrdreg s26;
	s15 =	simm.s32 $0x80  }
0x20: {  	s20 =	simm.s32 $0x50;
	s19 =	sadd.s32 s6, s17;
	[dreg:$0xe] =	wrdreg s5  }
0x21: {  	s26 =	simm.s32 $0x5;
	s5 =	sadd.s32 s7, s23;
	[dreg:$0xc] =	wrdreg s19  }
0x22: {  	s17 =	sadd.s32 $0xF0, s11;
	s11 =	sadd.s32 s2, s24;
	[dreg:$0x10] =	wrdreg s5  }
0x23: {  	s23 =	sadd.s32 $0xA000, s14;
	s24 =	sadd.s32 $0xC800, s14;
	[dreg:$0x11] =	wrdreg s11  }
0x24: {  	s5 =	sadd.s32 s7, s13;
	s19 =	smax.u32 s4, $0x1;
	[dreg:$0x1a] =	wrdreg s23  }
0x25: {  	[dreg:$0x1b] =	wrdreg s24;
	s13 =	simm.s32 $0x200;
	s23 =	simm.s32 $0x2  }
0x26: {  	s24 =	simm.s32 $0x2A00;
	s4 =	simm.s32 $0x4;
	[dreg:$0x13] =	wrdreg s5  }
0x27: {  	s11 =	simm.s32 $0x0;
	s5 =	sadd.s32 s2, s16;
	[dreg:$0x16] =	wrdreg s19  }
0x28: {  	v0 =	vimm.f32 $0.0e+00;
	s16 =	simm.s32 $0x100;
	s19 =	simm.s32 $0x1;
	[dreg:$0x14] =	wrdreg s5  }
.LBB2_1:
0x29: {  	[dreg:$0x1e] =	wrdreg s8;
	s5 =	simm.s32 $0x0;
	s8 =	simm.s32 $0x200  }
.LBB2_2:
0x2a: {  	p0 =	sne.s32 s8, $0x9E00;
	[tilespmem:s5+$0x270] =	vst v0  }
0x2b: {  	[tilespmem:s5+$0x200] =	vst v0  }
0x2c: {  	[tilespmem:s5+$0x210] =	vst v0  }
.Ltmp0:
0x2d: {  	[tilespmem:s5+$0x220] =	vst v0;
	(pc) =	sbr.rel @p0 .LBB2_2-.Ltmp0, $4  }
0x2e: {  	[tilespmem:s5+$0x230] =	vst v0  }
0x2f: {  	[tilespmem:s5+$0x240] =	vst v0  }
0x30: {  	[tilespmem:s5+$0x250] =	vst v0  }
0x31: {  	[tilespmem:s5+$0x260] =	vst v0;
	s5 =	sshra.s32 s8, $0x2;
	s8 =	sadd.s32 $0x200, s8  }
0x32: {  	[tilespmem:s5+$0x270] =	vst v0  }
0x33: {  	[tilespmem:s5+$0x200] =	vst v0  }
0x34: {  	[tilespmem:s5+$0x210] =	vst v0  }
0x35: {  	[tilespmem:s5+$0x220] =	vst v0  }
0x36: {  	[tilespmem:s5+$0x230] =	vst v0  }
0x37: {  	[tilespmem:s5+$0x240] =	vst v0  }
0x38: {  	[tilespmem:s5+$0x250] =	vst v0  }
0x39: {  	[tilespmem:s5+$0x260] =	vst v0  }
0x3a: {  	[spmem:s14] =	stream.linear.scatter [tilespmem:s13], [sflag:$0xB], $0x2800, $0x38;
	[tilespmem:$0x1E200] =	vst v63  }
0x3b: {  	_ =	swait.ge [sflag:s10], $0x2800  }
0x3c: {  	[sflag:s10] =	ssyncset.done $0x0  }
0x3d: {  	s21 =	rddreg [dreg:$0x17];
	[sflag:s10] =	ssyncadd.s32 $0xFFFFD800  }
0x3e: {  	[spmem:s21] =	stream.linear.scatter [tilespmem:s13], [sflag:$0xB], $0x2800, $0x38;
	[tilespmem:$0x1E200] =	vst v63  }
0x3f: {  	_ =	swait.ge [sflag:s10], $0x2800  }
0x40: {  	[sflag:s10] =	ssyncset.done $0x0  }
0x41: {  	s25 =	rddreg [dreg:$0x18];
	[sflag:s10] =	ssyncadd.s32 $0xFFFFD800  }
0x42: {  	[spmem:s25] =	stream.linear.scatter [tilespmem:s13], [sflag:$0xB], $0x2800, $0x38;
	[tilespmem:$0x1E200] =	vst v63  }
0x43: {  	_ =	swait.ge [sflag:s10], $0x2800  }
0x44: {  	[sflag:s10] =	ssyncset.done $0x0  }
0x45: {  	s8 =	rddreg [dreg:$0x19];
	[sflag:s10] =	ssyncadd.s32 $0xFFFFD800  }
0x46: {  	[spmem:s8] =	stream.linear.scatter [tilespmem:s13], [sflag:$0xB], $0x2800, $0x38;
	[tilespmem:$0x1E200] =	vst v63  }
0x47: {  	_ =	swait.ge [sflag:s10], $0x2800  }
0x48: {  	[sflag:s10] =	ssyncset.done $0x0  }
0x49: {  	s14 =	rddreg [dreg:$0x1a];
	[sflag:s10] =	ssyncadd.s32 $0xFFFFD800  }
0x4a: {  	[spmem:s14] =	stream.linear.scatter [tilespmem:s13], [sflag:$0xB], $0x2800, $0x38;
	[tilespmem:$0x1E200] =	vst v63  }
0x4b: {  	_ =	swait.ge [sflag:s10], $0x2800  }
0x4c: {  	[sflag:s10] =	ssyncset.done $0x0  }
0x4d: {  	s21 =	rddreg [dreg:$0x1b];
	[sflag:s10] =	ssyncadd.s32 $0xFFFFD800  }
0x4e: {  	[spmem:s21] =	stream.linear.scatter [tilespmem:s13], [sflag:$0xB], $0x2800, $0x38;
	[tilespmem:$0x1E200] =	vst v63  }
0x4f: {  	_ =	swait.ge [sflag:s10], $0x2800  }
0x50: {  	[sflag:s10] =	ssyncset.done $0x0  }
0x51: {  	s25 =	rddreg [dreg:$0x1c];
	[sflag:s10] =	ssyncadd.s32 $0xFFFFD800  }
0x52: {  	[spmem:s25] =	stream.linear.scatter [tilespmem:s13], [sflag:$0xB], $0x2800, $0x38;
	[tilespmem:$0x1E200] =	vst v63  }
0x53: {  	_ =	swait.ge [sflag:s10], $0x2800  }
0x54: {  	[sflag:s10] =	ssyncset.done $0x0  }
0x55: {  	s8 =	rddreg [dreg:$0x1d];
	[sflag:s10] =	ssyncadd.s32 $0xFFFFD800  }
0x56: {  	[spmem:s8] =	stream.linear.scatter [tilespmem:s13], [sflag:$0xB], $0x2800, $0x38;
	[tilespmem:$0x1E200] =	vst v63  }
0x57: {  	_ =	swait.ge [sflag:s10], $0x2800  }
0x58: {  	[sflag:s10] =	ssyncset.done $0x0  }
0x59: {  	[sflag:s10] =	ssyncadd.s32 $0xFFFFD800  }
0x5a: {  	[bflag:$0x0] =	sbarrier.arrive $0xFFFF  }
0x5b: {  	s5 =	simm.s32 $0x0;
	s8 =	rddreg [dreg:$0x6]  }
0x5c: {  	[tilespmem:s5], [sflag:$0x1] =	stream.linear.gather [hbm4b:s8+s5], $0x50, $0x38;
	[tilespmem:$0x1E200] =	vst v63  }
0x5d: {  	s10 =	rddreg [dreg:$0x7]  }
0x5e: {  	[tilespmem:s15], [sflag:$0x2] =	stream.linear.gather [hbm4b:s10+s5], $0x50, $0x38;
	[tilespmem:$0x1E200] =	vst v63  }
0x5f: {  	s14 =	rddreg [dreg:$0x8]  }
0x60: {  	[tilespmem:s16], [sflag:$0x3] =	stream.linear.gather [hbm4b:s14+s5], $0x50, $0x38;
	[tilespmem:$0x1E200] =	vst v63  }
0x61: {  	_ =	swait.ge [sflag:s19], $0x50  }
0x62: {  	[sflag:s19] =	ssyncset.done $0x0  }
0x63: {  	[sflag:s19] =	ssyncadd.s32 $0xFFFFFFB0  }
0x64: {  	[tilespmem:s13], [sflag:$0x5] =	stream.indirect.gather [hbm4b:s1+s20], $0x80, s5, s20, $0xb8;
	[tilespmem:$0x1E200] =	vst v63  }
0x65: {  	s25 =	simm.s32 $0x5200;
	s21 =	rddreg [dreg:$0x9]  }
0x66: {  	[tilespmem:s25], [sflag:$0x7] =	stream.linear.gather [hbm4b:s21+s5], $0x2800, $0x38;
	[tilespmem:$0x1E200] =	vst v63  }
0x67: {  	s14 =	rddreg [dreg:$0xa]  }
0x68: {  	[tilespmem:s22], [sflag:$0x4] =	stream.linear.gather [hbm4b:s14+s5], $0x50, $0x38;
	[tilespmem:$0x1E200] =	vst v63  }
0x69: {  	_ =	swait.ge [sflag:s23], $0x50  }
0x6a: {  	[sflag:s23] =	ssyncset.done $0x0  }
0x6b: {  	[sflag:s23] =	ssyncadd.s32 $0xFFFFFFB0  }
0x6c: {  	[tilespmem:s24], [sflag:$0x6] =	stream.indirect.gather [hbm4b:s1+s20], $0x80, s15, s20, $0xb8;
	[tilespmem:$0x1E200] =	vst v63  }
0x6d: {  	s25 =	simm.s32 $0x7A00;
	s21 =	rddreg [dreg:$0xb]  }
0x6e: {  	[tilespmem:s25], [sflag:$0x8] =	stream.linear.gather [hbm4b:s21+s5], $0x2800, $0x38;
	[tilespmem:$0x1E200] =	vst v63  }
0x6f: {  	_ =	swait.ge [sflag:s26], $0x2800  }
0x70: {  	[sflag:s26] =	ssyncset.done $0x0  }
0x71: {  	[sflag:s26] =	ssyncadd.s32 $0xFFFFD800  }
0x72: {  	_ =	swait.ge [sflag:s28], $0x2800  }
0x73: {  	[sflag:s28] =	ssyncset.done $0x0  }
0x74: {  	s8 =	simm.s32 $0x0;
	[sflag:s28] =	ssyncadd.s32 $0xFFFFD800  }
0x75: {  	v7 =	vld [tilespmem:s8+$0x5200]  }
0x76: {  	v12 =	vld [tilespmem:s8+$0x5210]  }
0x77: {  	v6 =	vld [tilespmem:s8+$0x5220]  }
0x78: {  	v5 =	vld [tilespmem:s8+$0x5230]  }
0x79: {  	v4 =	vld [tilespmem:s8+$0x5240]  }
0x7a: {  	v3 =	vld [tilespmem:s8+$0x5250]  }
0x7b: {  	v2 =	vld [tilespmem:s8+$0x5260]  }
0x7c: {  	v1 =	vld [tilespmem:s8+$0x5270]  }
0x7d: {  	v13 =	vld [tilespmem:s8+$0x200]  }
0x7e: {  	v14 =	vld [tilespmem:s8+$0x210]  }
0x7f: {  	v11 =	vld [tilespmem:s8+$0x220]  }
0x80: {  	v10 =	vld [tilespmem:s8+$0x230]  }
0x81: {  	v9 =	vld [tilespmem:s8+$0x240]  }
0x82: {  	v8 =	vld [tilespmem:s8+$0x250];
	v13 =	vadd.f32 v7, v13  }
0x83: {  	s10 =	simm.s32 $0x200;
	v12 =	vadd.f32 v12, v14;
	v7 =	vld [tilespmem:s8+$0x260]  }
.LBB2_4:
0x84: {  	s5 =	sshra.s32 s10, $0x2;
	p0 =	sne.s32 s10, $0x9E00;
	v13 =	vmax.f32 v13, $0.0e+00;
	v6 =	vadd.f32 v6, v11;
	v11 =	vld [tilespmem:s8+$0x270]  }
0x85: {  	v14 =	vld [tilespmem:s5+$0x5200];
	[tilespmem:s8+$0x200] =	vst v13;
	v12 =	vmax.f32 v12, $0.0e+00;
	v5 =	vadd.f32 v5, v10  }
0x86: {  	v15 =	vld [tilespmem:s5+$0x5210];
	[tilespmem:s8+$0x210] =	vst v12;
	v10 =	vmax.f32 v6, $0.0e+00;
	v4 =	vadd.f32 v4, v9  }
0x87: {  	v6 =	vld [tilespmem:s5+$0x5220];
	[tilespmem:s8+$0x220] =	vst v10;
	v9 =	vmax.f32 v5, $0.0e+00;
	v3 =	vadd.f32 v3, v8  }
0x88: {  	v5 =	vld [tilespmem:s5+$0x5230];
	[tilespmem:s8+$0x230] =	vst v9;
	v8 =	vmax.f32 v4, $0.0e+00;
	v2 =	vadd.f32 v2, v7  }
0x89: {  	v4 =	vld [tilespmem:s5+$0x5240];
	[tilespmem:s8+$0x240] =	vst v8;
	v7 =	vmax.f32 v3, $0.0e+00;
	v1 =	vadd.f32 v1, v11  }
0x8a: {  	v3 =	vld [tilespmem:s5+$0x5250];
	[tilespmem:s8+$0x250] =	vst v7;
	v7 =	vmax.f32 v2, $0.0e+00  }
0x8b: {  	v2 =	vld [tilespmem:s5+$0x5260];
	[tilespmem:s8+$0x260] =	vst v7;
	v7 =	vmax.f32 v1, $0.0e+00  }
0x8c: {  	v1 =	vld [tilespmem:s5+$0x5270];
	[tilespmem:s8+$0x270] =	vst v7;
	s8 =	smov.u32 s5  }
0x8d: {  	v7 =	vld [tilespmem:s8+$0x200]  }
0x8e: {  	v12 =	vld [tilespmem:s8+$0x210]  }
.Ltmp1:
0x8f: {  	v11 =	vld [tilespmem:s8+$0x220];
	(pc) =	sbr.rel @p0 .LBB2_4-.Ltmp1, $4  }
0x90: {  	v10 =	vld [tilespmem:s8+$0x230]  }
0x91: {  	v9 =	vld [tilespmem:s8+$0x240]  }
0x92: {  	v13 =	vadd.f32 v14, v7;
	v8 =	vld [tilespmem:s8+$0x250]  }
0x93: {  	s10 =	sadd.s32 $0x200, s10;
	v12 =	vadd.f32 v15, v12;
	v7 =	vld [tilespmem:s8+$0x260]  }
0x94: {  	v13 =	vmax.f32 v13, $0.0e+00;
	v6 =	vadd.f32 v6, v11;
	v63 =	vld [tilespmem:s8+$0x270]  }
0x95: {  	[tilespmem:s8+$0x200] =	vst v13;
	v12 =	vmax.f32 v12, $0.0e+00;
	v5 =	vadd.f32 v5, v10  }
0x96: {  	[tilespmem:s8+$0x210] =	vst v12;
	v6 =	vmax.f32 v6, $0.0e+00;
	v4 =	vadd.f32 v4, v9  }
0x97: {  	[tilespmem:s8+$0x220] =	vst v6;
	v5 =	vmax.f32 v5, $0.0e+00;
	v3 =	vadd.f32 v3, v8  }
0x98: {  	[tilespmem:s8+$0x230] =	vst v5;
	v4 =	vmax.f32 v4, $0.0e+00;
	v2 =	vadd.f32 v2, v7  }
0x99: {  	[tilespmem:s8+$0x240] =	vst v4;
	v3 =	vmax.f32 v3, $0.0e+00;
	v1 =	vadd.f32 v1, v63  }
0x9a: {  	[tilespmem:s8+$0x250] =	vst v3;
	v2 =	vmax.f32 v2, $0.0e+00  }
0x9b: {  	[tilespmem:s8+$0x260] =	vst v2;
	v1 =	vmax.f32 v1, $0.0e+00  }
0x9c: {  	s5 =	rddreg [dreg:$0xc];
	[tilespmem:s8+$0x270] =	vst v1  }
0x9d: {  	[tilespmem:s11], [sflag:$0x1] =	stream.linear.gather [hbm4b:s5+s11], $0x50, $0x38;
	[tilespmem:$0x1E200] =	vst v63  }
0x9e: {  	_ =	swait.ge [sflag:s29], $0x50  }
0x9f: {  	[sflag:s29] =	ssyncset.done $0x0  }
0xa0: {  	s8 =	simm.s32 $0x0;
	[sflag:s29] =	ssyncadd.s32 $0xFFFFFFB0  }
0xa1: {  	[spmem:s3] =	stream.indirect.scatter.add.f32 [tilespmem:s13], [sflag:$0x9], $0x80, s16, s20, $0xb8;
	[tilespmem:$0x1E200] =	vst v63  }
.LBB2_6:
0xa2: {  	s10 =	smul.u32 $0xA0, s8;
	_ =	sdelay $0x1  }
0xa3: {  	_ =	swait.ge [sflag:s30], $0x2800;
	s5 =	sadd.s32 s10, s12  }
0xa4: {  	[sflag:s30] =	ssyncset.done $0x0;
	s14 =	sshrl.u32 s5, $0x3  }
0xa5: {  	[sflag:s30] =	ssyncadd.s32 $0xFFFFD800;
	s14 =	sadd.s32 s7, s14  }
0xa6: {  	[tilespmem:s16], [sflag:$0x3] =	stream.linear.gather [hbm4b:s14+s11], $0x50, $0x38;
	[tilespmem:$0x1E200] =	vst v63  }
0xa7: {  	_ =	swait.ge [sflag:s19], $0x50  }
0xa8: {  	[sflag:s19] =	ssyncset.done $0x0  }
0xa9: {  	s5 =	sshll.u32 s5, $0x4;
	[sflag:s19] =	ssyncadd.s32 $0xFFFFFFB0  }
0xaa: {  	[tilespmem:s13], [sflag:$0x5] =	stream.indirect.gather [hbm4b:s1+s20], $0x80, s11, s20, $0xb8;
	[tilespmem:$0x1E200] =	vst v63  }
0xab: {  	s25 =	simm.s32 $0x5200;
	s5 =	sadd.s32 s2, s5  }
0xac: {  	[tilespmem:s25], [sflag:$0x7] =	stream.linear.gather [hbm4b:s5+s11], $0x2800, $0x38;
	[tilespmem:$0x1E200] =	vst v63  }
0xad: {  	_ =	swait.ge [sflag:s31], $0x2800  }
0xae: {  	[sflag:s31] =	ssyncset.done $0x0  }
0xaf: {  	[sflag:s31] =	ssyncadd.s32 $0xFFFFD800  }
0xb0: {  	_ =	swait.ge [sflag:s0], $0x2800  }
0xb1: {  	[sflag:s0] =	ssyncset.done $0x0  }
0xb2: {  	s14 =	simm.s32 $0x0;
	[sflag:s0] =	ssyncadd.s32 $0xFFFFD800  }
0xb3: {  	v7 =	vld [tilespmem:s14+$0x7A00]  }
0xb4: {  	v12 =	vld [tilespmem:s14+$0x7A10]  }
0xb5: {  	v6 =	vld [tilespmem:s14+$0x7A20]  }
0xb6: {  	v5 =	vld [tilespmem:s14+$0x7A30]  }
0xb7: {  	v4 =	vld [tilespmem:s14+$0x7A40]  }
0xb8: {  	v3 =	vld [tilespmem:s14+$0x7A50]  }
0xb9: {  	v2 =	vld [tilespmem:s14+$0x7A60]  }
0xba: {  	v1 =	vld [tilespmem:s14+$0x7A70]  }
0xbb: {  	v13 =	vld [tilespmem:s14+$0x2A00]  }
0xbc: {  	v14 =	vld [tilespmem:s14+$0x2A10]  }
0xbd: {  	v11 =	vld [tilespmem:s14+$0x2A20]  }
0xbe: {  	v10 =	vld [tilespmem:s14+$0x2A30]  }
0xbf: {  	v9 =	vld [tilespmem:s14+$0x2A40]  }
0xc0: {  	v8 =	vld [tilespmem:s14+$0x2A50];
	v13 =	vadd.f32 v7, v13  }
0xc1: {  	s5 =	simm.s32 $0x200;
	v12 =	vadd.f32 v12, v14;
	v7 =	vld [tilespmem:s14+$0x2A60]  }
.LBB2_7:
0xc2: {  	s25 =	sshra.s32 s5, $0x2;
	p0 =	sne.s32 s5, $0x9E00;
	v13 =	vmax.f32 v13, $0.0e+00;
	v6 =	vadd.f32 v6, v11;
	v11 =	vld [tilespmem:s14+$0x2A70]  }
0xc3: {  	v14 =	vld [tilespmem:s25+$0x7A00];
	[tilespmem:s14+$0x2A00] =	vst v13;
	v12 =	vmax.f32 v12, $0.0e+00;
	v5 =	vadd.f32 v5, v10  }
0xc4: {  	v15 =	vld [tilespmem:s25+$0x7A10];
	[tilespmem:s14+$0x2A10] =	vst v12;
	v10 =	vmax.f32 v6, $0.0e+00;
	v4 =	vadd.f32 v4, v9  }
0xc5: {  	v6 =	vld [tilespmem:s25+$0x7A20];
	[tilespmem:s14+$0x2A20] =	vst v10;
	v9 =	vmax.f32 v5, $0.0e+00;
	v3 =	vadd.f32 v3, v8  }
0xc6: {  	v5 =	vld [tilespmem:s25+$0x7A30];
	[tilespmem:s14+$0x2A30] =	vst v9;
	v8 =	vmax.f32 v4, $0.0e+00;
	v2 =	vadd.f32 v2, v7  }
0xc7: {  	v4 =	vld [tilespmem:s25+$0x7A40];
	[tilespmem:s14+$0x2A40] =	vst v8;
	v7 =	vmax.f32 v3, $0.0e+00;
	v1 =	vadd.f32 v1, v11  }
0xc8: {  	v3 =	vld [tilespmem:s25+$0x7A50];
	[tilespmem:s14+$0x2A50] =	vst v7;
	v7 =	vmax.f32 v2, $0.0e+00  }
0xc9: {  	v2 =	vld [tilespmem:s25+$0x7A60];
	[tilespmem:s14+$0x2A60] =	vst v7;
	v7 =	vmax.f32 v1, $0.0e+00  }
0xca: {  	v1 =	vld [tilespmem:s25+$0x7A70];
	[tilespmem:s14+$0x2A70] =	vst v7;
	s14 =	smov.u32 s25  }
0xcb: {  	v7 =	vld [tilespmem:s14+$0x2A00]  }
0xcc: {  	v12 =	vld [tilespmem:s14+$0x2A10]  }
.Ltmp2:
0xcd: {  	v11 =	vld [tilespmem:s14+$0x2A20];
	(pc) =	sbr.rel @p0 .LBB2_7-.Ltmp2, $4  }
0xce: {  	v10 =	vld [tilespmem:s14+$0x2A30]  }
0xcf: {  	v9 =	vld [tilespmem:s14+$0x2A40]  }
0xd0: {  	v13 =	vadd.f32 v14, v7;
	v8 =	vld [tilespmem:s14+$0x2A50]  }
0xd1: {  	s5 =	sadd.s32 $0x200, s5;
	v12 =	vadd.f32 v15, v12;
	v7 =	vld [tilespmem:s14+$0x2A60]  }
0xd2: {  	v13 =	vmax.f32 v13, $0.0e+00;
	v6 =	vadd.f32 v6, v11;
	v11 =	vld [tilespmem:s14+$0x2A70]  }
0xd3: {  	[tilespmem:s14+$0x2A00] =	vst v13;
	v12 =	vmax.f32 v12, $0.0e+00;
	v5 =	vadd.f32 v5, v10  }
0xd4: {  	[tilespmem:s14+$0x2A10] =	vst v12;
	v6 =	vmax.f32 v6, $0.0e+00;
	v4 =	vadd.f32 v4, v9  }
0xd5: {  	[tilespmem:s14+$0x2A20] =	vst v6;
	v5 =	vmax.f32 v5, $0.0e+00;
	v3 =	vadd.f32 v3, v8  }
0xd6: {  	[tilespmem:s14+$0x2A30] =	vst v5;
	v4 =	vmax.f32 v4, $0.0e+00;
	v2 =	vadd.f32 v2, v7  }
0xd7: {  	[tilespmem:s14+$0x2A40] =	vst v4;
	v3 =	vmax.f32 v3, $0.0e+00;
	v1 =	vadd.f32 v1, v11  }
0xd8: {  	s5 =	sadd.s32 s10, s17;
	[tilespmem:s14+$0x2A50] =	vst v3;
	v2 =	vmax.f32 v2, $0.0e+00  }
0xd9: {  	s25 =	sshrl.u32 s5, $0x3;
	[tilespmem:s14+$0x2A60] =	vst v2;
	v1 =	vmax.f32 v1, $0.0e+00  }
0xda: {  	s21 =	simm.s32 $0x0;
	[tilespmem:s14+$0x2A70] =	vst v1;
	s14 =	sadd.s32 s6, s25  }
0xdb: {  	[tilespmem:s15], [sflag:$0x2] =	stream.linear.gather [hbm4b:s14+s21], $0x50, $0x38;
	[tilespmem:$0x1E200] =	vst v63  }
0xdc: {  	_ =	swait.ge [sflag:s4], $0x50  }
0xdd: {  	[sflag:s4] =	ssyncset.done $0x0  }
0xde: {  	[sflag:s4] =	ssyncadd.s32 $0xFFFFFFB0  }
0xdf: {  	[spmem:s3] =	stream.indirect.scatter.add.f32 [tilespmem:s24], [sflag:$0xA], $0x80, s22, s20, $0xb8;
	[tilespmem:$0x1E200] =	vst v63  }
0xe0: {  	_ =	swait.ge [sflag:s9], $0x2800  }
0xe1: {  	[sflag:s9] =	ssyncset.done $0x0  }
0xe2: {  	s25 =	sadd.s32 s7, s25;
	[sflag:s9] =	ssyncadd.s32 $0xFFFFD800  }
0xe3: {  	[tilespmem:s22], [sflag:$0x4] =	stream.linear.gather [hbm4b:s25+s21], $0x50, $0x38;
	[tilespmem:$0x1E200] =	vst v63  }
0xe4: {  	_ =	swait.ge [sflag:s23], $0x50  }
0xe5: {  	[sflag:s23] =	ssyncset.done $0x0  }
0xe6: {  	s5 =	sshll.u32 s5, $0x4;
	[sflag:s23] =	ssyncadd.s32 $0xFFFFFFB0  }
0xe7: {  	[tilespmem:s24], [sflag:$0x6] =	stream.indirect.gather [hbm4b:s1+s20], $0x80, s15, s20, $0xb8;
	[tilespmem:$0x1E200] =	vst v63  }
0xe8: {  	s5 =	sadd.s32 s2, s5;
	s25 =	simm.s32 $0x7A00  }
0xe9: {  	[tilespmem:s25], [sflag:$0x8] =	stream.linear.gather [hbm4b:s5+s21], $0x2800, $0x38;
	[tilespmem:$0x1E200] =	vst v63  }
0xea: {  	_ =	swait.ge [sflag:s26], $0x2800  }
0xeb: {  	[sflag:s26] =	ssyncset.done $0x0  }
0xec: {  	[sflag:s26] =	ssyncadd.s32 $0xFFFFD800  }
0xed: {  	_ =	swait.ge [sflag:s28], $0x2800  }
0xee: {  	[sflag:s28] =	ssyncset.done $0x0  }
0xef: {  	s14 =	simm.s32 $0x0;
	[sflag:s28] =	ssyncadd.s32 $0xFFFFD800  }
0xf0: {  	v7 =	vld [tilespmem:s14+$0x5200]  }
0xf1: {  	v12 =	vld [tilespmem:s14+$0x5210]  }
0xf2: {  	v6 =	vld [tilespmem:s14+$0x5220]  }
0xf3: {  	v5 =	vld [tilespmem:s14+$0x5230]  }
0xf4: {  	v4 =	vld [tilespmem:s14+$0x5240]  }
0xf5: {  	v3 =	vld [tilespmem:s14+$0x5250]  }
0xf6: {  	v2 =	vld [tilespmem:s14+$0x5260]  }
0xf7: {  	v1 =	vld [tilespmem:s14+$0x5270]  }
0xf8: {  	v13 =	vld [tilespmem:s14+$0x200]  }
0xf9: {  	v14 =	vld [tilespmem:s14+$0x210]  }
0xfa: {  	v11 =	vld [tilespmem:s14+$0x220]  }
0xfb: {  	v10 =	vld [tilespmem:s14+$0x230]  }
0xfc: {  	v9 =	vld [tilespmem:s14+$0x240]  }
0xfd: {  	v8 =	vld [tilespmem:s14+$0x250];
	v13 =	vadd.f32 v7, v13  }
0xfe: {  	s5 =	simm.s32 $0x200;
	v12 =	vadd.f32 v12, v14;
	v7 =	vld [tilespmem:s14+$0x260]  }
.LBB2_9:
0xff: {  	s21 =	sshra.s32 s5, $0x2;
	p0 =	sne.s32 s5, $0x9E00;
	v13 =	vmax.f32 v13, $0.0e+00;
	v6 =	vadd.f32 v6, v11;
	v11 =	vld [tilespmem:s14+$0x270]  }
0x100: {  	v14 =	vld [tilespmem:s21+$0x5200];
	[tilespmem:s14+$0x200] =	vst v13;
	v12 =	vmax.f32 v12, $0.0e+00;
	v5 =	vadd.f32 v5, v10  }
0x101: {  	v15 =	vld [tilespmem:s21+$0x5210];
	[tilespmem:s14+$0x210] =	vst v12;
	v10 =	vmax.f32 v6, $0.0e+00;
	v4 =	vadd.f32 v4, v9  }
0x102: {  	v6 =	vld [tilespmem:s21+$0x5220];
	[tilespmem:s14+$0x220] =	vst v10;
	v9 =	vmax.f32 v5, $0.0e+00;
	v3 =	vadd.f32 v3, v8  }
0x103: {  	v5 =	vld [tilespmem:s21+$0x5230];
	[tilespmem:s14+$0x230] =	vst v9;
	v8 =	vmax.f32 v4, $0.0e+00;
	v2 =	vadd.f32 v2, v7  }
0x104: {  	v4 =	vld [tilespmem:s21+$0x5240];
	[tilespmem:s14+$0x240] =	vst v8;
	v7 =	vmax.f32 v3, $0.0e+00;
	v1 =	vadd.f32 v1, v11  }
0x105: {  	v3 =	vld [tilespmem:s21+$0x5250];
	[tilespmem:s14+$0x250] =	vst v7;
	v7 =	vmax.f32 v2, $0.0e+00  }
0x106: {  	v2 =	vld [tilespmem:s21+$0x5260];
	[tilespmem:s14+$0x260] =	vst v7;
	v7 =	vmax.f32 v1, $0.0e+00  }
0x107: {  	v1 =	vld [tilespmem:s21+$0x5270];
	[tilespmem:s14+$0x270] =	vst v7;
	s14 =	smov.u32 s21  }
0x108: {  	v7 =	vld [tilespmem:s14+$0x200]  }
0x109: {  	v12 =	vld [tilespmem:s14+$0x210]  }
.Ltmp3:
0x10a: {  	v11 =	vld [tilespmem:s14+$0x220];
	(pc) =	sbr.rel @p0 .LBB2_9-.Ltmp3, $4  }
0x10b: {  	v10 =	vld [tilespmem:s14+$0x230]  }
0x10c: {  	v9 =	vld [tilespmem:s14+$0x240]  }
0x10d: {  	v13 =	vadd.f32 v14, v7;
	v8 =	vld [tilespmem:s14+$0x250]  }
0x10e: {  	s5 =	sadd.s32 $0x200, s5;
	v12 =	vadd.f32 v15, v12;
	v7 =	vld [tilespmem:s14+$0x260]  }
0x10f: {  	v13 =	vmax.f32 v13, $0.0e+00;
	v6 =	vadd.f32 v6, v11;
	v63 =	vld [tilespmem:s14+$0x270]  }
0x110: {  	[tilespmem:s14+$0x200] =	vst v13;
	v12 =	vmax.f32 v12, $0.0e+00;
	v5 =	vadd.f32 v5, v10  }
0x111: {  	[tilespmem:s14+$0x210] =	vst v12;
	v6 =	vmax.f32 v6, $0.0e+00;
	v4 =	vadd.f32 v4, v9  }
0x112: {  	[tilespmem:s14+$0x220] =	vst v6;
	v5 =	vmax.f32 v5, $0.0e+00;
	v3 =	vadd.f32 v3, v8  }
0x113: {  	[tilespmem:s14+$0x230] =	vst v5;
	v4 =	vmax.f32 v4, $0.0e+00;
	v2 =	vadd.f32 v2, v7  }
0x114: {  	[tilespmem:s14+$0x240] =	vst v4;
	v3 =	vmax.f32 v3, $0.0e+00;
	v1 =	vadd.f32 v1, v63  }
0x115: {  	s5 =	sadd.s32 s10, s18;
	[tilespmem:s14+$0x250] =	vst v3;
	v2 =	vmax.f32 v2, $0.0e+00  }
0x116: {  	s8 =	sadd.s32 $0x1, s8;
	s5 =	sshrl.u32 s5, $0x3;
	[tilespmem:s14+$0x260] =	vst v2;
	v1 =	vmax.f32 v1, $0.0e+00  }
0x117: {  	s25 =	simm.s32 $0x0;
	p0 =	sne.s32 s8, $0x3C;
	s5 =	sadd.s32 s6, s5;
	[tilespmem:s14+$0x270] =	vst v1  }
0x118: {  	[tilespmem:s25], [sflag:$0x1] =	stream.linear.gather [hbm4b:s5+s25], $0x50, $0x38;
	[tilespmem:$0x1E200] =	vst v63  }
.Ltmp4:
0x119: {  	_ = 	snop;
	(pc) =	sbr.rel @p0 .LBB2_6-.Ltmp4, $4  }
0x11a: {  	_ =	swait.ge [sflag:s29], $0x50  }
0x11b: {  	[sflag:s29] =	ssyncset.done $0x0  }
0x11c: {  	[sflag:s29] =	ssyncadd.s32 $0xFFFFFFB0  }
0x11d: {  	[spmem:s3] =	stream.indirect.scatter.add.f32 [tilespmem:s13], [sflag:$0x9], $0x80, s16, s20, $0xb8;
	[tilespmem:$0x1E200] =	vst v63  }
0x11e: {  	_ =	swait.ge [sflag:s30], $0x2800  }
0x11f: {  	[sflag:s30] =	ssyncset.done $0x0  }
0x120: {  	s5 =	simm.s32 $0x0;
	s8 =	rddreg [dreg:$0xd];
	[sflag:s30] =	ssyncadd.s32 $0xFFFFD800  }
0x121: {  	[tilespmem:s16], [sflag:$0x3] =	stream.linear.gather [hbm4b:s8+s5], $0x50, $0x38;
	[tilespmem:$0x1E200] =	vst v63  }
0x122: {  	_ =	swait.ge [sflag:s19], $0x50  }
0x123: {  	[sflag:s19] =	ssyncset.done $0x0  }
0x124: {  	[sflag:s19] =	ssyncadd.s32 $0xFFFFFFB0  }
0x125: {  	[tilespmem:s13], [sflag:$0x5] =	stream.indirect.gather [hbm4b:s1+s20], $0x80, s5, s20, $0xb8;
	[tilespmem:$0x1E200] =	vst v63  }
0x126: {  	s10 =	simm.s32 $0x5200;
	s25 =	rddreg [dreg:$0xe]  }
0x127: {  	[tilespmem:s10], [sflag:$0x7] =	stream.linear.gather [hbm4b:s25+s5], $0x2800, $0x38;
	[tilespmem:$0x1E200] =	vst v63  }
0x128: {  	_ =	swait.ge [sflag:s31], $0x2800  }
0x129: {  	[sflag:s31] =	ssyncset.done $0x0  }
0x12a: {  	[sflag:s31] =	ssyncadd.s32 $0xFFFFD800  }
0x12b: {  	_ =	swait.ge [sflag:s0], $0x2800  }
0x12c: {  	[sflag:s0] =	ssyncset.done $0x0  }
0x12d: {  	s8 =	simm.s32 $0x0;
	[sflag:s0] =	ssyncadd.s32 $0xFFFFD800  }
0x12e: {  	v7 =	vld [tilespmem:s8+$0x7A00]  }
0x12f: {  	v12 =	vld [tilespmem:s8+$0x7A10]  }
0x130: {  	v6 =	vld [tilespmem:s8+$0x7A20]  }
0x131: {  	v5 =	vld [tilespmem:s8+$0x7A30]  }
0x132: {  	v4 =	vld [tilespmem:s8+$0x7A40]  }
0x133: {  	v3 =	vld [tilespmem:s8+$0x7A50]  }
0x134: {  	v2 =	vld [tilespmem:s8+$0x7A60]  }
0x135: {  	v1 =	vld [tilespmem:s8+$0x7A70]  }
0x136: {  	v13 =	vld [tilespmem:s8+$0x2A00]  }
0x137: {  	v14 =	vld [tilespmem:s8+$0x2A10]  }
0x138: {  	v11 =	vld [tilespmem:s8+$0x2A20]  }
0x139: {  	v10 =	vld [tilespmem:s8+$0x2A30]  }
0x13a: {  	v9 =	vld [tilespmem:s8+$0x2A40]  }
0x13b: {  	v8 =	vld [tilespmem:s8+$0x2A50];
	v13 =	vadd.f32 v7, v13  }
0x13c: {  	s5 =	simm.s32 $0x200;
	v12 =	vadd.f32 v12, v14;
	v7 =	vld [tilespmem:s8+$0x2A60]  }
.LBB2_12:
0x13d: {  	s10 =	sshra.s32 s5, $0x2;
	p0 =	sne.s32 s5, $0x9E00;
	v13 =	vmax.f32 v13, $0.0e+00;
	v6 =	vadd.f32 v6, v11;
	v11 =	vld [tilespmem:s8+$0x2A70]  }
0x13e: {  	v14 =	vld [tilespmem:s10+$0x7A00];
	[tilespmem:s8+$0x2A00] =	vst v13;
	v12 =	vmax.f32 v12, $0.0e+00;
	v5 =	vadd.f32 v5, v10  }
0x13f: {  	v15 =	vld [tilespmem:s10+$0x7A10];
	[tilespmem:s8+$0x2A10] =	vst v12;
	v10 =	vmax.f32 v6, $0.0e+00;
	v4 =	vadd.f32 v4, v9  }
0x140: {  	v6 =	vld [tilespmem:s10+$0x7A20];
	[tilespmem:s8+$0x2A20] =	vst v10;
	v9 =	vmax.f32 v5, $0.0e+00;
	v3 =	vadd.f32 v3, v8  }
0x141: {  	v5 =	vld [tilespmem:s10+$0x7A30];
	[tilespmem:s8+$0x2A30] =	vst v9;
	v8 =	vmax.f32 v4, $0.0e+00;
	v2 =	vadd.f32 v2, v7  }
0x142: {  	v4 =	vld [tilespmem:s10+$0x7A40];
	[tilespmem:s8+$0x2A40] =	vst v8;
	v7 =	vmax.f32 v3, $0.0e+00;
	v1 =	vadd.f32 v1, v11  }
0x143: {  	v3 =	vld [tilespmem:s10+$0x7A50];
	[tilespmem:s8+$0x2A50] =	vst v7;
	v7 =	vmax.f32 v2, $0.0e+00  }
0x144: {  	v2 =	vld [tilespmem:s10+$0x7A60];
	[tilespmem:s8+$0x2A60] =	vst v7;
	v7 =	vmax.f32 v1, $0.0e+00  }
0x145: {  	v1 =	vld [tilespmem:s10+$0x7A70];
	[tilespmem:s8+$0x2A70] =	vst v7;
	s8 =	smov.u32 s10  }
0x146: {  	v7 =	vld [tilespmem:s8+$0x2A00]  }
0x147: {  	v12 =	vld [tilespmem:s8+$0x2A10]  }
.Ltmp5:
0x148: {  	v11 =	vld [tilespmem:s8+$0x2A20];
	(pc) =	sbr.rel @p0 .LBB2_12-.Ltmp5, $4  }
0x149: {  	v10 =	vld [tilespmem:s8+$0x2A30]  }
0x14a: {  	v9 =	vld [tilespmem:s8+$0x2A40]  }
0x14b: {  	v13 =	vadd.f32 v14, v7;
	v8 =	vld [tilespmem:s8+$0x2A50]  }
0x14c: {  	s5 =	sadd.s32 $0x200, s5;
	v12 =	vadd.f32 v15, v12;
	v7 =	vld [tilespmem:s8+$0x2A60]  }
0x14d: {  	v13 =	vmax.f32 v13, $0.0e+00;
	v6 =	vadd.f32 v6, v11;
	v11 =	vld [tilespmem:s8+$0x2A70]  }
0x14e: {  	[tilespmem:s8+$0x2A00] =	vst v13;
	v12 =	vmax.f32 v12, $0.0e+00;
	v5 =	vadd.f32 v5, v10  }
0x14f: {  	[tilespmem:s8+$0x2A10] =	vst v12;
	v6 =	vmax.f32 v6, $0.0e+00;
	v4 =	vadd.f32 v4, v9  }
0x150: {  	[tilespmem:s8+$0x2A20] =	vst v6;
	v5 =	vmax.f32 v5, $0.0e+00;
	v3 =	vadd.f32 v3, v8  }
0x151: {  	[tilespmem:s8+$0x2A30] =	vst v5;
	v4 =	vmax.f32 v4, $0.0e+00;
	v2 =	vadd.f32 v2, v7  }
0x152: {  	[tilespmem:s8+$0x2A40] =	vst v4;
	v3 =	vmax.f32 v3, $0.0e+00;
	v1 =	vadd.f32 v1, v11  }
0x153: {  	[tilespmem:s8+$0x2A50] =	vst v3;
	v2 =	vmax.f32 v2, $0.0e+00  }
0x154: {  	[tilespmem:s8+$0x2A60] =	vst v2;
	v1 =	vmax.f32 v1, $0.0e+00  }
0x155: {  	s5 =	simm.s32 $0x0;
	s14 =	rddreg [dreg:$0xf];
	[tilespmem:s8+$0x2A70] =	vst v1  }
0x156: {  	[tilespmem:s15], [sflag:$0x2] =	stream.linear.gather [hbm4b:s14+s5], $0x50, $0x38;
	[tilespmem:$0x1E200] =	vst v63  }
0x157: {  	_ =	swait.ge [sflag:s4], $0x50  }
0x158: {  	[sflag:s4] =	ssyncset.done $0x0  }
0x159: {  	[sflag:s4] =	ssyncadd.s32 $0xFFFFFFB0  }
0x15a: {  	[spmem:s3] =	stream.indirect.scatter.add.f32 [tilespmem:s24], [sflag:$0xA], $0x80, s22, s20, $0xb8;
	[tilespmem:$0x1E200] =	vst v63  }
0x15b: {  	_ =	swait.ge [sflag:s9], $0x2800  }
0x15c: {  	[sflag:s9] =	ssyncset.done $0x0  }
0x15d: {  	s21 =	rddreg [dreg:$0x10];
	[sflag:s9] =	ssyncadd.s32 $0xFFFFD800  }
0x15e: {  	[tilespmem:s22], [sflag:$0x4] =	stream.linear.gather [hbm4b:s21+s5], $0x50, $0x38;
	[tilespmem:$0x1E200] =	vst v63  }
0x15f: {  	_ =	swait.ge [sflag:s23], $0x50  }
0x160: {  	[sflag:s23] =	ssyncset.done $0x0  }
0x161: {  	[sflag:s23] =	ssyncadd.s32 $0xFFFFFFB0  }
0x162: {  	[tilespmem:s24], [sflag:$0x6] =	stream.indirect.gather [hbm4b:s1+s20], $0x80, s15, s20, $0xb8;
	[tilespmem:$0x1E200] =	vst v63  }
0x163: {  	s10 =	simm.s32 $0x7A00;
	s25 =	rddreg [dreg:$0x11]  }
0x164: {  	[tilespmem:s10], [sflag:$0x8] =	stream.linear.gather [hbm4b:s25+s5], $0x2800, $0x38;
	[tilespmem:$0x1E200] =	vst v63  }
0x165: {  	_ =	swait.ge [sflag:s26], $0x2800  }
0x166: {  	[sflag:s26] =	ssyncset.done $0x0  }
0x167: {  	[sflag:s26] =	ssyncadd.s32 $0xFFFFD800  }
0x168: {  	_ =	swait.ge [sflag:s28], $0x2800  }
0x169: {  	[sflag:s28] =	ssyncset.done $0x0  }
0x16a: {  	s8 =	simm.s32 $0x0;
	[sflag:s28] =	ssyncadd.s32 $0xFFFFD800  }
0x16b: {  	v7 =	vld [tilespmem:s8+$0x5200]  }
0x16c: {  	v12 =	vld [tilespmem:s8+$0x5210]  }
0x16d: {  	v6 =	vld [tilespmem:s8+$0x5220]  }
0x16e: {  	v5 =	vld [tilespmem:s8+$0x5230]  }
0x16f: {  	v4 =	vld [tilespmem:s8+$0x5240]  }
0x170: {  	v3 =	vld [tilespmem:s8+$0x5250]  }
0x171: {  	v2 =	vld [tilespmem:s8+$0x5260]  }
0x172: {  	v1 =	vld [tilespmem:s8+$0x5270]  }
0x173: {  	v13 =	vld [tilespmem:s8+$0x200]  }
0x174: {  	v14 =	vld [tilespmem:s8+$0x210]  }
0x175: {  	v11 =	vld [tilespmem:s8+$0x220]  }
0x176: {  	v10 =	vld [tilespmem:s8+$0x230]  }
0x177: {  	v9 =	vld [tilespmem:s8+$0x240]  }
0x178: {  	v8 =	vld [tilespmem:s8+$0x250];
	v13 =	vadd.f32 v7, v13  }
0x179: {  	s5 =	simm.s32 $0x200;
	v12 =	vadd.f32 v12, v14;
	v7 =	vld [tilespmem:s8+$0x260]  }
.LBB2_14:
0x17a: {  	s10 =	sshra.s32 s5, $0x2;
	p0 =	sne.s32 s5, $0x9E00;
	v13 =	vmax.f32 v13, $0.0e+00;
	v6 =	vadd.f32 v6, v11;
	v11 =	vld [tilespmem:s8+$0x270]  }
0x17b: {  	v14 =	vld [tilespmem:s10+$0x5200];
	[tilespmem:s8+$0x200] =	vst v13;
	v12 =	vmax.f32 v12, $0.0e+00;
	v5 =	vadd.f32 v5, v10  }
0x17c: {  	v15 =	vld [tilespmem:s10+$0x5210];
	[tilespmem:s8+$0x210] =	vst v12;
	v10 =	vmax.f32 v6, $0.0e+00;
	v4 =	vadd.f32 v4, v9  }
0x17d: {  	v6 =	vld [tilespmem:s10+$0x5220];
	[tilespmem:s8+$0x220] =	vst v10;
	v9 =	vmax.f32 v5, $0.0e+00;
	v3 =	vadd.f32 v3, v8  }
0x17e: {  	v5 =	vld [tilespmem:s10+$0x5230];
	[tilespmem:s8+$0x230] =	vst v9;
	v8 =	vmax.f32 v4, $0.0e+00;
	v2 =	vadd.f32 v2, v7  }
0x17f: {  	v4 =	vld [tilespmem:s10+$0x5240];
	[tilespmem:s8+$0x240] =	vst v8;
	v7 =	vmax.f32 v3, $0.0e+00;
	v1 =	vadd.f32 v1, v11  }
0x180: {  	v3 =	vld [tilespmem:s10+$0x5250];
	[tilespmem:s8+$0x250] =	vst v7;
	v7 =	vmax.f32 v2, $0.0e+00  }
0x181: {  	v2 =	vld [tilespmem:s10+$0x5260];
	[tilespmem:s8+$0x260] =	vst v7;
	v7 =	vmax.f32 v1, $0.0e+00  }
0x182: {  	v1 =	vld [tilespmem:s10+$0x5270];
	[tilespmem:s8+$0x270] =	vst v7;
	s8 =	smov.u32 s10  }
0x183: {  	v7 =	vld [tilespmem:s8+$0x200]  }
0x184: {  	v12 =	vld [tilespmem:s8+$0x210]  }
.Ltmp6:
0x185: {  	v11 =	vld [tilespmem:s8+$0x220];
	(pc) =	sbr.rel @p0 .LBB2_14-.Ltmp6, $4  }
0x186: {  	v10 =	vld [tilespmem:s8+$0x230]  }
0x187: {  	v9 =	vld [tilespmem:s8+$0x240]  }
0x188: {  	v13 =	vadd.f32 v14, v7;
	v8 =	vld [tilespmem:s8+$0x250]  }
0x189: {  	s5 =	sadd.s32 $0x200, s5;
	v12 =	vadd.f32 v15, v12;
	v7 =	vld [tilespmem:s8+$0x260]  }
0x18a: {  	v13 =	vmax.f32 v13, $0.0e+00;
	v6 =	vadd.f32 v6, v11;
	v11 =	vld [tilespmem:s8+$0x270]  }
0x18b: {  	[tilespmem:s8+$0x200] =	vst v13;
	v12 =	vmax.f32 v12, $0.0e+00;
	v5 =	vadd.f32 v5, v10  }
0x18c: {  	[tilespmem:s8+$0x210] =	vst v12;
	v6 =	vmax.f32 v6, $0.0e+00;
	v4 =	vadd.f32 v4, v9  }
0x18d: {  	[tilespmem:s8+$0x220] =	vst v6;
	v5 =	vmax.f32 v5, $0.0e+00;
	v3 =	vadd.f32 v3, v8  }
0x18e: {  	[tilespmem:s8+$0x230] =	vst v5;
	v4 =	vmax.f32 v4, $0.0e+00;
	v2 =	vadd.f32 v2, v7  }
0x18f: {  	[tilespmem:s8+$0x240] =	vst v4;
	v3 =	vmax.f32 v3, $0.0e+00;
	v1 =	vadd.f32 v1, v11  }
0x190: {  	[tilespmem:s8+$0x250] =	vst v3;
	v2 =	vmax.f32 v2, $0.0e+00  }
0x191: {  	[tilespmem:s8+$0x260] =	vst v2;
	v1 =	vmax.f32 v1, $0.0e+00  }
0x192: {  	s5 =	simm.s32 $0x0;
	s14 =	rddreg [dreg:$0x12];
	[tilespmem:s8+$0x270] =	vst v1  }
0x193: {  	[tilespmem:s5], [sflag:$0x1] =	stream.linear.gather [hbm4b:s14+s5], $0x50, $0x38;
	[tilespmem:$0x1E200] =	vst v63  }
0x194: {  	_ =	swait.ge [sflag:s29], $0x50  }
0x195: {  	[sflag:s29] =	ssyncset.done $0x0  }
0x196: {  	[sflag:s29] =	ssyncadd.s32 $0xFFFFFFB0  }
0x197: {  	[spmem:s3] =	stream.indirect.scatter.add.f32 [tilespmem:s13], [sflag:$0x9], $0x80, s16, s20, $0xb8;
	[tilespmem:$0x1E200] =	vst v63  }
0x198: {  	_ =	swait.ge [sflag:s30], $0x2800  }
0x199: {  	[sflag:s30] =	ssyncset.done $0x0  }
0x19a: {  	s21 =	rddreg [dreg:$0x13];
	[sflag:s30] =	ssyncadd.s32 $0xFFFFD800  }
0x19b: {  	[tilespmem:s16], [sflag:$0x3] =	stream.linear.gather [hbm4b:s21+s5], $0x50, $0x38;
	[tilespmem:$0x1E200] =	vst v63  }
0x19c: {  	_ =	swait.ge [sflag:s19], $0x50  }
0x19d: {  	[sflag:s19] =	ssyncset.done $0x0  }
0x19e: {  	[sflag:s19] =	ssyncadd.s32 $0xFFFFFFB0  }
0x19f: {  	[tilespmem:s13], [sflag:$0x5] =	stream.indirect.gather [hbm4b:s1+s20], $0x80, s5, s20, $0xb8;
	[tilespmem:$0x1E200] =	vst v63  }
0x1a0: {  	s10 =	simm.s32 $0x5200;
	s25 =	rddreg [dreg:$0x14]  }
0x1a1: {  	[tilespmem:s10], [sflag:$0x7] =	stream.linear.gather [hbm4b:s25+s5], $0x2800, $0x38;
	[tilespmem:$0x1E200] =	vst v63  }
0x1a2: {  	_ =	swait.ge [sflag:s31], $0x2800  }
0x1a3: {  	[sflag:s31] =	ssyncset.done $0x0  }
0x1a4: {  	[sflag:s31] =	ssyncadd.s32 $0xFFFFD800  }
0x1a5: {  	_ =	swait.ge [sflag:s0], $0x2800  }
0x1a6: {  	[sflag:s0] =	ssyncset.done $0x0  }
0x1a7: {  	s8 =	simm.s32 $0x0;
	[sflag:s0] =	ssyncadd.s32 $0xFFFFD800  }
0x1a8: {  	v7 =	vld [tilespmem:s8+$0x7A00]  }
0x1a9: {  	v12 =	vld [tilespmem:s8+$0x7A10]  }
0x1aa: {  	v6 =	vld [tilespmem:s8+$0x7A20]  }
0x1ab: {  	v5 =	vld [tilespmem:s8+$0x7A30]  }
0x1ac: {  	v4 =	vld [tilespmem:s8+$0x7A40]  }
0x1ad: {  	v3 =	vld [tilespmem:s8+$0x7A50]  }
0x1ae: {  	v2 =	vld [tilespmem:s8+$0x7A60]  }
0x1af: {  	v1 =	vld [tilespmem:s8+$0x7A70]  }
0x1b0: {  	v13 =	vld [tilespmem:s8+$0x2A00]  }
0x1b1: {  	v14 =	vld [tilespmem:s8+$0x2A10]  }
0x1b2: {  	v11 =	vld [tilespmem:s8+$0x2A20]  }
0x1b3: {  	v10 =	vld [tilespmem:s8+$0x2A30]  }
0x1b4: {  	v9 =	vld [tilespmem:s8+$0x2A40]  }
0x1b5: {  	v8 =	vld [tilespmem:s8+$0x2A50];
	v13 =	vadd.f32 v7, v13  }
0x1b6: {  	s5 =	simm.s32 $0x200;
	s14 =	rddreg [dreg:$0x5];
	v12 =	vadd.f32 v12, v14;
	v7 =	vld [tilespmem:s8+$0x2A60]  }
.LBB2_16:
0x1b7: {  	s10 =	sshra.s32 s5, $0x2;
	p0 =	sne.s32 s5, $0x9E00;
	v13 =	vmax.f32 v13, $0.0e+00;
	v6 =	vadd.f32 v6, v11;
	v11 =	vld [tilespmem:s8+$0x2A70]  }
0x1b8: {  	v14 =	vld [tilespmem:s10+$0x7A00];
	[tilespmem:s8+$0x2A00] =	vst v13;
	v12 =	vmax.f32 v12, $0.0e+00;
	v5 =	vadd.f32 v5, v10  }
0x1b9: {  	v15 =	vld [tilespmem:s10+$0x7A10];
	[tilespmem:s8+$0x2A10] =	vst v12;
	v10 =	vmax.f32 v6, $0.0e+00;
	v4 =	vadd.f32 v4, v9  }
0x1ba: {  	v6 =	vld [tilespmem:s10+$0x7A20];
	[tilespmem:s8+$0x2A20] =	vst v10;
	v9 =	vmax.f32 v5, $0.0e+00;
	v3 =	vadd.f32 v3, v8  }
0x1bb: {  	v5 =	vld [tilespmem:s10+$0x7A30];
	[tilespmem:s8+$0x2A30] =	vst v9;
	v8 =	vmax.f32 v4, $0.0e+00;
	v2 =	vadd.f32 v2, v7  }
0x1bc: {  	v4 =	vld [tilespmem:s10+$0x7A40];
	[tilespmem:s8+$0x2A40] =	vst v8;
	v7 =	vmax.f32 v3, $0.0e+00;
	v1 =	vadd.f32 v1, v11  }
0x1bd: {  	v3 =	vld [tilespmem:s10+$0x7A50];
	[tilespmem:s8+$0x2A50] =	vst v7;
	v7 =	vmax.f32 v2, $0.0e+00  }
0x1be: {  	v2 =	vld [tilespmem:s10+$0x7A60];
	[tilespmem:s8+$0x2A60] =	vst v7;
	v7 =	vmax.f32 v1, $0.0e+00  }
0x1bf: {  	v1 =	vld [tilespmem:s10+$0x7A70];
	[tilespmem:s8+$0x2A70] =	vst v7;
	s8 =	smov.u32 s10  }
0x1c0: {  	v7 =	vld [tilespmem:s8+$0x2A00]  }
0x1c1: {  	v12 =	vld [tilespmem:s8+$0x2A10]  }
.Ltmp7:
0x1c2: {  	v11 =	vld [tilespmem:s8+$0x2A20];
	(pc) =	sbr.rel @p0 .LBB2_16-.Ltmp7, $4  }
0x1c3: {  	v10 =	vld [tilespmem:s8+$0x2A30]  }
0x1c4: {  	v9 =	vld [tilespmem:s8+$0x2A40]  }
0x1c5: {  	v13 =	vadd.f32 v14, v7;
	v8 =	vld [tilespmem:s8+$0x2A50]  }
0x1c6: {  	s5 =	sadd.s32 $0x200, s5;
	v12 =	vadd.f32 v15, v12;
	v7 =	vld [tilespmem:s8+$0x2A60]  }
0x1c7: {  	v13 =	vmax.f32 v13, $0.0e+00;
	v6 =	vadd.f32 v6, v11;
	v11 =	vld [tilespmem:s8+$0x2A70]  }
0x1c8: {  	[tilespmem:s8+$0x2A00] =	vst v13;
	v12 =	vmax.f32 v12, $0.0e+00;
	v5 =	vadd.f32 v5, v10  }
0x1c9: {  	[tilespmem:s8+$0x2A10] =	vst v12;
	v6 =	vmax.f32 v6, $0.0e+00;
	v4 =	vadd.f32 v4, v9  }
0x1ca: {  	[tilespmem:s8+$0x2A20] =	vst v6;
	v5 =	vmax.f32 v5, $0.0e+00;
	v3 =	vadd.f32 v3, v8  }
0x1cb: {  	[tilespmem:s8+$0x2A30] =	vst v5;
	v4 =	vmax.f32 v4, $0.0e+00;
	v2 =	vadd.f32 v2, v7  }
0x1cc: {  	[tilespmem:s8+$0x2A40] =	vst v4;
	v3 =	vmax.f32 v3, $0.0e+00;
	v1 =	vadd.f32 v1, v11  }
0x1cd: {  	[tilespmem:s8+$0x2A50] =	vst v3;
	v2 =	vmax.f32 v2, $0.0e+00  }
0x1ce: {  	[tilespmem:s8+$0x2A60] =	vst v2;
	v1 =	vmax.f32 v1, $0.0e+00  }
0x1cf: {  	[tilespmem:s8+$0x2A70] =	vst v1  }
0x1d0: {  	_ =	swait.ge [sflag:s4], $0x50  }
0x1d1: {  	[sflag:s4] =	ssyncset.done $0x0  }
0x1d2: {  	[sflag:s4] =	ssyncadd.s32 $0xFFFFFFB0  }
0x1d3: {  	[spmem:s3] =	stream.indirect.scatter.add.f32 [tilespmem:s24], [sflag:$0xA], $0x80, s22, s20, $0xb8;
	[tilespmem:$0x1E200] =	vst v63  }
0x1d4: {  	_ =	swait.ge [sflag:s9], $0x2800  }
0x1d5: {  	[sflag:s9] =	ssyncset.done $0x0  }
0x1d6: {  	[sflag:s9] =	ssyncadd.s32 $0xFFFFD800  }
0x1d7: {  	_ =	swait.ge [sflag:s26], $0x2800  }
0x1d8: {  	[sflag:s26] =	ssyncset.done $0x0  }
0x1d9: {  	[sflag:s26] =	ssyncadd.s32 $0xFFFFD800  }
0x1da: {  	_ =	swait.ge [sflag:s28], $0x2800  }
0x1db: {  	[sflag:s28] =	ssyncset.done $0x0  }
0x1dc: {  	s8 =	simm.s32 $0x0;
	[sflag:s28] =	ssyncadd.s32 $0xFFFFD800  }
0x1dd: {  	v7 =	vld [tilespmem:s8+$0x5200]  }
0x1de: {  	v12 =	vld [tilespmem:s8+$0x5210]  }
0x1df: {  	v6 =	vld [tilespmem:s8+$0x5220]  }
0x1e0: {  	v5 =	vld [tilespmem:s8+$0x5230]  }
0x1e1: {  	v4 =	vld [tilespmem:s8+$0x5240]  }
0x1e2: {  	v3 =	vld [tilespmem:s8+$0x5250]  }
0x1e3: {  	v2 =	vld [tilespmem:s8+$0x5260]  }
0x1e4: {  	v1 =	vld [tilespmem:s8+$0x5270]  }
0x1e5: {  	v13 =	vld [tilespmem:s8+$0x200]  }
0x1e6: {  	v14 =	vld [tilespmem:s8+$0x210]  }
0x1e7: {  	v11 =	vld [tilespmem:s8+$0x220]  }
0x1e8: {  	v10 =	vld [tilespmem:s8+$0x230]  }
0x1e9: {  	v9 =	vld [tilespmem:s8+$0x240]  }
0x1ea: {  	v8 =	vld [tilespmem:s8+$0x250];
	v13 =	vadd.f32 v7, v13  }
0x1eb: {  	s5 =	simm.s32 $0x200;
	v12 =	vadd.f32 v12, v14;
	v7 =	vld [tilespmem:s8+$0x260]  }
.LBB2_18:
0x1ec: {  	s10 =	sshra.s32 s5, $0x2;
	p0 =	sne.s32 s5, $0x9E00;
	v13 =	vmax.f32 v13, $0.0e+00;
	v6 =	vadd.f32 v6, v11;
	v11 =	vld [tilespmem:s8+$0x270]  }
0x1ed: {  	v14 =	vld [tilespmem:s10+$0x5200];
	[tilespmem:s8+$0x200] =	vst v13;
	v12 =	vmax.f32 v12, $0.0e+00;
	v5 =	vadd.f32 v5, v10  }
0x1ee: {  	v15 =	vld [tilespmem:s10+$0x5210];
	[tilespmem:s8+$0x210] =	vst v12;
	v10 =	vmax.f32 v6, $0.0e+00;
	v4 =	vadd.f32 v4, v9  }
0x1ef: {  	v6 =	vld [tilespmem:s10+$0x5220];
	[tilespmem:s8+$0x220] =	vst v10;
	v9 =	vmax.f32 v5, $0.0e+00;
	v3 =	vadd.f32 v3, v8  }
0x1f0: {  	v5 =	vld [tilespmem:s10+$0x5230];
	[tilespmem:s8+$0x230] =	vst v9;
	v8 =	vmax.f32 v4, $0.0e+00;
	v2 =	vadd.f32 v2, v7  }
0x1f1: {  	v4 =	vld [tilespmem:s10+$0x5240];
	[tilespmem:s8+$0x240] =	vst v8;
	v7 =	vmax.f32 v3, $0.0e+00;
	v1 =	vadd.f32 v1, v11  }
0x1f2: {  	v3 =	vld [tilespmem:s10+$0x5250];
	[tilespmem:s8+$0x250] =	vst v7;
	v7 =	vmax.f32 v2, $0.0e+00  }
0x1f3: {  	v2 =	vld [tilespmem:s10+$0x5260];
	[tilespmem:s8+$0x260] =	vst v7;
	v7 =	vmax.f32 v1, $0.0e+00  }
0x1f4: {  	v1 =	vld [tilespmem:s10+$0x5270];
	[tilespmem:s8+$0x270] =	vst v7;
	s8 =	smov.u32 s10  }
0x1f5: {  	v7 =	vld [tilespmem:s8+$0x200]  }
0x1f6: {  	v12 =	vld [tilespmem:s8+$0x210]  }
.Ltmp8:
0x1f7: {  	v11 =	vld [tilespmem:s8+$0x220];
	(pc) =	sbr.rel @p0 .LBB2_18-.Ltmp8, $4  }
0x1f8: {  	v10 =	vld [tilespmem:s8+$0x230]  }
0x1f9: {  	v9 =	vld [tilespmem:s8+$0x240]  }
0x1fa: {  	v13 =	vadd.f32 v14, v7;
	v8 =	vld [tilespmem:s8+$0x250]  }
0x1fb: {  	s5 =	sadd.s32 $0x200, s5;
	v12 =	vadd.f32 v15, v12;
	v7 =	vld [tilespmem:s8+$0x260]  }
0x1fc: {  	v13 =	vmax.f32 v13, $0.0e+00;
	v6 =	vadd.f32 v6, v11;
	v63 =	vld [tilespmem:s8+$0x270]  }
0x1fd: {  	[tilespmem:s8+$0x200] =	vst v13;
	v12 =	vmax.f32 v12, $0.0e+00;
	v5 =	vadd.f32 v5, v10  }
0x1fe: {  	[tilespmem:s8+$0x210] =	vst v12;
	v6 =	vmax.f32 v6, $0.0e+00;
	v4 =	vadd.f32 v4, v9  }
0x1ff: {  	[tilespmem:s8+$0x220] =	vst v6;
	v5 =	vmax.f32 v5, $0.0e+00;
	v3 =	vadd.f32 v3, v8  }
0x200: {  	[tilespmem:s8+$0x230] =	vst v5;
	v4 =	vmax.f32 v4, $0.0e+00;
	v2 =	vadd.f32 v2, v7  }
0x201: {  	[tilespmem:s8+$0x240] =	vst v4;
	v3 =	vmax.f32 v3, $0.0e+00;
	v1 =	vadd.f32 v1, v63  }
0x202: {  	[tilespmem:s8+$0x250] =	vst v3;
	v2 =	vmax.f32 v2, $0.0e+00  }
0x203: {  	[tilespmem:s8+$0x260] =	vst v2;
	v1 =	vmax.f32 v1, $0.0e+00  }
0x204: {  	[tilespmem:s8+$0x270] =	vst v1  }
0x205: {  	_ =	swait.ge [sflag:s29], $0x50  }
0x206: {  	[sflag:s29] =	ssyncset.done $0x0  }
0x207: {  	[sflag:s29] =	ssyncadd.s32 $0xFFFFFFB0  }
0x208: {  	[spmem:s3] =	stream.indirect.scatter.add.f32 [tilespmem:s13], [sflag:$0x9], $0x80, s16, s20, $0xb8;
	[tilespmem:$0x1E200] =	vst v63  }
0x209: {  	_ =	swait.ge [sflag:s30], $0x2800  }
0x20a: {  	[sflag:s30] =	ssyncset.done $0x0  }
0x20b: {  	s5 =	stileid.u32;
	[sflag:s30] =	ssyncadd.s32 $0xFFFFD800  }
0x20c: {  	s5 =	sshll.u32 s5, $0x6;
	[bflag:$0x0] =	sbarrier.arrive $0xFFFF  }
0x20d: {  	s25 =	sshrl.u32 s14, $0x3;
	s5 =	sor.u32 $0x1C0B, s5;
	s10 =	rddreg [dreg:$0x15]  }
0x20e: {  	[hbm:s10], [sflag:s5] =	dma.local [spmem:s25], $0x2800  }
0x20f: {  	s10 =	simm.s32 $0xB  }
0x210: {  	_ =	swait.ge [sflag:s10], $0x2800  }
0x211: {  	s21 =	rddreg [dreg:$0x1e]  }
0x212: {  	s25 =	rddreg [dreg:$0x16];
	s8 =	sadd.s32 $0x1, s21  }
0x213: {  	p0 =	sne.s32 s8, s25  }
.Ltmp9:
0x214: {  	_ = 	snop;
	(pc) =	sbr.rel @p0 .LBB2_1-.Ltmp9, $3  }
0x215: {  	_ =	sdelay $0x1  }
0x216: {  	[sflag:s10] =	ssyncset.done $0x0  }
0x217: {  	[sflag:s10] =	ssyncadd.s32 $0xFFFFD800  }
0x218: {  	_ =	sfence.sel $0x180000  }
0x219: {  	[bflag:$0x0] =	sbarrier.arrive $0xFFFF  }
0x21a: {  	_ =	strace $0x9000004D  }
0x21b: {  	s0 =	stileid.u32;
	[bflag:$0x2] =	sbarrier.arrive $0xFFFF  }
0x21c: {  	p0 =	sne.s32 s0, $0x0;
	s0 =	rddreg [dreg:$0x4]  }
0x21d: {  	s0 =	sadd.s32 @!p0 $0x100000, s0  }
0x21e: {  	[sflag:s0] =	ssyncadd.tile.s32 @!p0 $0x1;
	_ =	shalt  }
.Lfunc_end2:
_tile_overlayer_lowered:
.L_overlay_start_2:
0x21f: {  	(tag) =	ssettag $0x2  }
0x220: {  	s0 =	rddreg [dreg:$0x0];
	s2 =	stileid.u32  }
0x221: {  	s1 =	rddreg [dreg:$0x1];
	p0 =	sne.s32 s2, $0x0  }
0x222: {  	s3 =	rddreg [dreg:$0x2];
	[bflag:$0x3] =	sbarrier.arrive $0xFFFF;
	s2 =	simm.s32 @!p0 $0x1C0B  }
0x223: {  	[timem:s3], [sflag:s2] =	dma.local @!p0 [hbm:s0], s1  }
0x224: {  	s0 =	simm.s32 @!p0 $0xB  }
0x225: {  	_ =	swait.ge @!p0 [sflag:s0], s1  }
0x226: {  	s1 =	ssub.s32 @!p0 $0x0, s1;
	[sflag:s0] =	ssyncset.done @!p0 $0x0  }
0x227: {  	[sflag:s0] =	ssyncadd.s32 @!p0 s1  }
0x228: {  	[bflag:$0x3] =	sbarrier.arrive $0xFFFF  }
0x229: {  	_ =	shalt  }

// kernel: kernel.7.cloned.1.call-start
scs
__scs_entry_jumppad:
0x0: {  	(pc) =	sbr.rel $0x88, $3  }
0x1: {  	(tag) =	ssettag $0x0;
	lr =	simm.s32 $0x1  }
0x2: {  	[smem:$0x3F98] =	sst lr;
	_ =	strace $0xD0000000  }
0x3: {  	_ = 	snop  }
0x4: {  	_ = 	snop  }
0x5: {  	_ = 	snop  }
0x6: {  	_ = 	snop  }
0x7: {  	_ = 	snop  }
__scs_overlays_trampoline_lowered:
0x8: {  	[smem:$0x3FA7] =	sst s0  }
0x9: {  	[smem:$0x3FA8] =	sst s1  }
0xa: {  	[smem:$0x3FA9] =	sst s2  }
0xb: {  	[smem:$0x3FAA] =	sst s3  }
0xc: {  	[smem:$0x3FAB] =	sst s4  }
0xd: {  	[smem:$0x3FAC] =	sst s5  }
0xe: {  	[smem:$0x3FAD] =	sst s6  }
0xf: {  	[smem:$0x3FAE] =	sst s7  }
0x10: {  	[smem:$0x3FAF] =	sst s8  }
0x11: {  	[smem:$0x3FB0] =	sst s9;
	s0 =	simm.s32 @!p0 $0x0  }
0x12: {  	s1 =	sld [smem:$0x3F96];
	s0 =	simm.s32 @p0 $0x1  }
0x13: {  	[smem:$0x3FB1] =	sst s0;
	s0 =	simm.s32 @!p1 $0x0  }
0x14: {  	s2 =	sld [smem:$0x3F95];
	s0 =	simm.s32 @p1 $0x1  }
0x15: {  	[smem:$0x3FB2] =	sst s0;
	s0 =	simm.s32 @!p2 $0x0  }
0x16: {  	s3 =	sld [smem:$0x3FDB];
	s0 =	simm.s32 @p2 $0x1  }
0x17: {  	s4 =	simm.s32 $0x1BF5;
	[smem:$0x3FB4] =	sst s0  }
0x18: {  	s0 =	sld [smem:$0x3F97];
	_ =	swait.ge [sflag:s4], $0x0  }
0x19: {  	s7 =	sld [smem:$0x3F98]  }
0x1a: {  	s8 =	sadd.s32 $0xFFFFE003, lr  }
0x1b: {  	s9 =	sadd.s32 $0xFFFFFEF7, lr;
	s5 =	simm.s32 $0xFFFFFFFF;
	p2 =	slt.u32 s8, $0xFFFFF086  }
0x1c: {  	p1 =	slt.u32 s9, $0xF7A;
	s5 =	simm.s32 @!p2 $0x0  }
0x1d: {  	s5 =	simm.s32 @p1 $0x1;
	p0 =	seq.s32 s7, s2  }
0x1e: {  	s7 =	smul.u32 @!p0 $0xF7A, s2;
	p2 =	seq.s32 @!p0 s5, $0x0  }
0x1f: {  	s9 =	smul.u32 $0xF7A, s1;
	s8 =	simm.s32 @!p0 $0x1BF5;
	p2 =	por !p2, p0  }
0x20: {  	[sflag:s8] =	ssyncset.s32 @!p0 $0xFFFFF086;
	s6 =	sadd.s32 @!p0 s3, s7;
	s7 =	simm.s32 @!p0 $0x108  }
0x21: {  	s3 =	sadd.s32 s3, s9;
	s6 =	sadd.s32 @!p0 $0x88, s6;
	s7 =	simm.s32 @p2 $0x1082  }
0x22: {  	[simem:s7], [sflag:s8] =	dma.local @!p0 [hbm:s6], $0xF7A  }
0x23: {  	s9 =	sor.u32 $0xD0000000, s2;
	s6 =	simm.s32 $0x108;
	_ =	swait.ge @!p0 [sflag:s8], $0x0  }
0x24: {  	s3 =	sadd.s32 $0x88, s3;
	s6 =	simm.s32 @!p1 $0x1082;
	[sflag:s4] =	ssyncset.s32 $0xFFFFF086  }
0x25: {  	[simem:s6], [sflag:s4] =	dma.local [hbm:s3], $0xF7A  }
0x26: {  	[smem:$0x3F98] =	sst s1;
	(tag) =	ssettag s2;
	_ =	strace s9  }
0x27: {  	s1 =	sld [smem:$0x3FA8]  }
0x28: {  	s2 =	sld [smem:$0x3FA9]  }
0x29: {  	s4 =	sld [smem:$0x3FAB]  }
0x2a: {  	p0 =	seq.s32 s5, $0x0;
	s5 =	sld [smem:$0x3FAC]  }
0x2b: {  	s6 =	sld [smem:$0x3FAD]  }
0x2c: {  	s7 =	sld [smem:$0x3FAE]  }
0x2d: {  	s3 =	simm.s32 $0x108;
	s8 =	sld [smem:$0x3FAF]  }
0x2e: {  	s3 =	simm.s32 @!p0 $0x1082;
	s9 =	sld [smem:$0x3FB0]  }
0x2f: {  	lr =	sadd.s32 s0, s3;
	s0 =	sld [smem:$0x3FA7]  }
0x30: {  	s3 =	sld [smem:$0x3FAA]  }
0x31: {  	[smem:$0x3FB3] =	sst s10  }
0x32: {  	s10 =	sld [smem:$0x3FB1];
	_ =	sdelay $0x3  }
0x33: {  	p0 =	seq.s32 s10, $0x1;
	s10 =	sld [smem:$0x3FB3];
	_ =	sdelay $0x3  }
0x34: {  	[smem:$0x3FB3] =	sst s10  }
0x35: {  	s10 =	sld [smem:$0x3FB2];
	_ =	sdelay $0x3  }
0x36: {  	p1 =	seq.s32 s10, $0x1;
	s10 =	sld [smem:$0x3FB3];
	_ =	sdelay $0x3  }
0x37: {  	[smem:$0x3FB3] =	sst s10  }
0x38: {  	s10 =	sld [smem:$0x3FB4]  }
0x39: {  	_ = 	snop;
	(pc) =	sbr.ind lr, $3  }
0x3a: {  	_ = 	snop  }
0x3b: {  	_ = 	snop  }
0x3c: {  	p2 =	seq.s32 s10, $0x1;
	s10 =	sld [smem:$0x3FB3]  }
0x3d: {  	_ =	shalt  }
0x3e: {  	_ =	shalt  }
0x3f: {  	_ =	shalt  }
0x40: {  	_ =	shalt  }
0x41: {  	_ =	shalt  }
0x42: {  	_ =	shalt  }
0x43: {  	_ =	shalt  }
0x44: {  	_ =	shalt  }
0x45: {  	_ =	shalt  }
0x46: {  	_ =	shalt  }
0x47: {  	_ =	shalt  }
0x48: {  	_ =	shalt  }
0x49: {  	_ =	shalt  }
0x4a: {  	_ =	shalt  }
0x4b: {  	_ =	shalt  }
0x4c: {  	_ =	shalt  }
0x4d: {  	_ =	shalt  }
0x4e: {  	_ =	shalt  }
0x4f: {  	_ =	shalt  }
0x50: {  	_ =	shalt  }
0x51: {  	_ =	shalt  }
0x52: {  	_ =	shalt  }
0x53: {  	_ =	shalt  }
0x54: {  	_ =	shalt  }
0x55: {  	_ =	shalt  }
0x56: {  	_ =	shalt  }
0x57: {  	_ =	shalt  }
0x58: {  	_ =	shalt  }
0x59: {  	_ =	shalt  }
0x5a: {  	_ =	shalt  }
0x5b: {  	_ =	shalt  }
0x5c: {  	_ =	shalt  }
0x5d: {  	_ =	shalt  }
0x5e: {  	_ =	shalt  }
0x5f: {  	_ =	shalt  }
0x60: {  	_ =	shalt  }
0x61: {  	_ =	shalt  }
0x62: {  	_ =	shalt  }
0x63: {  	_ =	shalt  }
0x64: {  	_ =	shalt  }
0x65: {  	_ =	shalt  }
0x66: {  	_ =	shalt  }
0x67: {  	_ =	shalt  }
0x68: {  	_ =	shalt  }
0x69: {  	_ =	shalt  }
0x6a: {  	_ =	shalt  }
0x6b: {  	_ =	shalt  }
0x6c: {  	_ =	shalt  }
0x6d: {  	_ =	shalt  }
0x6e: {  	_ =	shalt  }
0x6f: {  	_ =	shalt  }
0x70: {  	_ =	shalt  }
0x71: {  	_ =	shalt  }
0x72: {  	_ =	shalt  }
0x73: {  	_ =	shalt  }
0x74: {  	_ =	shalt  }
0x75: {  	_ =	shalt  }
0x76: {  	_ =	shalt  }
0x77: {  	_ =	shalt  }
0x78: {  	_ =	shalt  }
0x79: {  	_ =	shalt  }
0x7a: {  	_ =	shalt  }
0x7b: {  	_ =	shalt  }
0x7c: {  	_ =	shalt  }
0x7d: {  	_ =	shalt  }
0x7e: {  	_ =	shalt  }
0x7f: {  	_ =	shalt  }
0x80: {  	_ =	shalt  }
0x81: {  	_ =	shalt  }
0x82: {  	_ =	shalt  }
0x83: {  	_ =	shalt  }
0x84: {  	_ =	shalt  }
0x85: {  	_ =	shalt  }
0x86: {  	_ =	shalt  }
0x87: {  	_ =	shalt  }
.Lfunc_end0:
.L_simem_size_0:
called_computation_lowered:
.L_overlay_start_0:
0x88: {  	s2 =	sld [smem:$0x3FD9]  }
0x89: {  	s3 =	sld [smem:$0x3FFE];
	_ =	sdelay $0x1  }
0x8a: {  	s1 =	srdreg.scid  }
0x8b: {  	s0 =	sand.u32 $0x1, s1  }
0x8c: {  	s17 =	sshll.u32 s0, $0xA;
	s2 =	sadd.s32 s3, s2  }
0x8d: {  	s2 =	sadd.s32 s2, s17  }
0x8e: {  	[smem:$0x3FBF] =	sst s2  }
0x8f: {  	_ = 	snop  }
0x90: {  	(tm) =	ssettm $0x1  }
0x91: {  	s18 =	sld [smem:$0x3FFB];
	_ =	sdelay $0x3  }
0x92: {  	_ =	strace s18  }
0x93: {  	s2 =	sld [smem:$0x3FFC];
	_ =	sdelay $0x3  }
0x94: {  	_ =	strace s2  }
0x95: {  	s2 =	sld [smem:$0x3FFD];
	_ =	sdelay $0x3  }
0x96: {  	_ =	strace s2  }
0x97: {  	_ =	strace $0x8FFFFFFF  }
0x98: {  	s19 =	sld [smem:$0x3FDB];
	_ =	sdelay $0x1  }
0x99: {  	s20 =	simm.s32 $_scs_section_size  }
0x9a: {  	s4 =	simm.s32 $_size__tile_overlayer_lowered;
	s5 =	simm.s32 $_tile_overlayer_lowered  }
0x9b: {  	s6 =	simm.s32 $0x1BFF;
	s21 =	sshll.u32 s5, $0x1;
	s3 =	sadd.s32 s20, s19  }
0x9c: {  	s22 =	simm.s32 $0x0;
	s4 =	sshll.u32 s4, $0x1;
	s5 =	sadd.s32 s21, s3  }
0x9d: {  	[timem:s22], [sflag:s6] =	dma.local [hbm:s5], s4  }
0x9e: {  	_ =	swait.ge [sflag:s6], s4  }
0x9f: {  	s4 =	ssub.s32 $0x0, s4;
	[sflag:s6] =	ssyncset.done $0x0  }
0xa0: {  	[sflag:s6] =	ssyncadd.s32 s4;
	_ =	sdelay $0x1  }
0xa1: {  	s23 =	simm.s32 $0x1B8B  }
0xa2: {  	_ =	swait.ge [sflag:s23], $0x1  }
0xa3: {  	[sflag:s23] =	ssyncset.done $0x0  }
0xa4: {  	[sflag:s23] =	ssyncadd.s32 $0xFFFFFFFF  }
0xa5: {  	s4 =	sld [smem:$0x0]  }
0xa6: {  	s5 =	sand.u32 $0xFFFFFFFE, s1  }
0xa7: {  	p0 =	sne.s32 s1, s5  }
0xa8: {  	s5 =	sshll.u32 @p0 s5, $0xE  }
0xa9: {  	s5 =	sadd.s32 @p0 $0x11B8D, s5;
	s6 =	sshll.u32 @p0 s4, $0x11  }
0xaa: {  	s5 =	sor.u32 @p0 s6, s5  }
0xab: {  	[sflag:s5] =	ssyncadd.remote.s32 @p0 $0x1;
	_ =	sdelay $0x1  }
0xac: {  	s5 =	simm.s32 @p0 $0x1B8D  }
0xad: {  	_ =	swait.eq @p0 [sflag:s5], $0x1  }
0xae: {  	[sflag:s5] =	ssyncadd.s32 @p0 $0xFFFFFFFF  }
0xaf: {  	s6 =	sshll.u32 @!p0 s1, $0xE  }
0xb0: {  	s6 =	sor.u32 @!p0 $0x4000, s6;
	s5 =	simm.s32 @!p0 $0x1B8D  }
0xb1: {  	s4 =	sshll.u32 @!p0 s4, $0x11;
	s6 =	sadd.s32 @!p0 $0x11B8D, s6;
	_ =	swait.eq @!p0 [sflag:s5], $0x1  }
0xb2: {  	s4 =	sor.u32 @!p0 s4, s6;
	[sflag:s5] =	ssyncadd.s32 @!p0 $0xFFFFFFFF  }
0xb3: {  	s25 =	simm.s32 $0x1B8E;
	s24 =	sld [smem:$0x3FFE];
	[sflag:s4] =	ssyncadd.remote.s32 @!p0 $0x1  }
0xb4: {  	s26 =	simm.s32 $execute0_lowered;
	[smem:$0x3FD2] =	sst s25  }
0xb5: {  	s5 =	sshll.u32 s26, $0x1;
	_ =	strace $0x80000049;
	[dreg:$0x1] =	wrdreg $0xFFFFFFFF  }
0xb6: {  	s28 =	simm.s32 $_size_execute0_lowered;
	s3 =	sadd.s32 s3, s5;
	[dreg:$0x0] =	wrdreg $0x0  }
0xb7: {  	s5 =	sshll.u32 s28, $0x1;
	[dreg:$0x2] =	wrdreg s3  }
0xb8: {  	[dreg:$0x3] =	wrdreg s5  }
0xb9: {  	[dreg:$0x4] =	wrdreg $0xC0  }
0xba: {  	_ =	task [dreg:s22], $0x5FFFF  }
0xbb: {  	[dreg:$0x1] =	wrdreg $0xFFFFFFFF  }
0xbc: {  	[dreg:$0x0] =	wrdreg $0x60  }
0xbd: {  	[dreg:$0x2] =	wrdreg s24  }
0xbe: {  	[dreg:$0x3] =	wrdreg $0x29000  }
0xbf: {  	[dreg:$0x4] =	wrdreg $0x9  }
0xc0: {  	_ =	task.clear_ibuf [dreg:s22], $0x5FFFF;
	_ =	strace $0x90000049  }
0xc1: {  	s29 =	simm.s32 $0x9;
	_ =	strace $0x8000004B  }
0xc2: {  	_ =	swait.ge [sflag:s29], $0x1  }
0xc3: {  	[sflag:s29] =	ssyncadd.s32 $0xFFFFFFFF  }
0xc4: {  	_ =	strace $0x9000004B  }
0xc5: {  	_ =	sfence  }
0xc6: {  	s30 =	sld [smem:$0x0];
	_ =	sdelay $0x2  }
0xc7: {  	s31 =	sshll.u32 s1, $0xD;
	s1 =	sshrl.u32 s1, $0x2  }
0xc8: {  	s4 =	sand.u32 $0x4000, s31;
	s1 =	sadd.s32 s1, s30  }
0xc9: {  	s0 =	sor.u32 s4, s0;
	s1 =	sshll.u32 s1, $0x11  }
0xca: {  	s0 =	sor.u32 s1, s0  }
0xcb: {  	s0 =	sadd.s32 $0x8F2B, s0  }
0xcc: {  	[sflag:s0] =	ssyncadd.remote.s32 $0x1  }
0xcd: {  	_ =	sfence.sel $0xFFFF  }
0xce: {  	[dreg:$0x0] =	wrdreg $0xFFFFFFFF;
	(pc) =	sbr.abs _section_cstart, $3  }
0xcf: {  	[dreg:$0x1] =	wrdreg $0xFFFFFFFF  }
0xd0: {  	_ =	task.clear_ibuf [dreg:s22], $0x2FFFF;
	_ =	strace $0x9FFFFFFF  }
0xd1: {  	(tm) =	ssettm $0x7FFFFFFF  }
tec
execute0_lowered:
.L_overlay_start_1:
0x0: {  	(tag) =	ssettag $0x1  }
0x1: {  	s0 =	srdreg.scid;
	s5 =	rddreg [dreg:$0x0]  }
0x2: {  	s24 =	stileid.u32;
	s2 =	rddreg [dreg:$0x1]  }
0x3: {  	s3 =	simm.s32 $0x0;
	s20 =	simm.s32 $0x100;
	s21 =	simm.s32 $0x5  }
0x4: {  	s22 =	simm.s32 $0x80;
	s23 =	simm.s32 $0x1;
	s6 =	smul.u32 $0x14000, s24  }
0x5: {  	s28 =	simm.s32 $0x4;
	s29 =	simm.s32 $0x0;
	s8 =	smul.u32 $0x50000, s24  }
0x6: {  	s7 =	sand.u32 $0x1, s0;
	[smem:$0x7FF] =	sst s3;
	s14 =	smul.u32 $0x2710, s24  }
0x7: {  	s4 =	smul.u32 $0x140000, s7;
	_ =	strace $0x8000004A;
	s25 =	sshll.u32 s7, $0x4  }
0x8: {  	s26 =	ssub.s32 $0x2, s7;
	s13 =	smul.u32 $0x27100, s7;
	s9 =	sor.u32 s24, s25  }
0x9: {  	s30 =	sshrl.u32 s8, $0x2;
	s31 =	sshrl.u32 s26, $0x1;
	s24 =	simm.s32 $0x50  }
0xa: {  	s25 =	simm.s32 $0x3;
	s4 =	sadd.s32 s6, s4;
	s11 =	smul.u32 $0x2710, s9  }
0xb: {  	s17 =	ssub.s32 s26, s31;
	s19 =	sadd.s32 s14, s13;
	s26 =	simm.s32 $0x2  }
0xc: {  	s6 =	sshrl.u32 s4, $0x3;
	s4 =	sadd.s32 $0x2000, s5;
	s18 =	sadd.s32 $0xF0, s19  }
0xd: {  	s17 =	smax.u32 s17, $0x1;
	s19 =	sadd.s32 $0xA0, s19;
	s16 =	sadd.s32 s6, s5  }
0xe: {  	s5 =	sadd.s32 s30, s2;
	s12 =	sshrl.u32 s11, $0x3;
	s18 =	sshrl.u32 s18, $0x3  }
0xf: {  	s6 =	sadd.s32 $0x2800, s5;
	s7 =	sadd.s32 $0x5000, s5;
	s8 =	sadd.s32 $0x7800, s5  }
0x10: {  	s9 =	sadd.s32 $0xA000, s5;
	s10 =	sadd.s32 $0xC800, s5;
	s11 =	sadd.s32 $0xF000, s5  }
0x11: {  	s12 =	sadd.s32 s4, s12;
	s13 =	sadd.s32 $0x11800, s5;
	s16 =	sadd.s32 $0x65C00, s16  }
0x12: {  	v0 =	vimm.f32 $0.0e+00;
	v1 =	vimm.f32 $1.000000000e+00;
	s18 =	sadd.s32 s18, s4;
	s14 =	sadd.s32 $0xA, s12;
	s15 =	sadd.s32 $0x4D8, s12  }
.LBB2_1:
0x13: {  	s30 =	simm.s32 $0x0;
	s31 =	simm.s32 $0x200  }
.LBB2_2:
0x14: {  	p0 =	sne.s32 s31, $0x9E00;
	[tilespmem:s30+$0x170] =	vst v0  }
0x15: {  	[tilespmem:s30+$0x100] =	vst v0  }
0x16: {  	[tilespmem:s30+$0x110] =	vst v0  }
.Ltmp0:
0x17: {  	[tilespmem:s30+$0x120] =	vst v0;
	(pc) =	sbr.rel @p0 .LBB2_2-.Ltmp0, $4  }
0x18: {  	[tilespmem:s30+$0x130] =	vst v0  }
0x19: {  	[tilespmem:s30+$0x140] =	vst v0  }
0x1a: {  	[tilespmem:s30+$0x150] =	vst v0  }
0x1b: {  	[tilespmem:s30+$0x160] =	vst v0;
	s30 =	sshra.s32 s31, $0x2;
	s31 =	sadd.s32 $0x200, s31  }
0x1c: {  	[tilespmem:s30+$0x170] =	vst v0  }
0x1d: {  	[tilespmem:s30+$0x100] =	vst v0  }
0x1e: {  	[tilespmem:s30+$0x110] =	vst v0  }
0x1f: {  	[tilespmem:s30+$0x120] =	vst v0  }
0x20: {  	[tilespmem:s30+$0x130] =	vst v0  }
0x21: {  	[tilespmem:s30+$0x140] =	vst v0  }
0x22: {  	[tilespmem:s30+$0x150] =	vst v0  }
0x23: {  	[tilespmem:s30+$0x160] =	vst v0  }
0x24: {  	[spmem:s5] =	stream.linear.scatter [tilespmem:s20], [sflag:$0x5], $0x2800, $0x38;
	[tilespmem:$0x16900] =	vst v63  }
0x25: {  	_ =	swait.ge [sflag:s21], $0x2800  }
0x26: {  	[sflag:s21] =	ssyncset.done $0x0  }
0x27: {  	[sflag:s21] =	ssyncadd.s32 $0xFFFFD800  }
0x28: {  	[spmem:s6] =	stream.linear.scatter [tilespmem:s20], [sflag:$0x5], $0x2800, $0x38;
	[tilespmem:$0x16900] =	vst v63  }
0x29: {  	_ =	swait.ge [sflag:s21], $0x2800  }
0x2a: {  	[sflag:s21] =	ssyncset.done $0x0  }
0x2b: {  	[sflag:s21] =	ssyncadd.s32 $0xFFFFD800  }
0x2c: {  	[spmem:s7] =	stream.linear.scatter [tilespmem:s20], [sflag:$0x5], $0x2800, $0x38;
	[tilespmem:$0x16900] =	vst v63  }
0x2d: {  	_ =	swait.ge [sflag:s21], $0x2800  }
0x2e: {  	[sflag:s21] =	ssyncset.done $0x0  }
0x2f: {  	[sflag:s21] =	ssyncadd.s32 $0xFFFFD800  }
0x30: {  	[spmem:s8] =	stream.linear.scatter [tilespmem:s20], [sflag:$0x5], $0x2800, $0x38;
	[tilespmem:$0x16900] =	vst v63  }
0x31: {  	_ =	swait.ge [sflag:s21], $0x2800  }
0x32: {  	[sflag:s21] =	ssyncset.done $0x0  }
0x33: {  	[sflag:s21] =	ssyncadd.s32 $0xFFFFD800  }
0x34: {  	[spmem:s9] =	stream.linear.scatter [tilespmem:s20], [sflag:$0x5], $0x2800, $0x38;
	[tilespmem:$0x16900] =	vst v63  }
0x35: {  	_ =	swait.ge [sflag:s21], $0x2800  }
0x36: {  	[sflag:s21] =	ssyncset.done $0x0  }
0x37: {  	[sflag:s21] =	ssyncadd.s32 $0xFFFFD800  }
0x38: {  	[spmem:s10] =	stream.linear.scatter [tilespmem:s20], [sflag:$0x5], $0x2800, $0x38;
	[tilespmem:$0x16900] =	vst v63  }
0x39: {  	_ =	swait.ge [sflag:s21], $0x2800  }
0x3a: {  	[sflag:s21] =	ssyncset.done $0x0  }
0x3b: {  	[sflag:s21] =	ssyncadd.s32 $0xFFFFD800  }
0x3c: {  	[spmem:s11] =	stream.linear.scatter [tilespmem:s20], [sflag:$0x5], $0x2800, $0x38;
	[tilespmem:$0x16900] =	vst v63  }
0x3d: {  	_ =	swait.ge [sflag:s21], $0x2800  }
0x3e: {  	[sflag:s21] =	ssyncset.done $0x0  }
0x3f: {  	[sflag:s21] =	ssyncadd.s32 $0xFFFFD800  }
0x40: {  	[spmem:s13] =	stream.linear.scatter [tilespmem:s20], [sflag:$0x5], $0x2800, $0x38;
	[tilespmem:$0x16900] =	vst v63  }
0x41: {  	_ =	swait.ge [sflag:s21], $0x2800  }
0x42: {  	[sflag:s21] =	ssyncset.done $0x0  }
0x43: {  	s30 =	simm.s32 $0x0;
	s31 =	simm.s32 $0x200;
	[sflag:s21] =	ssyncadd.s32 $0xFFFFD800  }
.LBB2_4:
0x44: {  	p0 =	sne.s32 s31, $0x9E00;
	[tilespmem:s30+$0x170] =	vst v1  }
0x45: {  	[tilespmem:s30+$0x100] =	vst v1  }
0x46: {  	[tilespmem:s30+$0x110] =	vst v1  }
.Ltmp1:
0x47: {  	[tilespmem:s30+$0x120] =	vst v1;
	(pc) =	sbr.rel @p0 .LBB2_4-.Ltmp1, $4  }
0x48: {  	[tilespmem:s30+$0x130] =	vst v1  }
0x49: {  	[tilespmem:s30+$0x140] =	vst v1  }
0x4a: {  	[tilespmem:s30+$0x150] =	vst v1  }
0x4b: {  	[tilespmem:s30+$0x160] =	vst v1;
	s30 =	sshra.s32 s31, $0x2;
	s31 =	sadd.s32 $0x200, s31  }
0x4c: {  	[tilespmem:s30+$0x170] =	vst v1  }
0x4d: {  	[tilespmem:s30+$0x100] =	vst v1  }
0x4e: {  	[tilespmem:s30+$0x110] =	vst v1  }
0x4f: {  	[tilespmem:s30+$0x120] =	vst v1  }
0x50: {  	[tilespmem:s30+$0x130] =	vst v1  }
0x51: {  	[tilespmem:s30+$0x140] =	vst v1  }
0x52: {  	[tilespmem:s30+$0x150] =	vst v1  }
0x53: {  	[tilespmem:s30+$0x160] =	vst v1  }
0x54: {  	s30 =	simm.s32 $0x0;
	[bflag:$0x0] =	sbarrier.arrive $0xFFFF  }
0x55: {  	[tilespmem:s30], [sflag:$0x1] =	stream.linear.gather [hbm4b:s12+s30], $0x50, $0x38;
	[tilespmem:$0x16900] =	vst v63  }
0x56: {  	_ = 	snop  }
0x57: {  	[tilespmem:s22], [sflag:$0x2] =	stream.linear.gather [hbm4b:s14+s30], $0x50, $0x38;
	[tilespmem:$0x16900] =	vst v63  }
0x58: {  	_ =	swait.ge [sflag:s23], $0x50  }
0x59: {  	[sflag:s23] =	ssyncset.done $0x0  }
0x5a: {  	[sflag:s23] =	ssyncadd.s32 $0xFFFFFFB0  }
0x5b: {  	[spmem:s2] =	stream.indirect.scatter.add.f32 [tilespmem:s20], [sflag:$0x3], $0x80, s30, s24, $0xb8;
	[tilespmem:$0x16900] =	vst v63  }
0x5c: {  	_ =	swait.ge [sflag:s25], $0x2800  }
0x5d: {  	s30 =	sshrl.u32 s19, $0x3;
	[sflag:s25] =	ssyncset.done $0x0  }
0x5e: {  	s30 =	sadd.s32 s4, s30;
	[sflag:s25] =	ssyncadd.s32 $0xFFFFD800  }
0x5f: {  	[tilespmem:s3], [sflag:$0x1] =	stream.linear.gather [hbm4b:s30+s3], $0x50, $0x38;
	[tilespmem:$0x16900] =	vst v63  }
0x60: {  	_ =	swait.ge [sflag:s26], $0x50  }
0x61: {  	[sflag:s26] =	ssyncset.done $0x0  }
0x62: {  	[sflag:s26] =	ssyncadd.s32 $0xFFFFFFB0  }
0x63: {  	[spmem:s2] =	stream.indirect.scatter.add.f32 [tilespmem:s20], [sflag:$0x4], $0x80, s22, s24, $0xb8;
	[tilespmem:$0x16900] =	vst v63  }
0x64: {  	_ =	swait.ge [sflag:s28], $0x2800  }
0x65: {  	[sflag:s28] =	ssyncset.done $0x0  }
0x66: {  	s30 =	sadd.s32 $0x0, s18;
	[sflag:s28] =	ssyncadd.s32 $0xFFFFD800  }
0x67: {  	[tilespmem:s22], [sflag:$0x2] =	stream.linear.gather [hbm4b:s30+s3], $0x50, $0x38;
	[tilespmem:$0x16900] =	vst v63  }
0x68: {  	_ =	swait.ge [sflag:s23], $0x50  }
0x69: {  	[sflag:s23] =	ssyncset.done $0x0  }
0x6a: {  	s31 =	sadd.s32 $0xA0, s19;
	s30 =	simm.s32 $0x14;
	[sflag:s23] =	ssyncadd.s32 $0xFFFFFFB0  }
.LBB2_6:
0x6b: {  	[spmem:s2] =	stream.indirect.scatter.add.f32 [tilespmem:s20], [sflag:$0x3], $0x80, s3, s24, $0xb8;
	[tilespmem:$0x16900] =	vst v63  }
0x6c: {  	s1 =	smov.u32 s30  }
0x6d: {  	p0 =	sne.s32 s30, $0x4B0;
	s30 =	sadd.s32 $0x14, s30;
	_ =	swait.ge [sflag:s25], $0x2800  }
0x6e: {  	s0 =	sshrl.u32 s31, $0x3;
	[sflag:s25] =	ssyncset.done $0x0  }
0x6f: {  	s0 =	sadd.s32 s4, s0;
	[sflag:s25] =	ssyncadd.s32 $0xFFFFD800  }
0x70: {  	[tilespmem:s3], [sflag:$0x1] =	stream.linear.gather [hbm4b:s0+s3], $0x50, $0x38;
	[tilespmem:$0x16900] =	vst v63  }
0x71: {  	_ =	swait.ge [sflag:s26], $0x50  }
0x72: {  	[sflag:s26] =	ssyncset.done $0x0  }
0x73: {  	[sflag:s26] =	ssyncadd.s32 $0xFFFFFFB0  }
0x74: {  	[spmem:s2] =	stream.indirect.scatter.add.f32 [tilespmem:s20], [sflag:$0x4], $0x80, s22, s24, $0xb8;
	[tilespmem:$0x16900] =	vst v63  }
0x75: {  	_ =	swait.ge [sflag:s28], $0x2800  }
0x76: {  	[sflag:s28] =	ssyncset.done $0x0  }
.Ltmp2:
0x77: {  	s0 =	sadd.s32 s1, s18;
	[sflag:s28] =	ssyncadd.s32 $0xFFFFD800;
	(pc) =	sbr.rel @p0 .LBB2_6-.Ltmp2, $4  }
0x78: {  	[tilespmem:s22], [sflag:$0x2] =	stream.linear.gather [hbm4b:s0+s3], $0x50, $0x38;
	[tilespmem:$0x16900] =	vst v63  }
0x79: {  	_ =	swait.ge [sflag:s23], $0x50  }
0x7a: {  	[sflag:s23] =	ssyncset.done $0x0  }
0x7b: {  	s31 =	sadd.s32 $0xA0, s31;
	[sflag:s23] =	ssyncadd.s32 $0xFFFFFFB0  }
0x7c: {  	[spmem:s2] =	stream.indirect.scatter.add.f32 [tilespmem:s20], [sflag:$0x3], $0x80, s3, s24, $0xb8;
	[tilespmem:$0x16900] =	vst v63  }
0x7d: {  	_ =	swait.ge [sflag:s25], $0x2800  }
0x7e: {  	[sflag:s25] =	ssyncset.done $0x0  }
0x7f: {  	[sflag:s25] =	ssyncadd.s32 $0xFFFFD800  }
0x80: {  	[tilespmem:s3], [sflag:$0x1] =	stream.linear.gather [hbm4b:s15+s3], $0x50, $0x38;
	[tilespmem:$0x16900] =	vst v63  }
0x81: {  	_ =	swait.ge [sflag:s26], $0x50  }
0x82: {  	[sflag:s26] =	ssyncset.done $0x0  }
0x83: {  	[sflag:s26] =	ssyncadd.s32 $0xFFFFFFB0  }
0x84: {  	[spmem:s2] =	stream.indirect.scatter.add.f32 [tilespmem:s20], [sflag:$0x4], $0x80, s22, s24, $0xb8;
	[tilespmem:$0x16900] =	vst v63  }
0x85: {  	_ =	swait.ge [sflag:s28], $0x2800  }
0x86: {  	[sflag:s28] =	ssyncset.done $0x0  }
0x87: {  	[sflag:s28] =	ssyncadd.s32 $0xFFFFD800  }
0x88: {  	_ =	swait.ge [sflag:s23], $0x50  }
0x89: {  	[sflag:s23] =	ssyncset.done $0x0  }
0x8a: {  	[sflag:s23] =	ssyncadd.s32 $0xFFFFFFB0  }
0x8b: {  	[spmem:s2] =	stream.indirect.scatter.add.f32 [tilespmem:s20], [sflag:$0x3], $0x80, s3, s24, $0xb8;
	[tilespmem:$0x16900] =	vst v63  }
0x8c: {  	s0 =	stileid.u32;
	_ =	swait.ge [sflag:s25], $0x2800  }
0x8d: {  	s1 =	sshrl.u32 s5, $0x3;
	s29 =	sadd.s32 $0x1, s29;
	[sflag:s25] =	ssyncset.done $0x0  }
0x8e: {  	s0 =	sshll.u32 s0, $0x6;
	p0 =	sne.s32 s29, s17;
	[sflag:s25] =	ssyncadd.s32 $0xFFFFD800  }
.Ltmp3:
0x8f: {  	s0 =	sor.u32 $0x1C05, s0;
	[bflag:$0x0] =	sbarrier.arrive $0xFFFF;
	(pc) =	sbr.rel @p0 .LBB2_1-.Ltmp3, $4  }
0x90: {  	[hbm:s16], [sflag:s0] =	dma.local [spmem:s1], $0x2800  }
0x91: {  	_ =	swait.ge [sflag:s21], $0x2800  }
0x92: {  	[sflag:s21] =	ssyncset.done $0x0  }
0x93: {  	[sflag:s21] =	ssyncadd.s32 $0xFFFFD800  }
0x94: {  	_ =	sfence.sel $0x180000  }
0x95: {  	[bflag:$0x0] =	sbarrier.arrive $0xFFFF  }
0x96: {  	_ =	strace $0x9000004A  }
0x97: {  	s0 =	stileid.u32;
	[bflag:$0x2] =	sbarrier.arrive $0xFFFF  }
0x98: {  	p0 =	sne.s32 s0, $0x0;
	s0 =	rddreg [dreg:$0x2]  }
0x99: {  	s0 =	sadd.s32 @!p0 $0x100000, s0  }
0x9a: {  	[sflag:s0] =	ssyncadd.tile.s32 @!p0 $0x1;
	_ =	shalt  }
.Lfunc_end2:
_tile_overlayer_lowered:
.L_overlay_start_2:
0x9b: {  	(tag) =	ssettag $0x2  }
0x9c: {  	s0 =	rddreg [dreg:$0x0];
	s2 =	stileid.u32  }
0x9d: {  	s1 =	rddreg [dreg:$0x1];
	p0 =	sne.s32 s2, $0x0  }
0x9e: {  	s3 =	rddreg [dreg:$0x2];
	[bflag:$0x3] =	sbarrier.arrive $0xFFFF;
	s2 =	simm.s32 @!p0 $0x1C05  }
0x9f: {  	[timem:s3], [sflag:s2] =	dma.local @!p0 [hbm:s0], s1  }
0xa0: {  	s0 =	simm.s32 @!p0 $0x5  }
0xa1: {  	_ =	swait.ge @!p0 [sflag:s0], s1  }
0xa2: {  	s1 =	ssub.s32 @!p0 $0x0, s1;
	[sflag:s0] =	ssyncset.done @!p0 $0x0  }
0xa3: {  	[sflag:s0] =	ssyncadd.s32 @!p0 s1  }
0xa4: {  	[bflag:$0x3] =	sbarrier.arrive $0xFFFF  }
0xa5: {  	_ =	shalt  }

</sc_bundles>
